<compile_context>
chip_gen: v7x
topology: tpu7x:2x2x1
jax: 0.10.2.dev20260603
libtpu: 0.0.44.dev20260713+nightly
codegen_flags: <defaults>
</compile_context>

<pallas_src>
import functools

import jax
import jax.numpy as jnp
from jax import lax
from jax.experimental import pallas as pl
from jax.experimental.pallas import tpu as pltpu
from jax.experimental.pallas import tpu_sc as plsc

E = 8
K = 2
D = 2048
N = 8192
M = N * K

RBLK = 512
NB = N // RBLK

TM = 512
NT = M // TM
V = NT + E - 1

NC = 2
NS = 16
NW = NC * NS
TPW = N // NW
RSUB = 32
J = TPW // RSUB
CS = 16


def _router_body(x_ref, wr_ref, meta_ref, cnt_ref, carry_ref):
    b = pl.program_id(0)

    @pl.when(b == 0)
    def _():
        carry_ref[...] = jnp.zeros_like(carry_ref)

    xb = x_ref[...]
    logits = jnp.dot(xb, wr_ref[...], preferred_element_type=jnp.float32)
    lane = lax.broadcasted_iota(jnp.int32, (RBLK, 128), 1)
    valid = lane < E
    neg = jnp.float32(-1e30)
    lm = jnp.where(valid, logits, neg)
    m0 = jnp.max(lm, axis=1, keepdims=True)
    is0 = (lm == m0) & valid
    e0 = jnp.min(jnp.where(is0, lane, 127), axis=1, keepdims=True)
    sel0 = lane == e0
    lm1 = jnp.where(sel0, neg, lm)
    m1 = jnp.max(lm1, axis=1, keepdims=True)
    is1 = (lm1 == m1) & valid
    e1 = jnp.min(jnp.where(is1, lane, 127), axis=1, keepdims=True)
    sel1 = lane == e1
    t = jnp.exp(m1 - m0)
    w0 = 1.0 / (1.0 + t)
    w1 = t / (1.0 + t)
    oh = sel0.astype(jnp.float32) + sel1.astype(jnp.float32)
    ri = lax.broadcasted_iota(jnp.int32, (RBLK, RBLK), 0)
    ci = lax.broadcasted_iota(jnp.int32, (RBLK, RBLK), 1)
    tri = (ri > ci).astype(jnp.float32)
    excl = jnp.dot(tri, oh, preferred_element_type=jnp.float32)
    carry = carry_ref[0:1, :]
    rank = excl + carry
    rank0 = jnp.sum(jnp.where(sel0, rank, 0.0), axis=1, keepdims=True)
    rank1 = jnp.sum(jnp.where(sel1, rank, 0.0), axis=1, keepdims=True)
    tot = carry + jnp.sum(oh, axis=0, keepdims=True)
    carry_ref[...] = jnp.broadcast_to(tot, (8, 128))
    cnt_ref[...] = jnp.broadcast_to(tot, (8, 128)).reshape(1, 8, 128)
    meta_ref[...] = (
        jnp.where(lane == 0, e0.astype(jnp.float32), 0.0)
        + jnp.where(lane == 1, e1.astype(jnp.float32), 0.0)
        + jnp.where(lane == 2, w0, 0.0)
        + jnp.where(lane == 3, w1, 0.0)
        + jnp.where(lane == 4, rank0, 0.0)
        + jnp.where(lane == 5, rank1, 0.0)
        + jnp.where((lane >= 64) & (lane < 80), w0, 0.0)
        + jnp.where((lane >= 80) & (lane < 96), w1, 0.0)
    )


def _router(x, wr_pad, interpret=False):
    return pl.pallas_call(
        _router_body,
        grid=(NB,),
        in_specs=[
            pl.BlockSpec((RBLK, D), lambda b: (b, 0)),
            pl.BlockSpec((D, 128), lambda b: (0, 0)),
        ],
        out_specs=[
            pl.BlockSpec((RBLK, 128), lambda b: (b, 0)),
            pl.BlockSpec((1, 8, 128), lambda b: (b, 0, 0)),
        ],
        out_shape=[
            jax.ShapeDtypeStruct((N, 128), jnp.float32),
            jax.ShapeDtypeStruct((NB, 8, 128), jnp.float32),
        ],
        scratch_shapes=[pltpu.VMEM((8, 128), jnp.float32)],
        interpret=interpret,
    )(x, wr_pad)


def _gmm_body(vt_ref, ve_ref, vlo_ref, vhi_ref, vfv_ref, xs_ref, w_ref, b_ref,
              out_ref):
    v = pl.program_id(0)
    tile = vt_ref[v]
    lo = vlo_ref[v]
    hi = vhi_ref[v]
    fv = vfv_ref[v]

    @pl.when(hi > lo)
    def _():
        rows = lax.broadcasted_iota(jnp.int32, (TM, 1), 0) + tile * TM
        m = (rows >= lo) & (rows < hi)
        acc = jnp.dot(xs_ref[...], w_ref[0], preferred_element_type=jnp.float32)
        acc = jnp.where(m, acc + b_ref[0], 0.0)
        prev = out_ref[...]
        out_ref[...] = jnp.where(fv == 1, acc, prev + acc)


def _gmm(vt, ve, vlo, vhi, vfv, xs, w_experts, b3, interpret=False):
    spec = pltpu.PrefetchScalarGridSpec(
        num_scalar_prefetch=5,
        grid=(V,),
        in_specs=[
            pl.BlockSpec((TM, D), lambda v, vt, ve, vlo, vhi, vfv: (vt[v], 0)),
            pl.BlockSpec((1, D, D),
                         lambda v, vt, ve, vlo, vhi, vfv: (ve[v], 0, 0)),
            pl.BlockSpec((1, 1, D),
                         lambda v, vt, ve, vlo, vhi, vfv: (ve[v], 0, 0)),
        ],
        out_specs=pl.BlockSpec((TM, D),
                               lambda v, vt, ve, vlo, vhi, vfv: (vt[v], 0)),
    )
    return pl.pallas_call(
        _gmm_body,
        grid_spec=spec,
        out_shape=jax.ShapeDtypeStruct((M, D), jnp.float32),
        compiler_params=pltpu.CompilerParams(
            vmem_limit_bytes=100 * 1024 * 1024),
        interpret=interpret,
    )(vt, ve, vlo, vhi, vfv, xs, w_experts, b3)


def _dispatch(x, pos3d):
    mesh = plsc.VectorSubcoreMesh(core_axis_name="c", subcore_axis_name="s",
                                  num_cores=NC, num_subcores=NS)

    @functools.partial(
        pl.kernel,
        out_type=jax.ShapeDtypeStruct((M, D), jnp.float32),
        mesh=mesh,
        scratch_types=[
            pltpu.VMEM((2 * J, RSUB), jnp.int32),
            pltpu.VMEM((RSUB, D), jnp.float32),
            pltpu.SemaphoreType.DMA,
            pltpu.SemaphoreType.DMA,
        ],
    )
    def k(x_hbm, pos_hbm, xs_hbm, idx_v, rows_v, s0, s1):
        wid = lax.axis_index("s") * NC + lax.axis_index("c")
        base = wid * TPW
        pltpu.sync_copy(pos_hbm.at[wid], idx_v)

        def body(j, carry):
            pltpu.sync_copy(x_hbm.at[pl.ds(base + j * RSUB, RSUB)], rows_v)
            c0 = pltpu.async_copy(rows_v, xs_hbm.at[idx_v.at[j]], s0)
            c1 = pltpu.async_copy(rows_v, xs_hbm.at[idx_v.at[J + j]], s1)
            c0.wait()
            c1.wait()
            return carry

        lax.fori_loop(0, J, body, 0)

    return k(x, pos3d)


CCH = 4
NCH = N // CCH
JC = NCH // NW // RSUB
BCH = NCH // RBLK


def _gather_pair(ys, pos3d_c):
    mesh = plsc.VectorSubcoreMesh(core_axis_name="c", subcore_axis_name="s",
                                  num_cores=NC, num_subcores=NS)

    @functools.partial(
        pl.kernel,
        out_type=[
            jax.ShapeDtypeStruct((NCH, D), jnp.float32),
            jax.ShapeDtypeStruct((NCH, D), jnp.float32),
        ],
        mesh=mesh,
        scratch_types=[
            pltpu.VMEM((2 * JC, RSUB), jnp.int32),
            pltpu.VMEM((CS, D), jnp.float32),
            pltpu.VMEM((CS, D), jnp.float32),
            pltpu.SemaphoreType.DMA,
            pltpu.SemaphoreType.DMA,
        ],
    )
    def k(ys_hbm, pos_hbm, g0_hbm, g1_hbm, idx_v, r0_v, r1_v, s0, s1):
        wid = lax.axis_index("s") * NC + lax.axis_index("c")
        base = wid * (NCH // NW)
        pltpu.sync_copy(pos_hbm.at[wid], idx_v)

        def body(h, carry):
            j = h // 2
            half = (h % 2) * CS
            tok = base + j * RSUB + half
            c0 = pltpu.async_copy(ys_hbm.at[idx_v.at[j, pl.ds(half, CS)]],
                                  r0_v, s0)
            c1 = pltpu.async_copy(ys_hbm.at[idx_v.at[JC + j, pl.ds(half, CS)]],
                                  r1_v, s1)
            c0.wait()
            pltpu.sync_copy(r0_v, g0_hbm.at[pl.ds(tok, CS)])
            c1.wait()
            pltpu.sync_copy(r1_v, g1_hbm.at[pl.ds(tok, CS)])
            return carry

        lax.fori_loop(0, 2 * JC, body, 0)

    return k(ys, pos3d_c)


def _wadd_body(prev_ref, m_ref, g0_ref, g1_ref, o_ref):
    del prev_ref
    w0 = m_ref[:, 2:3]
    w1 = m_ref[:, 3:4]
    o_ref[...] = w0 * g0_ref[...] + w1 * g1_ref[...]


def _wadd_first(meta, g0, g1):
    return pl.pallas_call(
        lambda m, a, b, o: _wadd_body(None, m, a, b, o),
        grid=(BCH,),
        in_specs=[
            pl.BlockSpec((RBLK, 128), lambda b: (b, 0)),
            pl.BlockSpec((RBLK, D), lambda b: (b, 0)),
            pl.BlockSpec((RBLK, D), lambda b: (b, 0)),
        ],
        out_specs=pl.BlockSpec((RBLK, D), lambda b: (b, 0)),
        out_shape=jax.ShapeDtypeStruct((N, D), jnp.float32),
    )(meta, g0, g1)


def _wadd_chunk(prev, meta, g0, g1, c):
    return pl.pallas_call(
        _wadd_body,
        grid=(BCH,),
        in_specs=[
            pl.BlockSpec(memory_space=pl.ANY),
            pl.BlockSpec((RBLK, 128), lambda b: (b + c * BCH, 0)),
            pl.BlockSpec((RBLK, D), lambda b: (b, 0)),
            pl.BlockSpec((RBLK, D), lambda b: (b, 0)),
        ],
        out_specs=pl.BlockSpec((RBLK, D), lambda b: (b + c * BCH, 0)),
        out_shape=jax.ShapeDtypeStruct((N, D), jnp.float32),
        input_output_aliases={0: 0},
    )(prev, meta, g0, g1)


def _schedule(counts):
    ends = jnp.cumsum(counts)
    starts = ends - counts
    nonempty = counts > 0
    ft = starts // TM
    lt = jnp.maximum(ends - 1, 0) // TM
    nv = jnp.where(nonempty, lt - ft + 1, 0)
    vend = jnp.cumsum(nv)
    vstart = vend - nv
    total = vend[-1]
    i = jnp.arange(V, dtype=jnp.int32)
    g = jnp.searchsorted(vend, i, side="right").astype(jnp.int32)
    gc = jnp.clip(g, 0, E - 1)
    j = i - vstart[gc]
    tile = ft[gc] + j
    lo = jnp.maximum(starts[gc], tile * TM)
    hi = jnp.minimum(ends[gc], (tile + 1) * TM)
    real = i < total
    exp_last = jnp.take(gc, jnp.maximum(total - 1, 0))
    expert = jnp.where(real, gc, exp_last)
    tile = jnp.where(real, tile, NT - 1)
    lo = jnp.where(real, lo, 0)
    hi = jnp.where(real, hi, 0)
    fv = jnp.concatenate(
        [jnp.ones((1,), jnp.int32),
         (tile[1:] != tile[:-1]).astype(jnp.int32)])
    return (tile.astype(jnp.int32), expert.astype(jnp.int32),
            lo.astype(jnp.int32), hi.astype(jnp.int32), fv)


def kernel(x, W_router, W_experts, b_experts):
    wr_pad = jnp.zeros((D, 128), jnp.float32).at[:, :E].set(W_router)
    meta, cnt = _router(x, wr_pad)
    e0 = meta[:, 0].astype(jnp.int32)
    e1 = meta[:, 1].astype(jnp.int32)
    w0 = meta[:, 2]
    w1 = meta[:, 3]
    rank0 = meta[:, 4].astype(jnp.int32)
    rank1 = meta[:, 5].astype(jnp.int32)
    counts = cnt[NB - 1, 0, :E].astype(jnp.int32)

    gs = jnp.cumsum(counts) - counts
    pos0 = jnp.take(gs, e0) + rank0
    pos1 = jnp.take(gs, e1) + rank1
    pos3d = jnp.concatenate(
        [pos0.reshape(NW, J, RSUB), pos1.reshape(NW, J, RSUB)], axis=1)
    vt, ve, vlo, vhi, vfv = _schedule(counts)

    xs = _dispatch(x, pos3d)

    b3 = b_experts.reshape(E, 1, D)
    ys = _gmm(vt, ve, vlo, vhi, vfv, xs, W_experts, b3)

    p0c = pos0.reshape(CCH, NW, JC, RSUB)
    p1c = pos1.reshape(CCH, NW, JC, RSUB)
    gs0, gs1 = [], []
    for c in range(CCH):
        pc = jnp.concatenate([p0c[c], p1c[c]], axis=1)
        g0, g1 = _gather_pair(ys, pc)
        gs0.append(g0)
        gs1.append(g1)
    out = _wadd_first(meta, gs0[0], gs1[0])
    for c in range(1, CCH):
        out = _wadd_chunk(out, meta, gs0[c], gs1[c], c)
    return out

# --- scband reference (transcript-rebuilt; emitter-appended) ---
"""Pipeline reference for scband-sparse-mo-e-87711822119469 (READ-ONLY COPY).

The authoritative reference and input builder live on the scoring server;
editing this copy changes nothing except your own understanding.
"""

import jax, jax.numpy as jnp
import numpy as np

E = 8          # num experts
K = 2          # act_expert_num (top-k)
D = 2048       # in_size == out_size
N = 8192       # tokens = batch 4 * seq_len 2048


def setup_inputs(seed: int = 0) -> dict:
    key = jax.random.key(seed)
    k1, k2, k3 = jax.random.split(key, 3)
    x = jax.random.normal(k1, (N, D), dtype=jnp.float32)
    # Router: simple linear gate (noisy_router=False -> plain Router)
    W_router = jax.random.normal(k2, (D, E), dtype=jnp.float32) * 0.02
    # Experts: each expert is a Linear(in_size, out_size)
    W_experts = jax.random.normal(k3, (E, D, D), dtype=jnp.float32) * 0.02
    b_experts = jnp.zeros((E, D), dtype=jnp.float32)
    return {"x": x, "W_router": W_router, "W_experts": W_experts, "b_experts": b_experts}


def reference(x, W_router, W_experts, b_experts):
    n = x.shape[0]
    # Router: linear -> softmax over experts
    logits = x @ W_router
    probs = jax.nn.softmax(logits, axis=-1)
    # top-k expert selection
    rw, sel = jax.lax.top_k(probs, K)              # [N, K], [N, K]
    rw = rw / jnp.sum(rw, axis=1, keepdims=True)   # renormalize
    # Scatter per-token routing weights into dense [N, E] map (weight 0 for unselected experts)
    full_rw = jnp.zeros((n, E), dtype=x.dtype).at[jnp.arange(n)[:, None], sel].add(rw)
    # Per-expert dispatch + weighted combine (index_add equivalent: weight-0 tokens contribute nothing)
    output = jnp.zeros((n, D), dtype=x.dtype)
    for e in range(E):
        expert_out = x @ W_experts[e] + b_experts[e]
        output = output + expert_out * full_rw[:, e][:, None]
    return output

if __name__ == "__main__":
    import jax
    _d = setup_inputs()
    print(jax.jit(kernel)(*tuple(_d.values())))

</pallas_src>

<mosaic_0001>
#map = affine_map<(d0, d1) -> (0, 0)>
#map1 = affine_map<(d0, d1) -> (0, 0, 0)>
module attributes {stable_mosaic.version = 14 : i64} {
  func.func @k(%arg0: i32, %arg1: i32, %arg2: memref<16384x2048xf32, #tpu.memory_space<hbm>>, %arg3: memref<32x4x32xi32, #tpu.memory_space<hbm>>, %arg4: memref<2048x2048xf32, #tpu.memory_space<hbm>>, %arg5: memref<2048x2048xf32, #tpu.memory_space<hbm>>, %arg6: memref<4x32xi32, #tpu.memory_space<vmem>>, %arg7: memref<16x2048xf32, #tpu.memory_space<vmem>>, %arg8: memref<16x2048xf32, #tpu.memory_space<vmem>>, %arg9: memref<!tpu.dma_semaphore, #tpu.memory_space<semaphore_mem>>, %arg10: memref<!tpu.dma_semaphore, #tpu.memory_space<semaphore_mem>>) attributes {dimension_semantics = [#tpu.dimension_semantics<core_parallel>, #tpu.dimension_semantics<subcore_parallel>], iteration_bounds = array<i64: 2, 16>, scalar_prefetch = 0 : i64, scratch_operands = 5 : i64, tpu.core_type = #tpu.core_type<sc_vector_subcore>, window_params = [{transform_indices = #map}, {transform_indices = #map1}, {transform_indices = #map}, {transform_indices = #map}]} {
    %mul3A = arith.constant 2 : i32
    %mul3A_0 = arith.muli %arg1, %mul3A : i32
    %add3A = arith.addi %mul3A_0, %arg0 : i32
    %mul3A_1 = arith.constant 64 : i32
    %mul3A_2 = arith.muli %add3A, %mul3A_1 : i32
    "tpu.region"() ({
      %run_scoped3A = tpu.sem_alloc : memref<!tpu.dma_semaphore, #tpu.memory_space<semaphore_mem>>
      %dma_start3A = arith.constant 0 : i32
      %dma_start3A_8 = arith.constant 0 : i32
      %dma_start3A_9 = tpu.memref_slice %arg3[%add3A, %dma_start3A, %dma_start3A_8] : memref<32x4x32xi32, #tpu.memory_space<hbm>> -> memref<1x4x32xi32, #tpu.memory_space<hbm>>
      %dma_start3A_10 = tpu.memref_squeeze %dma_start3A_9 : memref<1x4x32xi32, #tpu.memory_space<hbm>> -> memref<4x32xi32, #tpu.memory_space<hbm>>
      %dma_start3A_11 = arith.constant 0 : i32
      %dma_start3A_12 = arith.constant 0 : i32
      %dma_start3A_13 = tpu.memref_slice %arg3[%add3A, %dma_start3A_11, %dma_start3A_12] : memref<32x4x32xi32, #tpu.memory_space<hbm>> -> memref<1x4x32xi32, #tpu.memory_space<hbm>>
      %dma_start3A_14 = tpu.memref_squeeze %dma_start3A_13 : memref<1x4x32xi32, #tpu.memory_space<hbm>> -> memref<4x32xi32, #tpu.memory_space<hbm>>
      tpu.enqueue_dma source(%dma_start3A_14 : memref<4x32xi32, #tpu.memory_space<hbm>>) target(%arg6 : memref<4x32xi32, #tpu.memory_space<vmem>>) target_semaphore(%run_scoped3A : memref<!tpu.dma_semaphore, #tpu.memory_space<semaphore_mem>>)
      %dma_wait3A = arith.constant 0 : i32
      %dma_wait3A_15 = arith.constant 0 : i32
      %dma_wait3A_16 = tpu.memref_slice %arg3[%add3A, %dma_wait3A, %dma_wait3A_15] : memref<32x4x32xi32, #tpu.memory_space<hbm>> -> memref<1x4x32xi32, #tpu.memory_space<hbm>>
      %dma_wait3A_17 = tpu.memref_squeeze %dma_wait3A_16 : memref<1x4x32xi32, #tpu.memory_space<hbm>> -> memref<4x32xi32, #tpu.memory_space<hbm>>
      %dma_wait3A_18 = arith.constant 0 : i32
      %dma_wait3A_19 = arith.constant 0 : i32
      %dma_wait3A_20 = tpu.memref_slice %arg3[%add3A, %dma_wait3A_18, %dma_wait3A_19] : memref<32x4x32xi32, #tpu.memory_space<hbm>> -> memref<1x4x32xi32, #tpu.memory_space<hbm>>
      %dma_wait3A_21 = tpu.memref_squeeze %dma_wait3A_20 : memref<1x4x32xi32, #tpu.memory_space<hbm>> -> memref<4x32xi32, #tpu.memory_space<hbm>>
      tpu.wait_dma2 semaphore(%run_scoped3A : memref<!tpu.dma_semaphore, #tpu.memory_space<semaphore_mem>>) src(%dma_wait3A_21 : memref<4x32xi32, #tpu.memory_space<hbm>>) dst(%arg6 : memref<4x32xi32, #tpu.memory_space<vmem>>)
      tpu.yield
    }) : () -> ()
    %scan3A = arith.constant 0 : i32
    %scan3A_3 = arith.constant 0 : i32
    %scan3A_4 = arith.constant 4 : i32
    %scan3A_5 = arith.addi %scan3A_3, %scan3A_4 : i32
    %scan3A_6 = arith.constant 1 : i32
    scf.for %scan3A_8 = %scan3A_3 to %scan3A_5 step %scan3A_6  : i32 {
      %jit3A = arith.constant 2 : i32
      %div3A = arith.divsi %scan3A_8, %jit3A : i32
      %sign3A = arith.constant 0 : i32
      %sign3A_9 = arith.cmpi sgt, %scan3A_8, %sign3A : i32
      %sign3A_10 = arith.extui %sign3A_9 : i1 to i32
      %sign3A_11 = arith.constant 0 : i32
      %sign3A_12 = arith.cmpi slt, %scan3A_8, %sign3A_11 : i32
      %sign3A_13 = arith.extui %sign3A_12 : i1 to i32
      %sign3A_14 = arith.subi %sign3A_10, %sign3A_13 : i32
      %sign3A_15 = arith.constant 0 : i32
      %sign3A_16 = arith.cmpi sgt, %jit3A, %sign3A_15 : i32
      %sign3A_17 = arith.extui %sign3A_16 : i1 to i32
      %sign3A_18 = arith.constant 0 : i32
      %sign3A_19 = arith.cmpi slt, %jit3A, %sign3A_18 : i32
      %sign3A_20 = arith.extui %sign3A_19 : i1 to i32
      %sign3A_21 = arith.subi %sign3A_17, %sign3A_20 : i32
      %ne3A = arith.cmpi ne, %sign3A_14, %sign3A_21 : i32
      %rem3A = arith.remsi %scan3A_8, %jit3A : i32
      %ne3A_22 = arith.constant 0 : i32
      %ne3A_23 = arith.cmpi ne, %rem3A, %ne3A_22 : i32
      %and3A = arith.andi %ne3A, %ne3A_23 : i1
      %sub3A = arith.constant 1 : i32
      %sub3A_24 = arith.subi %div3A, %sub3A : i32
      %select_n3A = arith.select %and3A, %sub3A_24, %div3A : i32
      %jit3A_25 = arith.constant 2 : i32
      %eq3A = arith.constant 0 : i32
      %eq3A_26 = arith.cmpi eq, %jit3A_25, %eq3A : i32
      %jit3A_27 = arith.constant 1 : i32
      %select_n3A_28 = arith.select %eq3A_26, %jit3A_27, %jit3A_25 : i32
      %rem3A_29 = arith.remsi %scan3A_8, %select_n3A_28 : i32
      %ne3A_30 = arith.constant 0 : i32
      %ne3A_31 = arith.cmpi ne, %rem3A_29, %ne3A_30 : i32
      %lt3A = arith.constant 0 : i32
      %lt3A_32 = arith.cmpi slt, %rem3A_29, %lt3A : i32
      %lt3A_33 = arith.constant 0 : i32
      %lt3A_34 = arith.cmpi slt, %select_n3A_28, %lt3A_33 : i32
      %ne3A_35 = arith.xori %lt3A_32, %lt3A_34 : i1
      %and3A_36 = arith.andi %ne3A_35, %ne3A_31 : i1
      %add3A_37 = arith.addi %rem3A_29, %select_n3A_28 : i32
      %select_n3A_38 = arith.select %and3A_36, %add3A_37, %rem3A_29 : i32
      %mul3A_39 = arith.constant 16 : i32
      %mul3A_40 = arith.muli %select_n3A_38, %mul3A_39 : i32
      %mul3A_41 = arith.constant 32 : i32
      %mul3A_42 = arith.muli %select_n3A, %mul3A_41 : i32
      %add3A_43 = arith.addi %mul3A_2, %mul3A_42 : i32
      %add3A_44 = arith.addi %add3A_43, %mul3A_40 : i32
      %dma_start3A = tpu.memref_slice %arg6[%select_n3A, %mul3A_40] : memref<4x32xi32, #tpu.memory_space<vmem>> -> memref<1x16xi32, #tpu.memory_space<vmem>>
      %dma_start3A_45 = tpu.memref_squeeze %dma_start3A : memref<1x16xi32, #tpu.memory_space<vmem>> -> memref<16xi32, #tpu.memory_space<vmem>>
      %dma_start3A_46 = arith.constant 0 : i32
      %dma_start3A_47 = arith.constant 0 : i32
      %dma_start3A_48 = tpu.memref_slice %arg2[%dma_start3A_46, %dma_start3A_47] : memref<16384x2048xf32, #tpu.memory_space<hbm>> -> memref<16384x2048xf32, #tpu.memory_space<hbm>>
      tpu.enqueue_indirect_dma source(%dma_start3A_48 : memref<16384x2048xf32, #tpu.memory_space<hbm>>) target(%arg7 : memref<16x2048xf32, #tpu.memory_space<vmem>>) offsets(%dma_start3A_45 : memref<16xi32, #tpu.memory_space<vmem>>) semaphore(%arg9 : memref<!tpu.dma_semaphore, #tpu.memory_space<semaphore_mem>>)
      %add3A_49 = arith.constant 2 : i32
      %add3A_50 = arith.addi %add3A_49, %select_n3A : i32
      %dma_start3A_51 = tpu.memref_slice %arg6[%add3A_50, %mul3A_40] : memref<4x32xi32, #tpu.memory_space<vmem>> -> memref<1x16xi32, #tpu.memory_space<vmem>>
      %dma_start3A_52 = tpu.memref_squeeze %dma_start3A_51 : memref<1x16xi32, #tpu.memory_space<vmem>> -> memref<16xi32, #tpu.memory_space<vmem>>
      %dma_start3A_53 = arith.constant 0 : i32
      %dma_start3A_54 = arith.constant 0 : i32
      %dma_start3A_55 = tpu.memref_slice %arg2[%dma_start3A_53, %dma_start3A_54] : memref<16384x2048xf32, #tpu.memory_space<hbm>> -> memref<16384x2048xf32, #tpu.memory_space<hbm>>
      tpu.enqueue_indirect_dma source(%dma_start3A_55 : memref<16384x2048xf32, #tpu.memory_space<hbm>>) target(%arg8 : memref<16x2048xf32, #tpu.memory_space<vmem>>) offsets(%dma_start3A_52 : memref<16xi32, #tpu.memory_space<vmem>>) semaphore(%arg10 : memref<!tpu.dma_semaphore, #tpu.memory_space<semaphore_mem>>)
      %dma_wait3A = tpu.memref_slice %arg6[%select_n3A, %mul3A_40] : memref<4x32xi32, #tpu.memory_space<vmem>> -> memref<1x16xi32, #tpu.memory_space<vmem>>
      %dma_wait3A_56 = tpu.memref_squeeze %dma_wait3A : memref<1x16xi32, #tpu.memory_space<vmem>> -> memref<16xi32, #tpu.memory_space<vmem>>
      %dma_wait3A_57 = arith.constant 0 : i32
      %dma_wait3A_58 = arith.constant 0 : i32
      %dma_wait3A_59 = tpu.memref_slice %arg2[%dma_wait3A_57, %dma_wait3A_58] : memref<16384x2048xf32, #tpu.memory_space<hbm>> -> memref<16384x2048xf32, #tpu.memory_space<hbm>>
      tpu.wait_indirect_dma semaphore(%arg9 : memref<!tpu.dma_semaphore, #tpu.memory_space<semaphore_mem>>) src(%dma_wait3A_59 : memref<16384x2048xf32, #tpu.memory_space<hbm>>) dst(%arg7 : memref<16x2048xf32, #tpu.memory_space<vmem>>)
      "tpu.region"() ({
        %run_scoped3A = tpu.sem_alloc : memref<!tpu.dma_semaphore, #tpu.memory_space<semaphore_mem>>
        %dma_start3A_65 = arith.constant 0 : i32
        %dma_start3A_66 = tpu.memref_slice %arg4[%add3A_44, %dma_start3A_65] : memref<2048x2048xf32, #tpu.memory_space<hbm>> -> memref<16x2048xf32, #tpu.memory_space<hbm>>
        %dma_start3A_67 = arith.constant 0 : i32
        %dma_start3A_68 = tpu.memref_slice %arg4[%add3A_44, %dma_start3A_67] : memref<2048x2048xf32, #tpu.memory_space<hbm>> -> memref<16x2048xf32, #tpu.memory_space<hbm>>
        tpu.enqueue_dma source(%arg7 : memref<16x2048xf32, #tpu.memory_space<vmem>>) target(%dma_start3A_68 : memref<16x2048xf32, #tpu.memory_space<hbm>>) target_semaphore(%run_scoped3A : memref<!tpu.dma_semaphore, #tpu.memory_space<semaphore_mem>>)
        %dma_wait3A_69 = arith.constant 0 : i32
        %dma_wait3A_70 = tpu.memref_slice %arg4[%add3A_44, %dma_wait3A_69] : memref<2048x2048xf32, #tpu.memory_space<hbm>> -> memref<16x2048xf32, #tpu.memory_space<hbm>>
        %dma_wait3A_71 = arith.constant 0 : i32
        %dma_wait3A_72 = tpu.memref_slice %arg4[%add3A_44, %dma_wait3A_71] : memref<2048x2048xf32, #tpu.memory_space<hbm>> -> memref<16x2048xf32, #tpu.memory_space<hbm>>
        tpu.wait_dma2 semaphore(%run_scoped3A : memref<!tpu.dma_semaphore, #tpu.memory_space<semaphore_mem>>) src(%arg7 : memref<16x2048xf32, #tpu.memory_space<vmem>>) dst(%dma_wait3A_72 : memref<16x2048xf32, #tpu.memory_space<hbm>>)
        tpu.yield
      }) : () -> ()
      %dma_wait3A_60 = tpu.memref_slice %arg6[%add3A_50, %mul3A_40] : memref<4x32xi32, #tpu.memory_space<vmem>> -> memref<1x16xi32, #tpu.memory_space<vmem>>
      %dma_wait3A_61 = tpu.memref_squeeze %dma_wait3A_60 : memref<1x16xi32, #tpu.memory_space<vmem>> -> memref<16xi32, #tpu.memory_space<vmem>>
      %dma_wait3A_62 = arith.constant 0 : i32
      %dma_wait3A_63 = arith.constant 0 : i32
      %dma_wait3A_64 = tpu.memref_slice %arg2[%dma_wait3A_62, %dma_wait3A_63] : memref<16384x2048xf32, #tpu.memory_space<hbm>> -> memref<16384x2048xf32, #tpu.memory_space<hbm>>
      tpu.wait_indirect_dma semaphore(%arg10 : memref<!tpu.dma_semaphore, #tpu.memory_space<semaphore_mem>>) src(%dma_wait3A_64 : memref<16384x2048xf32, #tpu.memory_space<hbm>>) dst(%arg8 : memref<16x2048xf32, #tpu.memory_space<vmem>>)
      "tpu.region"() ({
        %run_scoped3A = tpu.sem_alloc : memref<!tpu.dma_semaphore, #tpu.memory_space<semaphore_mem>>
        %dma_start3A_65 = arith.constant 0 : i32
        %dma_start3A_66 = tpu.memref_slice %arg5[%add3A_44, %dma_start3A_65] : memref<2048x2048xf32, #tpu.memory_space<hbm>> -> memref<16x2048xf32, #tpu.memory_space<hbm>>
        %dma_start3A_67 = arith.constant 0 : i32
        %dma_start3A_68 = tpu.memref_slice %arg5[%add3A_44, %dma_start3A_67] : memref<2048x2048xf32, #tpu.memory_space<hbm>> -> memref<16x2048xf32, #tpu.memory_space<hbm>>
        tpu.enqueue_dma source(%arg8 : memref<16x2048xf32, #tpu.memory_space<vmem>>) target(%dma_start3A_68 : memref<16x2048xf32, #tpu.memory_space<hbm>>) target_semaphore(%run_scoped3A : memref<!tpu.dma_semaphore, #tpu.memory_space<semaphore_mem>>)
        %dma_wait3A_69 = arith.constant 0 : i32
        %dma_wait3A_70 = tpu.memref_slice %arg5[%add3A_44, %dma_wait3A_69] : memref<2048x2048xf32, #tpu.memory_space<hbm>> -> memref<16x2048xf32, #tpu.memory_space<hbm>>
        %dma_wait3A_71 = arith.constant 0 : i32
        %dma_wait3A_72 = tpu.memref_slice %arg5[%add3A_44, %dma_wait3A_71] : memref<2048x2048xf32, #tpu.memory_space<hbm>> -> memref<16x2048xf32, #tpu.memory_space<hbm>>
        tpu.wait_dma2 semaphore(%run_scoped3A : memref<!tpu.dma_semaphore, #tpu.memory_space<semaphore_mem>>) src(%arg8 : memref<16x2048xf32, #tpu.memory_space<vmem>>) dst(%dma_wait3A_72 : memref<16x2048xf32, #tpu.memory_space<hbm>>)
        tpu.yield
      }) : () -> ()
    }
    %scan3A_7 = arith.constant 4 : i32
    return
  }
}

#map = affine_map<(d0, d1) -> (0, 0)>
#map1 = affine_map<(d0, d1) -> (0, 0, 0)>
module attributes {stable_mosaic.version = 14 : i64} {
  func.func @k(%arg0: i32, %arg1: i32, %arg2: memref<8192x2048xf32, #tpu.memory_space<hbm>>, %arg3: memref<32x16x32xi32, #tpu.memory_space<hbm>>, %arg4: memref<16384x2048xf32, #tpu.memory_space<hbm>>, %arg5: memref<16x32xi32, #tpu.memory_space<vmem>>, %arg6: memref<32x2048xf32, #tpu.memory_space<vmem>>, %arg7: memref<!tpu.dma_semaphore, #tpu.memory_space<semaphore_mem>>, %arg8: memref<!tpu.dma_semaphore, #tpu.memory_space<semaphore_mem>>) attributes {dimension_semantics = [#tpu.dimension_semantics<core_parallel>, #tpu.dimension_semantics<subcore_parallel>], iteration_bounds = array<i64: 2, 16>, scalar_prefetch = 0 : i64, scratch_operands = 4 : i64, tpu.core_type = #tpu.core_type<sc_vector_subcore>, window_params = [{transform_indices = #map}, {transform_indices = #map1}, {transform_indices = #map}]} {
    %mul3A = arith.constant 2 : i32
    %mul3A_0 = arith.muli %arg1, %mul3A : i32
    %add3A = arith.addi %mul3A_0, %arg0 : i32
    %mul3A_1 = arith.constant 256 : i32
    %mul3A_2 = arith.muli %add3A, %mul3A_1 : i32
    "tpu.region"() ({
      %run_scoped3A = tpu.sem_alloc : memref<!tpu.dma_semaphore, #tpu.memory_space<semaphore_mem>>
      %dma_start3A = arith.constant 0 : i32
      %dma_start3A_8 = arith.constant 0 : i32
      %dma_start3A_9 = tpu.memref_slice %arg3[%add3A, %dma_start3A, %dma_start3A_8] : memref<32x16x32xi32, #tpu.memory_space<hbm>> -> memref<1x16x32xi32, #tpu.memory_space<hbm>>
      %dma_start3A_10 = tpu.memref_squeeze %dma_start3A_9 : memref<1x16x32xi32, #tpu.memory_space<hbm>> -> memref<16x32xi32, #tpu.memory_space<hbm>>
      %dma_start3A_11 = arith.constant 0 : i32
      %dma_start3A_12 = arith.constant 0 : i32
      %dma_start3A_13 = tpu.memref_slice %arg3[%add3A, %dma_start3A_11, %dma_start3A_12] : memref<32x16x32xi32, #tpu.memory_space<hbm>> -> memref<1x16x32xi32, #tpu.memory_space<hbm>>
      %dma_start3A_14 = tpu.memref_squeeze %dma_start3A_13 : memref<1x16x32xi32, #tpu.memory_space<hbm>> -> memref<16x32xi32, #tpu.memory_space<hbm>>
      tpu.enqueue_dma source(%dma_start3A_14 : memref<16x32xi32, #tpu.memory_space<hbm>>) target(%arg5 : memref<16x32xi32, #tpu.memory_space<vmem>>) target_semaphore(%run_scoped3A : memref<!tpu.dma_semaphore, #tpu.memory_space<semaphore_mem>>)
      %dma_wait3A = arith.constant 0 : i32
      %dma_wait3A_15 = arith.constant 0 : i32
      %dma_wait3A_16 = tpu.memref_slice %arg3[%add3A, %dma_wait3A, %dma_wait3A_15] : memref<32x16x32xi32, #tpu.memory_space<hbm>> -> memref<1x16x32xi32, #tpu.memory_space<hbm>>
      %dma_wait3A_17 = tpu.memref_squeeze %dma_wait3A_16 : memref<1x16x32xi32, #tpu.memory_space<hbm>> -> memref<16x32xi32, #tpu.memory_space<hbm>>
      %dma_wait3A_18 = arith.constant 0 : i32
      %dma_wait3A_19 = arith.constant 0 : i32
      %dma_wait3A_20 = tpu.memref_slice %arg3[%add3A, %dma_wait3A_18, %dma_wait3A_19] : memref<32x16x32xi32, #tpu.memory_space<hbm>> -> memref<1x16x32xi32, #tpu.memory_space<hbm>>
      %dma_wait3A_21 = tpu.memref_squeeze %dma_wait3A_20 : memref<1x16x32xi32, #tpu.memory_space<hbm>> -> memref<16x32xi32, #tpu.memory_space<hbm>>
      tpu.wait_dma2 semaphore(%run_scoped3A : memref<!tpu.dma_semaphore, #tpu.memory_space<semaphore_mem>>) src(%dma_wait3A_21 : memref<16x32xi32, #tpu.memory_space<hbm>>) dst(%arg5 : memref<16x32xi32, #tpu.memory_space<vmem>>)
      tpu.yield
    }) : () -> ()
    %scan3A = arith.constant 0 : i32
    %scan3A_3 = arith.constant 0 : i32
    %scan3A_4 = arith.constant 8 : i32
    %scan3A_5 = arith.addi %scan3A_3, %scan3A_4 : i32
    %scan3A_6 = arith.constant 1 : i32
    scf.for %scan3A_8 = %scan3A_3 to %scan3A_5 step %scan3A_6  : i32 {
      %mul3A_9 = arith.constant 32 : i32
      %mul3A_10 = arith.muli %scan3A_8, %mul3A_9 : i32
      %add3A_11 = arith.addi %mul3A_2, %mul3A_10 : i32
      "tpu.region"() ({
        %run_scoped3A = tpu.sem_alloc : memref<!tpu.dma_semaphore, #tpu.memory_space<semaphore_mem>>
        %dma_start3A_36 = arith.constant 0 : i32
        %dma_start3A_37 = tpu.memref_slice %arg2[%add3A_11, %dma_start3A_36] : memref<8192x2048xf32, #tpu.memory_space<hbm>> -> memref<32x2048xf32, #tpu.memory_space<hbm>>
        %dma_start3A_38 = arith.constant 0 : i32
        %dma_start3A_39 = tpu.memref_slice %arg2[%add3A_11, %dma_start3A_38] : memref<8192x2048xf32, #tpu.memory_space<hbm>> -> memref<32x2048xf32, #tpu.memory_space<hbm>>
        tpu.enqueue_dma source(%dma_start3A_39 : memref<32x2048xf32, #tpu.memory_space<hbm>>) target(%arg6 : memref<32x2048xf32, #tpu.memory_space<vmem>>) target_semaphore(%run_scoped3A : memref<!tpu.dma_semaphore, #tpu.memory_space<semaphore_mem>>)
        %dma_wait3A_40 = arith.constant 0 : i32
        %dma_wait3A_41 = tpu.memref_slice %arg2[%add3A_11, %dma_wait3A_40] : memref<8192x2048xf32, #tpu.memory_space<hbm>> -> memref<32x2048xf32, #tpu.memory_space<hbm>>
        %dma_wait3A_42 = arith.constant 0 : i32
        %dma_wait3A_43 = tpu.memref_slice %arg2[%add3A_11, %dma_wait3A_42] : memref<8192x2048xf32, #tpu.memory_space<hbm>> -> memref<32x2048xf32, #tpu.memory_space<hbm>>
        tpu.wait_dma2 semaphore(%run_scoped3A : memref<!tpu.dma_semaphore, #tpu.memory_space<semaphore_mem>>) src(%dma_wait3A_43 : memref<32x2048xf32, #tpu.memory_space<hbm>>) dst(%arg6 : memref<32x2048xf32, #tpu.memory_space<vmem>>)
        tpu.yield
      }) : () -> ()
      %dma_start3A = arith.constant 0 : i32
      %dma_start3A_12 = tpu.memref_slice %arg5[%scan3A_8, %dma_start3A] : memref<16x32xi32, #tpu.memory_space<vmem>> -> memref<1x32xi32, #tpu.memory_space<vmem>>
      %dma_start3A_13 = tpu.memref_squeeze %dma_start3A_12 : memref<1x32xi32, #tpu.memory_space<vmem>> -> memref<32xi32, #tpu.memory_space<vmem>>
      %dma_start3A_14 = arith.constant 0 : i32
      %dma_start3A_15 = arith.constant 0 : i32
      %dma_start3A_16 = tpu.memref_slice %arg4[%dma_start3A_14, %dma_start3A_15] : memref<16384x2048xf32, #tpu.memory_space<hbm>> -> memref<16384x2048xf32, #tpu.memory_space<hbm>>
      tpu.enqueue_indirect_dma source(%arg6 : memref<32x2048xf32, #tpu.memory_space<vmem>>) target(%dma_start3A_16 : memref<16384x2048xf32, #tpu.memory_space<hbm>>) offsets(%dma_start3A_13 : memref<32xi32, #tpu.memory_space<vmem>>) semaphore(%arg7 : memref<!tpu.dma_semaphore, #tpu.memory_space<semaphore_mem>>)
      %add3A_17 = arith.constant 8 : i32
      %add3A_18 = arith.addi %add3A_17, %scan3A_8 : i32
      %dma_start3A_19 = arith.constant 0 : i32
      %dma_start3A_20 = tpu.memref_slice %arg5[%add3A_18, %dma_start3A_19] : memref<16x32xi32, #tpu.memory_space<vmem>> -> memref<1x32xi32, #tpu.memory_space<vmem>>
      %dma_start3A_21 = tpu.memref_squeeze %dma_start3A_20 : memref<1x32xi32, #tpu.memory_space<vmem>> -> memref<32xi32, #tpu.memory_space<vmem>>
      %dma_start3A_22 = arith.constant 0 : i32
      %dma_start3A_23 = arith.constant 0 : i32
      %dma_start3A_24 = tpu.memref_slice %arg4[%dma_start3A_22, %dma_start3A_23] : memref<16384x2048xf32, #tpu.memory_space<hbm>> -> memref<16384x2048xf32, #tpu.memory_space<hbm>>
      tpu.enqueue_indirect_dma source(%arg6 : memref<32x2048xf32, #tpu.memory_space<vmem>>) target(%dma_start3A_24 : memref<16384x2048xf32, #tpu.memory_space<hbm>>) offsets(%dma_start3A_21 : memref<32xi32, #tpu.memory_space<vmem>>) semaphore(%arg8 : memref<!tpu.dma_semaphore, #tpu.memory_space<semaphore_mem>>)
      %dma_wait3A = arith.constant 0 : i32
      %dma_wait3A_25 = tpu.memref_slice %arg5[%scan3A_8, %dma_wait3A] : memref<16x32xi32, #tpu.memory_space<vmem>> -> memref<1x32xi32, #tpu.memory_space<vmem>>
      %dma_wait3A_26 = tpu.memref_squeeze %dma_wait3A_25 : memref<1x32xi32, #tpu.memory_space<vmem>> -> memref<32xi32, #tpu.memory_space<vmem>>
      %dma_wait3A_27 = arith.constant 0 : i32
      %dma_wait3A_28 = arith.constant 0 : i32
      %dma_wait3A_29 = tpu.memref_slice %arg4[%dma_wait3A_27, %dma_wait3A_28] : memref<16384x2048xf32, #tpu.memory_space<hbm>> -> memref<16384x2048xf32, #tpu.memory_space<hbm>>
      tpu.wait_indirect_dma semaphore(%arg7 : memref<!tpu.dma_semaphore, #tpu.memory_space<semaphore_mem>>) src(%arg6 : memref<32x2048xf32, #tpu.memory_space<vmem>>) dst(%dma_wait3A_29 : memref<16384x2048xf32, #tpu.memory_space<hbm>>)
      %dma_wait3A_30 = arith.constant 0 : i32
      %dma_wait3A_31 = tpu.memref_slice %arg5[%add3A_18, %dma_wait3A_30] : memref<16x32xi32, #tpu.memory_space<vmem>> -> memref<1x32xi32, #tpu.memory_space<vmem>>
      %dma_wait3A_32 = tpu.memref_squeeze %dma_wait3A_31 : memref<1x32xi32, #tpu.memory_space<vmem>> -> memref<32xi32, #tpu.memory_space<vmem>>
      %dma_wait3A_33 = arith.constant 0 : i32
      %dma_wait3A_34 = arith.constant 0 : i32
      %dma_wait3A_35 = tpu.memref_slice %arg4[%dma_wait3A_33, %dma_wait3A_34] : memref<16384x2048xf32, #tpu.memory_space<hbm>> -> memref<16384x2048xf32, #tpu.memory_space<hbm>>
      tpu.wait_indirect_dma semaphore(%arg8 : memref<!tpu.dma_semaphore, #tpu.memory_space<semaphore_mem>>) src(%arg6 : memref<32x2048xf32, #tpu.memory_space<vmem>>) dst(%dma_wait3A_35 : memref<16384x2048xf32, #tpu.memory_space<hbm>>)
    }
    %scan3A_7 = arith.constant 8 : i32
    return
  }
}

#map = affine_map<(d0, d1) -> (0, 0)>
#map1 = affine_map<(d0, d1) -> (0, 0, 0)>
module attributes {stable_mosaic.version = 14 : i64} {
  func.func @k(%arg0: i32, %arg1: i32, %arg2: memref<16384x2048xf32, #tpu.memory_space<hbm>>, %arg3: memref<32x4x32xi32, #tpu.memory_space<hbm>>, %arg4: memref<2048x2048xf32, #tpu.memory_space<hbm>>, %arg5: memref<2048x2048xf32, #tpu.memory_space<hbm>>, %arg6: memref<4x32xi32, #tpu.memory_space<vmem>>, %arg7: memref<16x2048xf32, #tpu.memory_space<vmem>>, %arg8: memref<16x2048xf32, #tpu.memory_space<vmem>>, %arg9: memref<!tpu.dma_semaphore, #tpu.memory_space<semaphore_mem>>, %arg10: memref<!tpu.dma_semaphore, #tpu.memory_space<semaphore_mem>>) attributes {dimension_semantics = [#tpu.dimension_semantics<core_parallel>, #tpu.dimension_semantics<subcore_parallel>], iteration_bounds = array<i64: 2, 16>, scalar_prefetch = 0 : i64, scratch_operands = 5 : i64, tpu.core_type = #tpu.core_type<sc_vector_subcore>, window_params = [{transform_indices = #map}, {transform_indices = #map1}, {transform_indices = #map}, {transform_indices = #map}]} {
    %mul3A = arith.constant 2 : i32
    %mul3A_0 = arith.muli %arg1, %mul3A : i32
    %add3A = arith.addi %mul3A_0, %arg0 : i32
    %mul3A_1 = arith.constant 64 : i32
    %mul3A_2 = arith.muli %add3A, %mul3A_1 : i32
    "tpu.region"() ({
      %run_scoped3A = tpu.sem_alloc : memref<!tpu.dma_semaphore, #tpu.memory_space<semaphore_mem>>
      %dma_start3A = arith.constant 0 : i32
      %dma_start3A_8 = arith.constant 0 : i32
      %dma_start3A_9 = tpu.memref_slice %arg3[%add3A, %dma_start3A, %dma_start3A_8] : memref<32x4x32xi32, #tpu.memory_space<hbm>> -> memref<1x4x32xi32, #tpu.memory_space<hbm>>
      %dma_start3A_10 = tpu.memref_squeeze %dma_start3A_9 : memref<1x4x32xi32, #tpu.memory_space<hbm>> -> memref<4x32xi32, #tpu.memory_space<hbm>>
      %dma_start3A_11 = arith.constant 0 : i32
      %dma_start3A_12 = arith.constant 0 : i32
      %dma_start3A_13 = tpu.memref_slice %arg3[%add3A, %dma_start3A_11, %dma_start3A_12] : memref<32x4x32xi32, #tpu.memory_space<hbm>> -> memref<1x4x32xi32, #tpu.memory_space<hbm>>
      %dma_start3A_14 = tpu.memref_squeeze %dma_start3A_13 : memref<1x4x32xi32, #tpu.memory_space<hbm>> -> memref<4x32xi32, #tpu.memory_space<hbm>>
      tpu.enqueue_dma source(%dma_start3A_14 : memref<4x32xi32, #tpu.memory_space<hbm>>) target(%arg6 : memref<4x32xi32, #tpu.memory_space<vmem>>) target_semaphore(%run_scoped3A : memref<!tpu.dma_semaphore, #tpu.memory_space<semaphore_mem>>)
      %dma_wait3A = arith.constant 0 : i32
      %dma_wait3A_15 = arith.constant 0 : i32
      %dma_wait3A_16 = tpu.memref_slice %arg3[%add3A, %dma_wait3A, %dma_wait3A_15] : memref<32x4x32xi32, #tpu.memory_space<hbm>> -> memref<1x4x32xi32, #tpu.memory_space<hbm>>
      %dma_wait3A_17 = tpu.memref_squeeze %dma_wait3A_16 : memref<1x4x32xi32, #tpu.memory_space<hbm>> -> memref<4x32xi32, #tpu.memory_space<hbm>>
      %dma_wait3A_18 = arith.constant 0 : i32
      %dma_wait3A_19 = arith.constant 0 : i32
      %dma_wait3A_20 = tpu.memref_slice %arg3[%add3A, %dma_wait3A_18, %dma_wait3A_19] : memref<32x4x32xi32, #tpu.memory_space<hbm>> -> memref<1x4x32xi32, #tpu.memory_space<hbm>>
      %dma_wait3A_21 = tpu.memref_squeeze %dma_wait3A_20 : memref<1x4x32xi32, #tpu.memory_space<hbm>> -> memref<4x32xi32, #tpu.memory_space<hbm>>
      tpu.wait_dma2 semaphore(%run_scoped3A : memref<!tpu.dma_semaphore, #tpu.memory_space<semaphore_mem>>) src(%dma_wait3A_21 : memref<4x32xi32, #tpu.memory_space<hbm>>) dst(%arg6 : memref<4x32xi32, #tpu.memory_space<vmem>>)
      tpu.yield
    }) : () -> ()
    %scan3A = arith.constant 0 : i32
    %scan3A_3 = arith.constant 0 : i32
    %scan3A_4 = arith.constant 4 : i32
    %scan3A_5 = arith.addi %scan3A_3, %scan3A_4 : i32
    %scan3A_6 = arith.constant 1 : i32
    scf.for %scan3A_8 = %scan3A_3 to %scan3A_5 step %scan3A_6  : i32 {
      %jit3A = arith.constant 2 : i32
      %div3A = arith.divsi %scan3A_8, %jit3A : i32
      %sign3A = arith.constant 0 : i32
      %sign3A_9 = arith.cmpi sgt, %scan3A_8, %sign3A : i32
      %sign3A_10 = arith.extui %sign3A_9 : i1 to i32
      %sign3A_11 = arith.constant 0 : i32
      %sign3A_12 = arith.cmpi slt, %scan3A_8, %sign3A_11 : i32
      %sign3A_13 = arith.extui %sign3A_12 : i1 to i32
      %sign3A_14 = arith.subi %sign3A_10, %sign3A_13 : i32
      %sign3A_15 = arith.constant 0 : i32
      %sign3A_16 = arith.cmpi sgt, %jit3A, %sign3A_15 : i32
      %sign3A_17 = arith.extui %sign3A_16 : i1 to i32
      %sign3A_18 = arith.constant 0 : i32
      %sign3A_19 = arith.cmpi slt, %jit3A, %sign3A_18 : i32
      %sign3A_20 = arith.extui %sign3A_19 : i1 to i32
      %sign3A_21 = arith.subi %sign3A_17, %sign3A_20 : i32
      %ne3A = arith.cmpi ne, %sign3A_14, %sign3A_21 : i32
      %rem3A = arith.remsi %scan3A_8, %jit3A : i32
      %ne3A_22 = arith.constant 0 : i32
      %ne3A_23 = arith.cmpi ne, %rem3A, %ne3A_22 : i32
      %and3A = arith.andi %ne3A, %ne3A_23 : i1
      %sub3A = arith.constant 1 : i32
      %sub3A_24 = arith.subi %div3A, %sub3A : i32
      %select_n3A = arith.select %and3A, %sub3A_24, %div3A : i32
      %jit3A_25 = arith.constant 2 : i32
      %eq3A = arith.constant 0 : i32
      %eq3A_26 = arith.cmpi eq, %jit3A_25, %eq3A : i32
      %jit3A_27 = arith.constant 1 : i32
      %select_n3A_28 = arith.select %eq3A_26, %jit3A_27, %jit3A_25 : i32
      %rem3A_29 = arith.remsi %scan3A_8, %select_n3A_28 : i32
      %ne3A_30 = arith.constant 0 : i32
      %ne3A_31 = arith.cmpi ne, %rem3A_29, %ne3A_30 : i32
      %lt3A = arith.constant 0 : i32
      %lt3A_32 = arith.cmpi slt, %rem3A_29, %lt3A : i32
      %lt3A_33 = arith.constant 0 : i32
      %lt3A_34 = arith.cmpi slt, %select_n3A_28, %lt3A_33 : i32
      %ne3A_35 = arith.xori %lt3A_32, %lt3A_34 : i1
      %and3A_36 = arith.andi %ne3A_35, %ne3A_31 : i1
      %add3A_37 = arith.addi %rem3A_29, %select_n3A_28 : i32
      %select_n3A_38 = arith.select %and3A_36, %add3A_37, %rem3A_29 : i32
      %mul3A_39 = arith.constant 16 : i32
      %mul3A_40 = arith.muli %select_n3A_38, %mul3A_39 : i32
      %mul3A_41 = arith.constant 32 : i32
      %mul3A_42 = arith.muli %select_n3A, %mul3A_41 : i32
      %add3A_43 = arith.addi %mul3A_2, %mul3A_42 : i32
      %add3A_44 = arith.addi %add3A_43, %mul3A_40 : i32
      %dma_start3A = tpu.memref_slice %arg6[%select_n3A, %mul3A_40] : memref<4x32xi32, #tpu.memory_space<vmem>> -> memref<1x16xi32, #tpu.memory_space<vmem>>
      %dma_start3A_45 = tpu.memref_squeeze %dma_start3A : memref<1x16xi32, #tpu.memory_space<vmem>> -> memref<16xi32, #tpu.memory_space<vmem>>
      %dma_start3A_46 = arith.constant 0 : i32
      %dma_start3A_47 = arith.constant 0 : i32
      %dma_start3A_48 = tpu.memref_slice %arg2[%dma_start3A_46, %dma_start3A_47] : memref<16384x2048xf32, #tpu.memory_space<hbm>> -> memref<16384x2048xf32, #tpu.memory_space<hbm>>
      tpu.enqueue_indirect_dma source(%dma_start3A_48 : memref<16384x2048xf32, #tpu.memory_space<hbm>>) target(%arg7 : memref<16x2048xf32, #tpu.memory_space<vmem>>) offsets(%dma_start3A_45 : memref<16xi32, #tpu.memory_space<vmem>>) semaphore(%arg9 : memref<!tpu.dma_semaphore, #tpu.memory_space<semaphore_mem>>)
      %add3A_49 = arith.constant 2 : i32
      %add3A_50 = arith.addi %add3A_49, %select_n3A : i32
      %dma_start3A_51 = tpu.memref_slice %arg6[%add3A_50, %mul3A_40] : memref<4x32xi32, #tpu.memory_space<vmem>> -> memref<1x16xi32, #tpu.memory_space<vmem>>
      %dma_start3A_52 = tpu.memref_squeeze %dma_start3A_51 : memref<1x16xi32, #tpu.memory_space<vmem>> -> memref<16xi32, #tpu.memory_space<vmem>>
      %dma_start3A_53 = arith.constant 0 : i32
      %dma_start3A_54 = arith.constant 0 : i32
      %dma_start3A_55 = tpu.memref_slice %arg2[%dma_start3A_53, %dma_start3A_54] : memref<16384x2048xf32, #tpu.memory_space<hbm>> -> memref<16384x2048xf32, #tpu.memory_space<hbm>>
      tpu.enqueue_indirect_dma source(%dma_start3A_55 : memref<16384x2048xf32, #tpu.memory_space<hbm>>) target(%arg8 : memref<16x2048xf32, #tpu.memory_space<vmem>>) offsets(%dma_start3A_52 : memref<16xi32, #tpu.memory_space<vmem>>) semaphore(%arg10 : memref<!tpu.dma_semaphore, #tpu.memory_space<semaphore_mem>>)
      %dma_wait3A = tpu.memref_slice %arg6[%select_n3A, %mul3A_40] : memref<4x32xi32, #tpu.memory_space<vmem>> -> memref<1x16xi32, #tpu.memory_space<vmem>>
      %dma_wait3A_56 = tpu.memref_squeeze %dma_wait3A : memref<1x16xi32, #tpu.memory_space<vmem>> -> memref<16xi32, #tpu.memory_space<vmem>>
      %dma_wait3A_57 = arith.constant 0 : i32
      %dma_wait3A_58 = arith.constant 0 : i32
      %dma_wait3A_59 = tpu.memref_slice %arg2[%dma_wait3A_57, %dma_wait3A_58] : memref<16384x2048xf32, #tpu.memory_space<hbm>> -> memref<16384x2048xf32, #tpu.memory_space<hbm>>
      tpu.wait_indirect_dma semaphore(%arg9 : memref<!tpu.dma_semaphore, #tpu.memory_space<semaphore_mem>>) src(%dma_wait3A_59 : memref<16384x2048xf32, #tpu.memory_space<hbm>>) dst(%arg7 : memref<16x2048xf32, #tpu.memory_space<vmem>>)
      "tpu.region"() ({
        %run_scoped3A = tpu.sem_alloc : memref<!tpu.dma_semaphore, #tpu.memory_space<semaphore_mem>>
        %dma_start3A_65 = arith.constant 0 : i32
        %dma_start3A_66 = tpu.memref_slice %arg4[%add3A_44, %dma_start3A_65] : memref<2048x2048xf32, #tpu.memory_space<hbm>> -> memref<16x2048xf32, #tpu.memory_space<hbm>>
        %dma_start3A_67 = arith.constant 0 : i32
        %dma_start3A_68 = tpu.memref_slice %arg4[%add3A_44, %dma_start3A_67] : memref<2048x2048xf32, #tpu.memory_space<hbm>> -> memref<16x2048xf32, #tpu.memory_space<hbm>>
        tpu.enqueue_dma source(%arg7 : memref<16x2048xf32, #tpu.memory_space<vmem>>) target(%dma_start3A_68 : memref<16x2048xf32, #tpu.memory_space<hbm>>) target_semaphore(%run_scoped3A : memref<!tpu.dma_semaphore, #tpu.memory_space<semaphore_mem>>)
        %dma_wait3A_69 = arith.constant 0 : i32
        %dma_wait3A_70 = tpu.memref_slice %arg4[%add3A_44, %dma_wait3A_69] : memref<2048x2048xf32, #tpu.memory_space<hbm>> -> memref<16x2048xf32, #tpu.memory_space<hbm>>
        %dma_wait3A_71 = arith.constant 0 : i32
        %dma_wait3A_72 = tpu.memref_slice %arg4[%add3A_44, %dma_wait3A_71] : memref<2048x2048xf32, #tpu.memory_space<hbm>> -> memref<16x2048xf32, #tpu.memory_space<hbm>>
        tpu.wait_dma2 semaphore(%run_scoped3A : memref<!tpu.dma_semaphore, #tpu.memory_space<semaphore_mem>>) src(%arg7 : memref<16x2048xf32, #tpu.memory_space<vmem>>) dst(%dma_wait3A_72 : memref<16x2048xf32, #tpu.memory_space<hbm>>)
        tpu.yield
      }) : () -> ()
      %dma_wait3A_60 = tpu.memref_slice %arg6[%add3A_50, %mul3A_40] : memref<4x32xi32, #tpu.memory_space<vmem>> -> memref<1x16xi32, #tpu.memory_space<vmem>>
      %dma_wait3A_61 = tpu.memref_squeeze %dma_wait3A_60 : memref<1x16xi32, #tpu.memory_space<vmem>> -> memref<16xi32, #tpu.memory_space<vmem>>
      %dma_wait3A_62 = arith.constant 0 : i32
      %dma_wait3A_63 = arith.constant 0 : i32
      %dma_wait3A_64 = tpu.memref_slice %arg2[%dma_wait3A_62, %dma_wait3A_63] : memref<16384x2048xf32, #tpu.memory_space<hbm>> -> memref<16384x2048xf32, #tpu.memory_space<hbm>>
      tpu.wait_indirect_dma semaphore(%arg10 : memref<!tpu.dma_semaphore, #tpu.memory_space<semaphore_mem>>) src(%dma_wait3A_64 : memref<16384x2048xf32, #tpu.memory_space<hbm>>) dst(%arg8 : memref<16x2048xf32, #tpu.memory_space<vmem>>)
      "tpu.region"() ({
        %run_scoped3A = tpu.sem_alloc : memref<!tpu.dma_semaphore, #tpu.memory_space<semaphore_mem>>
        %dma_start3A_65 = arith.constant 0 : i32
        %dma_start3A_66 = tpu.memref_slice %arg5[%add3A_44, %dma_start3A_65] : memref<2048x2048xf32, #tpu.memory_space<hbm>> -> memref<16x2048xf32, #tpu.memory_space<hbm>>
        %dma_start3A_67 = arith.constant 0 : i32
        %dma_start3A_68 = tpu.memref_slice %arg5[%add3A_44, %dma_start3A_67] : memref<2048x2048xf32, #tpu.memory_space<hbm>> -> memref<16x2048xf32, #tpu.memory_space<hbm>>
        tpu.enqueue_dma source(%arg8 : memref<16x2048xf32, #tpu.memory_space<vmem>>) target(%dma_start3A_68 : memref<16x2048xf32, #tpu.memory_space<hbm>>) target_semaphore(%run_scoped3A : memref<!tpu.dma_semaphore, #tpu.memory_space<semaphore_mem>>)
        %dma_wait3A_69 = arith.constant 0 : i32
        %dma_wait3A_70 = tpu.memref_slice %arg5[%add3A_44, %dma_wait3A_69] : memref<2048x2048xf32, #tpu.memory_space<hbm>> -> memref<16x2048xf32, #tpu.memory_space<hbm>>
        %dma_wait3A_71 = arith.constant 0 : i32
        %dma_wait3A_72 = tpu.memref_slice %arg5[%add3A_44, %dma_wait3A_71] : memref<2048x2048xf32, #tpu.memory_space<hbm>> -> memref<16x2048xf32, #tpu.memory_space<hbm>>
        tpu.wait_dma2 semaphore(%run_scoped3A : memref<!tpu.dma_semaphore, #tpu.memory_space<semaphore_mem>>) src(%arg8 : memref<16x2048xf32, #tpu.memory_space<vmem>>) dst(%dma_wait3A_72 : memref<16x2048xf32, #tpu.memory_space<hbm>>)
        tpu.yield
      }) : () -> ()
    }
    %scan3A_7 = arith.constant 4 : i32
    return
  }
}

#map = affine_map<(d0, d1) -> (0, 0)>
#map1 = affine_map<(d0, d1) -> (0, 0, 0)>
module attributes {stable_mosaic.version = 14 : i64} {
  func.func @k(%arg0: i32, %arg1: i32, %arg2: memref<16384x2048xf32, #tpu.memory_space<hbm>>, %arg3: memref<32x4x32xi32, #tpu.memory_space<hbm>>, %arg4: memref<2048x2048xf32, #tpu.memory_space<hbm>>, %arg5: memref<2048x2048xf32, #tpu.memory_space<hbm>>, %arg6: memref<4x32xi32, #tpu.memory_space<vmem>>, %arg7: memref<16x2048xf32, #tpu.memory_space<vmem>>, %arg8: memref<16x2048xf32, #tpu.memory_space<vmem>>, %arg9: memref<!tpu.dma_semaphore, #tpu.memory_space<semaphore_mem>>, %arg10: memref<!tpu.dma_semaphore, #tpu.memory_space<semaphore_mem>>) attributes {dimension_semantics = [#tpu.dimension_semantics<core_parallel>, #tpu.dimension_semantics<subcore_parallel>], iteration_bounds = array<i64: 2, 16>, scalar_prefetch = 0 : i64, scratch_operands = 5 : i64, tpu.core_type = #tpu.core_type<sc_vector_subcore>, window_params = [{transform_indices = #map}, {transform_indices = #map1}, {transform_indices = #map}, {transform_indices = #map}]} {
    %mul3A = arith.constant 2 : i32
    %mul3A_0 = arith.muli %arg1, %mul3A : i32
    %add3A = arith.addi %mul3A_0, %arg0 : i32
    %mul3A_1 = arith.constant 64 : i32
    %mul3A_2 = arith.muli %add3A, %mul3A_1 : i32
    "tpu.region"() ({
      %run_scoped3A = tpu.sem_alloc : memref<!tpu.dma_semaphore, #tpu.memory_space<semaphore_mem>>
      %dma_start3A = arith.constant 0 : i32
      %dma_start3A_8 = arith.constant 0 : i32
      %dma_start3A_9 = tpu.memref_slice %arg3[%add3A, %dma_start3A, %dma_start3A_8] : memref<32x4x32xi32, #tpu.memory_space<hbm>> -> memref<1x4x32xi32, #tpu.memory_space<hbm>>
      %dma_start3A_10 = tpu.memref_squeeze %dma_start3A_9 : memref<1x4x32xi32, #tpu.memory_space<hbm>> -> memref<4x32xi32, #tpu.memory_space<hbm>>
      %dma_start3A_11 = arith.constant 0 : i32
      %dma_start3A_12 = arith.constant 0 : i32
      %dma_start3A_13 = tpu.memref_slice %arg3[%add3A, %dma_start3A_11, %dma_start3A_12] : memref<32x4x32xi32, #tpu.memory_space<hbm>> -> memref<1x4x32xi32, #tpu.memory_space<hbm>>
      %dma_start3A_14 = tpu.memref_squeeze %dma_start3A_13 : memref<1x4x32xi32, #tpu.memory_space<hbm>> -> memref<4x32xi32, #tpu.memory_space<hbm>>
      tpu.enqueue_dma source(%dma_start3A_14 : memref<4x32xi32, #tpu.memory_space<hbm>>) target(%arg6 : memref<4x32xi32, #tpu.memory_space<vmem>>) target_semaphore(%run_scoped3A : memref<!tpu.dma_semaphore, #tpu.memory_space<semaphore_mem>>)
      %dma_wait3A = arith.constant 0 : i32
      %dma_wait3A_15 = arith.constant 0 : i32
      %dma_wait3A_16 = tpu.memref_slice %arg3[%add3A, %dma_wait3A, %dma_wait3A_15] : memref<32x4x32xi32, #tpu.memory_space<hbm>> -> memref<1x4x32xi32, #tpu.memory_space<hbm>>
      %dma_wait3A_17 = tpu.memref_squeeze %dma_wait3A_16 : memref<1x4x32xi32, #tpu.memory_space<hbm>> -> memref<4x32xi32, #tpu.memory_space<hbm>>
      %dma_wait3A_18 = arith.constant 0 : i32
      %dma_wait3A_19 = arith.constant 0 : i32
      %dma_wait3A_20 = tpu.memref_slice %arg3[%add3A, %dma_wait3A_18, %dma_wait3A_19] : memref<32x4x32xi32, #tpu.memory_space<hbm>> -> memref<1x4x32xi32, #tpu.memory_space<hbm>>
      %dma_wait3A_21 = tpu.memref_squeeze %dma_wait3A_20 : memref<1x4x32xi32, #tpu.memory_space<hbm>> -> memref<4x32xi32, #tpu.memory_space<hbm>>
      tpu.wait_dma2 semaphore(%run_scoped3A : memref<!tpu.dma_semaphore, #tpu.memory_space<semaphore_mem>>) src(%dma_wait3A_21 : memref<4x32xi32, #tpu.memory_space<hbm>>) dst(%arg6 : memref<4x32xi32, #tpu.memory_space<vmem>>)
      tpu.yield
    }) : () -> ()
    %scan3A = arith.constant 0 : i32
    %scan3A_3 = arith.constant 0 : i32
    %scan3A_4 = arith.constant 4 : i32
    %scan3A_5 = arith.addi %scan3A_3, %scan3A_4 : i32
    %scan3A_6 = arith.constant 1 : i32
    scf.for %scan3A_8 = %scan3A_3 to %scan3A_5 step %scan3A_6  : i32 {
      %jit3A = arith.constant 2 : i32
      %div3A = arith.divsi %scan3A_8, %jit3A : i32
      %sign3A = arith.constant 0 : i32
      %sign3A_9 = arith.cmpi sgt, %scan3A_8, %sign3A : i32
      %sign3A_10 = arith.extui %sign3A_9 : i1 to i32
      %sign3A_11 = arith.constant 0 : i32
      %sign3A_12 = arith.cmpi slt, %scan3A_8, %sign3A_11 : i32
      %sign3A_13 = arith.extui %sign3A_12 : i1 to i32
      %sign3A_14 = arith.subi %sign3A_10, %sign3A_13 : i32
      %sign3A_15 = arith.constant 0 : i32
      %sign3A_16 = arith.cmpi sgt, %jit3A, %sign3A_15 : i32
      %sign3A_17 = arith.extui %sign3A_16 : i1 to i32
      %sign3A_18 = arith.constant 0 : i32
      %sign3A_19 = arith.cmpi slt, %jit3A, %sign3A_18 : i32
      %sign3A_20 = arith.extui %sign3A_19 : i1 to i32
      %sign3A_21 = arith.subi %sign3A_17, %sign3A_20 : i32
      %ne3A = arith.cmpi ne, %sign3A_14, %sign3A_21 : i32
      %rem3A = arith.remsi %scan3A_8, %jit3A : i32
      %ne3A_22 = arith.constant 0 : i32
      %ne3A_23 = arith.cmpi ne, %rem3A, %ne3A_22 : i32
      %and3A = arith.andi %ne3A, %ne3A_23 : i1
      %sub3A = arith.constant 1 : i32
      %sub3A_24 = arith.subi %div3A, %sub3A : i32
      %select_n3A = arith.select %and3A, %sub3A_24, %div3A : i32
      %jit3A_25 = arith.constant 2 : i32
      %eq3A = arith.constant 0 : i32
      %eq3A_26 = arith.cmpi eq, %jit3A_25, %eq3A : i32
      %jit3A_27 = arith.constant 1 : i32
      %select_n3A_28 = arith.select %eq3A_26, %jit3A_27, %jit3A_25 : i32
      %rem3A_29 = arith.remsi %scan3A_8, %select_n3A_28 : i32
      %ne3A_30 = arith.constant 0 : i32
      %ne3A_31 = arith.cmpi ne, %rem3A_29, %ne3A_30 : i32
      %lt3A = arith.constant 0 : i32
      %lt3A_32 = arith.cmpi slt, %rem3A_29, %lt3A : i32
      %lt3A_33 = arith.constant 0 : i32
      %lt3A_34 = arith.cmpi slt, %select_n3A_28, %lt3A_33 : i32
      %ne3A_35 = arith.xori %lt3A_32, %lt3A_34 : i1
      %and3A_36 = arith.andi %ne3A_35, %ne3A_31 : i1
      %add3A_37 = arith.addi %rem3A_29, %select_n3A_28 : i32
      %select_n3A_38 = arith.select %and3A_36, %add3A_37, %rem3A_29 : i32
      %mul3A_39 = arith.constant 16 : i32
      %mul3A_40 = arith.muli %select_n3A_38, %mul3A_39 : i32
      %mul3A_41 = arith.constant 32 : i32
      %mul3A_42 = arith.muli %select_n3A, %mul3A_41 : i32
      %add3A_43 = arith.addi %mul3A_2, %mul3A_42 : i32
      %add3A_44 = arith.addi %add3A_43, %mul3A_40 : i32
      %dma_start3A = tpu.memref_slice %arg6[%select_n3A, %mul3A_40] : memref<4x32xi32, #tpu.memory_space<vmem>> -> memref<1x16xi32, #tpu.memory_space<vmem>>
      %dma_start3A_45 = tpu.memref_squeeze %dma_start3A : memref<1x16xi32, #tpu.memory_space<vmem>> -> memref<16xi32, #tpu.memory_space<vmem>>
      %dma_start3A_46 = arith.constant 0 : i32
      %dma_start3A_47 = arith.constant 0 : i32
      %dma_start3A_48 = tpu.memref_slice %arg2[%dma_start3A_46, %dma_start3A_47] : memref<16384x2048xf32, #tpu.memory_space<hbm>> -> memref<16384x2048xf32, #tpu.memory_space<hbm>>
      tpu.enqueue_indirect_dma source(%dma_start3A_48 : memref<16384x2048xf32, #tpu.memory_space<hbm>>) target(%arg7 : memref<16x2048xf32, #tpu.memory_space<vmem>>) offsets(%dma_start3A_45 : memref<16xi32, #tpu.memory_space<vmem>>) semaphore(%arg9 : memref<!tpu.dma_semaphore, #tpu.memory_space<semaphore_mem>>)
      %add3A_49 = arith.constant 2 : i32
      %add3A_50 = arith.addi %add3A_49, %select_n3A : i32
      %dma_start3A_51 = tpu.memref_slice %arg6[%add3A_50, %mul3A_40] : memref<4x32xi32, #tpu.memory_space<vmem>> -> memref<1x16xi32, #tpu.memory_space<vmem>>
      %dma_start3A_52 = tpu.memref_squeeze %dma_start3A_51 : memref<1x16xi32, #tpu.memory_space<vmem>> -> memref<16xi32, #tpu.memory_space<vmem>>
      %dma_start3A_53 = arith.constant 0 : i32
      %dma_start3A_54 = arith.constant 0 : i32
      %dma_start3A_55 = tpu.memref_slice %arg2[%dma_start3A_53, %dma_start3A_54] : memref<16384x2048xf32, #tpu.memory_space<hbm>> -> memref<16384x2048xf32, #tpu.memory_space<hbm>>
      tpu.enqueue_indirect_dma source(%dma_start3A_55 : memref<16384x2048xf32, #tpu.memory_space<hbm>>) target(%arg8 : memref<16x2048xf32, #tpu.memory_space<vmem>>) offsets(%dma_start3A_52 : memref<16xi32, #tpu.memory_space<vmem>>) semaphore(%arg10 : memref<!tpu.dma_semaphore, #tpu.memory_space<semaphore_mem>>)
      %dma_wait3A = tpu.memref_slice %arg6[%select_n3A, %mul3A_40] : memref<4x32xi32, #tpu.memory_space<vmem>> -> memref<1x16xi32, #tpu.memory_space<vmem>>
      %dma_wait3A_56 = tpu.memref_squeeze %dma_wait3A : memref<1x16xi32, #tpu.memory_space<vmem>> -> memref<16xi32, #tpu.memory_space<vmem>>
      %dma_wait3A_57 = arith.constant 0 : i32
      %dma_wait3A_58 = arith.constant 0 : i32
      %dma_wait3A_59 = tpu.memref_slice %arg2[%dma_wait3A_57, %dma_wait3A_58] : memref<16384x2048xf32, #tpu.memory_space<hbm>> -> memref<16384x2048xf32, #tpu.memory_space<hbm>>
      tpu.wait_indirect_dma semaphore(%arg9 : memref<!tpu.dma_semaphore, #tpu.memory_space<semaphore_mem>>) src(%dma_wait3A_59 : memref<16384x2048xf32, #tpu.memory_space<hbm>>) dst(%arg7 : memref<16x2048xf32, #tpu.memory_space<vmem>>)
      "tpu.region"() ({
        %run_scoped3A = tpu.sem_alloc : memref<!tpu.dma_semaphore, #tpu.memory_space<semaphore_mem>>
        %dma_start3A_65 = arith.constant 0 : i32
        %dma_start3A_66 = tpu.memref_slice %arg4[%add3A_44, %dma_start3A_65] : memref<2048x2048xf32, #tpu.memory_space<hbm>> -> memref<16x2048xf32, #tpu.memory_space<hbm>>
        %dma_start3A_67 = arith.constant 0 : i32
        %dma_start3A_68 = tpu.memref_slice %arg4[%add3A_44, %dma_start3A_67] : memref<2048x2048xf32, #tpu.memory_space<hbm>> -> memref<16x2048xf32, #tpu.memory_space<hbm>>
        tpu.enqueue_dma source(%arg7 : memref<16x2048xf32, #tpu.memory_space<vmem>>) target(%dma_start3A_68 : memref<16x2048xf32, #tpu.memory_space<hbm>>) target_semaphore(%run_scoped3A : memref<!tpu.dma_semaphore, #tpu.memory_space<semaphore_mem>>)
        %dma_wait3A_69 = arith.constant 0 : i32
        %dma_wait3A_70 = tpu.memref_slice %arg4[%add3A_44, %dma_wait3A_69] : memref<2048x2048xf32, #tpu.memory_space<hbm>> -> memref<16x2048xf32, #tpu.memory_space<hbm>>
        %dma_wait3A_71 = arith.constant 0 : i32
        %dma_wait3A_72 = tpu.memref_slice %arg4[%add3A_44, %dma_wait3A_71] : memref<2048x2048xf32, #tpu.memory_space<hbm>> -> memref<16x2048xf32, #tpu.memory_space<hbm>>
        tpu.wait_dma2 semaphore(%run_scoped3A : memref<!tpu.dma_semaphore, #tpu.memory_space<semaphore_mem>>) src(%arg7 : memref<16x2048xf32, #tpu.memory_space<vmem>>) dst(%dma_wait3A_72 : memref<16x2048xf32, #tpu.memory_space<hbm>>)
        tpu.yield
      }) : () -> ()
      %dma_wait3A_60 = tpu.memref_slice %arg6[%add3A_50, %mul3A_40] : memref<4x32xi32, #tpu.memory_space<vmem>> -> memref<1x16xi32, #tpu.memory_space<vmem>>
      %dma_wait3A_61 = tpu.memref_squeeze %dma_wait3A_60 : memref<1x16xi32, #tpu.memory_space<vmem>> -> memref<16xi32, #tpu.memory_space<vmem>>
      %dma_wait3A_62 = arith.constant 0 : i32
      %dma_wait3A_63 = arith.constant 0 : i32
      %dma_wait3A_64 = tpu.memref_slice %arg2[%dma_wait3A_62, %dma_wait3A_63] : memref<16384x2048xf32, #tpu.memory_space<hbm>> -> memref<16384x2048xf32, #tpu.memory_space<hbm>>
      tpu.wait_indirect_dma semaphore(%arg10 : memref<!tpu.dma_semaphore, #tpu.memory_space<semaphore_mem>>) src(%dma_wait3A_64 : memref<16384x2048xf32, #tpu.memory_space<hbm>>) dst(%arg8 : memref<16x2048xf32, #tpu.memory_space<vmem>>)
      "tpu.region"() ({
        %run_scoped3A = tpu.sem_alloc : memref<!tpu.dma_semaphore, #tpu.memory_space<semaphore_mem>>
        %dma_start3A_65 = arith.constant 0 : i32
        %dma_start3A_66 = tpu.memref_slice %arg5[%add3A_44, %dma_start3A_65] : memref<2048x2048xf32, #tpu.memory_space<hbm>> -> memref<16x2048xf32, #tpu.memory_space<hbm>>
        %dma_start3A_67 = arith.constant 0 : i32
        %dma_start3A_68 = tpu.memref_slice %arg5[%add3A_44, %dma_start3A_67] : memref<2048x2048xf32, #tpu.memory_space<hbm>> -> memref<16x2048xf32, #tpu.memory_space<hbm>>
        tpu.enqueue_dma source(%arg8 : memref<16x2048xf32, #tpu.memory_space<vmem>>) target(%dma_start3A_68 : memref<16x2048xf32, #tpu.memory_space<hbm>>) target_semaphore(%run_scoped3A : memref<!tpu.dma_semaphore, #tpu.memory_space<semaphore_mem>>)
        %dma_wait3A_69 = arith.constant 0 : i32
        %dma_wait3A_70 = tpu.memref_slice %arg5[%add3A_44, %dma_wait3A_69] : memref<2048x2048xf32, #tpu.memory_space<hbm>> -> memref<16x2048xf32, #tpu.memory_space<hbm>>
        %dma_wait3A_71 = arith.constant 0 : i32
        %dma_wait3A_72 = tpu.memref_slice %arg5[%add3A_44, %dma_wait3A_71] : memref<2048x2048xf32, #tpu.memory_space<hbm>> -> memref<16x2048xf32, #tpu.memory_space<hbm>>
        tpu.wait_dma2 semaphore(%run_scoped3A : memref<!tpu.dma_semaphore, #tpu.memory_space<semaphore_mem>>) src(%arg8 : memref<16x2048xf32, #tpu.memory_space<vmem>>) dst(%dma_wait3A_72 : memref<16x2048xf32, #tpu.memory_space<hbm>>)
        tpu.yield
      }) : () -> ()
    }
    %scan3A_7 = arith.constant 4 : i32
    return
  }
}

#map = affine_map<(d0, d1) -> (0, 0)>
#map1 = affine_map<(d0, d1) -> (0, 0, 0)>
module attributes {stable_mosaic.version = 14 : i64} {
  func.func @k(%arg0: i32, %arg1: i32, %arg2: memref<16384x2048xf32, #tpu.memory_space<hbm>>, %arg3: memref<32x4x32xi32, #tpu.memory_space<hbm>>, %arg4: memref<2048x2048xf32, #tpu.memory_space<hbm>>, %arg5: memref<2048x2048xf32, #tpu.memory_space<hbm>>, %arg6: memref<4x32xi32, #tpu.memory_space<vmem>>, %arg7: memref<16x2048xf32, #tpu.memory_space<vmem>>, %arg8: memref<16x2048xf32, #tpu.memory_space<vmem>>, %arg9: memref<!tpu.dma_semaphore, #tpu.memory_space<semaphore_mem>>, %arg10: memref<!tpu.dma_semaphore, #tpu.memory_space<semaphore_mem>>) attributes {dimension_semantics = [#tpu.dimension_semantics<core_parallel>, #tpu.dimension_semantics<subcore_parallel>], iteration_bounds = array<i64: 2, 16>, scalar_prefetch = 0 : i64, scratch_operands = 5 : i64, tpu.core_type = #tpu.core_type<sc_vector_subcore>, window_params = [{transform_indices = #map}, {transform_indices = #map1}, {transform_indices = #map}, {transform_indices = #map}]} {
    %mul3A = arith.constant 2 : i32
    %mul3A_0 = arith.muli %arg1, %mul3A : i32
    %add3A = arith.addi %mul3A_0, %arg0 : i32
    %mul3A_1 = arith.constant 64 : i32
    %mul3A_2 = arith.muli %add3A, %mul3A_1 : i32
    "tpu.region"() ({
      %run_scoped3A = tpu.sem_alloc : memref<!tpu.dma_semaphore, #tpu.memory_space<semaphore_mem>>
      %dma_start3A = arith.constant 0 : i32
      %dma_start3A_8 = arith.constant 0 : i32
      %dma_start3A_9 = tpu.memref_slice %arg3[%add3A, %dma_start3A, %dma_start3A_8] : memref<32x4x32xi32, #tpu.memory_space<hbm>> -> memref<1x4x32xi32, #tpu.memory_space<hbm>>
      %dma_start3A_10 = tpu.memref_squeeze %dma_start3A_9 : memref<1x4x32xi32, #tpu.memory_space<hbm>> -> memref<4x32xi32, #tpu.memory_space<hbm>>
      %dma_start3A_11 = arith.constant 0 : i32
      %dma_start3A_12 = arith.constant 0 : i32
      %dma_start3A_13 = tpu.memref_slice %arg3[%add3A, %dma_start3A_11, %dma_start3A_12] : memref<32x4x32xi32, #tpu.memory_space<hbm>> -> memref<1x4x32xi32, #tpu.memory_space<hbm>>
      %dma_start3A_14 = tpu.memref_squeeze %dma_start3A_13 : memref<1x4x32xi32, #tpu.memory_space<hbm>> -> memref<4x32xi32, #tpu.memory_space<hbm>>
      tpu.enqueue_dma source(%dma_start3A_14 : memref<4x32xi32, #tpu.memory_space<hbm>>) target(%arg6 : memref<4x32xi32, #tpu.memory_space<vmem>>) target_semaphore(%run_scoped3A : memref<!tpu.dma_semaphore, #tpu.memory_space<semaphore_mem>>)
      %dma_wait3A = arith.constant 0 : i32
      %dma_wait3A_15 = arith.constant 0 : i32
      %dma_wait3A_16 = tpu.memref_slice %arg3[%add3A, %dma_wait3A, %dma_wait3A_15] : memref<32x4x32xi32, #tpu.memory_space<hbm>> -> memref<1x4x32xi32, #tpu.memory_space<hbm>>
      %dma_wait3A_17 = tpu.memref_squeeze %dma_wait3A_16 : memref<1x4x32xi32, #tpu.memory_space<hbm>> -> memref<4x32xi32, #tpu.memory_space<hbm>>
      %dma_wait3A_18 = arith.constant 0 : i32
      %dma_wait3A_19 = arith.constant 0 : i32
      %dma_wait3A_20 = tpu.memref_slice %arg3[%add3A, %dma_wait3A_18, %dma_wait3A_19] : memref<32x4x32xi32, #tpu.memory_space<hbm>> -> memref<1x4x32xi32, #tpu.memory_space<hbm>>
      %dma_wait3A_21 = tpu.memref_squeeze %dma_wait3A_20 : memref<1x4x32xi32, #tpu.memory_space<hbm>> -> memref<4x32xi32, #tpu.memory_space<hbm>>
      tpu.wait_dma2 semaphore(%run_scoped3A : memref<!tpu.dma_semaphore, #tpu.memory_space<semaphore_mem>>) src(%dma_wait3A_21 : memref<4x32xi32, #tpu.memory_space<hbm>>) dst(%arg6 : memref<4x32xi32, #tpu.memory_space<vmem>>)
      tpu.yield
    }) : () -> ()
    %scan3A = arith.constant 0 : i32
    %scan3A_3 = arith.constant 0 : i32
    %scan3A_4 = arith.constant 4 : i32
    %scan3A_5 = arith.addi %scan3A_3, %scan3A_4 : i32
    %scan3A_6 = arith.constant 1 : i32
    scf.for %scan3A_8 = %scan3A_3 to %scan3A_5 step %scan3A_6  : i32 {
      %jit3A = arith.constant 2 : i32
      %div3A = arith.divsi %scan3A_8, %jit3A : i32
      %sign3A = arith.constant 0 : i32
      %sign3A_9 = arith.cmpi sgt, %scan3A_8, %sign3A : i32
      %sign3A_10 = arith.extui %sign3A_9 : i1 to i32
      %sign3A_11 = arith.constant 0 : i32
      %sign3A_12 = arith.cmpi slt, %scan3A_8, %sign3A_11 : i32
      %sign3A_13 = arith.extui %sign3A_12 : i1 to i32
      %sign3A_14 = arith.subi %sign3A_10, %sign3A_13 : i32
      %sign3A_15 = arith.constant 0 : i32
      %sign3A_16 = arith.cmpi sgt, %jit3A, %sign3A_15 : i32
      %sign3A_17 = arith.extui %sign3A_16 : i1 to i32
      %sign3A_18 = arith.constant 0 : i32
      %sign3A_19 = arith.cmpi slt, %jit3A, %sign3A_18 : i32
      %sign3A_20 = arith.extui %sign3A_19 : i1 to i32
      %sign3A_21 = arith.subi %sign3A_17, %sign3A_20 : i32
      %ne3A = arith.cmpi ne, %sign3A_14, %sign3A_21 : i32
      %rem3A = arith.remsi %scan3A_8, %jit3A : i32
      %ne3A_22 = arith.constant 0 : i32
      %ne3A_23 = arith.cmpi ne, %rem3A, %ne3A_22 : i32
      %and3A = arith.andi %ne3A, %ne3A_23 : i1
      %sub3A = arith.constant 1 : i32
      %sub3A_24 = arith.subi %div3A, %sub3A : i32
      %select_n3A = arith.select %and3A, %sub3A_24, %div3A : i32
      %jit3A_25 = arith.constant 2 : i32
      %eq3A = arith.constant 0 : i32
      %eq3A_26 = arith.cmpi eq, %jit3A_25, %eq3A : i32
      %jit3A_27 = arith.constant 1 : i32
      %select_n3A_28 = arith.select %eq3A_26, %jit3A_27, %jit3A_25 : i32
      %rem3A_29 = arith.remsi %scan3A_8, %select_n3A_28 : i32
      %ne3A_30 = arith.constant 0 : i32
      %ne3A_31 = arith.cmpi ne, %rem3A_29, %ne3A_30 : i32
      %lt3A = arith.constant 0 : i32
      %lt3A_32 = arith.cmpi slt, %rem3A_29, %lt3A : i32
      %lt3A_33 = arith.constant 0 : i32
      %lt3A_34 = arith.cmpi slt, %select_n3A_28, %lt3A_33 : i32
      %ne3A_35 = arith.xori %lt3A_32, %lt3A_34 : i1
      %and3A_36 = arith.andi %ne3A_35, %ne3A_31 : i1
      %add3A_37 = arith.addi %rem3A_29, %select_n3A_28 : i32
      %select_n3A_38 = arith.select %and3A_36, %add3A_37, %rem3A_29 : i32
      %mul3A_39 = arith.constant 16 : i32
      %mul3A_40 = arith.muli %select_n3A_38, %mul3A_39 : i32
      %mul3A_41 = arith.constant 32 : i32
      %mul3A_42 = arith.muli %select_n3A, %mul3A_41 : i32
      %add3A_43 = arith.addi %mul3A_2, %mul3A_42 : i32
      %add3A_44 = arith.addi %add3A_43, %mul3A_40 : i32
      %dma_start3A = tpu.memref_slice %arg6[%select_n3A, %mul3A_40] : memref<4x32xi32, #tpu.memory_space<vmem>> -> memref<1x16xi32, #tpu.memory_space<vmem>>
      %dma_start3A_45 = tpu.memref_squeeze %dma_start3A : memref<1x16xi32, #tpu.memory_space<vmem>> -> memref<16xi32, #tpu.memory_space<vmem>>
      %dma_start3A_46 = arith.constant 0 : i32
      %dma_start3A_47 = arith.constant 0 : i32
      %dma_start3A_48 = tpu.memref_slice %arg2[%dma_start3A_46, %dma_start3A_47] : memref<16384x2048xf32, #tpu.memory_space<hbm>> -> memref<16384x2048xf32, #tpu.memory_space<hbm>>
      tpu.enqueue_indirect_dma source(%dma_start3A_48 : memref<16384x2048xf32, #tpu.memory_space<hbm>>) target(%arg7 : memref<16x2048xf32, #tpu.memory_space<vmem>>) offsets(%dma_start3A_45 : memref<16xi32, #tpu.memory_space<vmem>>) semaphore(%arg9 : memref<!tpu.dma_semaphore, #tpu.memory_space<semaphore_mem>>)
      %add3A_49 = arith.constant 2 : i32
      %add3A_50 = arith.addi %add3A_49, %select_n3A : i32
      %dma_start3A_51 = tpu.memref_slice %arg6[%add3A_50, %mul3A_40] : memref<4x32xi32, #tpu.memory_space<vmem>> -> memref<1x16xi32, #tpu.memory_space<vmem>>
      %dma_start3A_52 = tpu.memref_squeeze %dma_start3A_51 : memref<1x16xi32, #tpu.memory_space<vmem>> -> memref<16xi32, #tpu.memory_space<vmem>>
      %dma_start3A_53 = arith.constant 0 : i32
      %dma_start3A_54 = arith.constant 0 : i32
      %dma_start3A_55 = tpu.memref_slice %arg2[%dma_start3A_53, %dma_start3A_54] : memref<16384x2048xf32, #tpu.memory_space<hbm>> -> memref<16384x2048xf32, #tpu.memory_space<hbm>>
      tpu.enqueue_indirect_dma source(%dma_start3A_55 : memref<16384x2048xf32, #tpu.memory_space<hbm>>) target(%arg8 : memref<16x2048xf32, #tpu.memory_space<vmem>>) offsets(%dma_start3A_52 : memref<16xi32, #tpu.memory_space<vmem>>) semaphore(%arg10 : memref<!tpu.dma_semaphore, #tpu.memory_space<semaphore_mem>>)
      %dma_wait3A = tpu.memref_slice %arg6[%select_n3A, %mul3A_40] : memref<4x32xi32, #tpu.memory_space<vmem>> -> memref<1x16xi32, #tpu.memory_space<vmem>>
      %dma_wait3A_56 = tpu.memref_squeeze %dma_wait3A : memref<1x16xi32, #tpu.memory_space<vmem>> -> memref<16xi32, #tpu.memory_space<vmem>>
      %dma_wait3A_57 = arith.constant 0 : i32
      %dma_wait3A_58 = arith.constant 0 : i32
      %dma_wait3A_59 = tpu.memref_slice %arg2[%dma_wait3A_57, %dma_wait3A_58] : memref<16384x2048xf32, #tpu.memory_space<hbm>> -> memref<16384x2048xf32, #tpu.memory_space<hbm>>
      tpu.wait_indirect_dma semaphore(%arg9 : memref<!tpu.dma_semaphore, #tpu.memory_space<semaphore_mem>>) src(%dma_wait3A_59 : memref<16384x2048xf32, #tpu.memory_space<hbm>>) dst(%arg7 : memref<16x2048xf32, #tpu.memory_space<vmem>>)
      "tpu.region"() ({
        %run_scoped3A = tpu.sem_alloc : memref<!tpu.dma_semaphore, #tpu.memory_space<semaphore_mem>>
        %dma_start3A_65 = arith.constant 0 : i32
        %dma_start3A_66 = tpu.memref_slice %arg4[%add3A_44, %dma_start3A_65] : memref<2048x2048xf32, #tpu.memory_space<hbm>> -> memref<16x2048xf32, #tpu.memory_space<hbm>>
        %dma_start3A_67 = arith.constant 0 : i32
        %dma_start3A_68 = tpu.memref_slice %arg4[%add3A_44, %dma_start3A_67] : memref<2048x2048xf32, #tpu.memory_space<hbm>> -> memref<16x2048xf32, #tpu.memory_space<hbm>>
        tpu.enqueue_dma source(%arg7 : memref<16x2048xf32, #tpu.memory_space<vmem>>) target(%dma_start3A_68 : memref<16x2048xf32, #tpu.memory_space<hbm>>) target_semaphore(%run_scoped3A : memref<!tpu.dma_semaphore, #tpu.memory_space<semaphore_mem>>)
        %dma_wait3A_69 = arith.constant 0 : i32
        %dma_wait3A_70 = tpu.memref_slice %arg4[%add3A_44, %dma_wait3A_69] : memref<2048x2048xf32, #tpu.memory_space<hbm>> -> memref<16x2048xf32, #tpu.memory_space<hbm>>
        %dma_wait3A_71 = arith.constant 0 : i32
        %dma_wait3A_72 = tpu.memref_slice %arg4[%add3A_44, %dma_wait3A_71] : memref<2048x2048xf32, #tpu.memory_space<hbm>> -> memref<16x2048xf32, #tpu.memory_space<hbm>>
        tpu.wait_dma2 semaphore(%run_scoped3A : memref<!tpu.dma_semaphore, #tpu.memory_space<semaphore_mem>>) src(%arg7 : memref<16x2048xf32, #tpu.memory_space<vmem>>) dst(%dma_wait3A_72 : memref<16x2048xf32, #tpu.memory_space<hbm>>)
        tpu.yield
      }) : () -> ()
      %dma_wait3A_60 = tpu.memref_slice %arg6[%add3A_50, %mul3A_40] : memref<4x32xi32, #tpu.memory_space<vmem>> -> memref<1x16xi32, #tpu.memory_space<vmem>>
      %dma_wait3A_61 = tpu.memref_squeeze %dma_wait3A_60 : memref<1x16xi32, #tpu.memory_space<vmem>> -> memref<16xi32, #tpu.memory_space<vmem>>
      %dma_wait3A_62 = arith.constant 0 : i32
      %dma_wait3A_63 = arith.constant 0 : i32
      %dma_wait3A_64 = tpu.memref_slice %arg2[%dma_wait3A_62, %dma_wait3A_63] : memref<16384x2048xf32, #tpu.memory_space<hbm>> -> memref<16384x2048xf32, #tpu.memory_space<hbm>>
      tpu.wait_indirect_dma semaphore(%arg10 : memref<!tpu.dma_semaphore, #tpu.memory_space<semaphore_mem>>) src(%dma_wait3A_64 : memref<16384x2048xf32, #tpu.memory_space<hbm>>) dst(%arg8 : memref<16x2048xf32, #tpu.memory_space<vmem>>)
      "tpu.region"() ({
        %run_scoped3A = tpu.sem_alloc : memref<!tpu.dma_semaphore, #tpu.memory_space<semaphore_mem>>
        %dma_start3A_65 = arith.constant 0 : i32
        %dma_start3A_66 = tpu.memref_slice %arg5[%add3A_44, %dma_start3A_65] : memref<2048x2048xf32, #tpu.memory_space<hbm>> -> memref<16x2048xf32, #tpu.memory_space<hbm>>
        %dma_start3A_67 = arith.constant 0 : i32
        %dma_start3A_68 = tpu.memref_slice %arg5[%add3A_44, %dma_start3A_67] : memref<2048x2048xf32, #tpu.memory_space<hbm>> -> memref<16x2048xf32, #tpu.memory_space<hbm>>
        tpu.enqueue_dma source(%arg8 : memref<16x2048xf32, #tpu.memory_space<vmem>>) target(%dma_start3A_68 : memref<16x2048xf32, #tpu.memory_space<hbm>>) target_semaphore(%run_scoped3A : memref<!tpu.dma_semaphore, #tpu.memory_space<semaphore_mem>>)
        %dma_wait3A_69 = arith.constant 0 : i32
        %dma_wait3A_70 = tpu.memref_slice %arg5[%add3A_44, %dma_wait3A_69] : memref<2048x2048xf32, #tpu.memory_space<hbm>> -> memref<16x2048xf32, #tpu.memory_space<hbm>>
        %dma_wait3A_71 = arith.constant 0 : i32
        %dma_wait3A_72 = tpu.memref_slice %arg5[%add3A_44, %dma_wait3A_71] : memref<2048x2048xf32, #tpu.memory_space<hbm>> -> memref<16x2048xf32, #tpu.memory_space<hbm>>
        tpu.wait_dma2 semaphore(%run_scoped3A : memref<!tpu.dma_semaphore, #tpu.memory_space<semaphore_mem>>) src(%arg8 : memref<16x2048xf32, #tpu.memory_space<vmem>>) dst(%dma_wait3A_72 : memref<16x2048xf32, #tpu.memory_space<hbm>>)
        tpu.yield
      }) : () -> ()
    }
    %scan3A_7 = arith.constant 4 : i32
    return
  }
}

module attributes {stable_mosaic.version = 14 : i64} {
  func.func @_router_body(%arg0: i32, %arg1: memref<512x2048xf32, #tpu.memory_space<vmem>>, %arg2: memref<2048x128xf32, #tpu.memory_space<vmem>>, %arg3: memref<512x128xf32, #tpu.memory_space<vmem>>, %arg4: memref<1x8x128xf32, #tpu.memory_space<vmem>>, %arg5: memref<8x128xf32, #tpu.memory_space<vmem>>) attributes {dimension_semantics = [#tpu.dimension_semantics<arbitrary>], iteration_bounds = array<i64: 16>, scalar_prefetch = 0 : i64, scratch_operands = 1 : i64, tpu.core_type = #tpu.core_type<tc>, window_params = [{transform_indices = @transform_0, window_bounds = array<i64: 512, 2048>}, {pipeline_mode = #tpu.pipeline_mode<synchronous>, transform_indices = @transform_1, window_bounds = array<i64: 2048, 128>}, {transform_indices = @transform_2, window_bounds = array<i64: 512, 128>}, {transform_indices = @transform_3, window_bounds = array<i64: 1, 8, 128>}]} {
    %eq3A = arith.constant 0 : i32
    %eq3A_0 = arith.cmpi eq, %arg0, %eq3A : i32
    %convert_element_type3A = arith.extui %eq3A_0 : i1 to i32
    %cond3A = arith.constant 0 : i32
    %cond3A_1 = arith.cmpi ne, %convert_element_type3A, %cond3A : i32
    scf.if %cond3A_1 {
      %broadcast_in_dim3A_170 = arith.constant 0.000000e+00 : f32
      %broadcast_in_dim3A_171 = vector.broadcast %broadcast_in_dim3A_170 : f32 to vector<8x128xf32>
      %swap3A_172 = arith.constant 0 : index
      %swap3A_173 = arith.constant 0 : index
      %swap3A_174 = vector.load %arg5[%swap3A_172, %swap3A_173] : memref<8x128xf32, #tpu.memory_space<vmem>>, vector<8x128xf32>
      tpu.vector_store %arg5[%swap3A_172, %swap3A_173], %broadcast_in_dim3A_171 {strides = array<i32>} : memref<8x128xf32, #tpu.memory_space<vmem>>, vector<8x128xf32>,
    } else {
    }
    %get3A = arith.constant 0 : index
    %get3A_2 = arith.constant 0 : index
    %get3A_3 = vector.load %arg1[%get3A, %get3A_2] : memref<512x2048xf32, #tpu.memory_space<vmem>>, vector<512x2048xf32>
    %get3A_4 = arith.constant 0 : index
    %get3A_5 = arith.constant 0 : index
    %get3A_6 = vector.load %arg2[%get3A_4, %get3A_5] : memref<2048x128xf32, #tpu.memory_space<vmem>>, vector<2048x128xf32>
    %dot_general3A = arith.constant dense<0.000000e+00> : vector<512x128xf32>
    %dot_general3A_7 = tpu.matmul %get3A_3, %get3A_6, %dot_general3A {dimension_numbers = #tpu.dot_dimension_numbers<[1], [0], [0], [1], [0, 0, 1, 1], [], []>, transpose_lhs_hint = false} : vector<512x2048xf32>, vector<2048x128xf32>, vector<512x128xf32> -> vector<512x128xf32>
    %iota3A = tpu.iota {dimensions = array<i32: 1>} : vector<512x128xi32>
    %lt3A = arith.constant 8 : i32
    %lt3A_8 = vector.broadcast %lt3A : i32 to vector<512x128xi32>
    %lt3A_9 = arith.cmpi slt, %iota3A, %lt3A_8 : vector<512x128xi32>
    %jit3A = arith.constant -1.000000e+30 : f32
    %broadcast_in_dim3A = vector.broadcast %jit3A : f32 to vector<512x128xf32>
    %select_n3A = arith.select %lt3A_9, %dot_general3A_7, %broadcast_in_dim3A : vector<512x128xi1>, vector<512x128xf32>
    %reduce_max3A = arith.constant dense<0xFF800000> : vector<512xf32>
    %reduce_max3A_10 = vector.multi_reduction <maximumf>, %select_n3A, %reduce_max3A [1] : vector<512x128xf32> to vector<512xf32>
    %broadcast_in_dim3A_11 = vector.shape_cast %reduce_max3A_10 : vector<512xf32> to vector<512x1xf32>
    %eq3A_12 = vector.broadcast %broadcast_in_dim3A_11 : vector<512x1xf32> to vector<512x128xf32>
    %eq3A_13 = arith.cmpf oeq, %select_n3A, %eq3A_12 : vector<512x128xf32>
    %and3A = arith.andi %eq3A_13, %lt3A_9 : vector<512x128xi1>
    %jit3A_14 = arith.constant 127 : i32
    %broadcast_in_dim3A_15 = vector.broadcast %jit3A_14 : i32 to vector<512x128xi32>
    %select_n3A_16 = arith.select %and3A, %iota3A, %broadcast_in_dim3A_15 : vector<512x128xi1>, vector<512x128xi32>
    %reduce_min3A = arith.constant dense<2147483647> : vector<512xi32>
    %reduce_min3A_17 = vector.multi_reduction <minsi>, %select_n3A_16, %reduce_min3A [1] : vector<512x128xi32> to vector<512xi32>
    %broadcast_in_dim3A_18 = vector.shape_cast %reduce_min3A_17 : vector<512xi32> to vector<512x1xi32>
    %eq3A_19 = vector.broadcast %broadcast_in_dim3A_18 : vector<512x1xi32> to vector<512x128xi32>
    %eq3A_20 = arith.cmpi eq, %iota3A, %eq3A_19 : vector<512x128xi32>
    %jit3A_21 = arith.constant -1.000000e+30 : f32
    %broadcast_in_dim3A_22 = vector.broadcast %jit3A_21 : f32 to vector<512x128xf32>
    %select_n3A_23 = arith.select %eq3A_20, %broadcast_in_dim3A_22, %select_n3A : vector<512x128xi1>, vector<512x128xf32>
    %reduce_max3A_24 = arith.constant dense<0xFF800000> : vector<512xf32>
    %reduce_max3A_25 = vector.multi_reduction <maximumf>, %select_n3A_23, %reduce_max3A_24 [1] : vector<512x128xf32> to vector<512xf32>
    %broadcast_in_dim3A_26 = vector.shape_cast %reduce_max3A_25 : vector<512xf32> to vector<512x1xf32>
    %eq3A_27 = vector.broadcast %broadcast_in_dim3A_26 : vector<512x1xf32> to vector<512x128xf32>
    %eq3A_28 = arith.cmpf oeq, %select_n3A_23, %eq3A_27 : vector<512x128xf32>
    %and3A_29 = arith.andi %eq3A_28, %lt3A_9 : vector<512x128xi1>
    %jit3A_30 = arith.constant 127 : i32
    %broadcast_in_dim3A_31 = vector.broadcast %jit3A_30 : i32 to vector<512x128xi32>
    %select_n3A_32 = arith.select %and3A_29, %iota3A, %broadcast_in_dim3A_31 : vector<512x128xi1>, vector<512x128xi32>
    %reduce_min3A_33 = arith.constant dense<2147483647> : vector<512xi32>
    %reduce_min3A_34 = vector.multi_reduction <minsi>, %select_n3A_32, %reduce_min3A_33 [1] : vector<512x128xi32> to vector<512xi32>
    %broadcast_in_dim3A_35 = vector.shape_cast %reduce_min3A_34 : vector<512xi32> to vector<512x1xi32>
    %eq3A_36 = vector.broadcast %broadcast_in_dim3A_35 : vector<512x1xi32> to vector<512x128xi32>
    %eq3A_37 = arith.cmpi eq, %iota3A, %eq3A_36 : vector<512x128xi32>
    %sub3A = arith.subf %broadcast_in_dim3A_26, %broadcast_in_dim3A_11 : vector<512x1xf32>
    %exp3A = math.exp %sub3A : vector<512x1xf32>
    %add3A = arith.constant 1.000000e+00 : f32
    %add3A_38 = vector.broadcast %add3A : f32 to vector<512x1xf32>
    %add3A_39 = arith.addf %add3A_38, %exp3A : vector<512x1xf32>
    %div3A = arith.constant 1.000000e+00 : f32
    %div3A_40 = vector.broadcast %div3A : f32 to vector<512x1xf32>
    %div3A_41 = arith.divf %div3A_40, %add3A_39 : vector<512x1xf32>
    %add3A_42 = arith.constant 1.000000e+00 : f32
    %add3A_43 = vector.broadcast %add3A_42 : f32 to vector<512x1xf32>
    %add3A_44 = arith.addf %add3A_43, %exp3A : vector<512x1xf32>
    %div3A_45 = arith.divf %exp3A, %add3A_44 : vector<512x1xf32>
    %convert_element_type3A_46 = arith.extui %eq3A_20 : vector<512x128xi1> to vector<512x128xi32>
    %convert_element_type3A_47 = arith.sitofp %convert_element_type3A_46 : vector<512x128xi32> to vector<512x128xf32>
    %convert_element_type3A_48 = arith.extui %eq3A_37 : vector<512x128xi1> to vector<512x128xi32>
    %convert_element_type3A_49 = arith.sitofp %convert_element_type3A_48 : vector<512x128xi32> to vector<512x128xf32>
    %add3A_50 = arith.addf %convert_element_type3A_47, %convert_element_type3A_49 : vector<512x128xf32>
    %iota3A_51 = tpu.iota {dimensions = array<i32: 0>} : vector<512x512xi32>
    %iota3A_52 = tpu.iota {dimensions = array<i32: 1>} : vector<512x512xi32>
    %gt3A = arith.cmpi sgt, %iota3A_51, %iota3A_52 : vector<512x512xi32>
    %convert_element_type3A_53 = arith.extui %gt3A : vector<512x512xi1> to vector<512x512xi32>
    %convert_element_type3A_54 = arith.sitofp %convert_element_type3A_53 : vector<512x512xi32> to vector<512x512xf32>
    %dot_general3A_55 = arith.constant dense<0.000000e+00> : vector<512x128xf32>
    %dot_general3A_56 = tpu.matmul %convert_element_type3A_54, %add3A_50, %dot_general3A_55 {dimension_numbers = #tpu.dot_dimension_numbers<[1], [0], [0], [1], [0, 0, 1, 1], [], []>, transpose_lhs_hint = false} : vector<512x512xf32>, vector<512x128xf32>, vector<512x128xf32> -> vector<512x128xf32>
    %get3A_57 = arith.constant 0 : index
    %get3A_58 = arith.constant 0 : index
    %get3A_59 = vector.load %arg5[%get3A_57, %get3A_58] : memref<8x128xf32, #tpu.memory_space<vmem>>, vector<1x128xf32>
    %add3A_60 = vector.broadcast %get3A_59 : vector<1x128xf32> to vector<512x128xf32>
    %add3A_61 = arith.addf %dot_general3A_56, %add3A_60 : vector<512x128xf32>
    %jit3A_62 = arith.constant 0.000000e+00 : f32
    %broadcast_in_dim3A_63 = vector.broadcast %jit3A_62 : f32 to vector<512x128xf32>
    %select_n3A_64 = arith.select %eq3A_20, %add3A_61, %broadcast_in_dim3A_63 : vector<512x128xi1>, vector<512x128xf32>
    %reduce_sum3A = arith.constant dense<0.000000e+00> : vector<512xf32>
    %reduce_sum3A_65 = vector.multi_reduction <add>, %select_n3A_64, %reduce_sum3A [1] : vector<512x128xf32> to vector<512xf32>
    %broadcast_in_dim3A_66 = vector.shape_cast %reduce_sum3A_65 : vector<512xf32> to vector<512x1xf32>
    %jit3A_67 = arith.constant 0.000000e+00 : f32
    %broadcast_in_dim3A_68 = vector.broadcast %jit3A_67 : f32 to vector<512x128xf32>
    %select_n3A_69 = arith.select %eq3A_37, %add3A_61, %broadcast_in_dim3A_68 : vector<512x128xi1>, vector<512x128xf32>
    %reduce_sum3A_70 = arith.constant dense<0.000000e+00> : vector<512xf32>
    %reduce_sum3A_71 = vector.multi_reduction <add>, %select_n3A_69, %reduce_sum3A_70 [1] : vector<512x128xf32> to vector<512xf32>
    %broadcast_in_dim3A_72 = vector.shape_cast %reduce_sum3A_71 : vector<512xf32> to vector<512x1xf32>
    %reduce_sum3A_73 = arith.constant dense<0.000000e+00> : vector<128xf32>
    %reduce_sum3A_74 = vector.multi_reduction <add>, %add3A_50, %reduce_sum3A_73 [0] : vector<512x128xf32> to vector<128xf32>
    %broadcast_in_dim3A_75 = vector.shape_cast %reduce_sum3A_74 : vector<128xf32> to vector<1x128xf32>
    %add3A_76 = arith.addf %get3A_59, %broadcast_in_dim3A_75 : vector<1x128xf32>
    %broadcast_in_dim3A_77 = vector.shape_cast %add3A_76 : vector<1x128xf32> to vector<1x128xf32>
    %broadcast_in_dim3A_78 = vector.broadcast %broadcast_in_dim3A_77 : vector<1x128xf32> to vector<8x128xf32>
    %swap3A = arith.constant 0 : index
    %swap3A_79 = arith.constant 0 : index
    %swap3A_80 = vector.load %arg5[%swap3A, %swap3A_79] : memref<8x128xf32, #tpu.memory_space<vmem>>, vector<8x128xf32>
    tpu.vector_store %arg5[%swap3A, %swap3A_79], %broadcast_in_dim3A_78 {strides = array<i32>} : memref<8x128xf32, #tpu.memory_space<vmem>>, vector<8x128xf32>,
    %broadcast_in_dim3A_81 = vector.shape_cast %add3A_76 : vector<1x128xf32> to vector<1x128xf32>
    %broadcast_in_dim3A_82 = vector.broadcast %broadcast_in_dim3A_81 : vector<1x128xf32> to vector<8x128xf32>
    %reshape3A = vector.shape_cast %broadcast_in_dim3A_82 : vector<8x128xf32> to vector<1x8x128xf32>
    %swap3A_83 = arith.constant 0 : index
    %swap3A_84 = arith.constant 0 : index
    %swap3A_85 = arith.constant 0 : index
    %swap3A_86 = vector.load %arg4[%swap3A_83, %swap3A_84, %swap3A_85] : memref<1x8x128xf32, #tpu.memory_space<vmem>>, vector<1x8x128xf32>
    tpu.vector_store %arg4[%swap3A_83, %swap3A_84, %swap3A_85], %reshape3A {strides = array<i32>} : memref<1x8x128xf32, #tpu.memory_space<vmem>>, vector<1x8x128xf32>,
    %eq3A_87 = arith.constant 0 : i32
    %eq3A_88 = vector.broadcast %eq3A_87 : i32 to vector<512x128xi32>
    %eq3A_89 = arith.cmpi eq, %iota3A, %eq3A_88 : vector<512x128xi32>
    %convert_element_type3A_90 = arith.sitofp %broadcast_in_dim3A_18 : vector<512x1xi32> to vector<512x1xf32>
    %jit3A_91 = arith.constant 0.000000e+00 : f32
    %broadcast_in_dim3A_92 = vector.shape_cast %convert_element_type3A_90 : vector<512x1xf32> to vector<512x1xf32>
    %broadcast_in_dim3A_93 = vector.broadcast %broadcast_in_dim3A_92 : vector<512x1xf32> to vector<512x128xf32>
    %broadcast_in_dim3A_94 = vector.broadcast %jit3A_91 : f32 to vector<512x128xf32>
    %select_n3A_95 = arith.select %eq3A_89, %broadcast_in_dim3A_93, %broadcast_in_dim3A_94 : vector<512x128xi1>, vector<512x128xf32>
    %eq3A_96 = arith.constant 1 : i32
    %eq3A_97 = vector.broadcast %eq3A_96 : i32 to vector<512x128xi32>
    %eq3A_98 = arith.cmpi eq, %iota3A, %eq3A_97 : vector<512x128xi32>
    %convert_element_type3A_99 = arith.sitofp %broadcast_in_dim3A_35 : vector<512x1xi32> to vector<512x1xf32>
    %jit3A_100 = arith.constant 0.000000e+00 : f32
    %broadcast_in_dim3A_101 = vector.shape_cast %convert_element_type3A_99 : vector<512x1xf32> to vector<512x1xf32>
    %broadcast_in_dim3A_102 = vector.broadcast %broadcast_in_dim3A_101 : vector<512x1xf32> to vector<512x128xf32>
    %broadcast_in_dim3A_103 = vector.broadcast %jit3A_100 : f32 to vector<512x128xf32>
    %select_n3A_104 = arith.select %eq3A_98, %broadcast_in_dim3A_102, %broadcast_in_dim3A_103 : vector<512x128xi1>, vector<512x128xf32>
    %add3A_105 = arith.addf %select_n3A_95, %select_n3A_104 : vector<512x128xf32>
    %eq3A_106 = arith.constant 2 : i32
    %eq3A_107 = vector.broadcast %eq3A_106 : i32 to vector<512x128xi32>
    %eq3A_108 = arith.cmpi eq, %iota3A, %eq3A_107 : vector<512x128xi32>
    %jit3A_109 = arith.constant 0.000000e+00 : f32
    %broadcast_in_dim3A_110 = vector.shape_cast %div3A_41 : vector<512x1xf32> to vector<512x1xf32>
    %broadcast_in_dim3A_111 = vector.broadcast %broadcast_in_dim3A_110 : vector<512x1xf32> to vector<512x128xf32>
    %broadcast_in_dim3A_112 = vector.broadcast %jit3A_109 : f32 to vector<512x128xf32>
    %select_n3A_113 = arith.select %eq3A_108, %broadcast_in_dim3A_111, %broadcast_in_dim3A_112 : vector<512x128xi1>, vector<512x128xf32>
    %add3A_114 = arith.addf %add3A_105, %select_n3A_113 : vector<512x128xf32>
    %eq3A_115 = arith.constant 3 : i32
    %eq3A_116 = vector.broadcast %eq3A_115 : i32 to vector<512x128xi32>
    %eq3A_117 = arith.cmpi eq, %iota3A, %eq3A_116 : vector<512x128xi32>
    %jit3A_118 = arith.constant 0.000000e+00 : f32
    %broadcast_in_dim3A_119 = vector.shape_cast %div3A_45 : vector<512x1xf32> to vector<512x1xf32>
    %broadcast_in_dim3A_120 = vector.broadcast %broadcast_in_dim3A_119 : vector<512x1xf32> to vector<512x128xf32>
    %broadcast_in_dim3A_121 = vector.broadcast %jit3A_118 : f32 to vector<512x128xf32>
    %select_n3A_122 = arith.select %eq3A_117, %broadcast_in_dim3A_120, %broadcast_in_dim3A_121 : vector<512x128xi1>, vector<512x128xf32>
    %add3A_123 = arith.addf %add3A_114, %select_n3A_122 : vector<512x128xf32>
    %eq3A_124 = arith.constant 4 : i32
    %eq3A_125 = vector.broadcast %eq3A_124 : i32 to vector<512x128xi32>
    %eq3A_126 = arith.cmpi eq, %iota3A, %eq3A_125 : vector<512x128xi32>
    %jit3A_127 = arith.constant 0.000000e+00 : f32
    %broadcast_in_dim3A_128 = vector.shape_cast %broadcast_in_dim3A_66 : vector<512x1xf32> to vector<512x1xf32>
    %broadcast_in_dim3A_129 = vector.broadcast %broadcast_in_dim3A_128 : vector<512x1xf32> to vector<512x128xf32>
    %broadcast_in_dim3A_130 = vector.broadcast %jit3A_127 : f32 to vector<512x128xf32>
    %select_n3A_131 = arith.select %eq3A_126, %broadcast_in_dim3A_129, %broadcast_in_dim3A_130 : vector<512x128xi1>, vector<512x128xf32>
    %add3A_132 = arith.addf %add3A_123, %select_n3A_131 : vector<512x128xf32>
    %eq3A_133 = arith.constant 5 : i32
    %eq3A_134 = vector.broadcast %eq3A_133 : i32 to vector<512x128xi32>
    %eq3A_135 = arith.cmpi eq, %iota3A, %eq3A_134 : vector<512x128xi32>
    %jit3A_136 = arith.constant 0.000000e+00 : f32
    %broadcast_in_dim3A_137 = vector.shape_cast %broadcast_in_dim3A_72 : vector<512x1xf32> to vector<512x1xf32>
    %broadcast_in_dim3A_138 = vector.broadcast %broadcast_in_dim3A_137 : vector<512x1xf32> to vector<512x128xf32>
    %broadcast_in_dim3A_139 = vector.broadcast %jit3A_136 : f32 to vector<512x128xf32>
    %select_n3A_140 = arith.select %eq3A_135, %broadcast_in_dim3A_138, %broadcast_in_dim3A_139 : vector<512x128xi1>, vector<512x128xf32>
    %add3A_141 = arith.addf %add3A_132, %select_n3A_140 : vector<512x128xf32>
    %ge3A = arith.constant 64 : i32
    %ge3A_142 = vector.broadcast %ge3A : i32 to vector<512x128xi32>
    %ge3A_143 = arith.cmpi sge, %iota3A, %ge3A_142 : vector<512x128xi32>
    %lt3A_144 = arith.constant 80 : i32
    %lt3A_145 = vector.broadcast %lt3A_144 : i32 to vector<512x128xi32>
    %lt3A_146 = arith.cmpi slt, %iota3A, %lt3A_145 : vector<512x128xi32>
    %and3A_147 = arith.andi %ge3A_143, %lt3A_146 : vector<512x128xi1>
    %jit3A_148 = arith.constant 0.000000e+00 : f32
    %broadcast_in_dim3A_149 = vector.shape_cast %div3A_41 : vector<512x1xf32> to vector<512x1xf32>
    %broadcast_in_dim3A_150 = vector.broadcast %broadcast_in_dim3A_149 : vector<512x1xf32> to vector<512x128xf32>
    %broadcast_in_dim3A_151 = vector.broadcast %jit3A_148 : f32 to vector<512x128xf32>
    %select_n3A_152 = arith.select %and3A_147, %broadcast_in_dim3A_150, %broadcast_in_dim3A_151 : vector<512x128xi1>, vector<512x128xf32>
    %add3A_153 = arith.addf %add3A_141, %select_n3A_152 : vector<512x128xf32>
    %ge3A_154 = arith.constant 80 : i32
    %ge3A_155 = vector.broadcast %ge3A_154 : i32 to vector<512x128xi32>
    %ge3A_156 = arith.cmpi sge, %iota3A, %ge3A_155 : vector<512x128xi32>
    %lt3A_157 = arith.constant 96 : i32
    %lt3A_158 = vector.broadcast %lt3A_157 : i32 to vector<512x128xi32>
    %lt3A_159 = arith.cmpi slt, %iota3A, %lt3A_158 : vector<512x128xi32>
    %and3A_160 = arith.andi %ge3A_156, %lt3A_159 : vector<512x128xi1>
    %jit3A_161 = arith.constant 0.000000e+00 : f32
    %broadcast_in_dim3A_162 = vector.shape_cast %div3A_45 : vector<512x1xf32> to vector<512x1xf32>
    %broadcast_in_dim3A_163 = vector.broadcast %broadcast_in_dim3A_162 : vector<512x1xf32> to vector<512x128xf32>
    %broadcast_in_dim3A_164 = vector.broadcast %jit3A_161 : f32 to vector<512x128xf32>
    %select_n3A_165 = arith.select %and3A_160, %broadcast_in_dim3A_163, %broadcast_in_dim3A_164 : vector<512x128xi1>, vector<512x128xf32>
    %add3A_166 = arith.addf %add3A_153, %select_n3A_165 : vector<512x128xf32>
    %swap3A_167 = arith.constant 0 : index
    %swap3A_168 = arith.constant 0 : index
    %swap3A_169 = vector.load %arg3[%swap3A_167, %swap3A_168] : memref<512x128xf32, #tpu.memory_space<vmem>>, vector<512x128xf32>
    tpu.vector_store %arg3[%swap3A_167, %swap3A_168], %add3A_166 {strides = array<i32>} : memref<512x128xf32, #tpu.memory_space<vmem>>, vector<512x128xf32>,
    return
  }
  func.func @transform_0(%arg0: i32) -> (i32, i32) {
    %c0_i32 = arith.constant 0 : i32
    %c0_i32_0 = arith.constant 0 : i32
    return %arg0, %c0_i32 : i32, i32
  }
  func.func @transform_1(%arg0: i32) -> (i32, i32) {
    %c0_i32 = arith.constant 0 : i32
    %c0_i32_0 = arith.constant 0 : i32
    %c0_i32_1 = arith.constant 0 : i32
    return %c0_i32, %c0_i32_0 : i32, i32
  }
  func.func @transform_2(%arg0: i32) -> (i32, i32) {
    %c0_i32 = arith.constant 0 : i32
    %c0_i32_0 = arith.constant 0 : i32
    return %arg0, %c0_i32 : i32, i32
  }
  func.func @transform_3(%arg0: i32) -> (i32, i32, i32) {
    %c0_i32 = arith.constant 0 : i32
    %c0_i32_0 = arith.constant 0 : i32
    %c0_i32_1 = arith.constant 0 : i32
    return %arg0, %c0_i32, %c0_i32_0 : i32, i32, i32
  }
}

module attributes {stable_mosaic.version = 14 : i64} {
  func.func @_gmm_body(%arg0: i32, %arg1: memref<39xi32, #tpu.memory_space<smem>>, %arg2: memref<39xi32, #tpu.memory_space<smem>>, %arg3: memref<39xi32, #tpu.memory_space<smem>>, %arg4: memref<39xi32, #tpu.memory_space<smem>>, %arg5: memref<39xi32, #tpu.memory_space<smem>>, %arg6: memref<512x2048xf32, #tpu.memory_space<vmem>>, %arg7: memref<1x2048x2048xf32, #tpu.memory_space<vmem>>, %arg8: memref<1x1x2048xf32, #tpu.memory_space<vmem>>, %arg9: memref<512x2048xf32, #tpu.memory_space<vmem>>) attributes {dimension_semantics = [#tpu.dimension_semantics<arbitrary>], iteration_bounds = array<i64: 39>, scalar_prefetch = 5 : i64, scratch_operands = 0 : i64, tpu.core_type = #tpu.core_type<tc>, window_params = [{transform_indices = @transform_0, window_bounds = array<i64: 512, 2048>}, {transform_indices = @transform_1, window_bounds = array<i64: 1, 2048, 2048>}, {transform_indices = @transform_2, window_bounds = array<i64: 1, 1, 2048>}, {transform_indices = @transform_3, window_bounds = array<i64: 512, 2048>}]} {
    %get3A = arith.index_cast %arg0 : i32 to index
    %get3A_0 = memref.load %arg1[%get3A] : memref<39xi32, #tpu.memory_space<smem>>
    %get3A_1 = arith.index_cast %arg0 : i32 to index
    %get3A_2 = memref.load %arg3[%get3A_1] : memref<39xi32, #tpu.memory_space<smem>>
    %get3A_3 = arith.index_cast %arg0 : i32 to index
    %get3A_4 = memref.load %arg4[%get3A_3] : memref<39xi32, #tpu.memory_space<smem>>
    %get3A_5 = arith.index_cast %arg0 : i32 to index
    %get3A_6 = memref.load %arg5[%get3A_5] : memref<39xi32, #tpu.memory_space<smem>>
    %gt3A = arith.cmpi sgt, %get3A_4, %get3A_2 : i32
    %convert_element_type3A = arith.extui %gt3A : i1 to i32
    %cond3A = arith.constant 0 : i32
    %cond3A_7 = arith.cmpi ne, %convert_element_type3A, %cond3A : i32
    scf.if %cond3A_7 {
      %iota3A = tpu.iota {dimensions = array<i32: 0>} : vector<512x1xi32>
      %mul3A = arith.constant 512 : i32
      %mul3A_8 = arith.muli %get3A_0, %mul3A : i32
      %add3A = vector.broadcast %mul3A_8 : i32 to vector<512x1xi32>
      %add3A_9 = arith.addi %iota3A, %add3A : vector<512x1xi32>
      %ge3A = vector.broadcast %get3A_2 : i32 to vector<512x1xi32>
      %ge3A_10 = arith.cmpi sge, %add3A_9, %ge3A : vector<512x1xi32>
      %lt3A = vector.broadcast %get3A_4 : i32 to vector<512x1xi32>
      %lt3A_11 = arith.cmpi slt, %add3A_9, %lt3A : vector<512x1xi32>
      %and3A = arith.andi %ge3A_10, %lt3A_11 : vector<512x1xi1>
      %get3A_12 = arith.constant 0 : index
      %get3A_13 = arith.constant 0 : index
      %get3A_14 = vector.load %arg6[%get3A_12, %get3A_13] : memref<512x2048xf32, #tpu.memory_space<vmem>>, vector<512x2048xf32>
      %get3A_15 = arith.constant 0 : index
      %get3A_16 = arith.constant 0 : index
      %get3A_17 = arith.constant 0 : index
      %get3A_18 = vector.load %arg7[%get3A_15, %get3A_16, %get3A_17] : memref<1x2048x2048xf32, #tpu.memory_space<vmem>>, vector<1x2048x2048xf32>
      %get3A_19 = vector.shape_cast %get3A_18 : vector<1x2048x2048xf32> to vector<2048x2048xf32>
      %dot_general3A = arith.constant dense<0.000000e+00> : vector<512x2048xf32>
      %dot_general3A_20 = tpu.matmul %get3A_14, %get3A_19, %dot_general3A {dimension_numbers = #tpu.dot_dimension_numbers<[1], [0], [0], [1], [0, 0, 1, 1], [], []>, transpose_lhs_hint = false} : vector<512x2048xf32>, vector<2048x2048xf32>, vector<512x2048xf32> -> vector<512x2048xf32>
      %get3A_21 = arith.constant 0 : index
      %get3A_22 = arith.constant 0 : index
      %get3A_23 = arith.constant 0 : index
      %get3A_24 = vector.load %arg8[%get3A_21, %get3A_22, %get3A_23] : memref<1x1x2048xf32, #tpu.memory_space<vmem>>, vector<1x1x2048xf32>
      %get3A_25 = vector.shape_cast %get3A_24 : vector<1x1x2048xf32> to vector<1x2048xf32>
      %add3A_26 = vector.broadcast %get3A_25 : vector<1x2048xf32> to vector<512x2048xf32>
      %add3A_27 = arith.addf %dot_general3A_20, %add3A_26 : vector<512x2048xf32>
      %jit3A = arith.constant 0.000000e+00 : f32
      %broadcast_in_dim3A = vector.shape_cast %and3A : vector<512x1xi1> to vector<512x1xi1>
      %broadcast_in_dim3A_28 = vector.broadcast %broadcast_in_dim3A : vector<512x1xi1> to vector<512x2048xi1>
      %broadcast_in_dim3A_29 = vector.broadcast %jit3A : f32 to vector<512x2048xf32>
      %select_n3A = arith.select %broadcast_in_dim3A_28, %add3A_27, %broadcast_in_dim3A_29 : vector<512x2048xi1>, vector<512x2048xf32>
      %get3A_30 = arith.constant 0 : index
      %get3A_31 = arith.constant 0 : index
      %get3A_32 = vector.load %arg9[%get3A_30, %get3A_31] : memref<512x2048xf32, #tpu.memory_space<vmem>>, vector<512x2048xf32>
      %eq3A = arith.constant 1 : i32
      %eq3A_33 = arith.cmpi eq, %get3A_6, %eq3A : i32
      %add3A_34 = arith.addf %get3A_32, %select_n3A : vector<512x2048xf32>
      %select_n3A_35 = arith.select %eq3A_33, %select_n3A, %add3A_34 : vector<512x2048xf32>
      %swap3A = arith.constant 0 : index
      %swap3A_36 = arith.constant 0 : index
      %swap3A_37 = vector.load %arg9[%swap3A, %swap3A_36] : memref<512x2048xf32, #tpu.memory_space<vmem>>, vector<512x2048xf32>
      tpu.vector_store %arg9[%swap3A, %swap3A_36], %select_n3A_35 {strides = array<i32>} : memref<512x2048xf32, #tpu.memory_space<vmem>>, vector<512x2048xf32>,
    } else {
    }
    return
  }
  func.func @transform_0(%arg0: i32, %arg1: memref<39xi32, #tpu.memory_space<smem>>, %arg2: memref<39xi32, #tpu.memory_space<smem>>, %arg3: memref<39xi32, #tpu.memory_space<smem>>, %arg4: memref<39xi32, #tpu.memory_space<smem>>, %arg5: memref<39xi32, #tpu.memory_space<smem>>) -> (i32, i32) {
    %get3A = arith.index_cast %arg0 : i32 to index
    %get3A_0 = memref.load %arg1[%get3A] : memref<39xi32, #tpu.memory_space<smem>>
    %c0_i32 = arith.constant 0 : i32
    %c0_i32_1 = arith.constant 0 : i32
    return %get3A_0, %c0_i32 : i32, i32
  }
  func.func @transform_1(%arg0: i32, %arg1: memref<39xi32, #tpu.memory_space<smem>>, %arg2: memref<39xi32, #tpu.memory_space<smem>>, %arg3: memref<39xi32, #tpu.memory_space<smem>>, %arg4: memref<39xi32, #tpu.memory_space<smem>>, %arg5: memref<39xi32, #tpu.memory_space<smem>>) -> (i32, i32, i32) {
    %get3A = arith.index_cast %arg0 : i32 to index
    %get3A_0 = memref.load %arg2[%get3A] : memref<39xi32, #tpu.memory_space<smem>>
    %c0_i32 = arith.constant 0 : i32
    %c0_i32_1 = arith.constant 0 : i32
    %c0_i32_2 = arith.constant 0 : i32
    return %get3A_0, %c0_i32, %c0_i32_1 : i32, i32, i32
  }
  func.func @transform_2(%arg0: i32, %arg1: memref<39xi32, #tpu.memory_space<smem>>, %arg2: memref<39xi32, #tpu.memory_space<smem>>, %arg3: memref<39xi32, #tpu.memory_space<smem>>, %arg4: memref<39xi32, #tpu.memory_space<smem>>, %arg5: memref<39xi32, #tpu.memory_space<smem>>) -> (i32, i32, i32) {
    %get3A = arith.index_cast %arg0 : i32 to index
    %get3A_0 = memref.load %arg2[%get3A] : memref<39xi32, #tpu.memory_space<smem>>
    %c0_i32 = arith.constant 0 : i32
    %c0_i32_1 = arith.constant 0 : i32
    %c0_i32_2 = arith.constant 0 : i32
    return %get3A_0, %c0_i32, %c0_i32_1 : i32, i32, i32
  }
  func.func @transform_3(%arg0: i32, %arg1: memref<39xi32, #tpu.memory_space<smem>>, %arg2: memref<39xi32, #tpu.memory_space<smem>>, %arg3: memref<39xi32, #tpu.memory_space<smem>>, %arg4: memref<39xi32, #tpu.memory_space<smem>>, %arg5: memref<39xi32, #tpu.memory_space<smem>>) -> (i32, i32) {
    %get3A = arith.index_cast %arg0 : i32 to index
    %get3A_0 = memref.load %arg1[%get3A] : memref<39xi32, #tpu.memory_space<smem>>
    %c0_i32 = arith.constant 0 : i32
    %c0_i32_1 = arith.constant 0 : i32
    return %get3A_0, %c0_i32 : i32, i32
  }
}

module attributes {stable_mosaic.version = 14 : i64} {
  func.func @_lambda_(%arg0: i32, %arg1: memref<512x128xf32, #tpu.memory_space<vmem>>, %arg2: memref<512x2048xf32, #tpu.memory_space<vmem>>, %arg3: memref<512x2048xf32, #tpu.memory_space<vmem>>, %arg4: memref<512x2048xf32, #tpu.memory_space<vmem>>) attributes {dimension_semantics = [#tpu.dimension_semantics<arbitrary>], iteration_bounds = array<i64: 4>, scalar_prefetch = 0 : i64, scratch_operands = 0 : i64, tpu.core_type = #tpu.core_type<tc>, window_params = [{transform_indices = @transform_0, window_bounds = array<i64: 512, 128>}, {transform_indices = @transform_1, window_bounds = array<i64: 512, 2048>}, {transform_indices = @transform_2, window_bounds = array<i64: 512, 2048>}, {transform_indices = @transform_3, window_bounds = array<i64: 512, 2048>}]} {
    %get3A = arith.constant 0 : index
    %get3A_0 = arith.constant 2 : index
    %get3A_1 = vector.load %arg1[%get3A, %get3A_0] : memref<512x128xf32, #tpu.memory_space<vmem>>, vector<512x1xf32>
    %get3A_2 = arith.constant 0 : index
    %get3A_3 = arith.constant 3 : index
    %get3A_4 = vector.load %arg1[%get3A_2, %get3A_3] : memref<512x128xf32, #tpu.memory_space<vmem>>, vector<512x1xf32>
    %get3A_5 = arith.constant 0 : index
    %get3A_6 = arith.constant 0 : index
    %get3A_7 = vector.load %arg2[%get3A_5, %get3A_6] : memref<512x2048xf32, #tpu.memory_space<vmem>>, vector<512x2048xf32>
    %mul3A = vector.broadcast %get3A_1 : vector<512x1xf32> to vector<512x2048xf32>
    %mul3A_8 = arith.mulf %mul3A, %get3A_7 : vector<512x2048xf32>
    %get3A_9 = arith.constant 0 : index
    %get3A_10 = arith.constant 0 : index
    %get3A_11 = vector.load %arg3[%get3A_9, %get3A_10] : memref<512x2048xf32, #tpu.memory_space<vmem>>, vector<512x2048xf32>
    %mul3A_12 = vector.broadcast %get3A_4 : vector<512x1xf32> to vector<512x2048xf32>
    %mul3A_13 = arith.mulf %mul3A_12, %get3A_11 : vector<512x2048xf32>
    %add3A = arith.addf %mul3A_8, %mul3A_13 : vector<512x2048xf32>
    %swap3A = arith.constant 0 : index
    %swap3A_14 = arith.constant 0 : index
    %swap3A_15 = vector.load %arg4[%swap3A, %swap3A_14] : memref<512x2048xf32, #tpu.memory_space<vmem>>, vector<512x2048xf32>
    tpu.vector_store %arg4[%swap3A, %swap3A_14], %add3A {strides = array<i32>} : memref<512x2048xf32, #tpu.memory_space<vmem>>, vector<512x2048xf32>,
    return
  }
  func.func @transform_0(%arg0: i32) -> (i32, i32) {
    %c0_i32 = arith.constant 0 : i32
    %c0_i32_0 = arith.constant 0 : i32
    return %arg0, %c0_i32 : i32, i32
  }
  func.func @transform_1(%arg0: i32) -> (i32, i32) {
    %c0_i32 = arith.constant 0 : i32
    %c0_i32_0 = arith.constant 0 : i32
    return %arg0, %c0_i32 : i32, i32
  }
  func.func @transform_2(%arg0: i32) -> (i32, i32) {
    %c0_i32 = arith.constant 0 : i32
    %c0_i32_0 = arith.constant 0 : i32
    return %arg0, %c0_i32 : i32, i32
  }
  func.func @transform_3(%arg0: i32) -> (i32, i32) {
    %c0_i32 = arith.constant 0 : i32
    %c0_i32_0 = arith.constant 0 : i32
    return %arg0, %c0_i32 : i32, i32
  }
}

module attributes {stable_mosaic.version = 14 : i64} {
  func.func @_wadd_body(%arg0: i32, %arg1: memref<8192x2048xf32, #tpu.memory_space<any>>, %arg2: memref<512x128xf32, #tpu.memory_space<vmem>>, %arg3: memref<512x2048xf32, #tpu.memory_space<vmem>>, %arg4: memref<512x2048xf32, #tpu.memory_space<vmem>>, %arg5: memref<512x2048xf32, #tpu.memory_space<vmem>>) attributes {dimension_semantics = [#tpu.dimension_semantics<arbitrary>], iteration_bounds = array<i64: 4>, scalar_prefetch = 0 : i64, scratch_operands = 0 : i64, tpu.core_type = #tpu.core_type<tc>, window_params = [{}, {transform_indices = @transform_1, window_bounds = array<i64: 512, 128>}, {transform_indices = @transform_2, window_bounds = array<i64: 512, 2048>}, {transform_indices = @transform_3, window_bounds = array<i64: 512, 2048>}, {transform_indices = @transform_4, window_bounds = array<i64: 512, 2048>}]} {
    %get3A = arith.constant 0 : index
    %get3A_0 = arith.constant 2 : index
    %get3A_1 = vector.load %arg2[%get3A, %get3A_0] : memref<512x128xf32, #tpu.memory_space<vmem>>, vector<512x1xf32>
    %get3A_2 = arith.constant 0 : index
    %get3A_3 = arith.constant 3 : index
    %get3A_4 = vector.load %arg2[%get3A_2, %get3A_3] : memref<512x128xf32, #tpu.memory_space<vmem>>, vector<512x1xf32>
    %get3A_5 = arith.constant 0 : index
    %get3A_6 = arith.constant 0 : index
    %get3A_7 = vector.load %arg3[%get3A_5, %get3A_6] : memref<512x2048xf32, #tpu.memory_space<vmem>>, vector<512x2048xf32>
    %mul3A = vector.broadcast %get3A_1 : vector<512x1xf32> to vector<512x2048xf32>
    %mul3A_8 = arith.mulf %mul3A, %get3A_7 : vector<512x2048xf32>
    %get3A_9 = arith.constant 0 : index
    %get3A_10 = arith.constant 0 : index
    %get3A_11 = vector.load %arg4[%get3A_9, %get3A_10] : memref<512x2048xf32, #tpu.memory_space<vmem>>, vector<512x2048xf32>
    %mul3A_12 = vector.broadcast %get3A_4 : vector<512x1xf32> to vector<512x2048xf32>
    %mul3A_13 = arith.mulf %mul3A_12, %get3A_11 : vector<512x2048xf32>
    %add3A = arith.addf %mul3A_8, %mul3A_13 : vector<512x2048xf32>
    %swap3A = arith.constant 0 : index
    %swap3A_14 = arith.constant 0 : index
    %swap3A_15 = vector.load %arg5[%swap3A, %swap3A_14] : memref<512x2048xf32, #tpu.memory_space<vmem>>, vector<512x2048xf32>
    tpu.vector_store %arg5[%swap3A, %swap3A_14], %add3A {strides = array<i32>} : memref<512x2048xf32, #tpu.memory_space<vmem>>, vector<512x2048xf32>,
    return
  }
  func.func @transform_1(%arg0: i32) -> (i32, i32) {
    %add3A = arith.constant 4 : i32
    %add3A_0 = arith.addi %arg0, %add3A : i32
    %c0_i32 = arith.constant 0 : i32
    %c0_i32_1 = arith.constant 0 : i32
    return %add3A_0, %c0_i32 : i32, i32
  }
  func.func @transform_2(%arg0: i32) -> (i32, i32) {
    %c0_i32 = arith.constant 0 : i32
    %c0_i32_0 = arith.constant 0 : i32
    return %arg0, %c0_i32 : i32, i32
  }
  func.func @transform_3(%arg0: i32) -> (i32, i32) {
    %c0_i32 = arith.constant 0 : i32
    %c0_i32_0 = arith.constant 0 : i32
    return %arg0, %c0_i32 : i32, i32
  }
  func.func @transform_4(%arg0: i32) -> (i32, i32) {
    %add3A = arith.constant 4 : i32
    %add3A_0 = arith.addi %arg0, %add3A : i32
    %c0_i32 = arith.constant 0 : i32
    %c0_i32_1 = arith.constant 0 : i32
    return %add3A_0, %c0_i32 : i32, i32
  }
}

module attributes {stable_mosaic.version = 14 : i64} {
  func.func @_wadd_body(%arg0: i32, %arg1: memref<8192x2048xf32, #tpu.memory_space<any>>, %arg2: memref<512x128xf32, #tpu.memory_space<vmem>>, %arg3: memref<512x2048xf32, #tpu.memory_space<vmem>>, %arg4: memref<512x2048xf32, #tpu.memory_space<vmem>>, %arg5: memref<512x2048xf32, #tpu.memory_space<vmem>>) attributes {dimension_semantics = [#tpu.dimension_semantics<arbitrary>], iteration_bounds = array<i64: 4>, scalar_prefetch = 0 : i64, scratch_operands = 0 : i64, tpu.core_type = #tpu.core_type<tc>, window_params = [{}, {transform_indices = @transform_1, window_bounds = array<i64: 512, 128>}, {transform_indices = @transform_2, window_bounds = array<i64: 512, 2048>}, {transform_indices = @transform_3, window_bounds = array<i64: 512, 2048>}, {transform_indices = @transform_4, window_bounds = array<i64: 512, 2048>}]} {
    %get3A = arith.constant 0 : index
    %get3A_0 = arith.constant 2 : index
    %get3A_1 = vector.load %arg2[%get3A, %get3A_0] : memref<512x128xf32, #tpu.memory_space<vmem>>, vector<512x1xf32>
    %get3A_2 = arith.constant 0 : index
    %get3A_3 = arith.constant 3 : index
    %get3A_4 = vector.load %arg2[%get3A_2, %get3A_3] : memref<512x128xf32, #tpu.memory_space<vmem>>, vector<512x1xf32>
    %get3A_5 = arith.constant 0 : index
    %get3A_6 = arith.constant 0 : index
    %get3A_7 = vector.load %arg3[%get3A_5, %get3A_6] : memref<512x2048xf32, #tpu.memory_space<vmem>>, vector<512x2048xf32>
    %mul3A = vector.broadcast %get3A_1 : vector<512x1xf32> to vector<512x2048xf32>
    %mul3A_8 = arith.mulf %mul3A, %get3A_7 : vector<512x2048xf32>
    %get3A_9 = arith.constant 0 : index
    %get3A_10 = arith.constant 0 : index
    %get3A_11 = vector.load %arg4[%get3A_9, %get3A_10] : memref<512x2048xf32, #tpu.memory_space<vmem>>, vector<512x2048xf32>
    %mul3A_12 = vector.broadcast %get3A_4 : vector<512x1xf32> to vector<512x2048xf32>
    %mul3A_13 = arith.mulf %mul3A_12, %get3A_11 : vector<512x2048xf32>
    %add3A = arith.addf %mul3A_8, %mul3A_13 : vector<512x2048xf32>
    %swap3A = arith.constant 0 : index
    %swap3A_14 = arith.constant 0 : index
    %swap3A_15 = vector.load %arg5[%swap3A, %swap3A_14] : memref<512x2048xf32, #tpu.memory_space<vmem>>, vector<512x2048xf32>
    tpu.vector_store %arg5[%swap3A, %swap3A_14], %add3A {strides = array<i32>} : memref<512x2048xf32, #tpu.memory_space<vmem>>, vector<512x2048xf32>,
    return
  }
  func.func @transform_1(%arg0: i32) -> (i32, i32) {
    %add3A = arith.constant 8 : i32
    %add3A_0 = arith.addi %arg0, %add3A : i32
    %c0_i32 = arith.constant 0 : i32
    %c0_i32_1 = arith.constant 0 : i32
    return %add3A_0, %c0_i32 : i32, i32
  }
  func.func @transform_2(%arg0: i32) -> (i32, i32) {
    %c0_i32 = arith.constant 0 : i32
    %c0_i32_0 = arith.constant 0 : i32
    return %arg0, %c0_i32 : i32, i32
  }
  func.func @transform_3(%arg0: i32) -> (i32, i32) {
    %c0_i32 = arith.constant 0 : i32
    %c0_i32_0 = arith.constant 0 : i32
    return %arg0, %c0_i32 : i32, i32
  }
  func.func @transform_4(%arg0: i32) -> (i32, i32) {
    %add3A = arith.constant 8 : i32
    %add3A_0 = arith.addi %arg0, %add3A : i32
    %c0_i32 = arith.constant 0 : i32
    %c0_i32_1 = arith.constant 0 : i32
    return %add3A_0, %c0_i32 : i32, i32
  }
}

module attributes {stable_mosaic.version = 14 : i64} {
  func.func @_wadd_body(%arg0: i32, %arg1: memref<8192x2048xf32, #tpu.memory_space<any>>, %arg2: memref<512x128xf32, #tpu.memory_space<vmem>>, %arg3: memref<512x2048xf32, #tpu.memory_space<vmem>>, %arg4: memref<512x2048xf32, #tpu.memory_space<vmem>>, %arg5: memref<512x2048xf32, #tpu.memory_space<vmem>>) attributes {dimension_semantics = [#tpu.dimension_semantics<arbitrary>], iteration_bounds = array<i64: 4>, scalar_prefetch = 0 : i64, scratch_operands = 0 : i64, tpu.core_type = #tpu.core_type<tc>, window_params = [{}, {transform_indices = @transform_1, window_bounds = array<i64: 512, 128>}, {transform_indices = @transform_2, window_bounds = array<i64: 512, 2048>}, {transform_indices = @transform_3, window_bounds = array<i64: 512, 2048>}, {transform_indices = @transform_4, window_bounds = array<i64: 512, 2048>}]} {
    %get3A = arith.constant 0 : index
    %get3A_0 = arith.constant 2 : index
    %get3A_1 = vector.load %arg2[%get3A, %get3A_0] : memref<512x128xf32, #tpu.memory_space<vmem>>, vector<512x1xf32>
    %get3A_2 = arith.constant 0 : index
    %get3A_3 = arith.constant 3 : index
    %get3A_4 = vector.load %arg2[%get3A_2, %get3A_3] : memref<512x128xf32, #tpu.memory_space<vmem>>, vector<512x1xf32>
    %get3A_5 = arith.constant 0 : index
    %get3A_6 = arith.constant 0 : index
    %get3A_7 = vector.load %arg3[%get3A_5, %get3A_6] : memref<512x2048xf32, #tpu.memory_space<vmem>>, vector<512x2048xf32>
    %mul3A = vector.broadcast %get3A_1 : vector<512x1xf32> to vector<512x2048xf32>
    %mul3A_8 = arith.mulf %mul3A, %get3A_7 : vector<512x2048xf32>
    %get3A_9 = arith.constant 0 : index
    %get3A_10 = arith.constant 0 : index
    %get3A_11 = vector.load %arg4[%get3A_9, %get3A_10] : memref<512x2048xf32, #tpu.memory_space<vmem>>, vector<512x2048xf32>
    %mul3A_12 = vector.broadcast %get3A_4 : vector<512x1xf32> to vector<512x2048xf32>
    %mul3A_13 = arith.mulf %mul3A_12, %get3A_11 : vector<512x2048xf32>
    %add3A = arith.addf %mul3A_8, %mul3A_13 : vector<512x2048xf32>
    %swap3A = arith.constant 0 : index
    %swap3A_14 = arith.constant 0 : index
    %swap3A_15 = vector.load %arg5[%swap3A, %swap3A_14] : memref<512x2048xf32, #tpu.memory_space<vmem>>, vector<512x2048xf32>
    tpu.vector_store %arg5[%swap3A, %swap3A_14], %add3A {strides = array<i32>} : memref<512x2048xf32, #tpu.memory_space<vmem>>, vector<512x2048xf32>,
    return
  }
  func.func @transform_1(%arg0: i32) -> (i32, i32) {
    %add3A = arith.constant 12 : i32
    %add3A_0 = arith.addi %arg0, %add3A : i32
    %c0_i32 = arith.constant 0 : i32
    %c0_i32_1 = arith.constant 0 : i32
    return %add3A_0, %c0_i32 : i32, i32
  }
  func.func @transform_2(%arg0: i32) -> (i32, i32) {
    %c0_i32 = arith.constant 0 : i32
    %c0_i32_0 = arith.constant 0 : i32
    return %arg0, %c0_i32 : i32, i32
  }
  func.func @transform_3(%arg0: i32) -> (i32, i32) {
    %c0_i32 = arith.constant 0 : i32
    %c0_i32_0 = arith.constant 0 : i32
    return %arg0, %c0_i32 : i32, i32
  }
  func.func @transform_4(%arg0: i32) -> (i32, i32) {
    %add3A = arith.constant 12 : i32
    %add3A_0 = arith.addi %arg0, %add3A : i32
    %c0_i32 = arith.constant 0 : i32
    %c0_i32_1 = arith.constant 0 : i32
    return %add3A_0, %c0_i32 : i32, i32
  }
}

</mosaic_0001>

<sc_bundles>
// kernel: kernel.13.cloned.1.call-start
scs
__scs_entry_jumppad:
0x0: {  	(pc) =	sbr.rel $0x88, $3  }
0x1: {  	(tag) =	ssettag $0x0;
	lr =	simm.s32 $0x1  }
0x2: {  	[smem:$0x3F9D] =	sst lr;
	_ =	strace $0xD0000000  }
0x3: {  	_ = 	snop  }
0x4: {  	_ = 	snop  }
0x5: {  	_ = 	snop  }
0x6: {  	_ = 	snop  }
0x7: {  	_ = 	snop  }
__scs_overlays_trampoline_lowered:
0x8: {  	[smem:$0x3FAC] =	sst s0  }
0x9: {  	[smem:$0x3FAD] =	sst s1  }
0xa: {  	[smem:$0x3FAE] =	sst s2  }
0xb: {  	[smem:$0x3FAF] =	sst s3  }
0xc: {  	[smem:$0x3FB0] =	sst s4  }
0xd: {  	[smem:$0x3FB1] =	sst s5  }
0xe: {  	[smem:$0x3FB2] =	sst s6  }
0xf: {  	[smem:$0x3FB3] =	sst s7  }
0x10: {  	[smem:$0x3FB4] =	sst s8  }
0x11: {  	[smem:$0x3FB5] =	sst s9;
	s0 =	simm.s32 @!p0 $0x0  }
0x12: {  	s1 =	sld [smem:$0x3F9B];
	s0 =	simm.s32 @p0 $0x1  }
0x13: {  	[smem:$0x3FB6] =	sst s0;
	s0 =	simm.s32 @!p1 $0x0  }
0x14: {  	s2 =	sld [smem:$0x3F9A];
	s0 =	simm.s32 @p1 $0x1  }
0x15: {  	[smem:$0x3FB7] =	sst s0;
	s0 =	simm.s32 @!p2 $0x0  }
0x16: {  	s3 =	sld [smem:$0x3FDB];
	s0 =	simm.s32 @p2 $0x1  }
0x17: {  	s4 =	simm.s32 $0x1BF5;
	[smem:$0x3FB9] =	sst s0  }
0x18: {  	s0 =	sld [smem:$0x3F9C];
	_ =	swait.ge [sflag:s4], $0x0  }
0x19: {  	s7 =	sld [smem:$0x3F9D]  }
0x1a: {  	s8 =	sadd.s32 $0xFFFFE003, lr  }
0x1b: {  	s9 =	sadd.s32 $0xFFFFFEF7, lr;
	s5 =	simm.s32 $0xFFFFFFFF;
	p2 =	slt.u32 s8, $0xFFFFF086  }
0x1c: {  	p1 =	slt.u32 s9, $0xF7A;
	s5 =	simm.s32 @!p2 $0x0  }
0x1d: {  	s5 =	simm.s32 @p1 $0x1;
	p0 =	seq.s32 s7, s2  }
0x1e: {  	s7 =	smul.u32 @!p0 $0xF7A, s2;
	p2 =	seq.s32 @!p0 s5, $0x0  }
0x1f: {  	s9 =	smul.u32 $0xF7A, s1;
	s8 =	simm.s32 @!p0 $0x1BF5;
	p2 =	por !p2, p0  }
0x20: {  	[sflag:s8] =	ssyncset.s32 @!p0 $0xFFFFF086;
	s6 =	sadd.s32 @!p0 s3, s7;
	s7 =	simm.s32 @!p0 $0x108  }
0x21: {  	s3 =	sadd.s32 s3, s9;
	s6 =	sadd.s32 @!p0 $0x88, s6;
	s7 =	simm.s32 @p2 $0x1082  }
0x22: {  	[simem:s7], [sflag:s8] =	dma.local @!p0 [hbm:s6], $0xF7A  }
0x23: {  	s9 =	sor.u32 $0xD0000000, s2;
	s6 =	simm.s32 $0x108;
	_ =	swait.ge @!p0 [sflag:s8], $0x0  }
0x24: {  	s3 =	sadd.s32 $0x88, s3;
	s6 =	simm.s32 @!p1 $0x1082;
	[sflag:s4] =	ssyncset.s32 $0xFFFFF086  }
0x25: {  	[simem:s6], [sflag:s4] =	dma.local [hbm:s3], $0xF7A  }
0x26: {  	[smem:$0x3F9D] =	sst s1;
	(tag) =	ssettag s2;
	_ =	strace s9  }
0x27: {  	s1 =	sld [smem:$0x3FAD]  }
0x28: {  	s2 =	sld [smem:$0x3FAE]  }
0x29: {  	s4 =	sld [smem:$0x3FB0]  }
0x2a: {  	p0 =	seq.s32 s5, $0x0;
	s5 =	sld [smem:$0x3FB1]  }
0x2b: {  	s6 =	sld [smem:$0x3FB2]  }
0x2c: {  	s7 =	sld [smem:$0x3FB3]  }
0x2d: {  	s3 =	simm.s32 $0x108;
	s8 =	sld [smem:$0x3FB4]  }
0x2e: {  	s3 =	simm.s32 @!p0 $0x1082;
	s9 =	sld [smem:$0x3FB5]  }
0x2f: {  	lr =	sadd.s32 s0, s3;
	s0 =	sld [smem:$0x3FAC]  }
0x30: {  	s3 =	sld [smem:$0x3FAF]  }
0x31: {  	[smem:$0x3FB8] =	sst s10  }
0x32: {  	s10 =	sld [smem:$0x3FB6];
	_ =	sdelay $0x3  }
0x33: {  	p0 =	seq.s32 s10, $0x1;
	s10 =	sld [smem:$0x3FB8];
	_ =	sdelay $0x3  }
0x34: {  	[smem:$0x3FB8] =	sst s10  }
0x35: {  	s10 =	sld [smem:$0x3FB7];
	_ =	sdelay $0x3  }
0x36: {  	p1 =	seq.s32 s10, $0x1;
	s10 =	sld [smem:$0x3FB8];
	_ =	sdelay $0x3  }
0x37: {  	[smem:$0x3FB8] =	sst s10  }
0x38: {  	s10 =	sld [smem:$0x3FB9]  }
0x39: {  	_ = 	snop;
	(pc) =	sbr.ind lr, $3  }
0x3a: {  	_ = 	snop  }
0x3b: {  	_ = 	snop  }
0x3c: {  	p2 =	seq.s32 s10, $0x1;
	s10 =	sld [smem:$0x3FB8]  }
0x3d: {  	_ =	shalt  }
0x3e: {  	_ =	shalt  }
0x3f: {  	_ =	shalt  }
0x40: {  	_ =	shalt  }
0x41: {  	_ =	shalt  }
0x42: {  	_ =	shalt  }
0x43: {  	_ =	shalt  }
0x44: {  	_ =	shalt  }
0x45: {  	_ =	shalt  }
0x46: {  	_ =	shalt  }
0x47: {  	_ =	shalt  }
0x48: {  	_ =	shalt  }
0x49: {  	_ =	shalt  }
0x4a: {  	_ =	shalt  }
0x4b: {  	_ =	shalt  }
0x4c: {  	_ =	shalt  }
0x4d: {  	_ =	shalt  }
0x4e: {  	_ =	shalt  }
0x4f: {  	_ =	shalt  }
0x50: {  	_ =	shalt  }
0x51: {  	_ =	shalt  }
0x52: {  	_ =	shalt  }
0x53: {  	_ =	shalt  }
0x54: {  	_ =	shalt  }
0x55: {  	_ =	shalt  }
0x56: {  	_ =	shalt  }
0x57: {  	_ =	shalt  }
0x58: {  	_ =	shalt  }
0x59: {  	_ =	shalt  }
0x5a: {  	_ =	shalt  }
0x5b: {  	_ =	shalt  }
0x5c: {  	_ =	shalt  }
0x5d: {  	_ =	shalt  }
0x5e: {  	_ =	shalt  }
0x5f: {  	_ =	shalt  }
0x60: {  	_ =	shalt  }
0x61: {  	_ =	shalt  }
0x62: {  	_ =	shalt  }
0x63: {  	_ =	shalt  }
0x64: {  	_ =	shalt  }
0x65: {  	_ =	shalt  }
0x66: {  	_ =	shalt  }
0x67: {  	_ =	shalt  }
0x68: {  	_ =	shalt  }
0x69: {  	_ =	shalt  }
0x6a: {  	_ =	shalt  }
0x6b: {  	_ =	shalt  }
0x6c: {  	_ =	shalt  }
0x6d: {  	_ =	shalt  }
0x6e: {  	_ =	shalt  }
0x6f: {  	_ =	shalt  }
0x70: {  	_ =	shalt  }
0x71: {  	_ =	shalt  }
0x72: {  	_ =	shalt  }
0x73: {  	_ =	shalt  }
0x74: {  	_ =	shalt  }
0x75: {  	_ =	shalt  }
0x76: {  	_ =	shalt  }
0x77: {  	_ =	shalt  }
0x78: {  	_ =	shalt  }
0x79: {  	_ =	shalt  }
0x7a: {  	_ =	shalt  }
0x7b: {  	_ =	shalt  }
0x7c: {  	_ =	shalt  }
0x7d: {  	_ =	shalt  }
0x7e: {  	_ =	shalt  }
0x7f: {  	_ =	shalt  }
0x80: {  	_ =	shalt  }
0x81: {  	_ =	shalt  }
0x82: {  	_ =	shalt  }
0x83: {  	_ =	shalt  }
0x84: {  	_ =	shalt  }
0x85: {  	_ =	shalt  }
0x86: {  	_ =	shalt  }
0x87: {  	_ =	shalt  }
.Lfunc_end0:
.L_simem_size_0:
called_computation_lowered:
.L_overlay_start_0:
0x88: {  	s2 =	sld [smem:$0x3FD9]  }
0x89: {  	s3 =	sld [smem:$0x3FFE];
	_ =	sdelay $0x1  }
0x8a: {  	s1 =	srdreg.scid  }
0x8b: {  	s0 =	sand.u32 $0x1, s1  }
0x8c: {  	s17 =	sshll.u32 s0, $0xA;
	s2 =	sadd.s32 s3, s2  }
0x8d: {  	s2 =	sadd.s32 s2, s17  }
0x8e: {  	[smem:$0x3FC4] =	sst s2  }
0x8f: {  	_ = 	snop  }
0x90: {  	s2 =	sld [smem:$0x3FC9]  }
0x91: {  	s18 =	sld [smem:$0x3FD0];
	(tm) =	ssettm $0x1  }
0x92: {  	s4 =	sld [smem:$0x3FFB];
	_ =	sdelay $0x3  }
0x93: {  	_ =	strace s4  }
0x94: {  	s4 =	sld [smem:$0x3FFC];
	_ =	sdelay $0x3  }
0x95: {  	_ =	strace s4  }
0x96: {  	s4 =	sld [smem:$0x3FFD];
	_ =	sdelay $0x3  }
0x97: {  	_ =	strace s4  }
0x98: {  	_ =	strace $0x8FFFFFFF  }
0x99: {  	s19 =	sld [smem:$0x3FDB];
	_ =	sdelay $0x1  }
0x9a: {  	s5 =	simm.s32 $_scs_section_size  }
0x9b: {  	s6 =	simm.s32 $_size__tile_overlayer_lowered;
	s7 =	simm.s32 $_tile_overlayer_lowered  }
0x9c: {  	s22 =	simm.s32 $0x1BFF;
	s21 =	sshll.u32 s7, $0x1;
	s4 =	sadd.s32 s5, s19  }
0x9d: {  	s8 =	simm.s32 $0x0;
	s20 =	sshll.u32 s6, $0x1;
	s6 =	sadd.s32 s21, s4  }
0x9e: {  	[timem:s8], [sflag:s22] =	dma.local [hbm:s6], s20  }
0x9f: {  	_ =	swait.ge [sflag:s22], s20  }
0xa0: {  	s5 =	ssub.s32 $0x0, s20;
	[sflag:s22] =	ssyncset.done $0x0  }
0xa1: {  	[sflag:s22] =	ssyncadd.s32 s5;
	_ =	sdelay $0x1  }
0xa2: {  	s23 =	simm.s32 $0x1B8B  }
0xa3: {  	_ =	swait.ge [sflag:s23], $0x1  }
0xa4: {  	[sflag:s23] =	ssyncset.done $0x0  }
0xa5: {  	s25 =	simm.s32 $0x1B8E;
	s24 =	sld [smem:$0x3FFE];
	[sflag:s23] =	ssyncadd.s32 $0xFFFFFFFF  }
0xa6: {  	s26 =	simm.s32 $execute0_lowered;
	[smem:$0x3FD2] =	sst s25  }
0xa7: {  	s6 =	sshll.u32 s26, $0x1;
	_ =	strace $0x80000046;
	[dreg:$0x1] =	wrdreg $0xFFFFFFFF  }
0xa8: {  	s28 =	simm.s32 $_size_execute0_lowered;
	s4 =	sadd.s32 s4, s6;
	[dreg:$0x0] =	wrdreg $0x0  }
0xa9: {  	s6 =	sshll.u32 s28, $0x1;
	[dreg:$0x2] =	wrdreg s4  }
0xaa: {  	[dreg:$0x3] =	wrdreg s6  }
0xab: {  	[dreg:$0x4] =	wrdreg $0xC0  }
0xac: {  	_ =	task [dreg:s8], $0x5FFFF  }
0xad: {  	[dreg:$0x1] =	wrdreg $0xFFFFFFFF  }
0xae: {  	[dreg:$0x0] =	wrdreg $0x60  }
0xaf: {  	[dreg:$0x2] =	wrdreg s2  }
0xb0: {  	[dreg:$0x3] =	wrdreg s18  }
0xb1: {  	[dreg:$0x4] =	wrdreg s24  }
0xb2: {  	[dreg:$0x5] =	wrdreg $0x9  }
0xb3: {  	_ =	task.clear_ibuf [dreg:s8], $0x6FFFF;
	_ =	strace $0x90000046  }
0xb4: {  	s29 =	simm.s32 $0x9;
	_ =	strace $0x80000048  }
0xb5: {  	_ =	swait.ge [sflag:s29], $0x1  }
0xb6: {  	[sflag:s29] =	ssyncadd.s32 $0xFFFFFFFF  }
0xb7: {  	_ =	strace $0x90000048  }
0xb8: {  	_ =	sfence  }
0xb9: {  	s30 =	sld [smem:$0x0];
	_ =	sdelay $0x2  }
0xba: {  	s31 =	sshll.u32 s1, $0xD;
	s1 =	sshrl.u32 s1, $0x2  }
0xbb: {  	s3 =	sand.u32 $0x4000, s31;
	s1 =	sadd.s32 s1, s30  }
0xbc: {  	s0 =	sor.u32 s3, s0;
	s1 =	sshll.u32 s1, $0x11  }
0xbd: {  	s0 =	sor.u32 s1, s0  }
0xbe: {  	s0 =	sadd.s32 $0x8F2B, s0  }
0xbf: {  	[sflag:s0] =	ssyncadd.remote.s32 $0x1  }
0xc0: {  	_ =	sfence.sel $0xFFFF  }
0xc1: {  	[dreg:$0x0] =	wrdreg $0xFFFFFFFF;
	(pc) =	sbr.abs _section_cstart, $3  }
0xc2: {  	[dreg:$0x1] =	wrdreg $0xFFFFFFFF  }
0xc3: {  	_ =	task.clear_ibuf [dreg:s8], $0x2FFFF;
	_ =	strace $0x9FFFFFFF  }
0xc4: {  	(tm) =	ssettm $0x7FFFFFFF  }
0xc5: {  	_ =	shalt  }
tec
execute0_lowered:
.L_overlay_start_1:
0x0: {  	(tag) =	ssettag $0x1  }
0x1: {  	s0 =	rddreg [dreg:$0x0]  }
0x2: {  	s1 =	rddreg [dreg:$0x1]  }
0x3: {  	s4 =	rddreg [dreg:$0x2];
	s2 =	simm.s32 $0x0;
	s3 =	srdreg.scid  }
0x4: {  	s10 =	stileid.u32;
	s28 =	simm.s32 $0x2;
	s26 =	simm.s32 $0x3  }
0x5: {  	s13 =	simm.s32 $0x800;
	s14 =	simm.s32 $0x10000;
	[smem:$0x7FF] =	sst s2  }
0x6: {  	s9 =	sand.u32 $0x1, s3;
	s6 =	sshll.u32 s10, $0x9;
	s3 =	sadd.s32 $0x24A00, s4  }
0x7: {  	s29 =	sshll.u32 s10, $0x11;
	s10 =	sadd.s32 $0x25000, s4;
	s11 =	sadd.s32 $0x25100, s4  }
0x8: {  	_ =	strace $0x80000047;
	s5 =	ssub.s32 $0x2, s9;
	s7 =	sshll.u32 s9, $0x8  }
0x9: {  	s0 =	sadd.s32 s29, s0;
	s30 =	sshll.u32 s9, $0x10;
	s9 =	sadd.s32 $0x24F00, s4  }
0xa: {  	s8 =	sshrl.u32 s5, $0x1;
	s6 =	sor.u32 s7, s6;
	s7 =	sadd.s32 $0x24D00, s4  }
0xb: {  	s0 =	sadd.s32 s30, s0;
	s12 =	ssub.s32 s5, s8;
	s1 =	sadd.s32 s1, s6  }
0xc: {  	v2 =	vlaneseq.u32;
	s5 =	sadd.s32 $0x24B00, s4;
	s6 =	sadd.s32 $0x24C00, s4;
	[dreg:$0x4] =	wrdreg s0  }
0xd: {  	vm0 =	vmmov $0xffff;
	v1 =	vshrl.u32 v2, $0x3;
	s8 =	sadd.s32 $0x24E00, s4;
	[dreg:$0x5] =	wrdreg s1;
	s31 =	smax.u32 s12, $0x1  }
0xe: {  	v0 =	vand.u32 $0x7, v2;
	v2 =	vor.u32 $0x8, v2;
	v1 =	vmul.u32 $0x8, v1;
	s0 =	simm.s32 $0x3;
	s1 =	simm.s32 $0x0;
	[dreg:$0x6] =	wrdreg s31  }
.LBB2_1:
0xf: {  	[dreg:$0x7] =	wrdreg s1  }
0x10: {  	s29 =	rddreg [dreg:$0x5]  }
0x11: {  	[tilespmem:s2], [sflag:$0x3] =	stream.linear.gather [hbm4b:s29+s2], $0x800, $0x38;
	[tilespmem:$0x10800] =	vst v63  }
0x12: {  	_ =	swait.ge [sflag:s0], $0x800  }
0x13: {  	[sflag:s0] =	ssyncset.done $0x0  }
0x14: {  	s30 =	simm.s32 $0x0;
	s29 =	simm.s32 $0x10;
	[sflag:s0] =	ssyncadd.s32 $0xFFFFF800  }
.LBB2_2:
0x15: {  	s31 =	rddreg [dreg:$0x4]  }
0x16: {  	s31 =	sadd.s32 s30, s31  }
0x17: {  	[tilespmem:s13], [sflag:$0x3] =	stream.linear.gather [hbm4b:s31+s2], $0x10000, $0x38;
	[tilespmem:$0x10800] =	vst v63  }
0x18: {  	_ =	swait.ge [sflag:s26], $0x10000  }
0x19: {  	[sflag:s26] =	ssyncset.done $0x0  }
0x1a: {  	[sflag:s26] =	ssyncadd.s32 $0xFFFF0000  }
0x1b: {  	v3 =	vld [tilespmem:s29+$0xFFFFFFF0];
	_ =	sdelay $0x4  }
0x1c: {  	v4 =	vshll.u32 v3, $0x4  }
0x1d: {  	v3 =	vand.u32 $0x7, v3;
	v4 =	vand.u32 $0xFFFFFF80, v4  }
0x1e: {  	v3 =	vor.u32 v3, v4  }
0x1f: {  	v4 =	vperm.xlane v3, v0;
	_ =	sdelay $0x1  }
0x20: {  	v4 =	vadd.s32 v1, v4;
	_ =	sdelay $0x4  }
0x21: {  	[hbm4b:s3+s2] =	stream.indirect_vreg.scatter [tilespmem:s13], [sflag:$0x1], $0x80, v4, vm0, $0xb8;
	[tilespmem:$0x10800] =	vst v63  }
0x22: {  	s31 =	simm.s32 $0x1000  }
0x23: {  	[hbm4b:s5+s2] =	stream.indirect_vreg.scatter [tilespmem:s31], [sflag:$0x1], $0x80, v4, vm0, $0xb8;
	[tilespmem:$0x10800] =	vst v63  }
0x24: {  	s0 =	simm.s32 $0x1800  }
0x25: {  	[hbm4b:s6+s2] =	stream.indirect_vreg.scatter [tilespmem:s0], [sflag:$0x1], $0x80, v4, vm0, $0xb8;
	[tilespmem:$0x10800] =	vst v63  }
0x26: {  	s1 =	simm.s32 $0x2000  }
0x27: {  	[hbm4b:s7+s2] =	stream.indirect_vreg.scatter [tilespmem:s1], [sflag:$0x1], $0x80, v4, vm0, $0xb8;
	[tilespmem:$0x10800] =	vst v63  }
0x28: {  	s1 =	simm.s32 $0x2800  }
0x29: {  	[hbm4b:s8+s2] =	stream.indirect_vreg.scatter [tilespmem:s1], [sflag:$0x1], $0x80, v4, vm0, $0xb8;
	[tilespmem:$0x10800] =	vst v63  }
0x2a: {  	s4 =	simm.s32 $0x3000;
	v3 =	vperm.xlane v3, v2  }
0x2b: {  	[hbm4b:s9+s2] =	stream.indirect_vreg.scatter [tilespmem:s4], [sflag:$0x1], $0x80, v4, vm0, $0xb8;
	[tilespmem:$0x10800] =	vst v63  }
0x2c: {  	v3 =	vadd.s32 v1, v3;
	s4 =	simm.s32 $0x3800  }
0x2d: {  	[hbm4b:s10+s2] =	stream.indirect_vreg.scatter [tilespmem:s4], [sflag:$0x1], $0x80, v4, vm0, $0xb8;
	[tilespmem:$0x10800] =	vst v63  }
0x2e: {  	s12 =	simm.s32 $0x4000  }
0x2f: {  	[hbm4b:s11+s2] =	stream.indirect_vreg.scatter [tilespmem:s12], [sflag:$0x1], $0x80, v4, vm0, $0xb8;
	[tilespmem:$0x10800] =	vst v63  }
0x30: {  	s12 =	simm.s32 $0x4800  }
0x31: {  	[hbm4b:s3+s2] =	stream.indirect_vreg.scatter [tilespmem:s12], [sflag:$0x1], $0x80, v3, vm0, $0xb8;
	[tilespmem:$0x10800] =	vst v63  }
0x32: {  	s15 =	simm.s32 $0x5000  }
0x33: {  	[hbm4b:s5+s2] =	stream.indirect_vreg.scatter [tilespmem:s15], [sflag:$0x1], $0x80, v3, vm0, $0xb8;
	[tilespmem:$0x10800] =	vst v63  }
0x34: {  	s15 =	simm.s32 $0x5800  }
0x35: {  	[hbm4b:s6+s2] =	stream.indirect_vreg.scatter [tilespmem:s15], [sflag:$0x1], $0x80, v3, vm0, $0xb8;
	[tilespmem:$0x10800] =	vst v63  }
0x36: {  	s16 =	simm.s32 $0x6000  }
0x37: {  	[hbm4b:s7+s2] =	stream.indirect_vreg.scatter [tilespmem:s16], [sflag:$0x1], $0x80, v3, vm0, $0xb8;
	[tilespmem:$0x10800] =	vst v63  }
0x38: {  	s16 =	simm.s32 $0x6800  }
0x39: {  	[hbm4b:s8+s2] =	stream.indirect_vreg.scatter [tilespmem:s16], [sflag:$0x1], $0x80, v3, vm0, $0xb8;
	[tilespmem:$0x10800] =	vst v63  }
0x3a: {  	s17 =	simm.s32 $0x7000  }
0x3b: {  	[hbm4b:s9+s2] =	stream.indirect_vreg.scatter [tilespmem:s17], [sflag:$0x1], $0x80, v3, vm0, $0xb8;
	[tilespmem:$0x10800] =	vst v63  }
0x3c: {  	s17 =	simm.s32 $0x7800  }
0x3d: {  	[hbm4b:s10+s2] =	stream.indirect_vreg.scatter [tilespmem:s17], [sflag:$0x1], $0x80, v3, vm0, $0xb8;
	[tilespmem:$0x10800] =	vst v63  }
0x3e: {  	s18 =	simm.s32 $0x8000  }
0x3f: {  	[hbm4b:s11+s2] =	stream.indirect_vreg.scatter [tilespmem:s18], [sflag:$0x1], $0x80, v3, vm0, $0xb8;
	[tilespmem:$0x10800] =	vst v63  }
0x40: {  	v3 =	vld [tilespmem:s29+$0x0];
	_ =	sdelay $0x4  }
0x41: {  	v61 =	vshll.u32 v3, $0x4  }
0x42: {  	v3 =	vand.u32 $0x7, v3;
	v4 =	vand.u32 $0xFFFFFF80, v61  }
0x43: {  	v3 =	vor.u32 v3, v4  }
0x44: {  	v4 =	vperm.xlane v3, v0;
	_ =	sdelay $0x1  }
0x45: {  	v4 =	vadd.s32 v1, v4;
	_ =	sdelay $0x3  }
0x46: {  	s18 =	simm.s32 $0x8800  }
0x47: {  	[hbm4b:s3+s2] =	stream.indirect_vreg.scatter [tilespmem:s18], [sflag:$0x1], $0x80, v4, vm0, $0xb8;
	[tilespmem:$0x10800] =	vst v63  }
0x48: {  	s19 =	simm.s32 $0x9000  }
0x49: {  	[hbm4b:s5+s2] =	stream.indirect_vreg.scatter [tilespmem:s19], [sflag:$0x1], $0x80, v4, vm0, $0xb8;
	[tilespmem:$0x10800] =	vst v63  }
0x4a: {  	s19 =	simm.s32 $0x9800  }
0x4b: {  	[hbm4b:s6+s2] =	stream.indirect_vreg.scatter [tilespmem:s19], [sflag:$0x1], $0x80, v4, vm0, $0xb8;
	[tilespmem:$0x10800] =	vst v63  }
0x4c: {  	s20 =	simm.s32 $0xA000  }
0x4d: {  	[hbm4b:s7+s2] =	stream.indirect_vreg.scatter [tilespmem:s20], [sflag:$0x1], $0x80, v4, vm0, $0xb8;
	[tilespmem:$0x10800] =	vst v63  }
0x4e: {  	s20 =	simm.s32 $0xA800  }
0x4f: {  	[hbm4b:s8+s2] =	stream.indirect_vreg.scatter [tilespmem:s20], [sflag:$0x1], $0x80, v4, vm0, $0xb8;
	[tilespmem:$0x10800] =	vst v63  }
0x50: {  	s21 =	simm.s32 $0xB000;
	v3 =	vperm.xlane v3, v2  }
0x51: {  	[hbm4b:s9+s2] =	stream.indirect_vreg.scatter [tilespmem:s21], [sflag:$0x1], $0x80, v4, vm0, $0xb8;
	[tilespmem:$0x10800] =	vst v63  }
0x52: {  	v3 =	vadd.s32 v1, v3;
	s21 =	simm.s32 $0xB800  }
0x53: {  	[hbm4b:s10+s2] =	stream.indirect_vreg.scatter [tilespmem:s21], [sflag:$0x1], $0x80, v4, vm0, $0xb8;
	[tilespmem:$0x10800] =	vst v63  }
0x54: {  	s22 =	simm.s32 $0xC000  }
0x55: {  	[hbm4b:s11+s2] =	stream.indirect_vreg.scatter [tilespmem:s22], [sflag:$0x1], $0x80, v4, vm0, $0xb8;
	[tilespmem:$0x10800] =	vst v63  }
0x56: {  	s22 =	simm.s32 $0xC800  }
0x57: {  	[hbm4b:s3+s2] =	stream.indirect_vreg.scatter [tilespmem:s22], [sflag:$0x1], $0x80, v3, vm0, $0xb8;
	[tilespmem:$0x10800] =	vst v63  }
0x58: {  	s23 =	simm.s32 $0xD000  }
0x59: {  	[hbm4b:s5+s2] =	stream.indirect_vreg.scatter [tilespmem:s23], [sflag:$0x1], $0x80, v3, vm0, $0xb8;
	[tilespmem:$0x10800] =	vst v63  }
0x5a: {  	s23 =	simm.s32 $0xD800  }
0x5b: {  	[hbm4b:s6+s2] =	stream.indirect_vreg.scatter [tilespmem:s23], [sflag:$0x1], $0x80, v3, vm0, $0xb8;
	[tilespmem:$0x10800] =	vst v63  }
0x5c: {  	s24 =	simm.s32 $0xE000  }
0x5d: {  	[hbm4b:s7+s2] =	stream.indirect_vreg.scatter [tilespmem:s24], [sflag:$0x1], $0x80, v3, vm0, $0xb8;
	[tilespmem:$0x10800] =	vst v63  }
0x5e: {  	s24 =	simm.s32 $0xE800  }
0x5f: {  	[hbm4b:s8+s2] =	stream.indirect_vreg.scatter [tilespmem:s24], [sflag:$0x1], $0x80, v3, vm0, $0xb8;
	[tilespmem:$0x10800] =	vst v63  }
0x60: {  	s25 =	simm.s32 $0xF000  }
0x61: {  	[hbm4b:s9+s2] =	stream.indirect_vreg.scatter [tilespmem:s25], [sflag:$0x1], $0x80, v3, vm0, $0xb8;
	[tilespmem:$0x10800] =	vst v63  }
0x62: {  	s25 =	simm.s32 $0xF800  }
0x63: {  	[hbm4b:s10+s2] =	stream.indirect_vreg.scatter [tilespmem:s25], [sflag:$0x1], $0x80, v3, vm0, $0xb8;
	[tilespmem:$0x10800] =	vst v63  }
0x64: {  	_ = 	snop  }
0x65: {  	[hbm4b:s11+s2] =	stream.indirect_vreg.scatter [tilespmem:s14], [sflag:$0x1], $0x80, v3, vm0, $0xb8;
	[tilespmem:$0x10800] =	vst v63  }
0x66: {  	v3 =	vld [tilespmem:s29+$0x3F0];
	_ =	sdelay $0x4  }
0x67: {  	v62 =	vshll.u32 v3, $0x4  }
0x68: {  	v3 =	vand.u32 $0x7, v3;
	v4 =	vand.u32 $0xFFFFFF80, v62  }
0x69: {  	v3 =	vor.u32 v3, v4  }
0x6a: {  	v4 =	vperm.xlane v3, v0;
	_ =	sdelay $0x1  }
0x6b: {  	v4 =	vadd.s32 v1, v4;
	_ =	sdelay $0x3  }
0x6c: {  	s0 =	simm.s32 $0x800  }
0x6d: {  	[hbm4b:s3+s2] =	stream.indirect_vreg.scatter [tilespmem:s0], [sflag:$0x2], $0x80, v4, vm0, $0xb8;
	[tilespmem:$0x10800] =	vst v63  }
0x6e: {  	_ = 	snop  }
0x6f: {  	[hbm4b:s5+s2] =	stream.indirect_vreg.scatter [tilespmem:s31], [sflag:$0x2], $0x80, v4, vm0, $0xb8;
	[tilespmem:$0x10800] =	vst v63  }
0x70: {  	s31 =	simm.s32 $0x1800  }
0x71: {  	[hbm4b:s6+s2] =	stream.indirect_vreg.scatter [tilespmem:s31], [sflag:$0x2], $0x80, v4, vm0, $0xb8;
	[tilespmem:$0x10800] =	vst v63  }
0x72: {  	s31 =	simm.s32 $0x2000  }
0x73: {  	[hbm4b:s7+s2] =	stream.indirect_vreg.scatter [tilespmem:s31], [sflag:$0x2], $0x80, v4, vm0, $0xb8;
	[tilespmem:$0x10800] =	vst v63  }
0x74: {  	_ = 	snop  }
0x75: {  	[hbm4b:s8+s2] =	stream.indirect_vreg.scatter [tilespmem:s1], [sflag:$0x2], $0x80, v4, vm0, $0xb8;
	[tilespmem:$0x10800] =	vst v63  }
0x76: {  	v3 =	vperm.xlane v3, v2;
	s31 =	simm.s32 $0x3000  }
0x77: {  	[hbm4b:s9+s2] =	stream.indirect_vreg.scatter [tilespmem:s31], [sflag:$0x2], $0x80, v4, vm0, $0xb8;
	[tilespmem:$0x10800] =	vst v63  }
0x78: {  	v3 =	vadd.s32 v1, v3  }
0x79: {  	[hbm4b:s10+s2] =	stream.indirect_vreg.scatter [tilespmem:s4], [sflag:$0x2], $0x80, v4, vm0, $0xb8;
	[tilespmem:$0x10800] =	vst v63  }
0x7a: {  	s31 =	simm.s32 $0x4000  }
0x7b: {  	[hbm4b:s11+s2] =	stream.indirect_vreg.scatter [tilespmem:s31], [sflag:$0x2], $0x80, v4, vm0, $0xb8;
	[tilespmem:$0x10800] =	vst v63  }
0x7c: {  	_ = 	snop  }
0x7d: {  	[hbm4b:s3+s2] =	stream.indirect_vreg.scatter [tilespmem:s12], [sflag:$0x2], $0x80, v3, vm0, $0xb8;
	[tilespmem:$0x10800] =	vst v63  }
0x7e: {  	s4 =	simm.s32 $0x5000  }
0x7f: {  	[hbm4b:s5+s2] =	stream.indirect_vreg.scatter [tilespmem:s4], [sflag:$0x2], $0x80, v3, vm0, $0xb8;
	[tilespmem:$0x10800] =	vst v63  }
0x80: {  	_ = 	snop  }
0x81: {  	[hbm4b:s6+s2] =	stream.indirect_vreg.scatter [tilespmem:s15], [sflag:$0x2], $0x80, v3, vm0, $0xb8;
	[tilespmem:$0x10800] =	vst v63  }
0x82: {  	s12 =	simm.s32 $0x6000  }
0x83: {  	[hbm4b:s7+s2] =	stream.indirect_vreg.scatter [tilespmem:s12], [sflag:$0x2], $0x80, v3, vm0, $0xb8;
	[tilespmem:$0x10800] =	vst v63  }
0x84: {  	_ = 	snop  }
0x85: {  	[hbm4b:s8+s2] =	stream.indirect_vreg.scatter [tilespmem:s16], [sflag:$0x2], $0x80, v3, vm0, $0xb8;
	[tilespmem:$0x10800] =	vst v63  }
0x86: {  	s15 =	simm.s32 $0x7000  }
0x87: {  	[hbm4b:s9+s2] =	stream.indirect_vreg.scatter [tilespmem:s15], [sflag:$0x2], $0x80, v3, vm0, $0xb8;
	[tilespmem:$0x10800] =	vst v63  }
0x88: {  	_ = 	snop  }
0x89: {  	[hbm4b:s10+s2] =	stream.indirect_vreg.scatter [tilespmem:s17], [sflag:$0x2], $0x80, v3, vm0, $0xb8;
	[tilespmem:$0x10800] =	vst v63  }
0x8a: {  	s16 =	simm.s32 $0x8000  }
0x8b: {  	[hbm4b:s11+s2] =	stream.indirect_vreg.scatter [tilespmem:s16], [sflag:$0x2], $0x80, v3, vm0, $0xb8;
	[tilespmem:$0x10800] =	vst v63  }
0x8c: {  	v3 =	vld [tilespmem:s29+$0x400];
	_ =	sdelay $0x4  }
0x8d: {  	v63 =	vshll.u32 v3, $0x4  }
0x8e: {  	v3 =	vand.u32 $0x7, v3;
	v4 =	vand.u32 $0xFFFFFF80, v63  }
0x8f: {  	v3 =	vor.u32 v3, v4  }
0x90: {  	v4 =	vperm.xlane v3, v0;
	_ =	sdelay $0x1  }
0x91: {  	v4 =	vadd.s32 v1, v4;
	_ =	sdelay $0x4  }
0x92: {  	[hbm4b:s3+s2] =	stream.indirect_vreg.scatter [tilespmem:s18], [sflag:$0x2], $0x80, v4, vm0, $0xb8;
	[tilespmem:$0x10800] =	vst v63  }
0x93: {  	s17 =	simm.s32 $0x9000  }
0x94: {  	[hbm4b:s5+s2] =	stream.indirect_vreg.scatter [tilespmem:s17], [sflag:$0x2], $0x80, v4, vm0, $0xb8;
	[tilespmem:$0x10800] =	vst v63  }
0x95: {  	_ = 	snop  }
0x96: {  	[hbm4b:s6+s2] =	stream.indirect_vreg.scatter [tilespmem:s19], [sflag:$0x2], $0x80, v4, vm0, $0xb8;
	[tilespmem:$0x10800] =	vst v63  }
0x97: {  	s18 =	simm.s32 $0xA000  }
0x98: {  	[hbm4b:s7+s2] =	stream.indirect_vreg.scatter [tilespmem:s18], [sflag:$0x2], $0x80, v4, vm0, $0xb8;
	[tilespmem:$0x10800] =	vst v63  }
0x99: {  	_ = 	snop  }
0x9a: {  	[hbm4b:s8+s2] =	stream.indirect_vreg.scatter [tilespmem:s20], [sflag:$0x2], $0x80, v4, vm0, $0xb8;
	[tilespmem:$0x10800] =	vst v63  }
0x9b: {  	v3 =	vperm.xlane v3, v2;
	s19 =	simm.s32 $0xB000  }
0x9c: {  	[hbm4b:s9+s2] =	stream.indirect_vreg.scatter [tilespmem:s19], [sflag:$0x2], $0x80, v4, vm0, $0xb8;
	[tilespmem:$0x10800] =	vst v63  }
0x9d: {  	v3 =	vadd.s32 v1, v3  }
0x9e: {  	[hbm4b:s10+s2] =	stream.indirect_vreg.scatter [tilespmem:s21], [sflag:$0x2], $0x80, v4, vm0, $0xb8;
	[tilespmem:$0x10800] =	vst v63  }
0x9f: {  	s20 =	simm.s32 $0xC000  }
0xa0: {  	[hbm4b:s11+s2] =	stream.indirect_vreg.scatter [tilespmem:s20], [sflag:$0x2], $0x80, v4, vm0, $0xb8;
	[tilespmem:$0x10800] =	vst v63  }
0xa1: {  	_ = 	snop  }
0xa2: {  	[hbm4b:s3+s2] =	stream.indirect_vreg.scatter [tilespmem:s22], [sflag:$0x2], $0x80, v3, vm0, $0xb8;
	[tilespmem:$0x10800] =	vst v63  }
0xa3: {  	s21 =	simm.s32 $0xD000  }
0xa4: {  	[hbm4b:s5+s2] =	stream.indirect_vreg.scatter [tilespmem:s21], [sflag:$0x2], $0x80, v3, vm0, $0xb8;
	[tilespmem:$0x10800] =	vst v63  }
0xa5: {  	_ = 	snop  }
0xa6: {  	[hbm4b:s6+s2] =	stream.indirect_vreg.scatter [tilespmem:s23], [sflag:$0x2], $0x80, v3, vm0, $0xb8;
	[tilespmem:$0x10800] =	vst v63  }
0xa7: {  	s22 =	simm.s32 $0xE000  }
0xa8: {  	[hbm4b:s7+s2] =	stream.indirect_vreg.scatter [tilespmem:s22], [sflag:$0x2], $0x80, v3, vm0, $0xb8;
	[tilespmem:$0x10800] =	vst v63  }
0xa9: {  	_ = 	snop  }
0xaa: {  	[hbm4b:s8+s2] =	stream.indirect_vreg.scatter [tilespmem:s24], [sflag:$0x2], $0x80, v3, vm0, $0xb8;
	[tilespmem:$0x10800] =	vst v63  }
0xab: {  	s23 =	simm.s32 $0xF000  }
0xac: {  	[hbm4b:s9+s2] =	stream.indirect_vreg.scatter [tilespmem:s23], [sflag:$0x2], $0x80, v3, vm0, $0xb8;
	[tilespmem:$0x10800] =	vst v63  }
0xad: {  	_ = 	snop  }
0xae: {  	[hbm4b:s10+s2] =	stream.indirect_vreg.scatter [tilespmem:s25], [sflag:$0x2], $0x80, v3, vm0, $0xb8;
	[tilespmem:$0x10800] =	vst v63  }
0xaf: {  	s1 =	simm.s32 $0x1;
	s31 =	simm.s32 $0x10000  }
0xb0: {  	[hbm4b:s11+s2] =	stream.indirect_vreg.scatter [tilespmem:s31], [sflag:$0x2], $0x80, v3, vm0, $0xb8;
	[tilespmem:$0x10800] =	vst v63  }
0xb1: {  	p0 =	sne.s32 s30, $0xE000;
	_ =	swait.ge [sflag:s1], $0x10000  }
.Ltmp0:
0xb2: {  	[sflag:s1] =	ssyncset.done $0x0;
	(pc) =	sbr.rel @p0 .LBB2_2-.Ltmp0, $4  }
0xb3: {  	[sflag:s1] =	ssyncadd.s32 $0xFFFF0000  }
0xb4: {  	_ =	swait.ge [sflag:s28], $0x10000  }
0xb5: {  	[sflag:s28] =	ssyncset.done $0x0  }
0xb6: {  	s30 =	sadd.s32 $0x2000, s30;
	s29 =	sadd.s32 $0x80, s29;
	[sflag:s28] =	ssyncadd.s32 $0xFFFF0000  }
0xb7: {  	s1 =	rddreg [dreg:$0x7]  }
0xb8: {  	s29 =	rddreg [dreg:$0x6];
	s1 =	sadd.s32 $0x1, s1  }
0xb9: {  	p0 =	sne.s32 s1, s29  }
.Ltmp1:
0xba: {  	_ = 	snop;
	(pc) =	sbr.rel @p0 .LBB2_1-.Ltmp1, $2  }
0xbb: {  	_ =	sdelay $0x2  }
0xbc: {  	s0 =	simm.s32 $0x3  }
0xbd: {  	_ =	sfence.sel $0x180000  }
0xbe: {  	[bflag:$0x0] =	sbarrier.arrive $0xFFFF  }
0xbf: {  	_ =	strace $0x90000047  }
0xc0: {  	s0 =	stileid.u32;
	[bflag:$0x2] =	sbarrier.arrive $0xFFFF  }
0xc1: {  	p0 =	sne.s32 s0, $0x0;
	s0 =	rddreg [dreg:$0x3]  }
0xc2: {  	s0 =	sadd.s32 @!p0 $0x100000, s0  }
0xc3: {  	[sflag:s0] =	ssyncadd.tile.s32 @!p0 $0x1;
	_ =	shalt  }
.Lfunc_end2:
_tile_overlayer_lowered:
.L_overlay_start_2:
0xc4: {  	(tag) =	ssettag $0x2  }
0xc5: {  	s0 =	rddreg [dreg:$0x0];
	s2 =	stileid.u32  }
0xc6: {  	s1 =	rddreg [dreg:$0x1];
	p0 =	sne.s32 s2, $0x0  }
0xc7: {  	s3 =	rddreg [dreg:$0x2];
	[bflag:$0x3] =	sbarrier.arrive $0xFFFF;
	s2 =	simm.s32 @!p0 $0x1C03  }
0xc8: {  	[timem:s3], [sflag:s2] =	dma.local @!p0 [hbm:s0], s1  }
0xc9: {  	s0 =	simm.s32 @!p0 $0x3  }
0xca: {  	_ =	swait.ge @!p0 [sflag:s0], s1  }
0xcb: {  	s1 =	ssub.s32 @!p0 $0x0, s1;
	[sflag:s0] =	ssyncset.done @!p0 $0x0  }
0xcc: {  	[sflag:s0] =	ssyncadd.s32 @!p0 s1  }
0xcd: {  	[bflag:$0x3] =	sbarrier.arrive $0xFFFF  }
0xce: {  	_ =	shalt  }

// kernel: kernel.16.cloned.1.call-start
scs
__scs_entry_jumppad:
0x0: {  	(pc) =	sbr.rel $0x88, $3  }
0x1: {  	(tag) =	ssettag $0x0;
	lr =	simm.s32 $0x1  }
0x2: {  	[smem:$0x3F9D] =	sst lr;
	_ =	strace $0xD0000000  }
0x3: {  	_ = 	snop  }
0x4: {  	_ = 	snop  }
0x5: {  	_ = 	snop  }
0x6: {  	_ = 	snop  }
0x7: {  	_ = 	snop  }
__scs_overlays_trampoline_lowered:
0x8: {  	[smem:$0x3FAC] =	sst s0  }
0x9: {  	[smem:$0x3FAD] =	sst s1  }
0xa: {  	[smem:$0x3FAE] =	sst s2  }
0xb: {  	[smem:$0x3FAF] =	sst s3  }
0xc: {  	[smem:$0x3FB0] =	sst s4  }
0xd: {  	[smem:$0x3FB1] =	sst s5  }
0xe: {  	[smem:$0x3FB2] =	sst s6  }
0xf: {  	[smem:$0x3FB3] =	sst s7  }
0x10: {  	[smem:$0x3FB4] =	sst s8  }
0x11: {  	[smem:$0x3FB5] =	sst s9;
	s0 =	simm.s32 @!p0 $0x0  }
0x12: {  	s1 =	sld [smem:$0x3F9B];
	s0 =	simm.s32 @p0 $0x1  }
0x13: {  	[smem:$0x3FB6] =	sst s0;
	s0 =	simm.s32 @!p1 $0x0  }
0x14: {  	s2 =	sld [smem:$0x3F9A];
	s0 =	simm.s32 @p1 $0x1  }
0x15: {  	[smem:$0x3FB7] =	sst s0;
	s0 =	simm.s32 @!p2 $0x0  }
0x16: {  	s3 =	sld [smem:$0x3FDB];
	s0 =	simm.s32 @p2 $0x1  }
0x17: {  	s4 =	simm.s32 $0x1BF5;
	[smem:$0x3FB9] =	sst s0  }
0x18: {  	s0 =	sld [smem:$0x3F9C];
	_ =	swait.ge [sflag:s4], $0x0  }
0x19: {  	s7 =	sld [smem:$0x3F9D]  }
0x1a: {  	s8 =	sadd.s32 $0xFFFFE003, lr  }
0x1b: {  	s9 =	sadd.s32 $0xFFFFFEF7, lr;
	s5 =	simm.s32 $0xFFFFFFFF;
	p2 =	slt.u32 s8, $0xFFFFF086  }
0x1c: {  	p1 =	slt.u32 s9, $0xF7A;
	s5 =	simm.s32 @!p2 $0x0  }
0x1d: {  	s5 =	simm.s32 @p1 $0x1;
	p0 =	seq.s32 s7, s2  }
0x1e: {  	s7 =	smul.u32 @!p0 $0xF7A, s2;
	p2 =	seq.s32 @!p0 s5, $0x0  }
0x1f: {  	s9 =	smul.u32 $0xF7A, s1;
	s8 =	simm.s32 @!p0 $0x1BF5;
	p2 =	por !p2, p0  }
0x20: {  	[sflag:s8] =	ssyncset.s32 @!p0 $0xFFFFF086;
	s6 =	sadd.s32 @!p0 s3, s7;
	s7 =	simm.s32 @!p0 $0x108  }
0x21: {  	s3 =	sadd.s32 s3, s9;
	s6 =	sadd.s32 @!p0 $0x88, s6;
	s7 =	simm.s32 @p2 $0x1082  }
0x22: {  	[simem:s7], [sflag:s8] =	dma.local @!p0 [hbm:s6], $0xF7A  }
0x23: {  	s9 =	sor.u32 $0xD0000000, s2;
	s6 =	simm.s32 $0x108;
	_ =	swait.ge @!p0 [sflag:s8], $0x0  }
0x24: {  	s3 =	sadd.s32 $0x88, s3;
	s6 =	simm.s32 @!p1 $0x1082;
	[sflag:s4] =	ssyncset.s32 $0xFFFFF086  }
0x25: {  	[simem:s6], [sflag:s4] =	dma.local [hbm:s3], $0xF7A  }
0x26: {  	[smem:$0x3F9D] =	sst s1;
	(tag) =	ssettag s2;
	_ =	strace s9  }
0x27: {  	s1 =	sld [smem:$0x3FAD]  }
0x28: {  	s2 =	sld [smem:$0x3FAE]  }
0x29: {  	s4 =	sld [smem:$0x3FB0]  }
0x2a: {  	p0 =	seq.s32 s5, $0x0;
	s5 =	sld [smem:$0x3FB1]  }
0x2b: {  	s6 =	sld [smem:$0x3FB2]  }
0x2c: {  	s7 =	sld [smem:$0x3FB3]  }
0x2d: {  	s3 =	simm.s32 $0x108;
	s8 =	sld [smem:$0x3FB4]  }
0x2e: {  	s3 =	simm.s32 @!p0 $0x1082;
	s9 =	sld [smem:$0x3FB5]  }
0x2f: {  	lr =	sadd.s32 s0, s3;
	s0 =	sld [smem:$0x3FAC]  }
0x30: {  	s3 =	sld [smem:$0x3FAF]  }
0x31: {  	[smem:$0x3FB8] =	sst s10  }
0x32: {  	s10 =	sld [smem:$0x3FB6];
	_ =	sdelay $0x3  }
0x33: {  	p0 =	seq.s32 s10, $0x1;
	s10 =	sld [smem:$0x3FB8];
	_ =	sdelay $0x3  }
0x34: {  	[smem:$0x3FB8] =	sst s10  }
0x35: {  	s10 =	sld [smem:$0x3FB7];
	_ =	sdelay $0x3  }
0x36: {  	p1 =	seq.s32 s10, $0x1;
	s10 =	sld [smem:$0x3FB8];
	_ =	sdelay $0x3  }
0x37: {  	[smem:$0x3FB8] =	sst s10  }
0x38: {  	s10 =	sld [smem:$0x3FB9]  }
0x39: {  	_ = 	snop;
	(pc) =	sbr.ind lr, $3  }
0x3a: {  	_ = 	snop  }
0x3b: {  	_ = 	snop  }
0x3c: {  	p2 =	seq.s32 s10, $0x1;
	s10 =	sld [smem:$0x3FB8]  }
0x3d: {  	_ =	shalt  }
0x3e: {  	_ =	shalt  }
0x3f: {  	_ =	shalt  }
0x40: {  	_ =	shalt  }
0x41: {  	_ =	shalt  }
0x42: {  	_ =	shalt  }
0x43: {  	_ =	shalt  }
0x44: {  	_ =	shalt  }
0x45: {  	_ =	shalt  }
0x46: {  	_ =	shalt  }
0x47: {  	_ =	shalt  }
0x48: {  	_ =	shalt  }
0x49: {  	_ =	shalt  }
0x4a: {  	_ =	shalt  }
0x4b: {  	_ =	shalt  }
0x4c: {  	_ =	shalt  }
0x4d: {  	_ =	shalt  }
0x4e: {  	_ =	shalt  }
0x4f: {  	_ =	shalt  }
0x50: {  	_ =	shalt  }
0x51: {  	_ =	shalt  }
0x52: {  	_ =	shalt  }
0x53: {  	_ =	shalt  }
0x54: {  	_ =	shalt  }
0x55: {  	_ =	shalt  }
0x56: {  	_ =	shalt  }
0x57: {  	_ =	shalt  }
0x58: {  	_ =	shalt  }
0x59: {  	_ =	shalt  }
0x5a: {  	_ =	shalt  }
0x5b: {  	_ =	shalt  }
0x5c: {  	_ =	shalt  }
0x5d: {  	_ =	shalt  }
0x5e: {  	_ =	shalt  }
0x5f: {  	_ =	shalt  }
0x60: {  	_ =	shalt  }
0x61: {  	_ =	shalt  }
0x62: {  	_ =	shalt  }
0x63: {  	_ =	shalt  }
0x64: {  	_ =	shalt  }
0x65: {  	_ =	shalt  }
0x66: {  	_ =	shalt  }
0x67: {  	_ =	shalt  }
0x68: {  	_ =	shalt  }
0x69: {  	_ =	shalt  }
0x6a: {  	_ =	shalt  }
0x6b: {  	_ =	shalt  }
0x6c: {  	_ =	shalt  }
0x6d: {  	_ =	shalt  }
0x6e: {  	_ =	shalt  }
0x6f: {  	_ =	shalt  }
0x70: {  	_ =	shalt  }
0x71: {  	_ =	shalt  }
0x72: {  	_ =	shalt  }
0x73: {  	_ =	shalt  }
0x74: {  	_ =	shalt  }
0x75: {  	_ =	shalt  }
0x76: {  	_ =	shalt  }
0x77: {  	_ =	shalt  }
0x78: {  	_ =	shalt  }
0x79: {  	_ =	shalt  }
0x7a: {  	_ =	shalt  }
0x7b: {  	_ =	shalt  }
0x7c: {  	_ =	shalt  }
0x7d: {  	_ =	shalt  }
0x7e: {  	_ =	shalt  }
0x7f: {  	_ =	shalt  }
0x80: {  	_ =	shalt  }
0x81: {  	_ =	shalt  }
0x82: {  	_ =	shalt  }
0x83: {  	_ =	shalt  }
0x84: {  	_ =	shalt  }
0x85: {  	_ =	shalt  }
0x86: {  	_ =	shalt  }
0x87: {  	_ =	shalt  }
.Lfunc_end0:
.L_simem_size_0:
called_computation.1_lowered:
.L_overlay_start_0:
0x88: {  	s2 =	sld [smem:$0x3FD9]  }
0x89: {  	s3 =	sld [smem:$0x3FFE];
	_ =	sdelay $0x1  }
0x8a: {  	s1 =	srdreg.scid  }
0x8b: {  	s0 =	sand.u32 $0x1, s1  }
0x8c: {  	s17 =	sshll.u32 s0, $0xA;
	s2 =	sadd.s32 s3, s2  }
0x8d: {  	s2 =	sadd.s32 s2, s17  }
0x8e: {  	[smem:$0x3FC4] =	sst s2  }
0x8f: {  	_ = 	snop  }
0x90: {  	s2 =	sld [smem:$0x3FD0];
	(tm) =	ssettm $0x1  }
0x91: {  	s18 =	sld [smem:$0x3FFB];
	_ =	sdelay $0x3  }
0x92: {  	_ =	strace s18  }
0x93: {  	s3 =	sld [smem:$0x3FFC];
	_ =	sdelay $0x3  }
0x94: {  	_ =	strace s3  }
0x95: {  	s3 =	sld [smem:$0x3FFD];
	_ =	sdelay $0x3  }
0x96: {  	_ =	strace s3  }
0x97: {  	_ =	strace $0x8FFFFFFF  }
0x98: {  	s19 =	sld [smem:$0x3FDB];
	_ =	sdelay $0x1  }
0x99: {  	s4 =	simm.s32 $_scs_section_size  }
0x9a: {  	s5 =	simm.s32 $_size__tile_overlayer_lowered;
	s6 =	simm.s32 $_tile_overlayer_lowered  }
0x9b: {  	s22 =	simm.s32 $0x1BFF;
	s21 =	sshll.u32 s6, $0x1;
	s3 =	sadd.s32 s4, s19  }
0x9c: {  	s7 =	simm.s32 $0x0;
	s20 =	sshll.u32 s5, $0x1;
	s5 =	sadd.s32 s21, s3  }
0x9d: {  	[timem:s7], [sflag:s22] =	dma.local [hbm:s5], s20  }
0x9e: {  	_ =	swait.ge [sflag:s22], s20  }
0x9f: {  	s4 =	ssub.s32 $0x0, s20;
	[sflag:s22] =	ssyncset.done $0x0  }
0xa0: {  	[sflag:s22] =	ssyncadd.s32 s4;
	_ =	sdelay $0x1  }
0xa1: {  	s23 =	simm.s32 $0x1B8B  }
0xa2: {  	_ =	swait.ge [sflag:s23], $0x1  }
0xa3: {  	[sflag:s23] =	ssyncset.done $0x0  }
0xa4: {  	s25 =	simm.s32 $0x1B8E;
	s24 =	sld [smem:$0x3FFE];
	[sflag:s23] =	ssyncadd.s32 $0xFFFFFFFF  }
0xa5: {  	s26 =	simm.s32 $execute0_lowered;
	[smem:$0x3FD2] =	sst s25  }
0xa6: {  	s5 =	sshll.u32 s26, $0x1;
	_ =	strace $0x80000049;
	[dreg:$0x1] =	wrdreg $0xFFFFFFFF  }
0xa7: {  	s28 =	simm.s32 $_size_execute0_lowered;
	s3 =	sadd.s32 s3, s5;
	[dreg:$0x0] =	wrdreg $0x0  }
0xa8: {  	s5 =	sshll.u32 s28, $0x1;
	[dreg:$0x2] =	wrdreg s3  }
0xa9: {  	[dreg:$0x3] =	wrdreg s5  }
0xaa: {  	[dreg:$0x4] =	wrdreg $0xC0  }
0xab: {  	_ =	task [dreg:s7], $0x5FFFF  }
0xac: {  	[dreg:$0x1] =	wrdreg $0xFFFFFFFF  }
0xad: {  	[dreg:$0x0] =	wrdreg $0x60  }
0xae: {  	[dreg:$0x2] =	wrdreg s24  }
0xaf: {  	[dreg:$0x3] =	wrdreg s2  }
0xb0: {  	[dreg:$0x4] =	wrdreg $0x9  }
0xb1: {  	_ =	task.clear_ibuf [dreg:s7], $0x5FFFF;
	_ =	strace $0x90000049  }
0xb2: {  	s29 =	simm.s32 $0x9;
	_ =	strace $0x8000004B  }
0xb3: {  	_ =	swait.ge [sflag:s29], $0x1  }
0xb4: {  	[sflag:s29] =	ssyncadd.s32 $0xFFFFFFFF  }
0xb5: {  	_ =	strace $0x9000004B  }
0xb6: {  	_ =	sfence  }
0xb7: {  	s30 =	sld [smem:$0x0];
	_ =	sdelay $0x2  }
0xb8: {  	s31 =	sshll.u32 s1, $0xD;
	s1 =	sshrl.u32 s1, $0x2  }
0xb9: {  	s3 =	sand.u32 $0x4000, s31;
	s1 =	sadd.s32 s1, s30  }
0xba: {  	s0 =	sor.u32 s3, s0;
	s1 =	sshll.u32 s1, $0x11  }
0xbb: {  	s0 =	sor.u32 s1, s0  }
0xbc: {  	s0 =	sadd.s32 $0x8F2B, s0  }
0xbd: {  	[sflag:s0] =	ssyncadd.remote.s32 $0x1  }
0xbe: {  	_ =	sfence.sel $0xFFFF  }
0xbf: {  	[dreg:$0x0] =	wrdreg $0xFFFFFFFF;
	(pc) =	sbr.abs _section_cstart, $3  }
0xc0: {  	[dreg:$0x1] =	wrdreg $0xFFFFFFFF  }
0xc1: {  	_ =	task.clear_ibuf [dreg:s7], $0x2FFFF;
	_ =	strace $0x9FFFFFFF  }
0xc2: {  	(tm) =	ssettm $0x7FFFFFFF  }
0xc3: {  	_ =	shalt  }
tec
execute0_lowered:
.L_overlay_start_1:
0x0: {  	(tag) =	ssettag $0x1  }
0x1: {  	s12 =	rddreg [dreg:$0x0]  }
0x2: {  	s0 =	rddreg [dreg:$0x1]  }
0x3: {  	[dreg:$0x3] =	wrdreg s0  }
0x4: {  	s1 =	simm.s32 $0x0;
	s0 =	rddreg [dreg:$0x2]  }
0x5: {  	[smem:$0x7FF] =	sst s1;
	s2 =	sadd.s32 $0x24A00, s12  }
0x6: {  	s10 =	simm.s32 $0xA00;
	_ =	strace $0x8000004A;
	[dreg:$0x4] =	wrdreg s2  }
0x7: {  	s11 =	simm.s32 $0x1200;
	[dreg:$0x5] =	wrdreg s10  }
0x8: {  	s13 =	simm.s32 $0x1A00;
	[dreg:$0x6] =	wrdreg s11  }
0x9: {  	s14 =	simm.s32 $0x2200;
	[dreg:$0x7] =	wrdreg s13  }
0xa: {  	s15 =	simm.s32 $0x2A00;
	[dreg:$0x8] =	wrdreg s14  }
0xb: {  	s3 =	simm.s32 $0x3200;
	[dreg:$0x9] =	wrdreg s15  }
0xc: {  	s16 =	simm.s32 $0x3A00;
	[dreg:$0xa] =	wrdreg s3  }
0xd: {  	s5 =	simm.s32 $0x4200;
	[dreg:$0xb] =	wrdreg s16  }
0xe: {  	s17 =	simm.s32 $0x4A00;
	[dreg:$0xc] =	wrdreg s5  }
0xf: {  	s18 =	simm.s32 $0x5200;
	[dreg:$0xd] =	wrdreg s17  }
0x10: {  	s20 =	simm.s32 $0x5A00;
	[dreg:$0xe] =	wrdreg s18  }
0x11: {  	s8 =	simm.s32 $0x6200;
	[dreg:$0xf] =	wrdreg s20  }
0x12: {  	s4 =	srdreg.scid;
	s21 =	simm.s32 $0x6A00;
	[dreg:$0x10] =	wrdreg s8  }
0x13: {  	s22 =	simm.s32 $0x7200;
	s23 =	simm.s32 $0x7A00;
	[dreg:$0x11] =	wrdreg s21  }
0x14: {  	s25 =	simm.s32 $0x8A00;
	s26 =	simm.s32 $0x9200;
	[dreg:$0x12] =	wrdreg s22  }
0x15: {  	s28 =	simm.s32 $0x9A00;
	s29 =	simm.s32 $0xA200;
	[dreg:$0x13] =	wrdreg s23  }
0x16: {  	s9 =	simm.s32 $0xAA00;
	s30 =	simm.s32 $0xCA00;
	[dreg:$0x14] =	wrdreg s25  }
0x17: {  	s31 =	simm.s32 $0xD200;
	s6 =	sand.u32 $0x1, s4;
	[dreg:$0x15] =	wrdreg s26  }
0x18: {  	s2 =	sadd.s32 $0x425C00, s12;
	s3 =	stileid.u32;
	[dreg:$0x16] =	wrdreg s28  }
0x19: {  	s7 =	sshll.u32 s6, $0x6;
	s6 =	ssub.s32 $0x2, s6;
	[dreg:$0x17] =	wrdreg s29  }
0x1a: {  	s8 =	sadd.s32 $0x425F00, s12;
	[dreg:$0x18] =	wrdreg s9;
	s10 =	simm.s32 $0xB200  }
0x1b: {  	s9 =	sadd.s32 $0x426000, s12;
	s11 =	simm.s32 $0xBA00;
	[dreg:$0x1c] =	wrdreg s30  }
0x1c: {  	s14 =	simm.s32 $0xC200;
	[dreg:$0x1d] =	wrdreg s31;
	s15 =	simm.s32 $0xDA00  }
0x1d: {  	s17 =	simm.s32 $0xE200;
	s16 =	simm.s32 $0x8200;
	s18 =	simm.s32 $0xF200  }
0x1e: {  	s20 =	simm.s32 $0x1;
	s21 =	simm.s32 $0x2;
	[dreg:$0x19] =	wrdreg s10  }
0x1f: {  	s22 =	simm.s32 $0x0;
	s19 =	sshll.u32 s3, $0x7;
	[dreg:$0x1a] =	wrdreg s11  }
0x20: {  	s24 =	sshrl.u32 s6, $0x1;
	s10 =	sadd.s32 $0x426100, s12;
	[dreg:$0x1b] =	wrdreg s14  }
0x21: {  	s11 =	sadd.s32 $0x426200, s12;
	s14 =	simm.s32 $0x3;
	[dreg:$0x1e] =	wrdreg s15  }
0x22: {  	s15 =	simm.s32 $0x200;
	[dreg:$0x1f] =	wrdreg s17;
	s4 =	sor.u32 s7, s19  }
0x23: {  	v2 =	vlaneseq.u32;
	s13 =	ssub.s32 s6, s24;
	s6 =	sadd.s32 $0x425D00, s12;
	s7 =	sadd.s32 s4, s12  }
0x24: {  	vm0 =	vmmov $0xffff;
	v1 =	vshrl.u32 v2, $0x3;
	s17 =	simm.s32 $0xEA00;
	s19 =	simm.s32 $0xFA00;
	s5 =	sadd.s32 $0x425400, s7  }
0x25: {  	v0 =	vand.u32 $0x7, v2;
	v2 =	vor.u32 $0x8, v2;
	v1 =	vmul.u32 $0x8, v1;
	s13 =	smax.u32 s13, $0x1;
	s7 =	sadd.s32 $0x425E00, s12;
	s12 =	sadd.s32 $0x426300, s12  }
.LBB2_1:
0x26: {  	[tilespmem:s1], [sflag:$0x3] =	stream.linear.gather [hbm4b:s5+s1], $0x200, $0x38;
	[tilespmem:$0x10200] =	vst v63  }
0x27: {  	s24 =	simm.s32 $0x0;
	_ =	swait.ge [sflag:s14], $0x200  }
0x28: {  	s23 =	sand.u32 $0x10, s1;
	s24 =	sand.u32 $0x3FFFFF80, s24;
	[sflag:s14] =	ssyncset.done $0x0  }
0x29: {  	s24 =	sor.u32 s23, s24;
	[sflag:s14] =	ssyncadd.s32 $0xFFFFFE00  }
0x2a: {  	v3 =	vld [tilespmem:s24+$0x0];
	_ =	sdelay $0x4  }
0x2b: {  	v4 =	vshll.u32 v3, $0x4  }
0x2c: {  	v3 =	vand.u32 $0x7, v3;
	v4 =	vand.u32 $0xFFFFFF80, v4  }
0x2d: {  	v3 =	vor.u32 v3, v4  }
0x2e: {  	v4 =	vperm.xlane v3, v0;
	_ =	sdelay $0x1  }
0x2f: {  	v4 =	vadd.s32 v1, v4;
	_ =	sdelay $0x4  }
0x30: {  	[tilespmem:s15], [sflag:$0x1] =	stream.indirect_vreg.gather [hbm4b:s2+s1], $0x80, v4, vm0, $0xb8;
	[tilespmem:$0x10200] =	vst v63  }
0x31: {  	s25 =	rddreg [dreg:$0x5]  }
0x32: {  	[tilespmem:s25], [sflag:$0x1] =	stream.indirect_vreg.gather [hbm4b:s6+s1], $0x80, v4, vm0, $0xb8;
	[tilespmem:$0x10200] =	vst v63  }
0x33: {  	s26 =	rddreg [dreg:$0x6]  }
0x34: {  	[tilespmem:s26], [sflag:$0x1] =	stream.indirect_vreg.gather [hbm4b:s7+s1], $0x80, v4, vm0, $0xb8;
	[tilespmem:$0x10200] =	vst v63  }
0x35: {  	s31 =	rddreg [dreg:$0x7]  }
0x36: {  	[tilespmem:s31], [sflag:$0x1] =	stream.indirect_vreg.gather [hbm4b:s8+s1], $0x80, v4, vm0, $0xb8;
	[tilespmem:$0x10200] =	vst v63  }
0x37: {  	s29 =	rddreg [dreg:$0x8]  }
0x38: {  	[tilespmem:s29], [sflag:$0x1] =	stream.indirect_vreg.gather [hbm4b:s9+s1], $0x80, v4, vm0, $0xb8;
	[tilespmem:$0x10200] =	vst v63  }
0x39: {  	v3 =	vperm.xlane v3, v2;
	s31 =	rddreg [dreg:$0x9]  }
0x3a: {  	[tilespmem:s31], [sflag:$0x1] =	stream.indirect_vreg.gather [hbm4b:s10+s1], $0x80, v4, vm0, $0xb8;
	[tilespmem:$0x10200] =	vst v63  }
0x3b: {  	v3 =	vadd.s32 v1, v3;
	s29 =	rddreg [dreg:$0xa]  }
0x3c: {  	[tilespmem:s29], [sflag:$0x1] =	stream.indirect_vreg.gather [hbm4b:s11+s1], $0x80, v4, vm0, $0xb8;
	[tilespmem:$0x10200] =	vst v63  }
0x3d: {  	s31 =	rddreg [dreg:$0xb]  }
0x3e: {  	[tilespmem:s31], [sflag:$0x1] =	stream.indirect_vreg.gather [hbm4b:s12+s1], $0x80, v4, vm0, $0xb8;
	[tilespmem:$0x10200] =	vst v63  }
0x3f: {  	s29 =	rddreg [dreg:$0xc]  }
0x40: {  	[tilespmem:s29], [sflag:$0x1] =	stream.indirect_vreg.gather [hbm4b:s2+s1], $0x80, v3, vm0, $0xb8;
	[tilespmem:$0x10200] =	vst v63  }
0x41: {  	s31 =	rddreg [dreg:$0xd]  }
0x42: {  	[tilespmem:s31], [sflag:$0x1] =	stream.indirect_vreg.gather [hbm4b:s6+s1], $0x80, v3, vm0, $0xb8;
	[tilespmem:$0x10200] =	vst v63  }
0x43: {  	s29 =	rddreg [dreg:$0xe]  }
0x44: {  	[tilespmem:s29], [sflag:$0x1] =	stream.indirect_vreg.gather [hbm4b:s7+s1], $0x80, v3, vm0, $0xb8;
	[tilespmem:$0x10200] =	vst v63  }
0x45: {  	s31 =	rddreg [dreg:$0xf]  }
0x46: {  	[tilespmem:s31], [sflag:$0x1] =	stream.indirect_vreg.gather [hbm4b:s8+s1], $0x80, v3, vm0, $0xb8;
	[tilespmem:$0x10200] =	vst v63  }
0x47: {  	s29 =	rddreg [dreg:$0x10]  }
0x48: {  	[tilespmem:s29], [sflag:$0x1] =	stream.indirect_vreg.gather [hbm4b:s9+s1], $0x80, v3, vm0, $0xb8;
	[tilespmem:$0x10200] =	vst v63  }
0x49: {  	s31 =	rddreg [dreg:$0x11]  }
0x4a: {  	[tilespmem:s31], [sflag:$0x1] =	stream.indirect_vreg.gather [hbm4b:s10+s1], $0x80, v3, vm0, $0xb8;
	[tilespmem:$0x10200] =	vst v63  }
0x4b: {  	s29 =	rddreg [dreg:$0x12]  }
0x4c: {  	[tilespmem:s29], [sflag:$0x1] =	stream.indirect_vreg.gather [hbm4b:s11+s1], $0x80, v3, vm0, $0xb8;
	[tilespmem:$0x10200] =	vst v63  }
0x4d: {  	s31 =	rddreg [dreg:$0x13]  }
0x4e: {  	[tilespmem:s31], [sflag:$0x1] =	stream.indirect_vreg.gather [hbm4b:s12+s1], $0x80, v3, vm0, $0xb8;
	[tilespmem:$0x10200] =	vst v63  }
0x4f: {  	v3 =	vld [tilespmem:s24+$0x100];
	_ =	sdelay $0x4  }
0x50: {  	v63 =	vshll.u32 v3, $0x4  }
0x51: {  	v3 =	vand.u32 $0x7, v3;
	v4 =	vand.u32 $0xFFFFFF80, v63  }
0x52: {  	v3 =	vor.u32 v3, v4  }
0x53: {  	v4 =	vperm.xlane v3, v0;
	_ =	sdelay $0x1  }
0x54: {  	v4 =	vadd.s32 v1, v4;
	_ =	sdelay $0x4  }
0x55: {  	[tilespmem:s16], [sflag:$0x2] =	stream.indirect_vreg.gather [hbm4b:s2+s1], $0x80, v4, vm0, $0xb8;
	[tilespmem:$0x10200] =	vst v63  }
0x56: {  	s26 =	rddreg [dreg:$0x14]  }
0x57: {  	[tilespmem:s26], [sflag:$0x2] =	stream.indirect_vreg.gather [hbm4b:s6+s1], $0x80, v4, vm0, $0xb8;
	[tilespmem:$0x10200] =	vst v63  }
0x58: {  	s29 =	rddreg [dreg:$0x15]  }
0x59: {  	[tilespmem:s29], [sflag:$0x2] =	stream.indirect_vreg.gather [hbm4b:s7+s1], $0x80, v4, vm0, $0xb8;
	[tilespmem:$0x10200] =	vst v63  }
0x5a: {  	s31 =	rddreg [dreg:$0x16]  }
0x5b: {  	[tilespmem:s31], [sflag:$0x2] =	stream.indirect_vreg.gather [hbm4b:s8+s1], $0x80, v4, vm0, $0xb8;
	[tilespmem:$0x10200] =	vst v63  }
0x5c: {  	s26 =	rddreg [dreg:$0x17]  }
0x5d: {  	[tilespmem:s26], [sflag:$0x2] =	stream.indirect_vreg.gather [hbm4b:s9+s1], $0x80, v4, vm0, $0xb8;
	[tilespmem:$0x10200] =	vst v63  }
0x5e: {  	v3 =	vperm.xlane v3, v2;
	s29 =	rddreg [dreg:$0x18]  }
0x5f: {  	[tilespmem:s29], [sflag:$0x2] =	stream.indirect_vreg.gather [hbm4b:s10+s1], $0x80, v4, vm0, $0xb8;
	[tilespmem:$0x10200] =	vst v63  }
0x60: {  	v3 =	vadd.s32 v1, v3;
	s31 =	rddreg [dreg:$0x19]  }
0x61: {  	[tilespmem:s31], [sflag:$0x2] =	stream.indirect_vreg.gather [hbm4b:s11+s1], $0x80, v4, vm0, $0xb8;
	[tilespmem:$0x10200] =	vst v63  }
0x62: {  	s26 =	rddreg [dreg:$0x1a]  }
0x63: {  	[tilespmem:s26], [sflag:$0x2] =	stream.indirect_vreg.gather [hbm4b:s12+s1], $0x80, v4, vm0, $0xb8;
	[tilespmem:$0x10200] =	vst v63  }
0x64: {  	s29 =	rddreg [dreg:$0x1b]  }
0x65: {  	[tilespmem:s29], [sflag:$0x2] =	stream.indirect_vreg.gather [hbm4b:s2+s1], $0x80, v3, vm0, $0xb8;
	[tilespmem:$0x10200] =	vst v63  }
0x66: {  	s31 =	rddreg [dreg:$0x1c]  }
0x67: {  	[tilespmem:s31], [sflag:$0x2] =	stream.indirect_vreg.gather [hbm4b:s6+s1], $0x80, v3, vm0, $0xb8;
	[tilespmem:$0x10200] =	vst v63  }
0x68: {  	s26 =	rddreg [dreg:$0x1d]  }
0x69: {  	[tilespmem:s26], [sflag:$0x2] =	stream.indirect_vreg.gather [hbm4b:s7+s1], $0x80, v3, vm0, $0xb8;
	[tilespmem:$0x10200] =	vst v63  }
0x6a: {  	s29 =	rddreg [dreg:$0x1e]  }
0x6b: {  	[tilespmem:s29], [sflag:$0x2] =	stream.indirect_vreg.gather [hbm4b:s8+s1], $0x80, v3, vm0, $0xb8;
	[tilespmem:$0x10200] =	vst v63  }
0x6c: {  	s31 =	rddreg [dreg:$0x1f]  }
0x6d: {  	[tilespmem:s31], [sflag:$0x2] =	stream.indirect_vreg.gather [hbm4b:s9+s1], $0x80, v3, vm0, $0xb8;
	[tilespmem:$0x10200] =	vst v63  }
0x6e: {  	s25 =	simm.s32 $0x0  }
0x6f: {  	[tilespmem:s17], [sflag:$0x2] =	stream.indirect_vreg.gather [hbm4b:s10+s1], $0x80, v3, vm0, $0xb8;
	[tilespmem:$0x10200] =	vst v63  }
0x70: {  	s24 =	sand.u32 $0xFFFFFFE0, s25  }
0x71: {  	[tilespmem:s18], [sflag:$0x2] =	stream.indirect_vreg.gather [hbm4b:s11+s1], $0x80, v3, vm0, $0xb8;
	[tilespmem:$0x10200] =	vst v63  }
0x72: {  	s24 =	sadd.s32 s4, s24  }
0x73: {  	[tilespmem:s19], [sflag:$0x2] =	stream.indirect_vreg.gather [hbm4b:s12+s1], $0x80, v3, vm0, $0xb8;
	[tilespmem:$0x10200] =	vst v63  }
0x74: {  	s23 =	sor.u32 s23, s24;
	_ =	swait.ge [sflag:s20], $0x8000  }
0x75: {  	s24 =	sshll.u32 s23, $0x8;
	s26 =	rddreg [dreg:$0x3];
	[sflag:s20] =	ssyncset.done $0x0  }
0x76: {  	[sflag:s20] =	ssyncadd.s32 $0xFFFF8000;
	s23 =	sadd.s32 s26, s24  }
0x77: {  	[hbm4b:s23+s1] =	stream.linear.scatter [tilespmem:s15], [sflag:$0x3], $0x8000, $0x38;
	[tilespmem:$0x10200] =	vst v63  }
0x78: {  	_ =	swait.ge [sflag:s14], $0x8000  }
0x79: {  	[sflag:s14] =	ssyncset.done $0x0  }
0x7a: {  	[sflag:s14] =	ssyncadd.s32 $0xFFFF8000  }
0x7b: {  	_ =	swait.ge [sflag:s21], $0x8000  }
0x7c: {  	s30 =	simm.s32 $0x2;
	s29 =	rddreg [dreg:$0x4];
	[sflag:s21] =	ssyncset.done $0x0  }
0x7d: {  	s31 =	simm.s32 $0x40;
	[sflag:s21] =	ssyncadd.s32 $0xFFFF8000;
	s24 =	sadd.s32 s29, s24  }
0x7e: {  	[hbm4b:s24+s1] =	stream.linear.scatter [tilespmem:s16], [sflag:$0x3], $0x8000, $0x38;
	[tilespmem:$0x10200] =	vst v63  }
0x7f: {  	s25 =	simm.s32 $0x10;
	s28 =	sand.u32 $0x3FFFFF80, s31;
	_ =	swait.ge [sflag:s14], $0x8000  }
0x80: {  	s23 =	simm.s32 $0x1;
	s24 =	sand.u32 $0x10, s25;
	[sflag:s14] =	ssyncset.done $0x0  }
.LBB2_2:
0x81: {  	s29 =	sor.u32 s24, s28;
	[sflag:s14] =	ssyncadd.s32 $0xFFFF8000  }
0x82: {  	v3 =	vld [tilespmem:s29+$0x0];
	_ =	sdelay $0x4  }
0x83: {  	v4 =	vshll.u32 v3, $0x4  }
0x84: {  	v3 =	vand.u32 $0x7, v3;
	v4 =	vand.u32 $0xFFFFFF80, v4  }
0x85: {  	v3 =	vor.u32 v3, v4  }
0x86: {  	v4 =	vperm.xlane v3, v0;
	_ =	sdelay $0x1  }
0x87: {  	v4 =	vadd.s32 v1, v4;
	_ =	sdelay $0x3  }
0x88: {  	s28 =	smov.u32 s30  }
0x89: {  	[tilespmem:s15], [sflag:$0x1] =	stream.indirect_vreg.gather [hbm4b:s2+s1], $0x80, v4, vm0, $0xb8;
	[tilespmem:$0x10200] =	vst v63  }
0x8a: {  	s26 =	sadd.s32 $0x1, s30;
	p0 =	sne.s32 s30, $0x3;
	s30 =	rddreg [dreg:$0x5]  }
0x8b: {  	[tilespmem:s30], [sflag:$0x1] =	stream.indirect_vreg.gather [hbm4b:s6+s1], $0x80, v4, vm0, $0xb8;
	[tilespmem:$0x10200] =	vst v63  }
0x8c: {  	s31 =	rddreg [dreg:$0x6]  }
0x8d: {  	[tilespmem:s31], [sflag:$0x1] =	stream.indirect_vreg.gather [hbm4b:s7+s1], $0x80, v4, vm0, $0xb8;
	[tilespmem:$0x10200] =	vst v63  }
0x8e: {  	s30 =	rddreg [dreg:$0x7]  }
0x8f: {  	[tilespmem:s30], [sflag:$0x1] =	stream.indirect_vreg.gather [hbm4b:s8+s1], $0x80, v4, vm0, $0xb8;
	[tilespmem:$0x10200] =	vst v63  }
0x90: {  	s31 =	rddreg [dreg:$0x8]  }
0x91: {  	[tilespmem:s31], [sflag:$0x1] =	stream.indirect_vreg.gather [hbm4b:s9+s1], $0x80, v4, vm0, $0xb8;
	[tilespmem:$0x10200] =	vst v63  }
0x92: {  	v3 =	vperm.xlane v3, v2;
	s30 =	rddreg [dreg:$0x9]  }
0x93: {  	[tilespmem:s30], [sflag:$0x1] =	stream.indirect_vreg.gather [hbm4b:s10+s1], $0x80, v4, vm0, $0xb8;
	[tilespmem:$0x10200] =	vst v63  }
0x94: {  	v3 =	vadd.s32 v1, v3;
	s31 =	rddreg [dreg:$0xa]  }
0x95: {  	[tilespmem:s31], [sflag:$0x1] =	stream.indirect_vreg.gather [hbm4b:s11+s1], $0x80, v4, vm0, $0xb8;
	[tilespmem:$0x10200] =	vst v63  }
0x96: {  	s30 =	rddreg [dreg:$0xb]  }
0x97: {  	[tilespmem:s30], [sflag:$0x1] =	stream.indirect_vreg.gather [hbm4b:s12+s1], $0x80, v4, vm0, $0xb8;
	[tilespmem:$0x10200] =	vst v63  }
0x98: {  	s31 =	rddreg [dreg:$0xc]  }
0x99: {  	[tilespmem:s31], [sflag:$0x1] =	stream.indirect_vreg.gather [hbm4b:s2+s1], $0x80, v3, vm0, $0xb8;
	[tilespmem:$0x10200] =	vst v63  }
0x9a: {  	s30 =	rddreg [dreg:$0xd]  }
0x9b: {  	[tilespmem:s30], [sflag:$0x1] =	stream.indirect_vreg.gather [hbm4b:s6+s1], $0x80, v3, vm0, $0xb8;
	[tilespmem:$0x10200] =	vst v63  }
0x9c: {  	s31 =	rddreg [dreg:$0xe]  }
0x9d: {  	[tilespmem:s31], [sflag:$0x1] =	stream.indirect_vreg.gather [hbm4b:s7+s1], $0x80, v3, vm0, $0xb8;
	[tilespmem:$0x10200] =	vst v63  }
0x9e: {  	s30 =	rddreg [dreg:$0xf]  }
0x9f: {  	[tilespmem:s30], [sflag:$0x1] =	stream.indirect_vreg.gather [hbm4b:s8+s1], $0x80, v3, vm0, $0xb8;
	[tilespmem:$0x10200] =	vst v63  }
0xa0: {  	s31 =	rddreg [dreg:$0x10]  }
0xa1: {  	[tilespmem:s31], [sflag:$0x1] =	stream.indirect_vreg.gather [hbm4b:s9+s1], $0x80, v3, vm0, $0xb8;
	[tilespmem:$0x10200] =	vst v63  }
0xa2: {  	s30 =	rddreg [dreg:$0x11]  }
0xa3: {  	[tilespmem:s30], [sflag:$0x1] =	stream.indirect_vreg.gather [hbm4b:s10+s1], $0x80, v3, vm0, $0xb8;
	[tilespmem:$0x10200] =	vst v63  }
0xa4: {  	s31 =	rddreg [dreg:$0x12]  }
0xa5: {  	[tilespmem:s31], [sflag:$0x1] =	stream.indirect_vreg.gather [hbm4b:s11+s1], $0x80, v3, vm0, $0xb8;
	[tilespmem:$0x10200] =	vst v63  }
0xa6: {  	s30 =	rddreg [dreg:$0x13]  }
0xa7: {  	[tilespmem:s30], [sflag:$0x1] =	stream.indirect_vreg.gather [hbm4b:s12+s1], $0x80, v3, vm0, $0xb8;
	[tilespmem:$0x10200] =	vst v63  }
0xa8: {  	v3 =	vld [tilespmem:s29+$0x100];
	_ =	sdelay $0x4  }
0xa9: {  	v63 =	vshll.u32 v3, $0x4  }
0xaa: {  	v3 =	vand.u32 $0x7, v3;
	v4 =	vand.u32 $0xFFFFFF80, v63  }
0xab: {  	v3 =	vor.u32 v3, v4  }
0xac: {  	v4 =	vperm.xlane v3, v0;
	_ =	sdelay $0x1  }
0xad: {  	v4 =	vadd.s32 v1, v4;
	_ =	sdelay $0x4  }
0xae: {  	[tilespmem:s16], [sflag:$0x2] =	stream.indirect_vreg.gather [hbm4b:s2+s1], $0x80, v4, vm0, $0xb8;
	[tilespmem:$0x10200] =	vst v63  }
0xaf: {  	s31 =	rddreg [dreg:$0x14]  }
0xb0: {  	[tilespmem:s31], [sflag:$0x2] =	stream.indirect_vreg.gather [hbm4b:s6+s1], $0x80, v4, vm0, $0xb8;
	[tilespmem:$0x10200] =	vst v63  }
0xb1: {  	s30 =	rddreg [dreg:$0x15]  }
0xb2: {  	[tilespmem:s30], [sflag:$0x2] =	stream.indirect_vreg.gather [hbm4b:s7+s1], $0x80, v4, vm0, $0xb8;
	[tilespmem:$0x10200] =	vst v63  }
0xb3: {  	s31 =	rddreg [dreg:$0x16]  }
0xb4: {  	[tilespmem:s31], [sflag:$0x2] =	stream.indirect_vreg.gather [hbm4b:s8+s1], $0x80, v4, vm0, $0xb8;
	[tilespmem:$0x10200] =	vst v63  }
0xb5: {  	s30 =	rddreg [dreg:$0x17]  }
0xb6: {  	[tilespmem:s30], [sflag:$0x2] =	stream.indirect_vreg.gather [hbm4b:s9+s1], $0x80, v4, vm0, $0xb8;
	[tilespmem:$0x10200] =	vst v63  }
0xb7: {  	v3 =	vperm.xlane v3, v2;
	s31 =	rddreg [dreg:$0x18]  }
0xb8: {  	[tilespmem:s31], [sflag:$0x2] =	stream.indirect_vreg.gather [hbm4b:s10+s1], $0x80, v4, vm0, $0xb8;
	[tilespmem:$0x10200] =	vst v63  }
0xb9: {  	v3 =	vadd.s32 v1, v3;
	s30 =	rddreg [dreg:$0x19]  }
0xba: {  	[tilespmem:s30], [sflag:$0x2] =	stream.indirect_vreg.gather [hbm4b:s11+s1], $0x80, v4, vm0, $0xb8;
	[tilespmem:$0x10200] =	vst v63  }
0xbb: {  	s31 =	rddreg [dreg:$0x1a]  }
0xbc: {  	[tilespmem:s31], [sflag:$0x2] =	stream.indirect_vreg.gather [hbm4b:s12+s1], $0x80, v4, vm0, $0xb8;
	[tilespmem:$0x10200] =	vst v63  }
0xbd: {  	s30 =	rddreg [dreg:$0x1b]  }
0xbe: {  	[tilespmem:s30], [sflag:$0x2] =	stream.indirect_vreg.gather [hbm4b:s2+s1], $0x80, v3, vm0, $0xb8;
	[tilespmem:$0x10200] =	vst v63  }
0xbf: {  	s31 =	rddreg [dreg:$0x1c]  }
0xc0: {  	[tilespmem:s31], [sflag:$0x2] =	stream.indirect_vreg.gather [hbm4b:s6+s1], $0x80, v3, vm0, $0xb8;
	[tilespmem:$0x10200] =	vst v63  }
0xc1: {  	s30 =	rddreg [dreg:$0x1d]  }
0xc2: {  	[tilespmem:s30], [sflag:$0x2] =	stream.indirect_vreg.gather [hbm4b:s7+s1], $0x80, v3, vm0, $0xb8;
	[tilespmem:$0x10200] =	vst v63  }
0xc3: {  	s31 =	rddreg [dreg:$0x1e]  }
0xc4: {  	[tilespmem:s31], [sflag:$0x2] =	stream.indirect_vreg.gather [hbm4b:s8+s1], $0x80, v3, vm0, $0xb8;
	[tilespmem:$0x10200] =	vst v63  }
0xc5: {  	s30 =	rddreg [dreg:$0x1f]  }
0xc6: {  	[tilespmem:s30], [sflag:$0x2] =	stream.indirect_vreg.gather [hbm4b:s9+s1], $0x80, v3, vm0, $0xb8;
	[tilespmem:$0x10200] =	vst v63  }
0xc7: {  	s31 =	sshll.u32 s23, $0x4  }
0xc8: {  	[tilespmem:s17], [sflag:$0x2] =	stream.indirect_vreg.gather [hbm4b:s10+s1], $0x80, v3, vm0, $0xb8;
	[tilespmem:$0x10200] =	vst v63  }
0xc9: {  	s23 =	smov.u32 s28;
	s28 =	sand.u32 $0xFFFFFFE0, s31  }
0xca: {  	[tilespmem:s18], [sflag:$0x2] =	stream.indirect_vreg.gather [hbm4b:s11+s1], $0x80, v3, vm0, $0xb8;
	[tilespmem:$0x10200] =	vst v63  }
0xcb: {  	s28 =	sadd.s32 s4, s28  }
0xcc: {  	[tilespmem:s19], [sflag:$0x2] =	stream.indirect_vreg.gather [hbm4b:s12+s1], $0x80, v3, vm0, $0xb8;
	[tilespmem:$0x10200] =	vst v63  }
0xcd: {  	s31 =	sor.u32 s24, s28;
	_ =	swait.ge [sflag:s20], $0x8000  }
0xce: {  	s24 =	sshll.u32 s31, $0x8;
	s29 =	rddreg [dreg:$0x3];
	[sflag:s20] =	ssyncset.done $0x0  }
0xcf: {  	[sflag:s20] =	ssyncadd.s32 $0xFFFF8000;
	s28 =	sadd.s32 s29, s24  }
0xd0: {  	[hbm4b:s28+s1] =	stream.linear.scatter [tilespmem:s15], [sflag:$0x3], $0x8000, $0x38;
	[tilespmem:$0x10200] =	vst v63  }
0xd1: {  	_ =	swait.ge [sflag:s14], $0x8000  }
0xd2: {  	[sflag:s14] =	ssyncset.done $0x0  }
0xd3: {  	[sflag:s14] =	ssyncadd.s32 $0xFFFF8000  }
0xd4: {  	_ =	swait.ge [sflag:s21], $0x8000  }
.Ltmp0:
0xd5: {  	s28 =	rddreg [dreg:$0x4];
	[sflag:s21] =	ssyncset.done $0x0;
	(pc) =	sbr.rel @p0 .LBB2_2-.Ltmp0, $4  }
0xd6: {  	s25 =	sadd.s32 $0x10, s25;
	[sflag:s21] =	ssyncadd.s32 $0xFFFF8000;
	s24 =	sadd.s32 s28, s24  }
0xd7: {  	[hbm4b:s24+s1] =	stream.linear.scatter [tilespmem:s16], [sflag:$0x3], $0x8000, $0x38;
	[tilespmem:$0x10200] =	vst v63  }
0xd8: {  	s30 =	smov.u32 s26;
	s28 =	sshll.u32 s23, $0x6;
	_ =	swait.ge [sflag:s14], $0x8000  }
0xd9: {  	s24 =	sand.u32 $0x10, s25;
	s28 =	sand.u32 $0x3FFFFF80, s28;
	[sflag:s14] =	ssyncset.done $0x0  }
0xda: {  	s25 =	sor.u32 s24, s28;
	[sflag:s14] =	ssyncadd.s32 $0xFFFF8000  }
0xdb: {  	v3 =	vld [tilespmem:s25+$0x0];
	_ =	sdelay $0x4  }
0xdc: {  	v4 =	vshll.u32 v3, $0x4  }
0xdd: {  	v3 =	vand.u32 $0x7, v3;
	v4 =	vand.u32 $0xFFFFFF80, v4  }
0xde: {  	v3 =	vor.u32 v3, v4  }
0xdf: {  	v4 =	vperm.xlane v3, v0;
	_ =	sdelay $0x1  }
0xe0: {  	v4 =	vadd.s32 v1, v4;
	_ =	sdelay $0x4  }
0xe1: {  	[tilespmem:s15], [sflag:$0x1] =	stream.indirect_vreg.gather [hbm4b:s2+s1], $0x80, v4, vm0, $0xb8;
	[tilespmem:$0x10200] =	vst v63  }
0xe2: {  	s26 =	rddreg [dreg:$0x5]  }
0xe3: {  	[tilespmem:s26], [sflag:$0x1] =	stream.indirect_vreg.gather [hbm4b:s6+s1], $0x80, v4, vm0, $0xb8;
	[tilespmem:$0x10200] =	vst v63  }
0xe4: {  	s30 =	rddreg [dreg:$0x6]  }
0xe5: {  	[tilespmem:s30], [sflag:$0x1] =	stream.indirect_vreg.gather [hbm4b:s7+s1], $0x80, v4, vm0, $0xb8;
	[tilespmem:$0x10200] =	vst v63  }
0xe6: {  	s31 =	rddreg [dreg:$0x7]  }
0xe7: {  	[tilespmem:s31], [sflag:$0x1] =	stream.indirect_vreg.gather [hbm4b:s8+s1], $0x80, v4, vm0, $0xb8;
	[tilespmem:$0x10200] =	vst v63  }
0xe8: {  	s29 =	rddreg [dreg:$0x8]  }
0xe9: {  	[tilespmem:s29], [sflag:$0x1] =	stream.indirect_vreg.gather [hbm4b:s9+s1], $0x80, v4, vm0, $0xb8;
	[tilespmem:$0x10200] =	vst v63  }
0xea: {  	v3 =	vperm.xlane v3, v2;
	s30 =	rddreg [dreg:$0x9]  }
0xeb: {  	[tilespmem:s30], [sflag:$0x1] =	stream.indirect_vreg.gather [hbm4b:s10+s1], $0x80, v4, vm0, $0xb8;
	[tilespmem:$0x10200] =	vst v63  }
0xec: {  	v3 =	vadd.s32 v1, v3;
	s31 =	rddreg [dreg:$0xa]  }
0xed: {  	[tilespmem:s31], [sflag:$0x1] =	stream.indirect_vreg.gather [hbm4b:s11+s1], $0x80, v4, vm0, $0xb8;
	[tilespmem:$0x10200] =	vst v63  }
0xee: {  	s29 =	rddreg [dreg:$0xb]  }
0xef: {  	[tilespmem:s29], [sflag:$0x1] =	stream.indirect_vreg.gather [hbm4b:s12+s1], $0x80, v4, vm0, $0xb8;
	[tilespmem:$0x10200] =	vst v63  }
0xf0: {  	s30 =	rddreg [dreg:$0xc]  }
0xf1: {  	[tilespmem:s30], [sflag:$0x1] =	stream.indirect_vreg.gather [hbm4b:s2+s1], $0x80, v3, vm0, $0xb8;
	[tilespmem:$0x10200] =	vst v63  }
0xf2: {  	s31 =	rddreg [dreg:$0xd]  }
0xf3: {  	[tilespmem:s31], [sflag:$0x1] =	stream.indirect_vreg.gather [hbm4b:s6+s1], $0x80, v3, vm0, $0xb8;
	[tilespmem:$0x10200] =	vst v63  }
0xf4: {  	s29 =	rddreg [dreg:$0xe]  }
0xf5: {  	[tilespmem:s29], [sflag:$0x1] =	stream.indirect_vreg.gather [hbm4b:s7+s1], $0x80, v3, vm0, $0xb8;
	[tilespmem:$0x10200] =	vst v63  }
0xf6: {  	s30 =	rddreg [dreg:$0xf]  }
0xf7: {  	[tilespmem:s30], [sflag:$0x1] =	stream.indirect_vreg.gather [hbm4b:s8+s1], $0x80, v3, vm0, $0xb8;
	[tilespmem:$0x10200] =	vst v63  }
0xf8: {  	s31 =	rddreg [dreg:$0x10]  }
0xf9: {  	[tilespmem:s31], [sflag:$0x1] =	stream.indirect_vreg.gather [hbm4b:s9+s1], $0x80, v3, vm0, $0xb8;
	[tilespmem:$0x10200] =	vst v63  }
0xfa: {  	s29 =	rddreg [dreg:$0x11]  }
0xfb: {  	[tilespmem:s29], [sflag:$0x1] =	stream.indirect_vreg.gather [hbm4b:s10+s1], $0x80, v3, vm0, $0xb8;
	[tilespmem:$0x10200] =	vst v63  }
0xfc: {  	s30 =	rddreg [dreg:$0x12]  }
0xfd: {  	[tilespmem:s30], [sflag:$0x1] =	stream.indirect_vreg.gather [hbm4b:s11+s1], $0x80, v3, vm0, $0xb8;
	[tilespmem:$0x10200] =	vst v63  }
0xfe: {  	s31 =	rddreg [dreg:$0x13]  }
0xff: {  	[tilespmem:s31], [sflag:$0x1] =	stream.indirect_vreg.gather [hbm4b:s12+s1], $0x80, v3, vm0, $0xb8;
	[tilespmem:$0x10200] =	vst v63  }
0x100: {  	v3 =	vld [tilespmem:s25+$0x100];
	_ =	sdelay $0x4  }
0x101: {  	v63 =	vshll.u32 v3, $0x4  }
0x102: {  	v3 =	vand.u32 $0x7, v3;
	v4 =	vand.u32 $0xFFFFFF80, v63  }
0x103: {  	v3 =	vor.u32 v3, v4  }
0x104: {  	v4 =	vperm.xlane v3, v0;
	_ =	sdelay $0x1  }
0x105: {  	v4 =	vadd.s32 v1, v4;
	_ =	sdelay $0x4  }
0x106: {  	[tilespmem:s16], [sflag:$0x2] =	stream.indirect_vreg.gather [hbm4b:s2+s1], $0x80, v4, vm0, $0xb8;
	[tilespmem:$0x10200] =	vst v63  }
0x107: {  	s29 =	rddreg [dreg:$0x14]  }
0x108: {  	[tilespmem:s29], [sflag:$0x2] =	stream.indirect_vreg.gather [hbm4b:s6+s1], $0x80, v4, vm0, $0xb8;
	[tilespmem:$0x10200] =	vst v63  }
0x109: {  	s30 =	rddreg [dreg:$0x15]  }
0x10a: {  	[tilespmem:s30], [sflag:$0x2] =	stream.indirect_vreg.gather [hbm4b:s7+s1], $0x80, v4, vm0, $0xb8;
	[tilespmem:$0x10200] =	vst v63  }
0x10b: {  	s31 =	rddreg [dreg:$0x16]  }
0x10c: {  	[tilespmem:s31], [sflag:$0x2] =	stream.indirect_vreg.gather [hbm4b:s8+s1], $0x80, v4, vm0, $0xb8;
	[tilespmem:$0x10200] =	vst v63  }
0x10d: {  	s28 =	rddreg [dreg:$0x17]  }
0x10e: {  	[tilespmem:s28], [sflag:$0x2] =	stream.indirect_vreg.gather [hbm4b:s9+s1], $0x80, v4, vm0, $0xb8;
	[tilespmem:$0x10200] =	vst v63  }
0x10f: {  	v3 =	vperm.xlane v3, v2;
	s29 =	rddreg [dreg:$0x18]  }
0x110: {  	[tilespmem:s29], [sflag:$0x2] =	stream.indirect_vreg.gather [hbm4b:s10+s1], $0x80, v4, vm0, $0xb8;
	[tilespmem:$0x10200] =	vst v63  }
0x111: {  	v3 =	vadd.s32 v1, v3;
	s30 =	rddreg [dreg:$0x19]  }
0x112: {  	[tilespmem:s30], [sflag:$0x2] =	stream.indirect_vreg.gather [hbm4b:s11+s1], $0x80, v4, vm0, $0xb8;
	[tilespmem:$0x10200] =	vst v63  }
0x113: {  	s31 =	rddreg [dreg:$0x1a]  }
0x114: {  	[tilespmem:s31], [sflag:$0x2] =	stream.indirect_vreg.gather [hbm4b:s12+s1], $0x80, v4, vm0, $0xb8;
	[tilespmem:$0x10200] =	vst v63  }
0x115: {  	s28 =	rddreg [dreg:$0x1b]  }
0x116: {  	[tilespmem:s28], [sflag:$0x2] =	stream.indirect_vreg.gather [hbm4b:s2+s1], $0x80, v3, vm0, $0xb8;
	[tilespmem:$0x10200] =	vst v63  }
0x117: {  	s29 =	rddreg [dreg:$0x1c]  }
0x118: {  	[tilespmem:s29], [sflag:$0x2] =	stream.indirect_vreg.gather [hbm4b:s6+s1], $0x80, v3, vm0, $0xb8;
	[tilespmem:$0x10200] =	vst v63  }
0x119: {  	s30 =	rddreg [dreg:$0x1d]  }
0x11a: {  	[tilespmem:s30], [sflag:$0x2] =	stream.indirect_vreg.gather [hbm4b:s7+s1], $0x80, v3, vm0, $0xb8;
	[tilespmem:$0x10200] =	vst v63  }
0x11b: {  	s31 =	rddreg [dreg:$0x1e]  }
0x11c: {  	[tilespmem:s31], [sflag:$0x2] =	stream.indirect_vreg.gather [hbm4b:s8+s1], $0x80, v3, vm0, $0xb8;
	[tilespmem:$0x10200] =	vst v63  }
0x11d: {  	s28 =	rddreg [dreg:$0x1f]  }
0x11e: {  	[tilespmem:s28], [sflag:$0x2] =	stream.indirect_vreg.gather [hbm4b:s9+s1], $0x80, v3, vm0, $0xb8;
	[tilespmem:$0x10200] =	vst v63  }
0x11f: {  	s23 =	sshll.u32 s23, $0x4  }
0x120: {  	[tilespmem:s17], [sflag:$0x2] =	stream.indirect_vreg.gather [hbm4b:s10+s1], $0x80, v3, vm0, $0xb8;
	[tilespmem:$0x10200] =	vst v63  }
0x121: {  	s23 =	sand.u32 $0xFFFFFFE0, s23  }
0x122: {  	[tilespmem:s18], [sflag:$0x2] =	stream.indirect_vreg.gather [hbm4b:s11+s1], $0x80, v3, vm0, $0xb8;
	[tilespmem:$0x10200] =	vst v63  }
0x123: {  	s23 =	sadd.s32 s4, s23  }
0x124: {  	[tilespmem:s19], [sflag:$0x2] =	stream.indirect_vreg.gather [hbm4b:s12+s1], $0x80, v3, vm0, $0xb8;
	[tilespmem:$0x10200] =	vst v63  }
0x125: {  	s23 =	sor.u32 s24, s23;
	_ =	swait.ge [sflag:s20], $0x8000  }
0x126: {  	s23 =	sshll.u32 s23, $0x8;
	s29 =	rddreg [dreg:$0x3];
	[sflag:s20] =	ssyncset.done $0x0  }
0x127: {  	[sflag:s20] =	ssyncadd.s32 $0xFFFF8000;
	s30 =	sadd.s32 s29, s23  }
0x128: {  	[hbm4b:s30+s1] =	stream.linear.scatter [tilespmem:s15], [sflag:$0x3], $0x8000, $0x38;
	[tilespmem:$0x10200] =	vst v63  }
0x129: {  	_ =	swait.ge [sflag:s14], $0x8000  }
0x12a: {  	[sflag:s14] =	ssyncset.done $0x0  }
0x12b: {  	[sflag:s14] =	ssyncadd.s32 $0xFFFF8000  }
0x12c: {  	s22 =	sadd.s32 $0x1, s22;
	_ =	swait.ge [sflag:s21], $0x8000  }
0x12d: {  	p0 =	sne.s32 s22, s13;
	s31 =	rddreg [dreg:$0x4];
	[sflag:s21] =	ssyncset.done $0x0  }
.Ltmp1:
0x12e: {  	[sflag:s21] =	ssyncadd.s32 $0xFFFF8000;
	s23 =	sadd.s32 s31, s23;
	(pc) =	sbr.rel @p0 .LBB2_1-.Ltmp1, $4  }
0x12f: {  	[hbm4b:s23+s1] =	stream.linear.scatter [tilespmem:s16], [sflag:$0x3], $0x8000, $0x38;
	[tilespmem:$0x10200] =	vst v63  }
0x130: {  	_ =	swait.ge [sflag:s14], $0x8000  }
0x131: {  	[sflag:s14] =	ssyncset.done $0x0  }
0x132: {  	[sflag:s14] =	ssyncadd.s32 $0xFFFF8000  }
0x133: {  	_ =	sfence.sel $0x180000  }
0x134: {  	[bflag:$0x0] =	sbarrier.arrive $0xFFFF  }
0x135: {  	p0 =	sne.s32 s3, $0x0;
	_ =	strace $0x9000004A  }
0x136: {  	s0 =	sadd.s32 @!p0 $0x100000, s0;
	[bflag:$0x2] =	sbarrier.arrive $0xFFFF  }
0x137: {  	[sflag:s0] =	ssyncadd.tile.s32 @!p0 $0x1;
	_ =	shalt  }
.Lfunc_end2:
_tile_overlayer_lowered:
.L_overlay_start_2:
0x138: {  	(tag) =	ssettag $0x2  }
0x139: {  	s0 =	rddreg [dreg:$0x0];
	s2 =	stileid.u32  }
0x13a: {  	s1 =	rddreg [dreg:$0x1];
	p0 =	sne.s32 s2, $0x0  }
0x13b: {  	s3 =	rddreg [dreg:$0x2];
	[bflag:$0x3] =	sbarrier.arrive $0xFFFF;
	s2 =	simm.s32 @!p0 $0x1C03  }
0x13c: {  	[timem:s3], [sflag:s2] =	dma.local @!p0 [hbm:s0], s1  }
0x13d: {  	s0 =	simm.s32 @!p0 $0x3  }
0x13e: {  	_ =	swait.ge @!p0 [sflag:s0], s1  }
0x13f: {  	s1 =	ssub.s32 @!p0 $0x0, s1;
	[sflag:s0] =	ssyncset.done @!p0 $0x0  }
0x140: {  	[sflag:s0] =	ssyncadd.s32 @!p0 s1  }
0x141: {  	[bflag:$0x3] =	sbarrier.arrive $0xFFFF  }
0x142: {  	_ =	shalt  }

// kernel: kernel.19.cloned.1.call-start
scs
__scs_entry_jumppad:
0x0: {  	(pc) =	sbr.rel $0x88, $3  }
0x1: {  	(tag) =	ssettag $0x0;
	lr =	simm.s32 $0x1  }
0x2: {  	[smem:$0x3F9D] =	sst lr;
	_ =	strace $0xD0000000  }
0x3: {  	_ = 	snop  }
0x4: {  	_ = 	snop  }
0x5: {  	_ = 	snop  }
0x6: {  	_ = 	snop  }
0x7: {  	_ = 	snop  }
__scs_overlays_trampoline_lowered:
0x8: {  	[smem:$0x3FAC] =	sst s0  }
0x9: {  	[smem:$0x3FAD] =	sst s1  }
0xa: {  	[smem:$0x3FAE] =	sst s2  }
0xb: {  	[smem:$0x3FAF] =	sst s3  }
0xc: {  	[smem:$0x3FB0] =	sst s4  }
0xd: {  	[smem:$0x3FB1] =	sst s5  }
0xe: {  	[smem:$0x3FB2] =	sst s6  }
0xf: {  	[smem:$0x3FB3] =	sst s7  }
0x10: {  	[smem:$0x3FB4] =	sst s8  }
0x11: {  	[smem:$0x3FB5] =	sst s9;
	s0 =	simm.s32 @!p0 $0x0  }
0x12: {  	s1 =	sld [smem:$0x3F9B];
	s0 =	simm.s32 @p0 $0x1  }
0x13: {  	[smem:$0x3FB6] =	sst s0;
	s0 =	simm.s32 @!p1 $0x0  }
0x14: {  	s2 =	sld [smem:$0x3F9A];
	s0 =	simm.s32 @p1 $0x1  }
0x15: {  	[smem:$0x3FB7] =	sst s0;
	s0 =	simm.s32 @!p2 $0x0  }
0x16: {  	s3 =	sld [smem:$0x3FDB];
	s0 =	simm.s32 @p2 $0x1  }
0x17: {  	s4 =	simm.s32 $0x1BF5;
	[smem:$0x3FB9] =	sst s0  }
0x18: {  	s0 =	sld [smem:$0x3F9C];
	_ =	swait.ge [sflag:s4], $0x0  }
0x19: {  	s7 =	sld [smem:$0x3F9D]  }
0x1a: {  	s8 =	sadd.s32 $0xFFFFE003, lr  }
0x1b: {  	s9 =	sadd.s32 $0xFFFFFEF7, lr;
	s5 =	simm.s32 $0xFFFFFFFF;
	p2 =	slt.u32 s8, $0xFFFFF086  }
0x1c: {  	p1 =	slt.u32 s9, $0xF7A;
	s5 =	simm.s32 @!p2 $0x0  }
0x1d: {  	s5 =	simm.s32 @p1 $0x1;
	p0 =	seq.s32 s7, s2  }
0x1e: {  	s7 =	smul.u32 @!p0 $0xF7A, s2;
	p2 =	seq.s32 @!p0 s5, $0x0  }
0x1f: {  	s9 =	smul.u32 $0xF7A, s1;
	s8 =	simm.s32 @!p0 $0x1BF5;
	p2 =	por !p2, p0  }
0x20: {  	[sflag:s8] =	ssyncset.s32 @!p0 $0xFFFFF086;
	s6 =	sadd.s32 @!p0 s3, s7;
	s7 =	simm.s32 @!p0 $0x108  }
0x21: {  	s3 =	sadd.s32 s3, s9;
	s6 =	sadd.s32 @!p0 $0x88, s6;
	s7 =	simm.s32 @p2 $0x1082  }
0x22: {  	[simem:s7], [sflag:s8] =	dma.local @!p0 [hbm:s6], $0xF7A  }
0x23: {  	s9 =	sor.u32 $0xD0000000, s2;
	s6 =	simm.s32 $0x108;
	_ =	swait.ge @!p0 [sflag:s8], $0x0  }
0x24: {  	s3 =	sadd.s32 $0x88, s3;
	s6 =	simm.s32 @!p1 $0x1082;
	[sflag:s4] =	ssyncset.s32 $0xFFFFF086  }
0x25: {  	[simem:s6], [sflag:s4] =	dma.local [hbm:s3], $0xF7A  }
0x26: {  	[smem:$0x3F9D] =	sst s1;
	(tag) =	ssettag s2;
	_ =	strace s9  }
0x27: {  	s1 =	sld [smem:$0x3FAD]  }
0x28: {  	s2 =	sld [smem:$0x3FAE]  }
0x29: {  	s4 =	sld [smem:$0x3FB0]  }
0x2a: {  	p0 =	seq.s32 s5, $0x0;
	s5 =	sld [smem:$0x3FB1]  }
0x2b: {  	s6 =	sld [smem:$0x3FB2]  }
0x2c: {  	s7 =	sld [smem:$0x3FB3]  }
0x2d: {  	s3 =	simm.s32 $0x108;
	s8 =	sld [smem:$0x3FB4]  }
0x2e: {  	s3 =	simm.s32 @!p0 $0x1082;
	s9 =	sld [smem:$0x3FB5]  }
0x2f: {  	lr =	sadd.s32 s0, s3;
	s0 =	sld [smem:$0x3FAC]  }
0x30: {  	s3 =	sld [smem:$0x3FAF]  }
0x31: {  	[smem:$0x3FB8] =	sst s10  }
0x32: {  	s10 =	sld [smem:$0x3FB6];
	_ =	sdelay $0x3  }
0x33: {  	p0 =	seq.s32 s10, $0x1;
	s10 =	sld [smem:$0x3FB8];
	_ =	sdelay $0x3  }
0x34: {  	[smem:$0x3FB8] =	sst s10  }
0x35: {  	s10 =	sld [smem:$0x3FB7];
	_ =	sdelay $0x3  }
0x36: {  	p1 =	seq.s32 s10, $0x1;
	s10 =	sld [smem:$0x3FB8];
	_ =	sdelay $0x3  }
0x37: {  	[smem:$0x3FB8] =	sst s10  }
0x38: {  	s10 =	sld [smem:$0x3FB9]  }
0x39: {  	_ = 	snop;
	(pc) =	sbr.ind lr, $3  }
0x3a: {  	_ = 	snop  }
0x3b: {  	_ = 	snop  }
0x3c: {  	p2 =	seq.s32 s10, $0x1;
	s10 =	sld [smem:$0x3FB8]  }
0x3d: {  	_ =	shalt  }
0x3e: {  	_ =	shalt  }
0x3f: {  	_ =	shalt  }
0x40: {  	_ =	shalt  }
0x41: {  	_ =	shalt  }
0x42: {  	_ =	shalt  }
0x43: {  	_ =	shalt  }
0x44: {  	_ =	shalt  }
0x45: {  	_ =	shalt  }
0x46: {  	_ =	shalt  }
0x47: {  	_ =	shalt  }
0x48: {  	_ =	shalt  }
0x49: {  	_ =	shalt  }
0x4a: {  	_ =	shalt  }
0x4b: {  	_ =	shalt  }
0x4c: {  	_ =	shalt  }
0x4d: {  	_ =	shalt  }
0x4e: {  	_ =	shalt  }
0x4f: {  	_ =	shalt  }
0x50: {  	_ =	shalt  }
0x51: {  	_ =	shalt  }
0x52: {  	_ =	shalt  }
0x53: {  	_ =	shalt  }
0x54: {  	_ =	shalt  }
0x55: {  	_ =	shalt  }
0x56: {  	_ =	shalt  }
0x57: {  	_ =	shalt  }
0x58: {  	_ =	shalt  }
0x59: {  	_ =	shalt  }
0x5a: {  	_ =	shalt  }
0x5b: {  	_ =	shalt  }
0x5c: {  	_ =	shalt  }
0x5d: {  	_ =	shalt  }
0x5e: {  	_ =	shalt  }
0x5f: {  	_ =	shalt  }
0x60: {  	_ =	shalt  }
0x61: {  	_ =	shalt  }
0x62: {  	_ =	shalt  }
0x63: {  	_ =	shalt  }
0x64: {  	_ =	shalt  }
0x65: {  	_ =	shalt  }
0x66: {  	_ =	shalt  }
0x67: {  	_ =	shalt  }
0x68: {  	_ =	shalt  }
0x69: {  	_ =	shalt  }
0x6a: {  	_ =	shalt  }
0x6b: {  	_ =	shalt  }
0x6c: {  	_ =	shalt  }
0x6d: {  	_ =	shalt  }
0x6e: {  	_ =	shalt  }
0x6f: {  	_ =	shalt  }
0x70: {  	_ =	shalt  }
0x71: {  	_ =	shalt  }
0x72: {  	_ =	shalt  }
0x73: {  	_ =	shalt  }
0x74: {  	_ =	shalt  }
0x75: {  	_ =	shalt  }
0x76: {  	_ =	shalt  }
0x77: {  	_ =	shalt  }
0x78: {  	_ =	shalt  }
0x79: {  	_ =	shalt  }
0x7a: {  	_ =	shalt  }
0x7b: {  	_ =	shalt  }
0x7c: {  	_ =	shalt  }
0x7d: {  	_ =	shalt  }
0x7e: {  	_ =	shalt  }
0x7f: {  	_ =	shalt  }
0x80: {  	_ =	shalt  }
0x81: {  	_ =	shalt  }
0x82: {  	_ =	shalt  }
0x83: {  	_ =	shalt  }
0x84: {  	_ =	shalt  }
0x85: {  	_ =	shalt  }
0x86: {  	_ =	shalt  }
0x87: {  	_ =	shalt  }
.Lfunc_end0:
.L_simem_size_0:
called_computation.2_lowered:
.L_overlay_start_0:
0x88: {  	s2 =	sld [smem:$0x3FD9]  }
0x89: {  	s3 =	sld [smem:$0x3FFE];
	_ =	sdelay $0x1  }
0x8a: {  	s1 =	srdreg.scid  }
0x8b: {  	s0 =	sand.u32 $0x1, s1  }
0x8c: {  	s17 =	sshll.u32 s0, $0xA;
	s2 =	sadd.s32 s3, s2  }
0x8d: {  	s2 =	sadd.s32 s2, s17  }
0x8e: {  	[smem:$0x3FC4] =	sst s2  }
0x8f: {  	_ = 	snop  }
0x90: {  	(tm) =	ssettm $0x1  }
0x91: {  	s18 =	sld [smem:$0x3FFB];
	_ =	sdelay $0x3  }
0x92: {  	_ =	strace s18  }
0x93: {  	s2 =	sld [smem:$0x3FFC];
	_ =	sdelay $0x3  }
0x94: {  	_ =	strace s2  }
0x95: {  	s2 =	sld [smem:$0x3FFD];
	_ =	sdelay $0x3  }
0x96: {  	_ =	strace s2  }
0x97: {  	_ =	strace $0x8FFFFFFF  }
0x98: {  	s19 =	sld [smem:$0x3FDB];
	_ =	sdelay $0x1  }
0x99: {  	s20 =	simm.s32 $_scs_section_size  }
0x9a: {  	s4 =	simm.s32 $_size__tile_overlayer_lowered;
	s5 =	simm.s32 $_tile_overlayer_lowered  }
0x9b: {  	s6 =	simm.s32 $0x1BFF;
	s21 =	sshll.u32 s5, $0x1;
	s3 =	sadd.s32 s20, s19  }
0x9c: {  	s22 =	simm.s32 $0x0;
	s4 =	sshll.u32 s4, $0x1;
	s5 =	sadd.s32 s21, s3  }
0x9d: {  	[timem:s22], [sflag:s6] =	dma.local [hbm:s5], s4  }
0x9e: {  	_ =	swait.ge [sflag:s6], s4  }
0x9f: {  	s4 =	ssub.s32 $0x0, s4;
	[sflag:s6] =	ssyncset.done $0x0  }
0xa0: {  	[sflag:s6] =	ssyncadd.s32 s4;
	_ =	sdelay $0x1  }
0xa1: {  	s23 =	simm.s32 $0x1B8B  }
0xa2: {  	_ =	swait.ge [sflag:s23], $0x1  }
0xa3: {  	[sflag:s23] =	ssyncset.done $0x0  }
0xa4: {  	[sflag:s23] =	ssyncadd.s32 $0xFFFFFFFF  }
0xa5: {  	s4 =	sld [smem:$0x0]  }
0xa6: {  	s5 =	sand.u32 $0xFFFFFFFE, s1  }
0xa7: {  	p0 =	sne.s32 s1, s5  }
0xa8: {  	s5 =	sshll.u32 @p0 s5, $0xE  }
0xa9: {  	s5 =	sadd.s32 @p0 $0x11B8D, s5;
	s6 =	sshll.u32 @p0 s4, $0x11  }
0xaa: {  	s5 =	sor.u32 @p0 s6, s5  }
0xab: {  	[sflag:s5] =	ssyncadd.remote.s32 @p0 $0x1;
	_ =	sdelay $0x1  }
0xac: {  	s5 =	simm.s32 @p0 $0x1B8D  }
0xad: {  	_ =	swait.eq @p0 [sflag:s5], $0x1  }
0xae: {  	[sflag:s5] =	ssyncadd.s32 @p0 $0xFFFFFFFF  }
0xaf: {  	s6 =	sshll.u32 @!p0 s1, $0xE  }
0xb0: {  	s6 =	sor.u32 @!p0 $0x4000, s6;
	s5 =	simm.s32 @!p0 $0x1B8D  }
0xb1: {  	s4 =	sshll.u32 @!p0 s4, $0x11;
	s6 =	sadd.s32 @!p0 $0x11B8D, s6;
	_ =	swait.eq @!p0 [sflag:s5], $0x1  }
0xb2: {  	s4 =	sor.u32 @!p0 s4, s6;
	[sflag:s5] =	ssyncadd.s32 @!p0 $0xFFFFFFFF  }
0xb3: {  	s25 =	simm.s32 $0x1B8E;
	s24 =	sld [smem:$0x3FFE];
	[sflag:s4] =	ssyncadd.remote.s32 @!p0 $0x1  }
0xb4: {  	s26 =	simm.s32 $execute0_lowered;
	[smem:$0x3FD2] =	sst s25  }
0xb5: {  	s5 =	sshll.u32 s26, $0x1;
	_ =	strace $0x8000004C;
	[dreg:$0x1] =	wrdreg $0xFFFFFFFF  }
0xb6: {  	s28 =	simm.s32 $_size_execute0_lowered;
	s3 =	sadd.s32 s3, s5;
	[dreg:$0x0] =	wrdreg $0x0  }
0xb7: {  	s5 =	sshll.u32 s28, $0x1;
	[dreg:$0x2] =	wrdreg s3  }
0xb8: {  	[dreg:$0x3] =	wrdreg s5  }
0xb9: {  	[dreg:$0x4] =	wrdreg $0xC0  }
0xba: {  	_ =	task [dreg:s22], $0x5FFFF  }
0xbb: {  	[dreg:$0x1] =	wrdreg $0xFFFFFFFF  }
0xbc: {  	[dreg:$0x0] =	wrdreg $0x60  }
0xbd: {  	[dreg:$0x2] =	wrdreg s24  }
0xbe: {  	[dreg:$0x3] =	wrdreg $0xA  }
0xbf: {  	_ =	task.clear_ibuf [dreg:s22], $0x4FFFF;
	_ =	strace $0x9000004C  }
0xc0: {  	s29 =	simm.s32 $0xA;
	_ =	strace $0x8000004E  }
0xc1: {  	_ =	swait.ge [sflag:s29], $0x1  }
0xc2: {  	[sflag:s29] =	ssyncadd.s32 $0xFFFFFFFF  }
0xc3: {  	_ =	strace $0x9000004E  }
0xc4: {  	_ =	sfence  }
0xc5: {  	s30 =	sld [smem:$0x0];
	_ =	sdelay $0x2  }
0xc6: {  	s31 =	sshll.u32 s1, $0xD;
	s1 =	sshrl.u32 s1, $0x2  }
0xc7: {  	s4 =	sand.u32 $0x4000, s31;
	s1 =	sadd.s32 s1, s30  }
0xc8: {  	s0 =	sor.u32 s4, s0;
	s1 =	sshll.u32 s1, $0x11  }
0xc9: {  	s0 =	sor.u32 s1, s0  }
0xca: {  	s0 =	sadd.s32 $0x8F2B, s0  }
0xcb: {  	[sflag:s0] =	ssyncadd.remote.s32 $0x1  }
0xcc: {  	_ =	sfence.sel $0xFFFF  }
0xcd: {  	[dreg:$0x0] =	wrdreg $0xFFFFFFFF;
	(pc) =	sbr.abs _section_cstart, $3  }
0xce: {  	[dreg:$0x1] =	wrdreg $0xFFFFFFFF  }
0xcf: {  	_ =	task.clear_ibuf [dreg:s22], $0x2FFFF;
	_ =	strace $0x9FFFFFFF  }
0xd0: {  	(tm) =	ssettm $0x7FFFFFFF  }
0xd1: {  	_ =	shalt  }
tec
execute0_lowered:
.L_overlay_start_1:
0x0: {  	(tag) =	ssettag $0x1  }
0x1: {  	s12 =	rddreg [dreg:$0x0]  }
0x2: {  	s0 =	rddreg [dreg:$0x1];
	s1 =	simm.s32 $0x0  }
0x3: {  	[smem:$0x7FF] =	sst s1;
	s2 =	sadd.s32 $0xA4A00, s12  }
0x4: {  	s9 =	sadd.s32 $0x124A00, s12;
	_ =	strace $0x8000004D;
	[dreg:$0x2] =	wrdreg s2  }
0x5: {  	s10 =	simm.s32 $0xA00;
	[dreg:$0x3] =	wrdreg s9  }
0x6: {  	s11 =	simm.s32 $0x1200;
	[dreg:$0x4] =	wrdreg s10  }
0x7: {  	s13 =	simm.s32 $0x1A00;
	[dreg:$0x5] =	wrdreg s11  }
0x8: {  	s14 =	simm.s32 $0x2200;
	[dreg:$0x6] =	wrdreg s13  }
0x9: {  	s15 =	simm.s32 $0x2A00;
	[dreg:$0x7] =	wrdreg s14  }
0xa: {  	s3 =	simm.s32 $0x3200;
	[dreg:$0x8] =	wrdreg s15  }
0xb: {  	s16 =	simm.s32 $0x3A00;
	[dreg:$0x9] =	wrdreg s3  }
0xc: {  	s5 =	simm.s32 $0x4200;
	[dreg:$0xa] =	wrdreg s16  }
0xd: {  	s17 =	simm.s32 $0x4A00;
	[dreg:$0xb] =	wrdreg s5  }
0xe: {  	s18 =	simm.s32 $0x5200;
	[dreg:$0xc] =	wrdreg s17  }
0xf: {  	s20 =	simm.s32 $0x5A00;
	[dreg:$0xd] =	wrdreg s18  }
0x10: {  	s8 =	simm.s32 $0x6200;
	[dreg:$0xe] =	wrdreg s20  }
0x11: {  	s4 =	srdreg.scid;
	s21 =	simm.s32 $0x6A00;
	[dreg:$0xf] =	wrdreg s8  }
0x12: {  	s22 =	simm.s32 $0x7200;
	s23 =	simm.s32 $0x7A00;
	[dreg:$0x10] =	wrdreg s21  }
0x13: {  	s25 =	simm.s32 $0x8A00;
	s26 =	simm.s32 $0x9200;
	[dreg:$0x11] =	wrdreg s22  }
0x14: {  	s28 =	simm.s32 $0x9A00;
	s29 =	simm.s32 $0xA200;
	[dreg:$0x12] =	wrdreg s23  }
0x15: {  	s30 =	simm.s32 $0xCA00;
	s31 =	simm.s32 $0xD200;
	[dreg:$0x13] =	wrdreg s25  }
0x16: {  	s6 =	sand.u32 $0x1, s4;
	s2 =	sadd.s32 $0x425C00, s12;
	[dreg:$0x14] =	wrdreg s26  }
0x17: {  	s3 =	stileid.u32;
	s7 =	sshll.u32 s6, $0x6;
	[dreg:$0x15] =	wrdreg s28  }
0x18: {  	s6 =	ssub.s32 $0x2, s6;
	[dreg:$0x16] =	wrdreg s29;
	s9 =	simm.s32 $0xAA00  }
0x19: {  	s8 =	sadd.s32 $0x425F00, s12;
	s10 =	simm.s32 $0xB200;
	[dreg:$0x1b] =	wrdreg s30  }
0x1a: {  	s11 =	simm.s32 $0xBA00;
	s14 =	simm.s32 $0xC200;
	[dreg:$0x1c] =	wrdreg s31  }
0x1b: {  	s15 =	simm.s32 $0xDA00;
	s17 =	simm.s32 $0xE200;
	s16 =	simm.s32 $0x8200  }
0x1c: {  	s18 =	simm.s32 $0xF200;
	s20 =	simm.s32 $0x1;
	[dreg:$0x17] =	wrdreg s9  }
0x1d: {  	s21 =	simm.s32 $0x2;
	s22 =	simm.s32 $0x0;
	[dreg:$0x18] =	wrdreg s10  }
0x1e: {  	s19 =	sshll.u32 s3, $0x7;
	s24 =	sshrl.u32 s6, $0x1;
	[dreg:$0x19] =	wrdreg s11  }
0x1f: {  	s9 =	sadd.s32 $0x426000, s12;
	s10 =	sadd.s32 $0x426100, s12;
	[dreg:$0x1a] =	wrdreg s14  }
0x20: {  	s11 =	sadd.s32 $0x426200, s12;
	s14 =	simm.s32 $0x3;
	[dreg:$0x1d] =	wrdreg s15  }
0x21: {  	s15 =	simm.s32 $0x200;
	[dreg:$0x1e] =	wrdreg s17;
	s4 =	sor.u32 s7, s19  }
0x22: {  	v2 =	vlaneseq.u32;
	s17 =	simm.s32 $0xEA00;
	s13 =	ssub.s32 s6, s24;
	s7 =	sadd.s32 s4, s12  }
0x23: {  	vm0 =	vmmov $0xffff;
	v1 =	vshrl.u32 v2, $0x3;
	s6 =	sadd.s32 $0x425D00, s12;
	s19 =	simm.s32 $0xFA00;
	s5 =	sadd.s32 $0x24000, s7  }
0x24: {  	v0 =	vand.u32 $0x7, v2;
	v2 =	vor.u32 $0x8, v2;
	v1 =	vmul.u32 $0x8, v1;
	s13 =	smax.u32 s13, $0x1;
	s7 =	sadd.s32 $0x425E00, s12;
	s12 =	sadd.s32 $0x426300, s12  }
.LBB2_1:
0x25: {  	[tilespmem:s1], [sflag:$0x3] =	stream.linear.gather [hbm4b:s5+s1], $0x200, $0x38;
	[tilespmem:$0x10200] =	vst v63  }
0x26: {  	s24 =	simm.s32 $0x0;
	_ =	swait.ge [sflag:s14], $0x200  }
0x27: {  	s23 =	sand.u32 $0x10, s1;
	s24 =	sand.u32 $0x3FFFFF80, s24;
	[sflag:s14] =	ssyncset.done $0x0  }
0x28: {  	s24 =	sor.u32 s23, s24;
	[sflag:s14] =	ssyncadd.s32 $0xFFFFFE00  }
0x29: {  	v3 =	vld [tilespmem:s24+$0x0];
	_ =	sdelay $0x4  }
0x2a: {  	v4 =	vshll.u32 v3, $0x4  }
0x2b: {  	v3 =	vand.u32 $0x7, v3;
	v4 =	vand.u32 $0xFFFFFF80, v4  }
0x2c: {  	v3 =	vor.u32 v3, v4  }
0x2d: {  	v4 =	vperm.xlane v3, v0;
	_ =	sdelay $0x1  }
0x2e: {  	v4 =	vadd.s32 v1, v4;
	_ =	sdelay $0x4  }
0x2f: {  	[tilespmem:s15], [sflag:$0x1] =	stream.indirect_vreg.gather [hbm4b:s2+s1], $0x80, v4, vm0, $0xb8;
	[tilespmem:$0x10200] =	vst v63  }
0x30: {  	s25 =	rddreg [dreg:$0x4]  }
0x31: {  	[tilespmem:s25], [sflag:$0x1] =	stream.indirect_vreg.gather [hbm4b:s6+s1], $0x80, v4, vm0, $0xb8;
	[tilespmem:$0x10200] =	vst v63  }
0x32: {  	s26 =	rddreg [dreg:$0x5]  }
0x33: {  	[tilespmem:s26], [sflag:$0x1] =	stream.indirect_vreg.gather [hbm4b:s7+s1], $0x80, v4, vm0, $0xb8;
	[tilespmem:$0x10200] =	vst v63  }
0x34: {  	s31 =	rddreg [dreg:$0x6]  }
0x35: {  	[tilespmem:s31], [sflag:$0x1] =	stream.indirect_vreg.gather [hbm4b:s8+s1], $0x80, v4, vm0, $0xb8;
	[tilespmem:$0x10200] =	vst v63  }
0x36: {  	s29 =	rddreg [dreg:$0x7]  }
0x37: {  	[tilespmem:s29], [sflag:$0x1] =	stream.indirect_vreg.gather [hbm4b:s9+s1], $0x80, v4, vm0, $0xb8;
	[tilespmem:$0x10200] =	vst v63  }
0x38: {  	v3 =	vperm.xlane v3, v2;
	s31 =	rddreg [dreg:$0x8]  }
0x39: {  	[tilespmem:s31], [sflag:$0x1] =	stream.indirect_vreg.gather [hbm4b:s10+s1], $0x80, v4, vm0, $0xb8;
	[tilespmem:$0x10200] =	vst v63  }
0x3a: {  	v3 =	vadd.s32 v1, v3;
	s29 =	rddreg [dreg:$0x9]  }
0x3b: {  	[tilespmem:s29], [sflag:$0x1] =	stream.indirect_vreg.gather [hbm4b:s11+s1], $0x80, v4, vm0, $0xb8;
	[tilespmem:$0x10200] =	vst v63  }
0x3c: {  	s31 =	rddreg [dreg:$0xa]  }
0x3d: {  	[tilespmem:s31], [sflag:$0x1] =	stream.indirect_vreg.gather [hbm4b:s12+s1], $0x80, v4, vm0, $0xb8;
	[tilespmem:$0x10200] =	vst v63  }
0x3e: {  	s29 =	rddreg [dreg:$0xb]  }
0x3f: {  	[tilespmem:s29], [sflag:$0x1] =	stream.indirect_vreg.gather [hbm4b:s2+s1], $0x80, v3, vm0, $0xb8;
	[tilespmem:$0x10200] =	vst v63  }
0x40: {  	s31 =	rddreg [dreg:$0xc]  }
0x41: {  	[tilespmem:s31], [sflag:$0x1] =	stream.indirect_vreg.gather [hbm4b:s6+s1], $0x80, v3, vm0, $0xb8;
	[tilespmem:$0x10200] =	vst v63  }
0x42: {  	s29 =	rddreg [dreg:$0xd]  }
0x43: {  	[tilespmem:s29], [sflag:$0x1] =	stream.indirect_vreg.gather [hbm4b:s7+s1], $0x80, v3, vm0, $0xb8;
	[tilespmem:$0x10200] =	vst v63  }
0x44: {  	s31 =	rddreg [dreg:$0xe]  }
0x45: {  	[tilespmem:s31], [sflag:$0x1] =	stream.indirect_vreg.gather [hbm4b:s8+s1], $0x80, v3, vm0, $0xb8;
	[tilespmem:$0x10200] =	vst v63  }
0x46: {  	s29 =	rddreg [dreg:$0xf]  }
0x47: {  	[tilespmem:s29], [sflag:$0x1] =	stream.indirect_vreg.gather [hbm4b:s9+s1], $0x80, v3, vm0, $0xb8;
	[tilespmem:$0x10200] =	vst v63  }
0x48: {  	s31 =	rddreg [dreg:$0x10]  }
0x49: {  	[tilespmem:s31], [sflag:$0x1] =	stream.indirect_vreg.gather [hbm4b:s10+s1], $0x80, v3, vm0, $0xb8;
	[tilespmem:$0x10200] =	vst v63  }
0x4a: {  	s29 =	rddreg [dreg:$0x11]  }
0x4b: {  	[tilespmem:s29], [sflag:$0x1] =	stream.indirect_vreg.gather [hbm4b:s11+s1], $0x80, v3, vm0, $0xb8;
	[tilespmem:$0x10200] =	vst v63  }
0x4c: {  	s31 =	rddreg [dreg:$0x12]  }
0x4d: {  	[tilespmem:s31], [sflag:$0x1] =	stream.indirect_vreg.gather [hbm4b:s12+s1], $0x80, v3, vm0, $0xb8;
	[tilespmem:$0x10200] =	vst v63  }
0x4e: {  	v3 =	vld [tilespmem:s24+$0x100];
	_ =	sdelay $0x4  }
0x4f: {  	v63 =	vshll.u32 v3, $0x4  }
0x50: {  	v3 =	vand.u32 $0x7, v3;
	v4 =	vand.u32 $0xFFFFFF80, v63  }
0x51: {  	v3 =	vor.u32 v3, v4  }
0x52: {  	v4 =	vperm.xlane v3, v0;
	_ =	sdelay $0x1  }
0x53: {  	v4 =	vadd.s32 v1, v4;
	_ =	sdelay $0x4  }
0x54: {  	[tilespmem:s16], [sflag:$0x2] =	stream.indirect_vreg.gather [hbm4b:s2+s1], $0x80, v4, vm0, $0xb8;
	[tilespmem:$0x10200] =	vst v63  }
0x55: {  	s26 =	rddreg [dreg:$0x13]  }
0x56: {  	[tilespmem:s26], [sflag:$0x2] =	stream.indirect_vreg.gather [hbm4b:s6+s1], $0x80, v4, vm0, $0xb8;
	[tilespmem:$0x10200] =	vst v63  }
0x57: {  	s29 =	rddreg [dreg:$0x14]  }
0x58: {  	[tilespmem:s29], [sflag:$0x2] =	stream.indirect_vreg.gather [hbm4b:s7+s1], $0x80, v4, vm0, $0xb8;
	[tilespmem:$0x10200] =	vst v63  }
0x59: {  	s31 =	rddreg [dreg:$0x15]  }
0x5a: {  	[tilespmem:s31], [sflag:$0x2] =	stream.indirect_vreg.gather [hbm4b:s8+s1], $0x80, v4, vm0, $0xb8;
	[tilespmem:$0x10200] =	vst v63  }
0x5b: {  	s26 =	rddreg [dreg:$0x16]  }
0x5c: {  	[tilespmem:s26], [sflag:$0x2] =	stream.indirect_vreg.gather [hbm4b:s9+s1], $0x80, v4, vm0, $0xb8;
	[tilespmem:$0x10200] =	vst v63  }
0x5d: {  	v3 =	vperm.xlane v3, v2;
	s29 =	rddreg [dreg:$0x17]  }
0x5e: {  	[tilespmem:s29], [sflag:$0x2] =	stream.indirect_vreg.gather [hbm4b:s10+s1], $0x80, v4, vm0, $0xb8;
	[tilespmem:$0x10200] =	vst v63  }
0x5f: {  	v3 =	vadd.s32 v1, v3;
	s31 =	rddreg [dreg:$0x18]  }
0x60: {  	[tilespmem:s31], [sflag:$0x2] =	stream.indirect_vreg.gather [hbm4b:s11+s1], $0x80, v4, vm0, $0xb8;
	[tilespmem:$0x10200] =	vst v63  }
0x61: {  	s26 =	rddreg [dreg:$0x19]  }
0x62: {  	[tilespmem:s26], [sflag:$0x2] =	stream.indirect_vreg.gather [hbm4b:s12+s1], $0x80, v4, vm0, $0xb8;
	[tilespmem:$0x10200] =	vst v63  }
0x63: {  	s29 =	rddreg [dreg:$0x1a]  }
0x64: {  	[tilespmem:s29], [sflag:$0x2] =	stream.indirect_vreg.gather [hbm4b:s2+s1], $0x80, v3, vm0, $0xb8;
	[tilespmem:$0x10200] =	vst v63  }
0x65: {  	s31 =	rddreg [dreg:$0x1b]  }
0x66: {  	[tilespmem:s31], [sflag:$0x2] =	stream.indirect_vreg.gather [hbm4b:s6+s1], $0x80, v3, vm0, $0xb8;
	[tilespmem:$0x10200] =	vst v63  }
0x67: {  	s26 =	rddreg [dreg:$0x1c]  }
0x68: {  	[tilespmem:s26], [sflag:$0x2] =	stream.indirect_vreg.gather [hbm4b:s7+s1], $0x80, v3, vm0, $0xb8;
	[tilespmem:$0x10200] =	vst v63  }
0x69: {  	s29 =	rddreg [dreg:$0x1d]  }
0x6a: {  	[tilespmem:s29], [sflag:$0x2] =	stream.indirect_vreg.gather [hbm4b:s8+s1], $0x80, v3, vm0, $0xb8;
	[tilespmem:$0x10200] =	vst v63  }
0x6b: {  	s31 =	rddreg [dreg:$0x1e]  }
0x6c: {  	[tilespmem:s31], [sflag:$0x2] =	stream.indirect_vreg.gather [hbm4b:s9+s1], $0x80, v3, vm0, $0xb8;
	[tilespmem:$0x10200] =	vst v63  }
0x6d: {  	s25 =	simm.s32 $0x0  }
0x6e: {  	[tilespmem:s17], [sflag:$0x2] =	stream.indirect_vreg.gather [hbm4b:s10+s1], $0x80, v3, vm0, $0xb8;
	[tilespmem:$0x10200] =	vst v63  }
0x6f: {  	s24 =	sand.u32 $0xFFFFFFE0, s25  }
0x70: {  	[tilespmem:s18], [sflag:$0x2] =	stream.indirect_vreg.gather [hbm4b:s11+s1], $0x80, v3, vm0, $0xb8;
	[tilespmem:$0x10200] =	vst v63  }
0x71: {  	s24 =	sadd.s32 s4, s24  }
0x72: {  	[tilespmem:s19], [sflag:$0x2] =	stream.indirect_vreg.gather [hbm4b:s12+s1], $0x80, v3, vm0, $0xb8;
	[tilespmem:$0x10200] =	vst v63  }
0x73: {  	s23 =	sor.u32 s23, s24;
	_ =	swait.ge [sflag:s20], $0x8000  }
0x74: {  	s24 =	sshll.u32 s23, $0x8;
	s26 =	rddreg [dreg:$0x2];
	[sflag:s20] =	ssyncset.done $0x0  }
0x75: {  	[sflag:s20] =	ssyncadd.s32 $0xFFFF8000;
	s23 =	sadd.s32 s26, s24  }
0x76: {  	[hbm4b:s23+s1] =	stream.linear.scatter [tilespmem:s15], [sflag:$0x3], $0x8000, $0x38;
	[tilespmem:$0x10200] =	vst v63  }
0x77: {  	_ =	swait.ge [sflag:s14], $0x8000  }
0x78: {  	[sflag:s14] =	ssyncset.done $0x0  }
0x79: {  	[sflag:s14] =	ssyncadd.s32 $0xFFFF8000  }
0x7a: {  	_ =	swait.ge [sflag:s21], $0x8000  }
0x7b: {  	s30 =	simm.s32 $0x2;
	s29 =	rddreg [dreg:$0x3];
	[sflag:s21] =	ssyncset.done $0x0  }
0x7c: {  	s31 =	simm.s32 $0x40;
	[sflag:s21] =	ssyncadd.s32 $0xFFFF8000;
	s24 =	sadd.s32 s29, s24  }
0x7d: {  	[hbm4b:s24+s1] =	stream.linear.scatter [tilespmem:s16], [sflag:$0x3], $0x8000, $0x38;
	[tilespmem:$0x10200] =	vst v63  }
0x7e: {  	s25 =	simm.s32 $0x10;
	s28 =	sand.u32 $0x3FFFFF80, s31;
	_ =	swait.ge [sflag:s14], $0x8000  }
0x7f: {  	s23 =	simm.s32 $0x1;
	s24 =	sand.u32 $0x10, s25;
	[sflag:s14] =	ssyncset.done $0x0  }
.LBB2_2:
0x80: {  	s29 =	sor.u32 s24, s28;
	[sflag:s14] =	ssyncadd.s32 $0xFFFF8000  }
0x81: {  	v3 =	vld [tilespmem:s29+$0x0];
	_ =	sdelay $0x4  }
0x82: {  	v4 =	vshll.u32 v3, $0x4  }
0x83: {  	v3 =	vand.u32 $0x7, v3;
	v4 =	vand.u32 $0xFFFFFF80, v4  }
0x84: {  	v3 =	vor.u32 v3, v4  }
0x85: {  	v4 =	vperm.xlane v3, v0;
	_ =	sdelay $0x1  }
0x86: {  	v4 =	vadd.s32 v1, v4;
	_ =	sdelay $0x3  }
0x87: {  	s28 =	smov.u32 s30  }
0x88: {  	[tilespmem:s15], [sflag:$0x1] =	stream.indirect_vreg.gather [hbm4b:s2+s1], $0x80, v4, vm0, $0xb8;
	[tilespmem:$0x10200] =	vst v63  }
0x89: {  	s26 =	sadd.s32 $0x1, s30;
	p0 =	sne.s32 s30, $0x3;
	s30 =	rddreg [dreg:$0x4]  }
0x8a: {  	[tilespmem:s30], [sflag:$0x1] =	stream.indirect_vreg.gather [hbm4b:s6+s1], $0x80, v4, vm0, $0xb8;
	[tilespmem:$0x10200] =	vst v63  }
0x8b: {  	s31 =	rddreg [dreg:$0x5]  }
0x8c: {  	[tilespmem:s31], [sflag:$0x1] =	stream.indirect_vreg.gather [hbm4b:s7+s1], $0x80, v4, vm0, $0xb8;
	[tilespmem:$0x10200] =	vst v63  }
0x8d: {  	s30 =	rddreg [dreg:$0x6]  }
0x8e: {  	[tilespmem:s30], [sflag:$0x1] =	stream.indirect_vreg.gather [hbm4b:s8+s1], $0x80, v4, vm0, $0xb8;
	[tilespmem:$0x10200] =	vst v63  }
0x8f: {  	s31 =	rddreg [dreg:$0x7]  }
0x90: {  	[tilespmem:s31], [sflag:$0x1] =	stream.indirect_vreg.gather [hbm4b:s9+s1], $0x80, v4, vm0, $0xb8;
	[tilespmem:$0x10200] =	vst v63  }
0x91: {  	v3 =	vperm.xlane v3, v2;
	s30 =	rddreg [dreg:$0x8]  }
0x92: {  	[tilespmem:s30], [sflag:$0x1] =	stream.indirect_vreg.gather [hbm4b:s10+s1], $0x80, v4, vm0, $0xb8;
	[tilespmem:$0x10200] =	vst v63  }
0x93: {  	v3 =	vadd.s32 v1, v3;
	s31 =	rddreg [dreg:$0x9]  }
0x94: {  	[tilespmem:s31], [sflag:$0x1] =	stream.indirect_vreg.gather [hbm4b:s11+s1], $0x80, v4, vm0, $0xb8;
	[tilespmem:$0x10200] =	vst v63  }
0x95: {  	s30 =	rddreg [dreg:$0xa]  }
0x96: {  	[tilespmem:s30], [sflag:$0x1] =	stream.indirect_vreg.gather [hbm4b:s12+s1], $0x80, v4, vm0, $0xb8;
	[tilespmem:$0x10200] =	vst v63  }
0x97: {  	s31 =	rddreg [dreg:$0xb]  }
0x98: {  	[tilespmem:s31], [sflag:$0x1] =	stream.indirect_vreg.gather [hbm4b:s2+s1], $0x80, v3, vm0, $0xb8;
	[tilespmem:$0x10200] =	vst v63  }
0x99: {  	s30 =	rddreg [dreg:$0xc]  }
0x9a: {  	[tilespmem:s30], [sflag:$0x1] =	stream.indirect_vreg.gather [hbm4b:s6+s1], $0x80, v3, vm0, $0xb8;
	[tilespmem:$0x10200] =	vst v63  }
0x9b: {  	s31 =	rddreg [dreg:$0xd]  }
0x9c: {  	[tilespmem:s31], [sflag:$0x1] =	stream.indirect_vreg.gather [hbm4b:s7+s1], $0x80, v3, vm0, $0xb8;
	[tilespmem:$0x10200] =	vst v63  }
0x9d: {  	s30 =	rddreg [dreg:$0xe]  }
0x9e: {  	[tilespmem:s30], [sflag:$0x1] =	stream.indirect_vreg.gather [hbm4b:s8+s1], $0x80, v3, vm0, $0xb8;
	[tilespmem:$0x10200] =	vst v63  }
0x9f: {  	s31 =	rddreg [dreg:$0xf]  }
0xa0: {  	[tilespmem:s31], [sflag:$0x1] =	stream.indirect_vreg.gather [hbm4b:s9+s1], $0x80, v3, vm0, $0xb8;
	[tilespmem:$0x10200] =	vst v63  }
0xa1: {  	s30 =	rddreg [dreg:$0x10]  }
0xa2: {  	[tilespmem:s30], [sflag:$0x1] =	stream.indirect_vreg.gather [hbm4b:s10+s1], $0x80, v3, vm0, $0xb8;
	[tilespmem:$0x10200] =	vst v63  }
0xa3: {  	s31 =	rddreg [dreg:$0x11]  }
0xa4: {  	[tilespmem:s31], [sflag:$0x1] =	stream.indirect_vreg.gather [hbm4b:s11+s1], $0x80, v3, vm0, $0xb8;
	[tilespmem:$0x10200] =	vst v63  }
0xa5: {  	s30 =	rddreg [dreg:$0x12]  }
0xa6: {  	[tilespmem:s30], [sflag:$0x1] =	stream.indirect_vreg.gather [hbm4b:s12+s1], $0x80, v3, vm0, $0xb8;
	[tilespmem:$0x10200] =	vst v63  }
0xa7: {  	v3 =	vld [tilespmem:s29+$0x100];
	_ =	sdelay $0x4  }
0xa8: {  	v63 =	vshll.u32 v3, $0x4  }
0xa9: {  	v3 =	vand.u32 $0x7, v3;
	v4 =	vand.u32 $0xFFFFFF80, v63  }
0xaa: {  	v3 =	vor.u32 v3, v4  }
0xab: {  	v4 =	vperm.xlane v3, v0;
	_ =	sdelay $0x1  }
0xac: {  	v4 =	vadd.s32 v1, v4;
	_ =	sdelay $0x4  }
0xad: {  	[tilespmem:s16], [sflag:$0x2] =	stream.indirect_vreg.gather [hbm4b:s2+s1], $0x80, v4, vm0, $0xb8;
	[tilespmem:$0x10200] =	vst v63  }
0xae: {  	s31 =	rddreg [dreg:$0x13]  }
0xaf: {  	[tilespmem:s31], [sflag:$0x2] =	stream.indirect_vreg.gather [hbm4b:s6+s1], $0x80, v4, vm0, $0xb8;
	[tilespmem:$0x10200] =	vst v63  }
0xb0: {  	s30 =	rddreg [dreg:$0x14]  }
0xb1: {  	[tilespmem:s30], [sflag:$0x2] =	stream.indirect_vreg.gather [hbm4b:s7+s1], $0x80, v4, vm0, $0xb8;
	[tilespmem:$0x10200] =	vst v63  }
0xb2: {  	s31 =	rddreg [dreg:$0x15]  }
0xb3: {  	[tilespmem:s31], [sflag:$0x2] =	stream.indirect_vreg.gather [hbm4b:s8+s1], $0x80, v4, vm0, $0xb8;
	[tilespmem:$0x10200] =	vst v63  }
0xb4: {  	s30 =	rddreg [dreg:$0x16]  }
0xb5: {  	[tilespmem:s30], [sflag:$0x2] =	stream.indirect_vreg.gather [hbm4b:s9+s1], $0x80, v4, vm0, $0xb8;
	[tilespmem:$0x10200] =	vst v63  }
0xb6: {  	v3 =	vperm.xlane v3, v2;
	s31 =	rddreg [dreg:$0x17]  }
0xb7: {  	[tilespmem:s31], [sflag:$0x2] =	stream.indirect_vreg.gather [hbm4b:s10+s1], $0x80, v4, vm0, $0xb8;
	[tilespmem:$0x10200] =	vst v63  }
0xb8: {  	v3 =	vadd.s32 v1, v3;
	s30 =	rddreg [dreg:$0x18]  }
0xb9: {  	[tilespmem:s30], [sflag:$0x2] =	stream.indirect_vreg.gather [hbm4b:s11+s1], $0x80, v4, vm0, $0xb8;
	[tilespmem:$0x10200] =	vst v63  }
0xba: {  	s31 =	rddreg [dreg:$0x19]  }
0xbb: {  	[tilespmem:s31], [sflag:$0x2] =	stream.indirect_vreg.gather [hbm4b:s12+s1], $0x80, v4, vm0, $0xb8;
	[tilespmem:$0x10200] =	vst v63  }
0xbc: {  	s30 =	rddreg [dreg:$0x1a]  }
0xbd: {  	[tilespmem:s30], [sflag:$0x2] =	stream.indirect_vreg.gather [hbm4b:s2+s1], $0x80, v3, vm0, $0xb8;
	[tilespmem:$0x10200] =	vst v63  }
0xbe: {  	s31 =	rddreg [dreg:$0x1b]  }
0xbf: {  	[tilespmem:s31], [sflag:$0x2] =	stream.indirect_vreg.gather [hbm4b:s6+s1], $0x80, v3, vm0, $0xb8;
	[tilespmem:$0x10200] =	vst v63  }
0xc0: {  	s30 =	rddreg [dreg:$0x1c]  }
0xc1: {  	[tilespmem:s30], [sflag:$0x2] =	stream.indirect_vreg.gather [hbm4b:s7+s1], $0x80, v3, vm0, $0xb8;
	[tilespmem:$0x10200] =	vst v63  }
0xc2: {  	s31 =	rddreg [dreg:$0x1d]  }
0xc3: {  	[tilespmem:s31], [sflag:$0x2] =	stream.indirect_vreg.gather [hbm4b:s8+s1], $0x80, v3, vm0, $0xb8;
	[tilespmem:$0x10200] =	vst v63  }
0xc4: {  	s30 =	rddreg [dreg:$0x1e]  }
0xc5: {  	[tilespmem:s30], [sflag:$0x2] =	stream.indirect_vreg.gather [hbm4b:s9+s1], $0x80, v3, vm0, $0xb8;
	[tilespmem:$0x10200] =	vst v63  }
0xc6: {  	s31 =	sshll.u32 s23, $0x4  }
0xc7: {  	[tilespmem:s17], [sflag:$0x2] =	stream.indirect_vreg.gather [hbm4b:s10+s1], $0x80, v3, vm0, $0xb8;
	[tilespmem:$0x10200] =	vst v63  }
0xc8: {  	s23 =	smov.u32 s28;
	s28 =	sand.u32 $0xFFFFFFE0, s31  }
0xc9: {  	[tilespmem:s18], [sflag:$0x2] =	stream.indirect_vreg.gather [hbm4b:s11+s1], $0x80, v3, vm0, $0xb8;
	[tilespmem:$0x10200] =	vst v63  }
0xca: {  	s28 =	sadd.s32 s4, s28  }
0xcb: {  	[tilespmem:s19], [sflag:$0x2] =	stream.indirect_vreg.gather [hbm4b:s12+s1], $0x80, v3, vm0, $0xb8;
	[tilespmem:$0x10200] =	vst v63  }
0xcc: {  	s31 =	sor.u32 s24, s28;
	_ =	swait.ge [sflag:s20], $0x8000  }
0xcd: {  	s24 =	sshll.u32 s31, $0x8;
	s29 =	rddreg [dreg:$0x2];
	[sflag:s20] =	ssyncset.done $0x0  }
0xce: {  	[sflag:s20] =	ssyncadd.s32 $0xFFFF8000;
	s28 =	sadd.s32 s29, s24  }
0xcf: {  	[hbm4b:s28+s1] =	stream.linear.scatter [tilespmem:s15], [sflag:$0x3], $0x8000, $0x38;
	[tilespmem:$0x10200] =	vst v63  }
0xd0: {  	_ =	swait.ge [sflag:s14], $0x8000  }
0xd1: {  	[sflag:s14] =	ssyncset.done $0x0  }
0xd2: {  	[sflag:s14] =	ssyncadd.s32 $0xFFFF8000  }
0xd3: {  	_ =	swait.ge [sflag:s21], $0x8000  }
.Ltmp0:
0xd4: {  	s28 =	rddreg [dreg:$0x3];
	[sflag:s21] =	ssyncset.done $0x0;
	(pc) =	sbr.rel @p0 .LBB2_2-.Ltmp0, $4  }
0xd5: {  	s25 =	sadd.s32 $0x10, s25;
	[sflag:s21] =	ssyncadd.s32 $0xFFFF8000;
	s24 =	sadd.s32 s28, s24  }
0xd6: {  	[hbm4b:s24+s1] =	stream.linear.scatter [tilespmem:s16], [sflag:$0x3], $0x8000, $0x38;
	[tilespmem:$0x10200] =	vst v63  }
0xd7: {  	s30 =	smov.u32 s26;
	s28 =	sshll.u32 s23, $0x6;
	_ =	swait.ge [sflag:s14], $0x8000  }
0xd8: {  	s24 =	sand.u32 $0x10, s25;
	s28 =	sand.u32 $0x3FFFFF80, s28;
	[sflag:s14] =	ssyncset.done $0x0  }
0xd9: {  	s25 =	sor.u32 s24, s28;
	[sflag:s14] =	ssyncadd.s32 $0xFFFF8000  }
0xda: {  	v3 =	vld [tilespmem:s25+$0x0];
	_ =	sdelay $0x4  }
0xdb: {  	v4 =	vshll.u32 v3, $0x4  }
0xdc: {  	v3 =	vand.u32 $0x7, v3;
	v4 =	vand.u32 $0xFFFFFF80, v4  }
0xdd: {  	v3 =	vor.u32 v3, v4  }
0xde: {  	v4 =	vperm.xlane v3, v0;
	_ =	sdelay $0x1  }
0xdf: {  	v4 =	vadd.s32 v1, v4;
	_ =	sdelay $0x4  }
0xe0: {  	[tilespmem:s15], [sflag:$0x1] =	stream.indirect_vreg.gather [hbm4b:s2+s1], $0x80, v4, vm0, $0xb8;
	[tilespmem:$0x10200] =	vst v63  }
0xe1: {  	s26 =	rddreg [dreg:$0x4]  }
0xe2: {  	[tilespmem:s26], [sflag:$0x1] =	stream.indirect_vreg.gather [hbm4b:s6+s1], $0x80, v4, vm0, $0xb8;
	[tilespmem:$0x10200] =	vst v63  }
0xe3: {  	s30 =	rddreg [dreg:$0x5]  }
0xe4: {  	[tilespmem:s30], [sflag:$0x1] =	stream.indirect_vreg.gather [hbm4b:s7+s1], $0x80, v4, vm0, $0xb8;
	[tilespmem:$0x10200] =	vst v63  }
0xe5: {  	s31 =	rddreg [dreg:$0x6]  }
0xe6: {  	[tilespmem:s31], [sflag:$0x1] =	stream.indirect_vreg.gather [hbm4b:s8+s1], $0x80, v4, vm0, $0xb8;
	[tilespmem:$0x10200] =	vst v63  }
0xe7: {  	s29 =	rddreg [dreg:$0x7]  }
0xe8: {  	[tilespmem:s29], [sflag:$0x1] =	stream.indirect_vreg.gather [hbm4b:s9+s1], $0x80, v4, vm0, $0xb8;
	[tilespmem:$0x10200] =	vst v63  }
0xe9: {  	v3 =	vperm.xlane v3, v2;
	s30 =	rddreg [dreg:$0x8]  }
0xea: {  	[tilespmem:s30], [sflag:$0x1] =	stream.indirect_vreg.gather [hbm4b:s10+s1], $0x80, v4, vm0, $0xb8;
	[tilespmem:$0x10200] =	vst v63  }
0xeb: {  	v3 =	vadd.s32 v1, v3;
	s31 =	rddreg [dreg:$0x9]  }
0xec: {  	[tilespmem:s31], [sflag:$0x1] =	stream.indirect_vreg.gather [hbm4b:s11+s1], $0x80, v4, vm0, $0xb8;
	[tilespmem:$0x10200] =	vst v63  }
0xed: {  	s29 =	rddreg [dreg:$0xa]  }
0xee: {  	[tilespmem:s29], [sflag:$0x1] =	stream.indirect_vreg.gather [hbm4b:s12+s1], $0x80, v4, vm0, $0xb8;
	[tilespmem:$0x10200] =	vst v63  }
0xef: {  	s30 =	rddreg [dreg:$0xb]  }
0xf0: {  	[tilespmem:s30], [sflag:$0x1] =	stream.indirect_vreg.gather [hbm4b:s2+s1], $0x80, v3, vm0, $0xb8;
	[tilespmem:$0x10200] =	vst v63  }
0xf1: {  	s31 =	rddreg [dreg:$0xc]  }
0xf2: {  	[tilespmem:s31], [sflag:$0x1] =	stream.indirect_vreg.gather [hbm4b:s6+s1], $0x80, v3, vm0, $0xb8;
	[tilespmem:$0x10200] =	vst v63  }
0xf3: {  	s29 =	rddreg [dreg:$0xd]  }
0xf4: {  	[tilespmem:s29], [sflag:$0x1] =	stream.indirect_vreg.gather [hbm4b:s7+s1], $0x80, v3, vm0, $0xb8;
	[tilespmem:$0x10200] =	vst v63  }
0xf5: {  	s30 =	rddreg [dreg:$0xe]  }
0xf6: {  	[tilespmem:s30], [sflag:$0x1] =	stream.indirect_vreg.gather [hbm4b:s8+s1], $0x80, v3, vm0, $0xb8;
	[tilespmem:$0x10200] =	vst v63  }
0xf7: {  	s31 =	rddreg [dreg:$0xf]  }
0xf8: {  	[tilespmem:s31], [sflag:$0x1] =	stream.indirect_vreg.gather [hbm4b:s9+s1], $0x80, v3, vm0, $0xb8;
	[tilespmem:$0x10200] =	vst v63  }
0xf9: {  	s29 =	rddreg [dreg:$0x10]  }
0xfa: {  	[tilespmem:s29], [sflag:$0x1] =	stream.indirect_vreg.gather [hbm4b:s10+s1], $0x80, v3, vm0, $0xb8;
	[tilespmem:$0x10200] =	vst v63  }
0xfb: {  	s30 =	rddreg [dreg:$0x11]  }
0xfc: {  	[tilespmem:s30], [sflag:$0x1] =	stream.indirect_vreg.gather [hbm4b:s11+s1], $0x80, v3, vm0, $0xb8;
	[tilespmem:$0x10200] =	vst v63  }
0xfd: {  	s31 =	rddreg [dreg:$0x12]  }
0xfe: {  	[tilespmem:s31], [sflag:$0x1] =	stream.indirect_vreg.gather [hbm4b:s12+s1], $0x80, v3, vm0, $0xb8;
	[tilespmem:$0x10200] =	vst v63  }
0xff: {  	v3 =	vld [tilespmem:s25+$0x100];
	_ =	sdelay $0x4  }
0x100: {  	v63 =	vshll.u32 v3, $0x4  }
0x101: {  	v3 =	vand.u32 $0x7, v3;
	v4 =	vand.u32 $0xFFFFFF80, v63  }
0x102: {  	v3 =	vor.u32 v3, v4  }
0x103: {  	v4 =	vperm.xlane v3, v0;
	_ =	sdelay $0x1  }
0x104: {  	v4 =	vadd.s32 v1, v4;
	_ =	sdelay $0x4  }
0x105: {  	[tilespmem:s16], [sflag:$0x2] =	stream.indirect_vreg.gather [hbm4b:s2+s1], $0x80, v4, vm0, $0xb8;
	[tilespmem:$0x10200] =	vst v63  }
0x106: {  	s29 =	rddreg [dreg:$0x13]  }
0x107: {  	[tilespmem:s29], [sflag:$0x2] =	stream.indirect_vreg.gather [hbm4b:s6+s1], $0x80, v4, vm0, $0xb8;
	[tilespmem:$0x10200] =	vst v63  }
0x108: {  	s30 =	rddreg [dreg:$0x14]  }
0x109: {  	[tilespmem:s30], [sflag:$0x2] =	stream.indirect_vreg.gather [hbm4b:s7+s1], $0x80, v4, vm0, $0xb8;
	[tilespmem:$0x10200] =	vst v63  }
0x10a: {  	s31 =	rddreg [dreg:$0x15]  }
0x10b: {  	[tilespmem:s31], [sflag:$0x2] =	stream.indirect_vreg.gather [hbm4b:s8+s1], $0x80, v4, vm0, $0xb8;
	[tilespmem:$0x10200] =	vst v63  }
0x10c: {  	s28 =	rddreg [dreg:$0x16]  }
0x10d: {  	[tilespmem:s28], [sflag:$0x2] =	stream.indirect_vreg.gather [hbm4b:s9+s1], $0x80, v4, vm0, $0xb8;
	[tilespmem:$0x10200] =	vst v63  }
0x10e: {  	v3 =	vperm.xlane v3, v2;
	s29 =	rddreg [dreg:$0x17]  }
0x10f: {  	[tilespmem:s29], [sflag:$0x2] =	stream.indirect_vreg.gather [hbm4b:s10+s1], $0x80, v4, vm0, $0xb8;
	[tilespmem:$0x10200] =	vst v63  }
0x110: {  	v3 =	vadd.s32 v1, v3;
	s30 =	rddreg [dreg:$0x18]  }
0x111: {  	[tilespmem:s30], [sflag:$0x2] =	stream.indirect_vreg.gather [hbm4b:s11+s1], $0x80, v4, vm0, $0xb8;
	[tilespmem:$0x10200] =	vst v63  }
0x112: {  	s31 =	rddreg [dreg:$0x19]  }
0x113: {  	[tilespmem:s31], [sflag:$0x2] =	stream.indirect_vreg.gather [hbm4b:s12+s1], $0x80, v4, vm0, $0xb8;
	[tilespmem:$0x10200] =	vst v63  }
0x114: {  	s28 =	rddreg [dreg:$0x1a]  }
0x115: {  	[tilespmem:s28], [sflag:$0x2] =	stream.indirect_vreg.gather [hbm4b:s2+s1], $0x80, v3, vm0, $0xb8;
	[tilespmem:$0x10200] =	vst v63  }
0x116: {  	s29 =	rddreg [dreg:$0x1b]  }
0x117: {  	[tilespmem:s29], [sflag:$0x2] =	stream.indirect_vreg.gather [hbm4b:s6+s1], $0x80, v3, vm0, $0xb8;
	[tilespmem:$0x10200] =	vst v63  }
0x118: {  	s30 =	rddreg [dreg:$0x1c]  }
0x119: {  	[tilespmem:s30], [sflag:$0x2] =	stream.indirect_vreg.gather [hbm4b:s7+s1], $0x80, v3, vm0, $0xb8;
	[tilespmem:$0x10200] =	vst v63  }
0x11a: {  	s31 =	rddreg [dreg:$0x1d]  }
0x11b: {  	[tilespmem:s31], [sflag:$0x2] =	stream.indirect_vreg.gather [hbm4b:s8+s1], $0x80, v3, vm0, $0xb8;
	[tilespmem:$0x10200] =	vst v63  }
0x11c: {  	s28 =	rddreg [dreg:$0x1e]  }
0x11d: {  	[tilespmem:s28], [sflag:$0x2] =	stream.indirect_vreg.gather [hbm4b:s9+s1], $0x80, v3, vm0, $0xb8;
	[tilespmem:$0x10200] =	vst v63  }
0x11e: {  	s23 =	sshll.u32 s23, $0x4  }
0x11f: {  	[tilespmem:s17], [sflag:$0x2] =	stream.indirect_vreg.gather [hbm4b:s10+s1], $0x80, v3, vm0, $0xb8;
	[tilespmem:$0x10200] =	vst v63  }
0x120: {  	s23 =	sand.u32 $0xFFFFFFE0, s23  }
0x121: {  	[tilespmem:s18], [sflag:$0x2] =	stream.indirect_vreg.gather [hbm4b:s11+s1], $0x80, v3, vm0, $0xb8;
	[tilespmem:$0x10200] =	vst v63  }
0x122: {  	s23 =	sadd.s32 s4, s23  }
0x123: {  	[tilespmem:s19], [sflag:$0x2] =	stream.indirect_vreg.gather [hbm4b:s12+s1], $0x80, v3, vm0, $0xb8;
	[tilespmem:$0x10200] =	vst v63  }
0x124: {  	s23 =	sor.u32 s24, s23;
	_ =	swait.ge [sflag:s20], $0x8000  }
0x125: {  	s23 =	sshll.u32 s23, $0x8;
	s29 =	rddreg [dreg:$0x2];
	[sflag:s20] =	ssyncset.done $0x0  }
0x126: {  	[sflag:s20] =	ssyncadd.s32 $0xFFFF8000;
	s30 =	sadd.s32 s29, s23  }
0x127: {  	[hbm4b:s30+s1] =	stream.linear.scatter [tilespmem:s15], [sflag:$0x3], $0x8000, $0x38;
	[tilespmem:$0x10200] =	vst v63  }
0x128: {  	_ =	swait.ge [sflag:s14], $0x8000  }
0x129: {  	[sflag:s14] =	ssyncset.done $0x0  }
0x12a: {  	[sflag:s14] =	ssyncadd.s32 $0xFFFF8000  }
0x12b: {  	s22 =	sadd.s32 $0x1, s22;
	_ =	swait.ge [sflag:s21], $0x8000  }
0x12c: {  	p0 =	sne.s32 s22, s13;
	s31 =	rddreg [dreg:$0x3];
	[sflag:s21] =	ssyncset.done $0x0  }
.Ltmp1:
0x12d: {  	[sflag:s21] =	ssyncadd.s32 $0xFFFF8000;
	s23 =	sadd.s32 s31, s23;
	(pc) =	sbr.rel @p0 .LBB2_1-.Ltmp1, $4  }
0x12e: {  	[hbm4b:s23+s1] =	stream.linear.scatter [tilespmem:s16], [sflag:$0x3], $0x8000, $0x38;
	[tilespmem:$0x10200] =	vst v63  }
0x12f: {  	_ =	swait.ge [sflag:s14], $0x8000  }
0x130: {  	[sflag:s14] =	ssyncset.done $0x0  }
0x131: {  	[sflag:s14] =	ssyncadd.s32 $0xFFFF8000  }
0x132: {  	_ =	sfence.sel $0x180000  }
0x133: {  	[bflag:$0x0] =	sbarrier.arrive $0xFFFF  }
0x134: {  	p0 =	sne.s32 s3, $0x0;
	_ =	strace $0x9000004D  }
0x135: {  	s0 =	sadd.s32 @!p0 $0x100000, s0;
	[bflag:$0x2] =	sbarrier.arrive $0xFFFF  }
0x136: {  	[sflag:s0] =	ssyncadd.tile.s32 @!p0 $0x1;
	_ =	shalt  }
.Lfunc_end2:
_tile_overlayer_lowered:
.L_overlay_start_2:
0x137: {  	(tag) =	ssettag $0x2  }
0x138: {  	s0 =	rddreg [dreg:$0x0];
	s2 =	stileid.u32  }
0x139: {  	s1 =	rddreg [dreg:$0x1];
	p0 =	sne.s32 s2, $0x0  }
0x13a: {  	s3 =	rddreg [dreg:$0x2];
	[bflag:$0x3] =	sbarrier.arrive $0xFFFF;
	s2 =	simm.s32 @!p0 $0x1C03  }
0x13b: {  	[timem:s3], [sflag:s2] =	dma.local @!p0 [hbm:s0], s1  }
0x13c: {  	s0 =	simm.s32 @!p0 $0x3  }
0x13d: {  	_ =	swait.ge @!p0 [sflag:s0], s1  }
0x13e: {  	s1 =	ssub.s32 @!p0 $0x0, s1;
	[sflag:s0] =	ssyncset.done @!p0 $0x0  }
0x13f: {  	[sflag:s0] =	ssyncadd.s32 @!p0 s1  }
0x140: {  	[bflag:$0x3] =	sbarrier.arrive $0xFFFF  }
0x141: {  	_ =	shalt  }

// kernel: kernel.22.cloned.1.call-start
scs
__scs_entry_jumppad:
0x0: {  	(pc) =	sbr.rel $0x88, $3  }
0x1: {  	(tag) =	ssettag $0x0;
	lr =	simm.s32 $0x1  }
0x2: {  	[smem:$0x3F9D] =	sst lr;
	_ =	strace $0xD0000000  }
0x3: {  	_ = 	snop  }
0x4: {  	_ = 	snop  }
0x5: {  	_ = 	snop  }
0x6: {  	_ = 	snop  }
0x7: {  	_ = 	snop  }
__scs_overlays_trampoline_lowered:
0x8: {  	[smem:$0x3FAC] =	sst s0  }
0x9: {  	[smem:$0x3FAD] =	sst s1  }
0xa: {  	[smem:$0x3FAE] =	sst s2  }
0xb: {  	[smem:$0x3FAF] =	sst s3  }
0xc: {  	[smem:$0x3FB0] =	sst s4  }
0xd: {  	[smem:$0x3FB1] =	sst s5  }
0xe: {  	[smem:$0x3FB2] =	sst s6  }
0xf: {  	[smem:$0x3FB3] =	sst s7  }
0x10: {  	[smem:$0x3FB4] =	sst s8  }
0x11: {  	[smem:$0x3FB5] =	sst s9;
	s0 =	simm.s32 @!p0 $0x0  }
0x12: {  	s1 =	sld [smem:$0x3F9B];
	s0 =	simm.s32 @p0 $0x1  }
0x13: {  	[smem:$0x3FB6] =	sst s0;
	s0 =	simm.s32 @!p1 $0x0  }
0x14: {  	s2 =	sld [smem:$0x3F9A];
	s0 =	simm.s32 @p1 $0x1  }
0x15: {  	[smem:$0x3FB7] =	sst s0;
	s0 =	simm.s32 @!p2 $0x0  }
0x16: {  	s3 =	sld [smem:$0x3FDB];
	s0 =	simm.s32 @p2 $0x1  }
0x17: {  	s4 =	simm.s32 $0x1BF5;
	[smem:$0x3FB9] =	sst s0  }
0x18: {  	s0 =	sld [smem:$0x3F9C];
	_ =	swait.ge [sflag:s4], $0x0  }
0x19: {  	s7 =	sld [smem:$0x3F9D]  }
0x1a: {  	s8 =	sadd.s32 $0xFFFFE003, lr  }
0x1b: {  	s9 =	sadd.s32 $0xFFFFFEF7, lr;
	s5 =	simm.s32 $0xFFFFFFFF;
	p2 =	slt.u32 s8, $0xFFFFF086  }
0x1c: {  	p1 =	slt.u32 s9, $0xF7A;
	s5 =	simm.s32 @!p2 $0x0  }
0x1d: {  	s5 =	simm.s32 @p1 $0x1;
	p0 =	seq.s32 s7, s2  }
0x1e: {  	s7 =	smul.u32 @!p0 $0xF7A, s2;
	p2 =	seq.s32 @!p0 s5, $0x0  }
0x1f: {  	s9 =	smul.u32 $0xF7A, s1;
	s8 =	simm.s32 @!p0 $0x1BF5;
	p2 =	por !p2, p0  }
0x20: {  	[sflag:s8] =	ssyncset.s32 @!p0 $0xFFFFF086;
	s6 =	sadd.s32 @!p0 s3, s7;
	s7 =	simm.s32 @!p0 $0x108  }
0x21: {  	s3 =	sadd.s32 s3, s9;
	s6 =	sadd.s32 @!p0 $0x88, s6;
	s7 =	simm.s32 @p2 $0x1082  }
0x22: {  	[simem:s7], [sflag:s8] =	dma.local @!p0 [hbm:s6], $0xF7A  }
0x23: {  	s9 =	sor.u32 $0xD0000000, s2;
	s6 =	simm.s32 $0x108;
	_ =	swait.ge @!p0 [sflag:s8], $0x0  }
0x24: {  	s3 =	sadd.s32 $0x88, s3;
	s6 =	simm.s32 @!p1 $0x1082;
	[sflag:s4] =	ssyncset.s32 $0xFFFFF086  }
0x25: {  	[simem:s6], [sflag:s4] =	dma.local [hbm:s3], $0xF7A  }
0x26: {  	[smem:$0x3F9D] =	sst s1;
	(tag) =	ssettag s2;
	_ =	strace s9  }
0x27: {  	s1 =	sld [smem:$0x3FAD]  }
0x28: {  	s2 =	sld [smem:$0x3FAE]  }
0x29: {  	s4 =	sld [smem:$0x3FB0]  }
0x2a: {  	p0 =	seq.s32 s5, $0x0;
	s5 =	sld [smem:$0x3FB1]  }
0x2b: {  	s6 =	sld [smem:$0x3FB2]  }
0x2c: {  	s7 =	sld [smem:$0x3FB3]  }
0x2d: {  	s3 =	simm.s32 $0x108;
	s8 =	sld [smem:$0x3FB4]  }
0x2e: {  	s3 =	simm.s32 @!p0 $0x1082;
	s9 =	sld [smem:$0x3FB5]  }
0x2f: {  	lr =	sadd.s32 s0, s3;
	s0 =	sld [smem:$0x3FAC]  }
0x30: {  	s3 =	sld [smem:$0x3FAF]  }
0x31: {  	[smem:$0x3FB8] =	sst s10  }
0x32: {  	s10 =	sld [smem:$0x3FB6];
	_ =	sdelay $0x3  }
0x33: {  	p0 =	seq.s32 s10, $0x1;
	s10 =	sld [smem:$0x3FB8];
	_ =	sdelay $0x3  }
0x34: {  	[smem:$0x3FB8] =	sst s10  }
0x35: {  	s10 =	sld [smem:$0x3FB7];
	_ =	sdelay $0x3  }
0x36: {  	p1 =	seq.s32 s10, $0x1;
	s10 =	sld [smem:$0x3FB8];
	_ =	sdelay $0x3  }
0x37: {  	[smem:$0x3FB8] =	sst s10  }
0x38: {  	s10 =	sld [smem:$0x3FB9]  }
0x39: {  	_ = 	snop;
	(pc) =	sbr.ind lr, $3  }
0x3a: {  	_ = 	snop  }
0x3b: {  	_ = 	snop  }
0x3c: {  	p2 =	seq.s32 s10, $0x1;
	s10 =	sld [smem:$0x3FB8]  }
0x3d: {  	_ =	shalt  }
0x3e: {  	_ =	shalt  }
0x3f: {  	_ =	shalt  }
0x40: {  	_ =	shalt  }
0x41: {  	_ =	shalt  }
0x42: {  	_ =	shalt  }
0x43: {  	_ =	shalt  }
0x44: {  	_ =	shalt  }
0x45: {  	_ =	shalt  }
0x46: {  	_ =	shalt  }
0x47: {  	_ =	shalt  }
0x48: {  	_ =	shalt  }
0x49: {  	_ =	shalt  }
0x4a: {  	_ =	shalt  }
0x4b: {  	_ =	shalt  }
0x4c: {  	_ =	shalt  }
0x4d: {  	_ =	shalt  }
0x4e: {  	_ =	shalt  }
0x4f: {  	_ =	shalt  }
0x50: {  	_ =	shalt  }
0x51: {  	_ =	shalt  }
0x52: {  	_ =	shalt  }
0x53: {  	_ =	shalt  }
0x54: {  	_ =	shalt  }
0x55: {  	_ =	shalt  }
0x56: {  	_ =	shalt  }
0x57: {  	_ =	shalt  }
0x58: {  	_ =	shalt  }
0x59: {  	_ =	shalt  }
0x5a: {  	_ =	shalt  }
0x5b: {  	_ =	shalt  }
0x5c: {  	_ =	shalt  }
0x5d: {  	_ =	shalt  }
0x5e: {  	_ =	shalt  }
0x5f: {  	_ =	shalt  }
0x60: {  	_ =	shalt  }
0x61: {  	_ =	shalt  }
0x62: {  	_ =	shalt  }
0x63: {  	_ =	shalt  }
0x64: {  	_ =	shalt  }
0x65: {  	_ =	shalt  }
0x66: {  	_ =	shalt  }
0x67: {  	_ =	shalt  }
0x68: {  	_ =	shalt  }
0x69: {  	_ =	shalt  }
0x6a: {  	_ =	shalt  }
0x6b: {  	_ =	shalt  }
0x6c: {  	_ =	shalt  }
0x6d: {  	_ =	shalt  }
0x6e: {  	_ =	shalt  }
0x6f: {  	_ =	shalt  }
0x70: {  	_ =	shalt  }
0x71: {  	_ =	shalt  }
0x72: {  	_ =	shalt  }
0x73: {  	_ =	shalt  }
0x74: {  	_ =	shalt  }
0x75: {  	_ =	shalt  }
0x76: {  	_ =	shalt  }
0x77: {  	_ =	shalt  }
0x78: {  	_ =	shalt  }
0x79: {  	_ =	shalt  }
0x7a: {  	_ =	shalt  }
0x7b: {  	_ =	shalt  }
0x7c: {  	_ =	shalt  }
0x7d: {  	_ =	shalt  }
0x7e: {  	_ =	shalt  }
0x7f: {  	_ =	shalt  }
0x80: {  	_ =	shalt  }
0x81: {  	_ =	shalt  }
0x82: {  	_ =	shalt  }
0x83: {  	_ =	shalt  }
0x84: {  	_ =	shalt  }
0x85: {  	_ =	shalt  }
0x86: {  	_ =	shalt  }
0x87: {  	_ =	shalt  }
.Lfunc_end0:
.L_simem_size_0:
called_computation.3_lowered:
.L_overlay_start_0:
0x88: {  	s2 =	sld [smem:$0x3FD9]  }
0x89: {  	s3 =	sld [smem:$0x3FFE];
	_ =	sdelay $0x1  }
0x8a: {  	s1 =	srdreg.scid  }
0x8b: {  	s0 =	sand.u32 $0x1, s1  }
0x8c: {  	s17 =	sshll.u32 s0, $0xA;
	s2 =	sadd.s32 s3, s2  }
0x8d: {  	s2 =	sadd.s32 s2, s17  }
0x8e: {  	[smem:$0x3FC4] =	sst s2  }
0x8f: {  	_ = 	snop  }
0x90: {  	(tm) =	ssettm $0x1  }
0x91: {  	s18 =	sld [smem:$0x3FFB];
	_ =	sdelay $0x3  }
0x92: {  	_ =	strace s18  }
0x93: {  	s2 =	sld [smem:$0x3FFC];
	_ =	sdelay $0x3  }
0x94: {  	_ =	strace s2  }
0x95: {  	s2 =	sld [smem:$0x3FFD];
	_ =	sdelay $0x3  }
0x96: {  	_ =	strace s2  }
0x97: {  	_ =	strace $0x8FFFFFFF  }
0x98: {  	s19 =	sld [smem:$0x3FDB];
	_ =	sdelay $0x1  }
0x99: {  	s20 =	simm.s32 $_scs_section_size  }
0x9a: {  	s4 =	simm.s32 $_size__tile_overlayer_lowered;
	s5 =	simm.s32 $_tile_overlayer_lowered  }
0x9b: {  	s6 =	simm.s32 $0x1BFF;
	s21 =	sshll.u32 s5, $0x1;
	s3 =	sadd.s32 s20, s19  }
0x9c: {  	s22 =	simm.s32 $0x0;
	s4 =	sshll.u32 s4, $0x1;
	s5 =	sadd.s32 s21, s3  }
0x9d: {  	[timem:s22], [sflag:s6] =	dma.local [hbm:s5], s4  }
0x9e: {  	_ =	swait.ge [sflag:s6], s4  }
0x9f: {  	s4 =	ssub.s32 $0x0, s4;
	[sflag:s6] =	ssyncset.done $0x0  }
0xa0: {  	[sflag:s6] =	ssyncadd.s32 s4;
	_ =	sdelay $0x1  }
0xa1: {  	s23 =	simm.s32 $0x1B8B  }
0xa2: {  	_ =	swait.ge [sflag:s23], $0x1  }
0xa3: {  	[sflag:s23] =	ssyncset.done $0x0  }
0xa4: {  	[sflag:s23] =	ssyncadd.s32 $0xFFFFFFFF  }
0xa5: {  	s4 =	sld [smem:$0x0]  }
0xa6: {  	s5 =	sand.u32 $0xFFFFFFFE, s1  }
0xa7: {  	p0 =	sne.s32 s1, s5  }
0xa8: {  	s5 =	sshll.u32 @p0 s5, $0xE  }
0xa9: {  	s5 =	sadd.s32 @p0 $0x11B8D, s5;
	s6 =	sshll.u32 @p0 s4, $0x11  }
0xaa: {  	s5 =	sor.u32 @p0 s6, s5  }
0xab: {  	[sflag:s5] =	ssyncadd.remote.s32 @p0 $0x1;
	_ =	sdelay $0x1  }
0xac: {  	s5 =	simm.s32 @p0 $0x1B8D  }
0xad: {  	_ =	swait.eq @p0 [sflag:s5], $0x1  }
0xae: {  	[sflag:s5] =	ssyncadd.s32 @p0 $0xFFFFFFFF  }
0xaf: {  	s6 =	sshll.u32 @!p0 s1, $0xE  }
0xb0: {  	s6 =	sor.u32 @!p0 $0x4000, s6;
	s5 =	simm.s32 @!p0 $0x1B8D  }
0xb1: {  	s4 =	sshll.u32 @!p0 s4, $0x11;
	s6 =	sadd.s32 @!p0 $0x11B8D, s6;
	_ =	swait.eq @!p0 [sflag:s5], $0x1  }
0xb2: {  	s4 =	sor.u32 @!p0 s4, s6;
	[sflag:s5] =	ssyncadd.s32 @!p0 $0xFFFFFFFF  }
0xb3: {  	s25 =	simm.s32 $0x1B8E;
	s24 =	sld [smem:$0x3FFE];
	[sflag:s4] =	ssyncadd.remote.s32 @!p0 $0x1  }
0xb4: {  	s26 =	simm.s32 $execute0_lowered;
	[smem:$0x3FD2] =	sst s25  }
0xb5: {  	s5 =	sshll.u32 s26, $0x1;
	_ =	strace $0x8000004F;
	[dreg:$0x1] =	wrdreg $0xFFFFFFFF  }
0xb6: {  	s28 =	simm.s32 $_size_execute0_lowered;
	s3 =	sadd.s32 s3, s5;
	[dreg:$0x0] =	wrdreg $0x0  }
0xb7: {  	s5 =	sshll.u32 s28, $0x1;
	[dreg:$0x2] =	wrdreg s3  }
0xb8: {  	[dreg:$0x3] =	wrdreg s5  }
0xb9: {  	[dreg:$0x4] =	wrdreg $0xC0  }
0xba: {  	_ =	task [dreg:s22], $0x5FFFF  }
0xbb: {  	[dreg:$0x1] =	wrdreg $0xFFFFFFFF  }
0xbc: {  	[dreg:$0x0] =	wrdreg $0x60  }
0xbd: {  	[dreg:$0x2] =	wrdreg s24  }
0xbe: {  	[dreg:$0x3] =	wrdreg $0xB  }
0xbf: {  	_ =	task.clear_ibuf [dreg:s22], $0x4FFFF;
	_ =	strace $0x9000004F  }
0xc0: {  	s29 =	simm.s32 $0xB;
	_ =	strace $0x80000051  }
0xc1: {  	_ =	swait.ge [sflag:s29], $0x1  }
0xc2: {  	[sflag:s29] =	ssyncadd.s32 $0xFFFFFFFF  }
0xc3: {  	_ =	strace $0x90000051  }
0xc4: {  	_ =	sfence  }
0xc5: {  	s30 =	sld [smem:$0x0];
	_ =	sdelay $0x2  }
0xc6: {  	s31 =	sshll.u32 s1, $0xD;
	s1 =	sshrl.u32 s1, $0x2  }
0xc7: {  	s4 =	sand.u32 $0x4000, s31;
	s1 =	sadd.s32 s1, s30  }
0xc8: {  	s0 =	sor.u32 s4, s0;
	s1 =	sshll.u32 s1, $0x11  }
0xc9: {  	s0 =	sor.u32 s1, s0  }
0xca: {  	s0 =	sadd.s32 $0x8F2B, s0  }
0xcb: {  	[sflag:s0] =	ssyncadd.remote.s32 $0x1  }
0xcc: {  	_ =	sfence.sel $0xFFFF  }
0xcd: {  	[dreg:$0x0] =	wrdreg $0xFFFFFFFF;
	(pc) =	sbr.abs _section_cstart, $3  }
0xce: {  	[dreg:$0x1] =	wrdreg $0xFFFFFFFF  }
0xcf: {  	_ =	task.clear_ibuf [dreg:s22], $0x2FFFF;
	_ =	strace $0x9FFFFFFF  }
0xd0: {  	(tm) =	ssettm $0x7FFFFFFF  }
0xd1: {  	_ =	shalt  }
tec
execute0_lowered:
.L_overlay_start_1:
0x0: {  	(tag) =	ssettag $0x1  }
0x1: {  	s12 =	rddreg [dreg:$0x0]  }
0x2: {  	s0 =	rddreg [dreg:$0x1];
	s1 =	simm.s32 $0x0  }
0x3: {  	[smem:$0x7FF] =	sst s1;
	s2 =	sadd.s32 $0x1A5200, s12  }
0x4: {  	s9 =	sadd.s32 $0x225200, s12;
	_ =	strace $0x80000050;
	[dreg:$0x2] =	wrdreg s2  }
0x5: {  	s10 =	simm.s32 $0xA00;
	[dreg:$0x3] =	wrdreg s9  }
0x6: {  	s11 =	simm.s32 $0x1200;
	[dreg:$0x4] =	wrdreg s10  }
0x7: {  	s13 =	simm.s32 $0x1A00;
	[dreg:$0x5] =	wrdreg s11  }
0x8: {  	s14 =	simm.s32 $0x2200;
	[dreg:$0x6] =	wrdreg s13  }
0x9: {  	s15 =	simm.s32 $0x2A00;
	[dreg:$0x7] =	wrdreg s14  }
0xa: {  	s3 =	simm.s32 $0x3200;
	[dreg:$0x8] =	wrdreg s15  }
0xb: {  	s16 =	simm.s32 $0x3A00;
	[dreg:$0x9] =	wrdreg s3  }
0xc: {  	s5 =	simm.s32 $0x4200;
	[dreg:$0xa] =	wrdreg s16  }
0xd: {  	s17 =	simm.s32 $0x4A00;
	[dreg:$0xb] =	wrdreg s5  }
0xe: {  	s18 =	simm.s32 $0x5200;
	[dreg:$0xc] =	wrdreg s17  }
0xf: {  	s20 =	simm.s32 $0x5A00;
	[dreg:$0xd] =	wrdreg s18  }
0x10: {  	s8 =	simm.s32 $0x6200;
	[dreg:$0xe] =	wrdreg s20  }
0x11: {  	s4 =	srdreg.scid;
	s21 =	simm.s32 $0x6A00;
	[dreg:$0xf] =	wrdreg s8  }
0x12: {  	s22 =	simm.s32 $0x7200;
	s23 =	simm.s32 $0x7A00;
	[dreg:$0x10] =	wrdreg s21  }
0x13: {  	s25 =	simm.s32 $0x8A00;
	s26 =	simm.s32 $0x9200;
	[dreg:$0x11] =	wrdreg s22  }
0x14: {  	s28 =	simm.s32 $0x9A00;
	s29 =	simm.s32 $0xA200;
	[dreg:$0x12] =	wrdreg s23  }
0x15: {  	s30 =	simm.s32 $0xCA00;
	s31 =	simm.s32 $0xD200;
	[dreg:$0x13] =	wrdreg s25  }
0x16: {  	s6 =	sand.u32 $0x1, s4;
	s2 =	sadd.s32 $0x425C00, s12;
	[dreg:$0x14] =	wrdreg s26  }
0x17: {  	s3 =	stileid.u32;
	s7 =	sshll.u32 s6, $0x6;
	[dreg:$0x15] =	wrdreg s28  }
0x18: {  	s6 =	ssub.s32 $0x2, s6;
	[dreg:$0x16] =	wrdreg s29;
	s9 =	simm.s32 $0xAA00  }
0x19: {  	s8 =	sadd.s32 $0x425F00, s12;
	s10 =	simm.s32 $0xB200;
	[dreg:$0x1b] =	wrdreg s30  }
0x1a: {  	s11 =	simm.s32 $0xBA00;
	s14 =	simm.s32 $0xC200;
	[dreg:$0x1c] =	wrdreg s31  }
0x1b: {  	s15 =	simm.s32 $0xDA00;
	s17 =	simm.s32 $0xE200;
	s16 =	simm.s32 $0x8200  }
0x1c: {  	s18 =	simm.s32 $0xF200;
	s20 =	simm.s32 $0x1;
	[dreg:$0x17] =	wrdreg s9  }
0x1d: {  	s21 =	simm.s32 $0x2;
	s22 =	simm.s32 $0x0;
	[dreg:$0x18] =	wrdreg s10  }
0x1e: {  	s19 =	sshll.u32 s3, $0x7;
	s24 =	sshrl.u32 s6, $0x1;
	[dreg:$0x19] =	wrdreg s11  }
0x1f: {  	s9 =	sadd.s32 $0x426000, s12;
	s10 =	sadd.s32 $0x426100, s12;
	[dreg:$0x1a] =	wrdreg s14  }
0x20: {  	s11 =	sadd.s32 $0x426200, s12;
	s14 =	simm.s32 $0x3;
	[dreg:$0x1d] =	wrdreg s15  }
0x21: {  	s15 =	simm.s32 $0x200;
	[dreg:$0x1e] =	wrdreg s17;
	s4 =	sor.u32 s7, s19  }
0x22: {  	v2 =	vlaneseq.u32;
	s13 =	ssub.s32 s6, s24;
	s6 =	sadd.s32 $0x425D00, s12;
	s7 =	sadd.s32 s4, s12  }
0x23: {  	vm0 =	vmmov $0xffff;
	v1 =	vshrl.u32 v2, $0x3;
	s17 =	simm.s32 $0xEA00;
	s19 =	simm.s32 $0xFA00;
	s5 =	sadd.s32 $0x1A4A00, s7  }
0x24: {  	v0 =	vand.u32 $0x7, v2;
	v2 =	vor.u32 $0x8, v2;
	v1 =	vmul.u32 $0x8, v1;
	s13 =	smax.u32 s13, $0x1;
	s7 =	sadd.s32 $0x425E00, s12;
	s12 =	sadd.s32 $0x426300, s12  }
.LBB2_1:
0x25: {  	[tilespmem:s1], [sflag:$0x3] =	stream.linear.gather [hbm4b:s5+s1], $0x200, $0x38;
	[tilespmem:$0x10200] =	vst v63  }
0x26: {  	s24 =	simm.s32 $0x0;
	_ =	swait.ge [sflag:s14], $0x200  }
0x27: {  	s23 =	sand.u32 $0x10, s1;
	s24 =	sand.u32 $0x3FFFFF80, s24;
	[sflag:s14] =	ssyncset.done $0x0  }
0x28: {  	s24 =	sor.u32 s23, s24;
	[sflag:s14] =	ssyncadd.s32 $0xFFFFFE00  }
0x29: {  	v3 =	vld [tilespmem:s24+$0x0];
	_ =	sdelay $0x4  }
0x2a: {  	v4 =	vshll.u32 v3, $0x4  }
0x2b: {  	v3 =	vand.u32 $0x7, v3;
	v4 =	vand.u32 $0xFFFFFF80, v4  }
0x2c: {  	v3 =	vor.u32 v3, v4  }
0x2d: {  	v4 =	vperm.xlane v3, v0;
	_ =	sdelay $0x1  }
0x2e: {  	v4 =	vadd.s32 v1, v4;
	_ =	sdelay $0x4  }
0x2f: {  	[tilespmem:s15], [sflag:$0x1] =	stream.indirect_vreg.gather [hbm4b:s2+s1], $0x80, v4, vm0, $0xb8;
	[tilespmem:$0x10200] =	vst v63  }
0x30: {  	s25 =	rddreg [dreg:$0x4]  }
0x31: {  	[tilespmem:s25], [sflag:$0x1] =	stream.indirect_vreg.gather [hbm4b:s6+s1], $0x80, v4, vm0, $0xb8;
	[tilespmem:$0x10200] =	vst v63  }
0x32: {  	s26 =	rddreg [dreg:$0x5]  }
0x33: {  	[tilespmem:s26], [sflag:$0x1] =	stream.indirect_vreg.gather [hbm4b:s7+s1], $0x80, v4, vm0, $0xb8;
	[tilespmem:$0x10200] =	vst v63  }
0x34: {  	s31 =	rddreg [dreg:$0x6]  }
0x35: {  	[tilespmem:s31], [sflag:$0x1] =	stream.indirect_vreg.gather [hbm4b:s8+s1], $0x80, v4, vm0, $0xb8;
	[tilespmem:$0x10200] =	vst v63  }
0x36: {  	s29 =	rddreg [dreg:$0x7]  }
0x37: {  	[tilespmem:s29], [sflag:$0x1] =	stream.indirect_vreg.gather [hbm4b:s9+s1], $0x80, v4, vm0, $0xb8;
	[tilespmem:$0x10200] =	vst v63  }
0x38: {  	v3 =	vperm.xlane v3, v2;
	s31 =	rddreg [dreg:$0x8]  }
0x39: {  	[tilespmem:s31], [sflag:$0x1] =	stream.indirect_vreg.gather [hbm4b:s10+s1], $0x80, v4, vm0, $0xb8;
	[tilespmem:$0x10200] =	vst v63  }
0x3a: {  	v3 =	vadd.s32 v1, v3;
	s29 =	rddreg [dreg:$0x9]  }
0x3b: {  	[tilespmem:s29], [sflag:$0x1] =	stream.indirect_vreg.gather [hbm4b:s11+s1], $0x80, v4, vm0, $0xb8;
	[tilespmem:$0x10200] =	vst v63  }
0x3c: {  	s31 =	rddreg [dreg:$0xa]  }
0x3d: {  	[tilespmem:s31], [sflag:$0x1] =	stream.indirect_vreg.gather [hbm4b:s12+s1], $0x80, v4, vm0, $0xb8;
	[tilespmem:$0x10200] =	vst v63  }
0x3e: {  	s29 =	rddreg [dreg:$0xb]  }
0x3f: {  	[tilespmem:s29], [sflag:$0x1] =	stream.indirect_vreg.gather [hbm4b:s2+s1], $0x80, v3, vm0, $0xb8;
	[tilespmem:$0x10200] =	vst v63  }
0x40: {  	s31 =	rddreg [dreg:$0xc]  }
0x41: {  	[tilespmem:s31], [sflag:$0x1] =	stream.indirect_vreg.gather [hbm4b:s6+s1], $0x80, v3, vm0, $0xb8;
	[tilespmem:$0x10200] =	vst v63  }
0x42: {  	s29 =	rddreg [dreg:$0xd]  }
0x43: {  	[tilespmem:s29], [sflag:$0x1] =	stream.indirect_vreg.gather [hbm4b:s7+s1], $0x80, v3, vm0, $0xb8;
	[tilespmem:$0x10200] =	vst v63  }
0x44: {  	s31 =	rddreg [dreg:$0xe]  }
0x45: {  	[tilespmem:s31], [sflag:$0x1] =	stream.indirect_vreg.gather [hbm4b:s8+s1], $0x80, v3, vm0, $0xb8;
	[tilespmem:$0x10200] =	vst v63  }
0x46: {  	s29 =	rddreg [dreg:$0xf]  }
0x47: {  	[tilespmem:s29], [sflag:$0x1] =	stream.indirect_vreg.gather [hbm4b:s9+s1], $0x80, v3, vm0, $0xb8;
	[tilespmem:$0x10200] =	vst v63  }
0x48: {  	s31 =	rddreg [dreg:$0x10]  }
0x49: {  	[tilespmem:s31], [sflag:$0x1] =	stream.indirect_vreg.gather [hbm4b:s10+s1], $0x80, v3, vm0, $0xb8;
	[tilespmem:$0x10200] =	vst v63  }
0x4a: {  	s29 =	rddreg [dreg:$0x11]  }
0x4b: {  	[tilespmem:s29], [sflag:$0x1] =	stream.indirect_vreg.gather [hbm4b:s11+s1], $0x80, v3, vm0, $0xb8;
	[tilespmem:$0x10200] =	vst v63  }
0x4c: {  	s31 =	rddreg [dreg:$0x12]  }
0x4d: {  	[tilespmem:s31], [sflag:$0x1] =	stream.indirect_vreg.gather [hbm4b:s12+s1], $0x80, v3, vm0, $0xb8;
	[tilespmem:$0x10200] =	vst v63  }
0x4e: {  	v3 =	vld [tilespmem:s24+$0x100];
	_ =	sdelay $0x4  }
0x4f: {  	v63 =	vshll.u32 v3, $0x4  }
0x50: {  	v3 =	vand.u32 $0x7, v3;
	v4 =	vand.u32 $0xFFFFFF80, v63  }
0x51: {  	v3 =	vor.u32 v3, v4  }
0x52: {  	v4 =	vperm.xlane v3, v0;
	_ =	sdelay $0x1  }
0x53: {  	v4 =	vadd.s32 v1, v4;
	_ =	sdelay $0x4  }
0x54: {  	[tilespmem:s16], [sflag:$0x2] =	stream.indirect_vreg.gather [hbm4b:s2+s1], $0x80, v4, vm0, $0xb8;
	[tilespmem:$0x10200] =	vst v63  }
0x55: {  	s26 =	rddreg [dreg:$0x13]  }
0x56: {  	[tilespmem:s26], [sflag:$0x2] =	stream.indirect_vreg.gather [hbm4b:s6+s1], $0x80, v4, vm0, $0xb8;
	[tilespmem:$0x10200] =	vst v63  }
0x57: {  	s29 =	rddreg [dreg:$0x14]  }
0x58: {  	[tilespmem:s29], [sflag:$0x2] =	stream.indirect_vreg.gather [hbm4b:s7+s1], $0x80, v4, vm0, $0xb8;
	[tilespmem:$0x10200] =	vst v63  }
0x59: {  	s31 =	rddreg [dreg:$0x15]  }
0x5a: {  	[tilespmem:s31], [sflag:$0x2] =	stream.indirect_vreg.gather [hbm4b:s8+s1], $0x80, v4, vm0, $0xb8;
	[tilespmem:$0x10200] =	vst v63  }
0x5b: {  	s26 =	rddreg [dreg:$0x16]  }
0x5c: {  	[tilespmem:s26], [sflag:$0x2] =	stream.indirect_vreg.gather [hbm4b:s9+s1], $0x80, v4, vm0, $0xb8;
	[tilespmem:$0x10200] =	vst v63  }
0x5d: {  	v3 =	vperm.xlane v3, v2;
	s29 =	rddreg [dreg:$0x17]  }
0x5e: {  	[tilespmem:s29], [sflag:$0x2] =	stream.indirect_vreg.gather [hbm4b:s10+s1], $0x80, v4, vm0, $0xb8;
	[tilespmem:$0x10200] =	vst v63  }
0x5f: {  	v3 =	vadd.s32 v1, v3;
	s31 =	rddreg [dreg:$0x18]  }
0x60: {  	[tilespmem:s31], [sflag:$0x2] =	stream.indirect_vreg.gather [hbm4b:s11+s1], $0x80, v4, vm0, $0xb8;
	[tilespmem:$0x10200] =	vst v63  }
0x61: {  	s26 =	rddreg [dreg:$0x19]  }
0x62: {  	[tilespmem:s26], [sflag:$0x2] =	stream.indirect_vreg.gather [hbm4b:s12+s1], $0x80, v4, vm0, $0xb8;
	[tilespmem:$0x10200] =	vst v63  }
0x63: {  	s29 =	rddreg [dreg:$0x1a]  }
0x64: {  	[tilespmem:s29], [sflag:$0x2] =	stream.indirect_vreg.gather [hbm4b:s2+s1], $0x80, v3, vm0, $0xb8;
	[tilespmem:$0x10200] =	vst v63  }
0x65: {  	s31 =	rddreg [dreg:$0x1b]  }
0x66: {  	[tilespmem:s31], [sflag:$0x2] =	stream.indirect_vreg.gather [hbm4b:s6+s1], $0x80, v3, vm0, $0xb8;
	[tilespmem:$0x10200] =	vst v63  }
0x67: {  	s26 =	rddreg [dreg:$0x1c]  }
0x68: {  	[tilespmem:s26], [sflag:$0x2] =	stream.indirect_vreg.gather [hbm4b:s7+s1], $0x80, v3, vm0, $0xb8;
	[tilespmem:$0x10200] =	vst v63  }
0x69: {  	s29 =	rddreg [dreg:$0x1d]  }
0x6a: {  	[tilespmem:s29], [sflag:$0x2] =	stream.indirect_vreg.gather [hbm4b:s8+s1], $0x80, v3, vm0, $0xb8;
	[tilespmem:$0x10200] =	vst v63  }
0x6b: {  	s31 =	rddreg [dreg:$0x1e]  }
0x6c: {  	[tilespmem:s31], [sflag:$0x2] =	stream.indirect_vreg.gather [hbm4b:s9+s1], $0x80, v3, vm0, $0xb8;
	[tilespmem:$0x10200] =	vst v63  }
0x6d: {  	s25 =	simm.s32 $0x0  }
0x6e: {  	[tilespmem:s17], [sflag:$0x2] =	stream.indirect_vreg.gather [hbm4b:s10+s1], $0x80, v3, vm0, $0xb8;
	[tilespmem:$0x10200] =	vst v63  }
0x6f: {  	s24 =	sand.u32 $0xFFFFFFE0, s25  }
0x70: {  	[tilespmem:s18], [sflag:$0x2] =	stream.indirect_vreg.gather [hbm4b:s11+s1], $0x80, v3, vm0, $0xb8;
	[tilespmem:$0x10200] =	vst v63  }
0x71: {  	s24 =	sadd.s32 s4, s24  }
0x72: {  	[tilespmem:s19], [sflag:$0x2] =	stream.indirect_vreg.gather [hbm4b:s12+s1], $0x80, v3, vm0, $0xb8;
	[tilespmem:$0x10200] =	vst v63  }
0x73: {  	s23 =	sor.u32 s23, s24;
	_ =	swait.ge [sflag:s20], $0x8000  }
0x74: {  	s24 =	sshll.u32 s23, $0x8;
	s26 =	rddreg [dreg:$0x2];
	[sflag:s20] =	ssyncset.done $0x0  }
0x75: {  	[sflag:s20] =	ssyncadd.s32 $0xFFFF8000;
	s23 =	sadd.s32 s26, s24  }
0x76: {  	[hbm4b:s23+s1] =	stream.linear.scatter [tilespmem:s15], [sflag:$0x3], $0x8000, $0x38;
	[tilespmem:$0x10200] =	vst v63  }
0x77: {  	_ =	swait.ge [sflag:s14], $0x8000  }
0x78: {  	[sflag:s14] =	ssyncset.done $0x0  }
0x79: {  	[sflag:s14] =	ssyncadd.s32 $0xFFFF8000  }
0x7a: {  	_ =	swait.ge [sflag:s21], $0x8000  }
0x7b: {  	s30 =	simm.s32 $0x2;
	s29 =	rddreg [dreg:$0x3];
	[sflag:s21] =	ssyncset.done $0x0  }
0x7c: {  	s31 =	simm.s32 $0x40;
	[sflag:s21] =	ssyncadd.s32 $0xFFFF8000;
	s24 =	sadd.s32 s29, s24  }
0x7d: {  	[hbm4b:s24+s1] =	stream.linear.scatter [tilespmem:s16], [sflag:$0x3], $0x8000, $0x38;
	[tilespmem:$0x10200] =	vst v63  }
0x7e: {  	s25 =	simm.s32 $0x10;
	s28 =	sand.u32 $0x3FFFFF80, s31;
	_ =	swait.ge [sflag:s14], $0x8000  }
0x7f: {  	s23 =	simm.s32 $0x1;
	s24 =	sand.u32 $0x10, s25;
	[sflag:s14] =	ssyncset.done $0x0  }
.LBB2_2:
0x80: {  	s29 =	sor.u32 s24, s28;
	[sflag:s14] =	ssyncadd.s32 $0xFFFF8000  }
0x81: {  	v3 =	vld [tilespmem:s29+$0x0];
	_ =	sdelay $0x4  }
0x82: {  	v4 =	vshll.u32 v3, $0x4  }
0x83: {  	v3 =	vand.u32 $0x7, v3;
	v4 =	vand.u32 $0xFFFFFF80, v4  }
0x84: {  	v3 =	vor.u32 v3, v4  }
0x85: {  	v4 =	vperm.xlane v3, v0;
	_ =	sdelay $0x1  }
0x86: {  	v4 =	vadd.s32 v1, v4;
	_ =	sdelay $0x3  }
0x87: {  	s28 =	smov.u32 s30  }
0x88: {  	[tilespmem:s15], [sflag:$0x1] =	stream.indirect_vreg.gather [hbm4b:s2+s1], $0x80, v4, vm0, $0xb8;
	[tilespmem:$0x10200] =	vst v63  }
0x89: {  	s26 =	sadd.s32 $0x1, s30;
	p0 =	sne.s32 s30, $0x3;
	s30 =	rddreg [dreg:$0x4]  }
0x8a: {  	[tilespmem:s30], [sflag:$0x1] =	stream.indirect_vreg.gather [hbm4b:s6+s1], $0x80, v4, vm0, $0xb8;
	[tilespmem:$0x10200] =	vst v63  }
0x8b: {  	s31 =	rddreg [dreg:$0x5]  }
0x8c: {  	[tilespmem:s31], [sflag:$0x1] =	stream.indirect_vreg.gather [hbm4b:s7+s1], $0x80, v4, vm0, $0xb8;
	[tilespmem:$0x10200] =	vst v63  }
0x8d: {  	s30 =	rddreg [dreg:$0x6]  }
0x8e: {  	[tilespmem:s30], [sflag:$0x1] =	stream.indirect_vreg.gather [hbm4b:s8+s1], $0x80, v4, vm0, $0xb8;
	[tilespmem:$0x10200] =	vst v63  }
0x8f: {  	s31 =	rddreg [dreg:$0x7]  }
0x90: {  	[tilespmem:s31], [sflag:$0x1] =	stream.indirect_vreg.gather [hbm4b:s9+s1], $0x80, v4, vm0, $0xb8;
	[tilespmem:$0x10200] =	vst v63  }
0x91: {  	v3 =	vperm.xlane v3, v2;
	s30 =	rddreg [dreg:$0x8]  }
0x92: {  	[tilespmem:s30], [sflag:$0x1] =	stream.indirect_vreg.gather [hbm4b:s10+s1], $0x80, v4, vm0, $0xb8;
	[tilespmem:$0x10200] =	vst v63  }
0x93: {  	v3 =	vadd.s32 v1, v3;
	s31 =	rddreg [dreg:$0x9]  }
0x94: {  	[tilespmem:s31], [sflag:$0x1] =	stream.indirect_vreg.gather [hbm4b:s11+s1], $0x80, v4, vm0, $0xb8;
	[tilespmem:$0x10200] =	vst v63  }
0x95: {  	s30 =	rddreg [dreg:$0xa]  }
0x96: {  	[tilespmem:s30], [sflag:$0x1] =	stream.indirect_vreg.gather [hbm4b:s12+s1], $0x80, v4, vm0, $0xb8;
	[tilespmem:$0x10200] =	vst v63  }
0x97: {  	s31 =	rddreg [dreg:$0xb]  }
0x98: {  	[tilespmem:s31], [sflag:$0x1] =	stream.indirect_vreg.gather [hbm4b:s2+s1], $0x80, v3, vm0, $0xb8;
	[tilespmem:$0x10200] =	vst v63  }
0x99: {  	s30 =	rddreg [dreg:$0xc]  }
0x9a: {  	[tilespmem:s30], [sflag:$0x1] =	stream.indirect_vreg.gather [hbm4b:s6+s1], $0x80, v3, vm0, $0xb8;
	[tilespmem:$0x10200] =	vst v63  }
0x9b: {  	s31 =	rddreg [dreg:$0xd]  }
0x9c: {  	[tilespmem:s31], [sflag:$0x1] =	stream.indirect_vreg.gather [hbm4b:s7+s1], $0x80, v3, vm0, $0xb8;
	[tilespmem:$0x10200] =	vst v63  }
0x9d: {  	s30 =	rddreg [dreg:$0xe]  }
0x9e: {  	[tilespmem:s30], [sflag:$0x1] =	stream.indirect_vreg.gather [hbm4b:s8+s1], $0x80, v3, vm0, $0xb8;
	[tilespmem:$0x10200] =	vst v63  }
0x9f: {  	s31 =	rddreg [dreg:$0xf]  }
0xa0: {  	[tilespmem:s31], [sflag:$0x1] =	stream.indirect_vreg.gather [hbm4b:s9+s1], $0x80, v3, vm0, $0xb8;
	[tilespmem:$0x10200] =	vst v63  }
0xa1: {  	s30 =	rddreg [dreg:$0x10]  }
0xa2: {  	[tilespmem:s30], [sflag:$0x1] =	stream.indirect_vreg.gather [hbm4b:s10+s1], $0x80, v3, vm0, $0xb8;
	[tilespmem:$0x10200] =	vst v63  }
0xa3: {  	s31 =	rddreg [dreg:$0x11]  }
0xa4: {  	[tilespmem:s31], [sflag:$0x1] =	stream.indirect_vreg.gather [hbm4b:s11+s1], $0x80, v3, vm0, $0xb8;
	[tilespmem:$0x10200] =	vst v63  }
0xa5: {  	s30 =	rddreg [dreg:$0x12]  }
0xa6: {  	[tilespmem:s30], [sflag:$0x1] =	stream.indirect_vreg.gather [hbm4b:s12+s1], $0x80, v3, vm0, $0xb8;
	[tilespmem:$0x10200] =	vst v63  }
0xa7: {  	v3 =	vld [tilespmem:s29+$0x100];
	_ =	sdelay $0x4  }
0xa8: {  	v63 =	vshll.u32 v3, $0x4  }
0xa9: {  	v3 =	vand.u32 $0x7, v3;
	v4 =	vand.u32 $0xFFFFFF80, v63  }
0xaa: {  	v3 =	vor.u32 v3, v4  }
0xab: {  	v4 =	vperm.xlane v3, v0;
	_ =	sdelay $0x1  }
0xac: {  	v4 =	vadd.s32 v1, v4;
	_ =	sdelay $0x4  }
0xad: {  	[tilespmem:s16], [sflag:$0x2] =	stream.indirect_vreg.gather [hbm4b:s2+s1], $0x80, v4, vm0, $0xb8;
	[tilespmem:$0x10200] =	vst v63  }
0xae: {  	s31 =	rddreg [dreg:$0x13]  }
0xaf: {  	[tilespmem:s31], [sflag:$0x2] =	stream.indirect_vreg.gather [hbm4b:s6+s1], $0x80, v4, vm0, $0xb8;
	[tilespmem:$0x10200] =	vst v63  }
0xb0: {  	s30 =	rddreg [dreg:$0x14]  }
0xb1: {  	[tilespmem:s30], [sflag:$0x2] =	stream.indirect_vreg.gather [hbm4b:s7+s1], $0x80, v4, vm0, $0xb8;
	[tilespmem:$0x10200] =	vst v63  }
0xb2: {  	s31 =	rddreg [dreg:$0x15]  }
0xb3: {  	[tilespmem:s31], [sflag:$0x2] =	stream.indirect_vreg.gather [hbm4b:s8+s1], $0x80, v4, vm0, $0xb8;
	[tilespmem:$0x10200] =	vst v63  }
0xb4: {  	s30 =	rddreg [dreg:$0x16]  }
0xb5: {  	[tilespmem:s30], [sflag:$0x2] =	stream.indirect_vreg.gather [hbm4b:s9+s1], $0x80, v4, vm0, $0xb8;
	[tilespmem:$0x10200] =	vst v63  }
0xb6: {  	v3 =	vperm.xlane v3, v2;
	s31 =	rddreg [dreg:$0x17]  }
0xb7: {  	[tilespmem:s31], [sflag:$0x2] =	stream.indirect_vreg.gather [hbm4b:s10+s1], $0x80, v4, vm0, $0xb8;
	[tilespmem:$0x10200] =	vst v63  }
0xb8: {  	v3 =	vadd.s32 v1, v3;
	s30 =	rddreg [dreg:$0x18]  }
0xb9: {  	[tilespmem:s30], [sflag:$0x2] =	stream.indirect_vreg.gather [hbm4b:s11+s1], $0x80, v4, vm0, $0xb8;
	[tilespmem:$0x10200] =	vst v63  }
0xba: {  	s31 =	rddreg [dreg:$0x19]  }
0xbb: {  	[tilespmem:s31], [sflag:$0x2] =	stream.indirect_vreg.gather [hbm4b:s12+s1], $0x80, v4, vm0, $0xb8;
	[tilespmem:$0x10200] =	vst v63  }
0xbc: {  	s30 =	rddreg [dreg:$0x1a]  }
0xbd: {  	[tilespmem:s30], [sflag:$0x2] =	stream.indirect_vreg.gather [hbm4b:s2+s1], $0x80, v3, vm0, $0xb8;
	[tilespmem:$0x10200] =	vst v63  }
0xbe: {  	s31 =	rddreg [dreg:$0x1b]  }
0xbf: {  	[tilespmem:s31], [sflag:$0x2] =	stream.indirect_vreg.gather [hbm4b:s6+s1], $0x80, v3, vm0, $0xb8;
	[tilespmem:$0x10200] =	vst v63  }
0xc0: {  	s30 =	rddreg [dreg:$0x1c]  }
0xc1: {  	[tilespmem:s30], [sflag:$0x2] =	stream.indirect_vreg.gather [hbm4b:s7+s1], $0x80, v3, vm0, $0xb8;
	[tilespmem:$0x10200] =	vst v63  }
0xc2: {  	s31 =	rddreg [dreg:$0x1d]  }
0xc3: {  	[tilespmem:s31], [sflag:$0x2] =	stream.indirect_vreg.gather [hbm4b:s8+s1], $0x80, v3, vm0, $0xb8;
	[tilespmem:$0x10200] =	vst v63  }
0xc4: {  	s30 =	rddreg [dreg:$0x1e]  }
0xc5: {  	[tilespmem:s30], [sflag:$0x2] =	stream.indirect_vreg.gather [hbm4b:s9+s1], $0x80, v3, vm0, $0xb8;
	[tilespmem:$0x10200] =	vst v63  }
0xc6: {  	s31 =	sshll.u32 s23, $0x4  }
0xc7: {  	[tilespmem:s17], [sflag:$0x2] =	stream.indirect_vreg.gather [hbm4b:s10+s1], $0x80, v3, vm0, $0xb8;
	[tilespmem:$0x10200] =	vst v63  }
0xc8: {  	s23 =	smov.u32 s28;
	s28 =	sand.u32 $0xFFFFFFE0, s31  }
0xc9: {  	[tilespmem:s18], [sflag:$0x2] =	stream.indirect_vreg.gather [hbm4b:s11+s1], $0x80, v3, vm0, $0xb8;
	[tilespmem:$0x10200] =	vst v63  }
0xca: {  	s28 =	sadd.s32 s4, s28  }
0xcb: {  	[tilespmem:s19], [sflag:$0x2] =	stream.indirect_vreg.gather [hbm4b:s12+s1], $0x80, v3, vm0, $0xb8;
	[tilespmem:$0x10200] =	vst v63  }
0xcc: {  	s31 =	sor.u32 s24, s28;
	_ =	swait.ge [sflag:s20], $0x8000  }
0xcd: {  	s24 =	sshll.u32 s31, $0x8;
	s29 =	rddreg [dreg:$0x2];
	[sflag:s20] =	ssyncset.done $0x0  }
0xce: {  	[sflag:s20] =	ssyncadd.s32 $0xFFFF8000;
	s28 =	sadd.s32 s29, s24  }
0xcf: {  	[hbm4b:s28+s1] =	stream.linear.scatter [tilespmem:s15], [sflag:$0x3], $0x8000, $0x38;
	[tilespmem:$0x10200] =	vst v63  }
0xd0: {  	_ =	swait.ge [sflag:s14], $0x8000  }
0xd1: {  	[sflag:s14] =	ssyncset.done $0x0  }
0xd2: {  	[sflag:s14] =	ssyncadd.s32 $0xFFFF8000  }
0xd3: {  	_ =	swait.ge [sflag:s21], $0x8000  }
.Ltmp0:
0xd4: {  	s28 =	rddreg [dreg:$0x3];
	[sflag:s21] =	ssyncset.done $0x0;
	(pc) =	sbr.rel @p0 .LBB2_2-.Ltmp0, $4  }
0xd5: {  	s25 =	sadd.s32 $0x10, s25;
	[sflag:s21] =	ssyncadd.s32 $0xFFFF8000;
	s24 =	sadd.s32 s28, s24  }
0xd6: {  	[hbm4b:s24+s1] =	stream.linear.scatter [tilespmem:s16], [sflag:$0x3], $0x8000, $0x38;
	[tilespmem:$0x10200] =	vst v63  }
0xd7: {  	s30 =	smov.u32 s26;
	s28 =	sshll.u32 s23, $0x6;
	_ =	swait.ge [sflag:s14], $0x8000  }
0xd8: {  	s24 =	sand.u32 $0x10, s25;
	s28 =	sand.u32 $0x3FFFFF80, s28;
	[sflag:s14] =	ssyncset.done $0x0  }
0xd9: {  	s25 =	sor.u32 s24, s28;
	[sflag:s14] =	ssyncadd.s32 $0xFFFF8000  }
0xda: {  	v3 =	vld [tilespmem:s25+$0x0];
	_ =	sdelay $0x4  }
0xdb: {  	v4 =	vshll.u32 v3, $0x4  }
0xdc: {  	v3 =	vand.u32 $0x7, v3;
	v4 =	vand.u32 $0xFFFFFF80, v4  }
0xdd: {  	v3 =	vor.u32 v3, v4  }
0xde: {  	v4 =	vperm.xlane v3, v0;
	_ =	sdelay $0x1  }
0xdf: {  	v4 =	vadd.s32 v1, v4;
	_ =	sdelay $0x4  }
0xe0: {  	[tilespmem:s15], [sflag:$0x1] =	stream.indirect_vreg.gather [hbm4b:s2+s1], $0x80, v4, vm0, $0xb8;
	[tilespmem:$0x10200] =	vst v63  }
0xe1: {  	s26 =	rddreg [dreg:$0x4]  }
0xe2: {  	[tilespmem:s26], [sflag:$0x1] =	stream.indirect_vreg.gather [hbm4b:s6+s1], $0x80, v4, vm0, $0xb8;
	[tilespmem:$0x10200] =	vst v63  }
0xe3: {  	s30 =	rddreg [dreg:$0x5]  }
0xe4: {  	[tilespmem:s30], [sflag:$0x1] =	stream.indirect_vreg.gather [hbm4b:s7+s1], $0x80, v4, vm0, $0xb8;
	[tilespmem:$0x10200] =	vst v63  }
0xe5: {  	s31 =	rddreg [dreg:$0x6]  }
0xe6: {  	[tilespmem:s31], [sflag:$0x1] =	stream.indirect_vreg.gather [hbm4b:s8+s1], $0x80, v4, vm0, $0xb8;
	[tilespmem:$0x10200] =	vst v63  }
0xe7: {  	s29 =	rddreg [dreg:$0x7]  }
0xe8: {  	[tilespmem:s29], [sflag:$0x1] =	stream.indirect_vreg.gather [hbm4b:s9+s1], $0x80, v4, vm0, $0xb8;
	[tilespmem:$0x10200] =	vst v63  }
0xe9: {  	v3 =	vperm.xlane v3, v2;
	s30 =	rddreg [dreg:$0x8]  }
0xea: {  	[tilespmem:s30], [sflag:$0x1] =	stream.indirect_vreg.gather [hbm4b:s10+s1], $0x80, v4, vm0, $0xb8;
	[tilespmem:$0x10200] =	vst v63  }
0xeb: {  	v3 =	vadd.s32 v1, v3;
	s31 =	rddreg [dreg:$0x9]  }
0xec: {  	[tilespmem:s31], [sflag:$0x1] =	stream.indirect_vreg.gather [hbm4b:s11+s1], $0x80, v4, vm0, $0xb8;
	[tilespmem:$0x10200] =	vst v63  }
0xed: {  	s29 =	rddreg [dreg:$0xa]  }
0xee: {  	[tilespmem:s29], [sflag:$0x1] =	stream.indirect_vreg.gather [hbm4b:s12+s1], $0x80, v4, vm0, $0xb8;
	[tilespmem:$0x10200] =	vst v63  }
0xef: {  	s30 =	rddreg [dreg:$0xb]  }
0xf0: {  	[tilespmem:s30], [sflag:$0x1] =	stream.indirect_vreg.gather [hbm4b:s2+s1], $0x80, v3, vm0, $0xb8;
	[tilespmem:$0x10200] =	vst v63  }
0xf1: {  	s31 =	rddreg [dreg:$0xc]  }
0xf2: {  	[tilespmem:s31], [sflag:$0x1] =	stream.indirect_vreg.gather [hbm4b:s6+s1], $0x80, v3, vm0, $0xb8;
	[tilespmem:$0x10200] =	vst v63  }
0xf3: {  	s29 =	rddreg [dreg:$0xd]  }
0xf4: {  	[tilespmem:s29], [sflag:$0x1] =	stream.indirect_vreg.gather [hbm4b:s7+s1], $0x80, v3, vm0, $0xb8;
	[tilespmem:$0x10200] =	vst v63  }
0xf5: {  	s30 =	rddreg [dreg:$0xe]  }
0xf6: {  	[tilespmem:s30], [sflag:$0x1] =	stream.indirect_vreg.gather [hbm4b:s8+s1], $0x80, v3, vm0, $0xb8;
	[tilespmem:$0x10200] =	vst v63  }
0xf7: {  	s31 =	rddreg [dreg:$0xf]  }
0xf8: {  	[tilespmem:s31], [sflag:$0x1] =	stream.indirect_vreg.gather [hbm4b:s9+s1], $0x80, v3, vm0, $0xb8;
	[tilespmem:$0x10200] =	vst v63  }
0xf9: {  	s29 =	rddreg [dreg:$0x10]  }
0xfa: {  	[tilespmem:s29], [sflag:$0x1] =	stream.indirect_vreg.gather [hbm4b:s10+s1], $0x80, v3, vm0, $0xb8;
	[tilespmem:$0x10200] =	vst v63  }
0xfb: {  	s30 =	rddreg [dreg:$0x11]  }
0xfc: {  	[tilespmem:s30], [sflag:$0x1] =	stream.indirect_vreg.gather [hbm4b:s11+s1], $0x80, v3, vm0, $0xb8;
	[tilespmem:$0x10200] =	vst v63  }
0xfd: {  	s31 =	rddreg [dreg:$0x12]  }
0xfe: {  	[tilespmem:s31], [sflag:$0x1] =	stream.indirect_vreg.gather [hbm4b:s12+s1], $0x80, v3, vm0, $0xb8;
	[tilespmem:$0x10200] =	vst v63  }
0xff: {  	v3 =	vld [tilespmem:s25+$0x100];
	_ =	sdelay $0x4  }
0x100: {  	v63 =	vshll.u32 v3, $0x4  }
0x101: {  	v3 =	vand.u32 $0x7, v3;
	v4 =	vand.u32 $0xFFFFFF80, v63  }
0x102: {  	v3 =	vor.u32 v3, v4  }
0x103: {  	v4 =	vperm.xlane v3, v0;
	_ =	sdelay $0x1  }
0x104: {  	v4 =	vadd.s32 v1, v4;
	_ =	sdelay $0x4  }
0x105: {  	[tilespmem:s16], [sflag:$0x2] =	stream.indirect_vreg.gather [hbm4b:s2+s1], $0x80, v4, vm0, $0xb8;
	[tilespmem:$0x10200] =	vst v63  }
0x106: {  	s29 =	rddreg [dreg:$0x13]  }
0x107: {  	[tilespmem:s29], [sflag:$0x2] =	stream.indirect_vreg.gather [hbm4b:s6+s1], $0x80, v4, vm0, $0xb8;
	[tilespmem:$0x10200] =	vst v63  }
0x108: {  	s30 =	rddreg [dreg:$0x14]  }
0x109: {  	[tilespmem:s30], [sflag:$0x2] =	stream.indirect_vreg.gather [hbm4b:s7+s1], $0x80, v4, vm0, $0xb8;
	[tilespmem:$0x10200] =	vst v63  }
0x10a: {  	s31 =	rddreg [dreg:$0x15]  }
0x10b: {  	[tilespmem:s31], [sflag:$0x2] =	stream.indirect_vreg.gather [hbm4b:s8+s1], $0x80, v4, vm0, $0xb8;
	[tilespmem:$0x10200] =	vst v63  }
0x10c: {  	s28 =	rddreg [dreg:$0x16]  }
0x10d: {  	[tilespmem:s28], [sflag:$0x2] =	stream.indirect_vreg.gather [hbm4b:s9+s1], $0x80, v4, vm0, $0xb8;
	[tilespmem:$0x10200] =	vst v63  }
0x10e: {  	v3 =	vperm.xlane v3, v2;
	s29 =	rddreg [dreg:$0x17]  }
0x10f: {  	[tilespmem:s29], [sflag:$0x2] =	stream.indirect_vreg.gather [hbm4b:s10+s1], $0x80, v4, vm0, $0xb8;
	[tilespmem:$0x10200] =	vst v63  }
0x110: {  	v3 =	vadd.s32 v1, v3;
	s30 =	rddreg [dreg:$0x18]  }
0x111: {  	[tilespmem:s30], [sflag:$0x2] =	stream.indirect_vreg.gather [hbm4b:s11+s1], $0x80, v4, vm0, $0xb8;
	[tilespmem:$0x10200] =	vst v63  }
0x112: {  	s31 =	rddreg [dreg:$0x19]  }
0x113: {  	[tilespmem:s31], [sflag:$0x2] =	stream.indirect_vreg.gather [hbm4b:s12+s1], $0x80, v4, vm0, $0xb8;
	[tilespmem:$0x10200] =	vst v63  }
0x114: {  	s28 =	rddreg [dreg:$0x1a]  }
0x115: {  	[tilespmem:s28], [sflag:$0x2] =	stream.indirect_vreg.gather [hbm4b:s2+s1], $0x80, v3, vm0, $0xb8;
	[tilespmem:$0x10200] =	vst v63  }
0x116: {  	s29 =	rddreg [dreg:$0x1b]  }
0x117: {  	[tilespmem:s29], [sflag:$0x2] =	stream.indirect_vreg.gather [hbm4b:s6+s1], $0x80, v3, vm0, $0xb8;
	[tilespmem:$0x10200] =	vst v63  }
0x118: {  	s30 =	rddreg [dreg:$0x1c]  }
0x119: {  	[tilespmem:s30], [sflag:$0x2] =	stream.indirect_vreg.gather [hbm4b:s7+s1], $0x80, v3, vm0, $0xb8;
	[tilespmem:$0x10200] =	vst v63  }
0x11a: {  	s31 =	rddreg [dreg:$0x1d]  }
0x11b: {  	[tilespmem:s31], [sflag:$0x2] =	stream.indirect_vreg.gather [hbm4b:s8+s1], $0x80, v3, vm0, $0xb8;
	[tilespmem:$0x10200] =	vst v63  }
0x11c: {  	s28 =	rddreg [dreg:$0x1e]  }
0x11d: {  	[tilespmem:s28], [sflag:$0x2] =	stream.indirect_vreg.gather [hbm4b:s9+s1], $0x80, v3, vm0, $0xb8;
	[tilespmem:$0x10200] =	vst v63  }
0x11e: {  	s23 =	sshll.u32 s23, $0x4  }
0x11f: {  	[tilespmem:s17], [sflag:$0x2] =	stream.indirect_vreg.gather [hbm4b:s10+s1], $0x80, v3, vm0, $0xb8;
	[tilespmem:$0x10200] =	vst v63  }
0x120: {  	s23 =	sand.u32 $0xFFFFFFE0, s23  }
0x121: {  	[tilespmem:s18], [sflag:$0x2] =	stream.indirect_vreg.gather [hbm4b:s11+s1], $0x80, v3, vm0, $0xb8;
	[tilespmem:$0x10200] =	vst v63  }
0x122: {  	s23 =	sadd.s32 s4, s23  }
0x123: {  	[tilespmem:s19], [sflag:$0x2] =	stream.indirect_vreg.gather [hbm4b:s12+s1], $0x80, v3, vm0, $0xb8;
	[tilespmem:$0x10200] =	vst v63  }
0x124: {  	s23 =	sor.u32 s24, s23;
	_ =	swait.ge [sflag:s20], $0x8000  }
0x125: {  	s23 =	sshll.u32 s23, $0x8;
	s29 =	rddreg [dreg:$0x2];
	[sflag:s20] =	ssyncset.done $0x0  }
0x126: {  	[sflag:s20] =	ssyncadd.s32 $0xFFFF8000;
	s30 =	sadd.s32 s29, s23  }
0x127: {  	[hbm4b:s30+s1] =	stream.linear.scatter [tilespmem:s15], [sflag:$0x3], $0x8000, $0x38;
	[tilespmem:$0x10200] =	vst v63  }
0x128: {  	_ =	swait.ge [sflag:s14], $0x8000  }
0x129: {  	[sflag:s14] =	ssyncset.done $0x0  }
0x12a: {  	[sflag:s14] =	ssyncadd.s32 $0xFFFF8000  }
0x12b: {  	s22 =	sadd.s32 $0x1, s22;
	_ =	swait.ge [sflag:s21], $0x8000  }
0x12c: {  	p0 =	sne.s32 s22, s13;
	s31 =	rddreg [dreg:$0x3];
	[sflag:s21] =	ssyncset.done $0x0  }
.Ltmp1:
0x12d: {  	[sflag:s21] =	ssyncadd.s32 $0xFFFF8000;
	s23 =	sadd.s32 s31, s23;
	(pc) =	sbr.rel @p0 .LBB2_1-.Ltmp1, $4  }
0x12e: {  	[hbm4b:s23+s1] =	stream.linear.scatter [tilespmem:s16], [sflag:$0x3], $0x8000, $0x38;
	[tilespmem:$0x10200] =	vst v63  }
0x12f: {  	_ =	swait.ge [sflag:s14], $0x8000  }
0x130: {  	[sflag:s14] =	ssyncset.done $0x0  }
0x131: {  	[sflag:s14] =	ssyncadd.s32 $0xFFFF8000  }
0x132: {  	_ =	sfence.sel $0x180000  }
0x133: {  	[bflag:$0x0] =	sbarrier.arrive $0xFFFF  }
0x134: {  	p0 =	sne.s32 s3, $0x0;
	_ =	strace $0x90000050  }
0x135: {  	s0 =	sadd.s32 @!p0 $0x100000, s0;
	[bflag:$0x2] =	sbarrier.arrive $0xFFFF  }
0x136: {  	[sflag:s0] =	ssyncadd.tile.s32 @!p0 $0x1;
	_ =	shalt  }
.Lfunc_end2:
_tile_overlayer_lowered:
.L_overlay_start_2:
0x137: {  	(tag) =	ssettag $0x2  }
0x138: {  	s0 =	rddreg [dreg:$0x0];
	s2 =	stileid.u32  }
0x139: {  	s1 =	rddreg [dreg:$0x1];
	p0 =	sne.s32 s2, $0x0  }
0x13a: {  	s3 =	rddreg [dreg:$0x2];
	[bflag:$0x3] =	sbarrier.arrive $0xFFFF;
	s2 =	simm.s32 @!p0 $0x1C03  }
0x13b: {  	[timem:s3], [sflag:s2] =	dma.local @!p0 [hbm:s0], s1  }
0x13c: {  	s0 =	simm.s32 @!p0 $0x3  }
0x13d: {  	_ =	swait.ge @!p0 [sflag:s0], s1  }
0x13e: {  	s1 =	ssub.s32 @!p0 $0x0, s1;
	[sflag:s0] =	ssyncset.done @!p0 $0x0  }
0x13f: {  	[sflag:s0] =	ssyncadd.s32 @!p0 s1  }
0x140: {  	[bflag:$0x3] =	sbarrier.arrive $0xFFFF  }
0x141: {  	_ =	shalt  }

// kernel: kernel.25.cloned.1.call-start
scs
__scs_entry_jumppad:
0x0: {  	(pc) =	sbr.rel $0x88, $3  }
0x1: {  	(tag) =	ssettag $0x0;
	lr =	simm.s32 $0x1  }
0x2: {  	[smem:$0x3F9D] =	sst lr;
	_ =	strace $0xD0000000  }
0x3: {  	_ = 	snop  }
0x4: {  	_ = 	snop  }
0x5: {  	_ = 	snop  }
0x6: {  	_ = 	snop  }
0x7: {  	_ = 	snop  }
__scs_overlays_trampoline_lowered:
0x8: {  	[smem:$0x3FAC] =	sst s0  }
0x9: {  	[smem:$0x3FAD] =	sst s1  }
0xa: {  	[smem:$0x3FAE] =	sst s2  }
0xb: {  	[smem:$0x3FAF] =	sst s3  }
0xc: {  	[smem:$0x3FB0] =	sst s4  }
0xd: {  	[smem:$0x3FB1] =	sst s5  }
0xe: {  	[smem:$0x3FB2] =	sst s6  }
0xf: {  	[smem:$0x3FB3] =	sst s7  }
0x10: {  	[smem:$0x3FB4] =	sst s8  }
0x11: {  	[smem:$0x3FB5] =	sst s9;
	s0 =	simm.s32 @!p0 $0x0  }
0x12: {  	s1 =	sld [smem:$0x3F9B];
	s0 =	simm.s32 @p0 $0x1  }
0x13: {  	[smem:$0x3FB6] =	sst s0;
	s0 =	simm.s32 @!p1 $0x0  }
0x14: {  	s2 =	sld [smem:$0x3F9A];
	s0 =	simm.s32 @p1 $0x1  }
0x15: {  	[smem:$0x3FB7] =	sst s0;
	s0 =	simm.s32 @!p2 $0x0  }
0x16: {  	s3 =	sld [smem:$0x3FDB];
	s0 =	simm.s32 @p2 $0x1  }
0x17: {  	s4 =	simm.s32 $0x1BF5;
	[smem:$0x3FB9] =	sst s0  }
0x18: {  	s0 =	sld [smem:$0x3F9C];
	_ =	swait.ge [sflag:s4], $0x0  }
0x19: {  	s7 =	sld [smem:$0x3F9D]  }
0x1a: {  	s8 =	sadd.s32 $0xFFFFE003, lr  }
0x1b: {  	s9 =	sadd.s32 $0xFFFFFEF7, lr;
	s5 =	simm.s32 $0xFFFFFFFF;
	p2 =	slt.u32 s8, $0xFFFFF086  }
0x1c: {  	p1 =	slt.u32 s9, $0xF7A;
	s5 =	simm.s32 @!p2 $0x0  }
0x1d: {  	s5 =	simm.s32 @p1 $0x1;
	p0 =	seq.s32 s7, s2  }
0x1e: {  	s7 =	smul.u32 @!p0 $0xF7A, s2;
	p2 =	seq.s32 @!p0 s5, $0x0  }
0x1f: {  	s9 =	smul.u32 $0xF7A, s1;
	s8 =	simm.s32 @!p0 $0x1BF5;
	p2 =	por !p2, p0  }
0x20: {  	[sflag:s8] =	ssyncset.s32 @!p0 $0xFFFFF086;
	s6 =	sadd.s32 @!p0 s3, s7;
	s7 =	simm.s32 @!p0 $0x108  }
0x21: {  	s3 =	sadd.s32 s3, s9;
	s6 =	sadd.s32 @!p0 $0x88, s6;
	s7 =	simm.s32 @p2 $0x1082  }
0x22: {  	[simem:s7], [sflag:s8] =	dma.local @!p0 [hbm:s6], $0xF7A  }
0x23: {  	s9 =	sor.u32 $0xD0000000, s2;
	s6 =	simm.s32 $0x108;
	_ =	swait.ge @!p0 [sflag:s8], $0x0  }
0x24: {  	s3 =	sadd.s32 $0x88, s3;
	s6 =	simm.s32 @!p1 $0x1082;
	[sflag:s4] =	ssyncset.s32 $0xFFFFF086  }
0x25: {  	[simem:s6], [sflag:s4] =	dma.local [hbm:s3], $0xF7A  }
0x26: {  	[smem:$0x3F9D] =	sst s1;
	(tag) =	ssettag s2;
	_ =	strace s9  }
0x27: {  	s1 =	sld [smem:$0x3FAD]  }
0x28: {  	s2 =	sld [smem:$0x3FAE]  }
0x29: {  	s4 =	sld [smem:$0x3FB0]  }
0x2a: {  	p0 =	seq.s32 s5, $0x0;
	s5 =	sld [smem:$0x3FB1]  }
0x2b: {  	s6 =	sld [smem:$0x3FB2]  }
0x2c: {  	s7 =	sld [smem:$0x3FB3]  }
0x2d: {  	s3 =	simm.s32 $0x108;
	s8 =	sld [smem:$0x3FB4]  }
0x2e: {  	s3 =	simm.s32 @!p0 $0x1082;
	s9 =	sld [smem:$0x3FB5]  }
0x2f: {  	lr =	sadd.s32 s0, s3;
	s0 =	sld [smem:$0x3FAC]  }
0x30: {  	s3 =	sld [smem:$0x3FAF]  }
0x31: {  	[smem:$0x3FB8] =	sst s10  }
0x32: {  	s10 =	sld [smem:$0x3FB6];
	_ =	sdelay $0x3  }
0x33: {  	p0 =	seq.s32 s10, $0x1;
	s10 =	sld [smem:$0x3FB8];
	_ =	sdelay $0x3  }
0x34: {  	[smem:$0x3FB8] =	sst s10  }
0x35: {  	s10 =	sld [smem:$0x3FB7];
	_ =	sdelay $0x3  }
0x36: {  	p1 =	seq.s32 s10, $0x1;
	s10 =	sld [smem:$0x3FB8];
	_ =	sdelay $0x3  }
0x37: {  	[smem:$0x3FB8] =	sst s10  }
0x38: {  	s10 =	sld [smem:$0x3FB9]  }
0x39: {  	_ = 	snop;
	(pc) =	sbr.ind lr, $3  }
0x3a: {  	_ = 	snop  }
0x3b: {  	_ = 	snop  }
0x3c: {  	p2 =	seq.s32 s10, $0x1;
	s10 =	sld [smem:$0x3FB8]  }
0x3d: {  	_ =	shalt  }
0x3e: {  	_ =	shalt  }
0x3f: {  	_ =	shalt  }
0x40: {  	_ =	shalt  }
0x41: {  	_ =	shalt  }
0x42: {  	_ =	shalt  }
0x43: {  	_ =	shalt  }
0x44: {  	_ =	shalt  }
0x45: {  	_ =	shalt  }
0x46: {  	_ =	shalt  }
0x47: {  	_ =	shalt  }
0x48: {  	_ =	shalt  }
0x49: {  	_ =	shalt  }
0x4a: {  	_ =	shalt  }
0x4b: {  	_ =	shalt  }
0x4c: {  	_ =	shalt  }
0x4d: {  	_ =	shalt  }
0x4e: {  	_ =	shalt  }
0x4f: {  	_ =	shalt  }
0x50: {  	_ =	shalt  }
0x51: {  	_ =	shalt  }
0x52: {  	_ =	shalt  }
0x53: {  	_ =	shalt  }
0x54: {  	_ =	shalt  }
0x55: {  	_ =	shalt  }
0x56: {  	_ =	shalt  }
0x57: {  	_ =	shalt  }
0x58: {  	_ =	shalt  }
0x59: {  	_ =	shalt  }
0x5a: {  	_ =	shalt  }
0x5b: {  	_ =	shalt  }
0x5c: {  	_ =	shalt  }
0x5d: {  	_ =	shalt  }
0x5e: {  	_ =	shalt  }
0x5f: {  	_ =	shalt  }
0x60: {  	_ =	shalt  }
0x61: {  	_ =	shalt  }
0x62: {  	_ =	shalt  }
0x63: {  	_ =	shalt  }
0x64: {  	_ =	shalt  }
0x65: {  	_ =	shalt  }
0x66: {  	_ =	shalt  }
0x67: {  	_ =	shalt  }
0x68: {  	_ =	shalt  }
0x69: {  	_ =	shalt  }
0x6a: {  	_ =	shalt  }
0x6b: {  	_ =	shalt  }
0x6c: {  	_ =	shalt  }
0x6d: {  	_ =	shalt  }
0x6e: {  	_ =	shalt  }
0x6f: {  	_ =	shalt  }
0x70: {  	_ =	shalt  }
0x71: {  	_ =	shalt  }
0x72: {  	_ =	shalt  }
0x73: {  	_ =	shalt  }
0x74: {  	_ =	shalt  }
0x75: {  	_ =	shalt  }
0x76: {  	_ =	shalt  }
0x77: {  	_ =	shalt  }
0x78: {  	_ =	shalt  }
0x79: {  	_ =	shalt  }
0x7a: {  	_ =	shalt  }
0x7b: {  	_ =	shalt  }
0x7c: {  	_ =	shalt  }
0x7d: {  	_ =	shalt  }
0x7e: {  	_ =	shalt  }
0x7f: {  	_ =	shalt  }
0x80: {  	_ =	shalt  }
0x81: {  	_ =	shalt  }
0x82: {  	_ =	shalt  }
0x83: {  	_ =	shalt  }
0x84: {  	_ =	shalt  }
0x85: {  	_ =	shalt  }
0x86: {  	_ =	shalt  }
0x87: {  	_ =	shalt  }
.Lfunc_end0:
.L_simem_size_0:
called_computation.4_lowered:
.L_overlay_start_0:
0x88: {  	s2 =	sld [smem:$0x3FD9]  }
0x89: {  	s3 =	sld [smem:$0x3FFE];
	_ =	sdelay $0x1  }
0x8a: {  	s1 =	srdreg.scid  }
0x8b: {  	s0 =	sand.u32 $0x1, s1  }
0x8c: {  	s17 =	sshll.u32 s0, $0xA;
	s2 =	sadd.s32 s3, s2  }
0x8d: {  	s2 =	sadd.s32 s2, s17  }
0x8e: {  	[smem:$0x3FC4] =	sst s2  }
0x8f: {  	_ = 	snop  }
0x90: {  	(tm) =	ssettm $0x1  }
0x91: {  	s18 =	sld [smem:$0x3FFB];
	_ =	sdelay $0x3  }
0x92: {  	_ =	strace s18  }
0x93: {  	s2 =	sld [smem:$0x3FFC];
	_ =	sdelay $0x3  }
0x94: {  	_ =	strace s2  }
0x95: {  	s2 =	sld [smem:$0x3FFD];
	_ =	sdelay $0x3  }
0x96: {  	_ =	strace s2  }
0x97: {  	_ =	strace $0x8FFFFFFF  }
0x98: {  	s19 =	sld [smem:$0x3FDB];
	_ =	sdelay $0x1  }
0x99: {  	s20 =	simm.s32 $_scs_section_size  }
0x9a: {  	s4 =	simm.s32 $_size__tile_overlayer_lowered;
	s5 =	simm.s32 $_tile_overlayer_lowered  }
0x9b: {  	s6 =	simm.s32 $0x1BFF;
	s21 =	sshll.u32 s5, $0x1;
	s3 =	sadd.s32 s20, s19  }
0x9c: {  	s22 =	simm.s32 $0x0;
	s4 =	sshll.u32 s4, $0x1;
	s5 =	sadd.s32 s21, s3  }
0x9d: {  	[timem:s22], [sflag:s6] =	dma.local [hbm:s5], s4  }
0x9e: {  	_ =	swait.ge [sflag:s6], s4  }
0x9f: {  	s4 =	ssub.s32 $0x0, s4;
	[sflag:s6] =	ssyncset.done $0x0  }
0xa0: {  	[sflag:s6] =	ssyncadd.s32 s4;
	_ =	sdelay $0x1  }
0xa1: {  	s23 =	simm.s32 $0x1B8B  }
0xa2: {  	_ =	swait.ge [sflag:s23], $0x1  }
0xa3: {  	[sflag:s23] =	ssyncset.done $0x0  }
0xa4: {  	[sflag:s23] =	ssyncadd.s32 $0xFFFFFFFF  }
0xa5: {  	s4 =	sld [smem:$0x0]  }
0xa6: {  	s5 =	sand.u32 $0xFFFFFFFE, s1  }
0xa7: {  	p0 =	sne.s32 s1, s5  }
0xa8: {  	s5 =	sshll.u32 @p0 s5, $0xE  }
0xa9: {  	s5 =	sadd.s32 @p0 $0x11B8D, s5;
	s6 =	sshll.u32 @p0 s4, $0x11  }
0xaa: {  	s5 =	sor.u32 @p0 s6, s5  }
0xab: {  	[sflag:s5] =	ssyncadd.remote.s32 @p0 $0x1;
	_ =	sdelay $0x1  }
0xac: {  	s5 =	simm.s32 @p0 $0x1B8D  }
0xad: {  	_ =	swait.eq @p0 [sflag:s5], $0x1  }
0xae: {  	[sflag:s5] =	ssyncadd.s32 @p0 $0xFFFFFFFF  }
0xaf: {  	s6 =	sshll.u32 @!p0 s1, $0xE  }
0xb0: {  	s6 =	sor.u32 @!p0 $0x4000, s6;
	s5 =	simm.s32 @!p0 $0x1B8D  }
0xb1: {  	s4 =	sshll.u32 @!p0 s4, $0x11;
	s6 =	sadd.s32 @!p0 $0x11B8D, s6;
	_ =	swait.eq @!p0 [sflag:s5], $0x1  }
0xb2: {  	s4 =	sor.u32 @!p0 s4, s6;
	[sflag:s5] =	ssyncadd.s32 @!p0 $0xFFFFFFFF  }
0xb3: {  	s25 =	simm.s32 $0x1B8E;
	s24 =	sld [smem:$0x3FFE];
	[sflag:s4] =	ssyncadd.remote.s32 @!p0 $0x1  }
0xb4: {  	s26 =	simm.s32 $execute0_lowered;
	[smem:$0x3FD2] =	sst s25  }
0xb5: {  	s5 =	sshll.u32 s26, $0x1;
	_ =	strace $0x80000052;
	[dreg:$0x1] =	wrdreg $0xFFFFFFFF  }
0xb6: {  	s28 =	simm.s32 $_size_execute0_lowered;
	s3 =	sadd.s32 s3, s5;
	[dreg:$0x0] =	wrdreg $0x0  }
0xb7: {  	s5 =	sshll.u32 s28, $0x1;
	[dreg:$0x2] =	wrdreg s3  }
0xb8: {  	[dreg:$0x3] =	wrdreg s5  }
0xb9: {  	[dreg:$0x4] =	wrdreg $0xC0  }
0xba: {  	_ =	task [dreg:s22], $0x5FFFF  }
0xbb: {  	[dreg:$0x1] =	wrdreg $0xFFFFFFFF  }
0xbc: {  	[dreg:$0x0] =	wrdreg $0x60  }
0xbd: {  	[dreg:$0x2] =	wrdreg s24  }
0xbe: {  	[dreg:$0x3] =	wrdreg $0xC  }
0xbf: {  	_ =	task.clear_ibuf [dreg:s22], $0x4FFFF;
	_ =	strace $0x90000052  }
0xc0: {  	s29 =	simm.s32 $0xC;
	_ =	strace $0x80000054  }
0xc1: {  	_ =	swait.ge [sflag:s29], $0x1  }
0xc2: {  	[sflag:s29] =	ssyncadd.s32 $0xFFFFFFFF  }
0xc3: {  	_ =	strace $0x90000054  }
0xc4: {  	_ =	sfence  }
0xc5: {  	s30 =	sld [smem:$0x0];
	_ =	sdelay $0x2  }
0xc6: {  	s31 =	sshll.u32 s1, $0xD;
	s1 =	sshrl.u32 s1, $0x2  }
0xc7: {  	s4 =	sand.u32 $0x4000, s31;
	s1 =	sadd.s32 s1, s30  }
0xc8: {  	s0 =	sor.u32 s4, s0;
	s1 =	sshll.u32 s1, $0x11  }
0xc9: {  	s0 =	sor.u32 s1, s0  }
0xca: {  	s0 =	sadd.s32 $0x8F2B, s0  }
0xcb: {  	[sflag:s0] =	ssyncadd.remote.s32 $0x1  }
0xcc: {  	_ =	sfence.sel $0xFFFF  }
0xcd: {  	[dreg:$0x0] =	wrdreg $0xFFFFFFFF;
	(pc) =	sbr.abs _section_cstart, $3  }
0xce: {  	[dreg:$0x1] =	wrdreg $0xFFFFFFFF  }
0xcf: {  	_ =	task.clear_ibuf [dreg:s22], $0x2FFFF;
	_ =	strace $0x9FFFFFFF  }
0xd0: {  	(tm) =	ssettm $0x7FFFFFFF  }
0xd1: {  	_ =	shalt  }
tec
execute0_lowered:
.L_overlay_start_1:
0x0: {  	(tag) =	ssettag $0x1  }
0x1: {  	s12 =	rddreg [dreg:$0x0]  }
0x2: {  	s0 =	rddreg [dreg:$0x1];
	s1 =	simm.s32 $0x0  }
0x3: {  	[smem:$0x7FF] =	sst s1;
	s2 =	sadd.s32 $0x2A5200, s12  }
0x4: {  	s9 =	sadd.s32 $0x325200, s12;
	_ =	strace $0x80000053;
	[dreg:$0x2] =	wrdreg s2  }
0x5: {  	s10 =	simm.s32 $0xA00;
	[dreg:$0x3] =	wrdreg s9  }
0x6: {  	s11 =	simm.s32 $0x1200;
	[dreg:$0x4] =	wrdreg s10  }
0x7: {  	s13 =	simm.s32 $0x1A00;
	[dreg:$0x5] =	wrdreg s11  }
0x8: {  	s14 =	simm.s32 $0x2200;
	[dreg:$0x6] =	wrdreg s13  }
0x9: {  	s15 =	simm.s32 $0x2A00;
	[dreg:$0x7] =	wrdreg s14  }
0xa: {  	s3 =	simm.s32 $0x3200;
	[dreg:$0x8] =	wrdreg s15  }
0xb: {  	s16 =	simm.s32 $0x3A00;
	[dreg:$0x9] =	wrdreg s3  }
0xc: {  	s5 =	simm.s32 $0x4200;
	[dreg:$0xa] =	wrdreg s16  }
0xd: {  	s17 =	simm.s32 $0x4A00;
	[dreg:$0xb] =	wrdreg s5  }
0xe: {  	s18 =	simm.s32 $0x5200;
	[dreg:$0xc] =	wrdreg s17  }
0xf: {  	s20 =	simm.s32 $0x5A00;
	[dreg:$0xd] =	wrdreg s18  }
0x10: {  	s8 =	simm.s32 $0x6200;
	[dreg:$0xe] =	wrdreg s20  }
0x11: {  	s4 =	srdreg.scid;
	s21 =	simm.s32 $0x6A00;
	[dreg:$0xf] =	wrdreg s8  }
0x12: {  	s22 =	simm.s32 $0x7200;
	s23 =	simm.s32 $0x7A00;
	[dreg:$0x10] =	wrdreg s21  }
0x13: {  	s25 =	simm.s32 $0x8A00;
	s26 =	simm.s32 $0x9200;
	[dreg:$0x11] =	wrdreg s22  }
0x14: {  	s28 =	simm.s32 $0x9A00;
	s29 =	simm.s32 $0xA200;
	[dreg:$0x12] =	wrdreg s23  }
0x15: {  	s30 =	simm.s32 $0xCA00;
	s31 =	simm.s32 $0xD200;
	[dreg:$0x13] =	wrdreg s25  }
0x16: {  	s6 =	sand.u32 $0x1, s4;
	s2 =	sadd.s32 $0x425C00, s12;
	[dreg:$0x14] =	wrdreg s26  }
0x17: {  	s3 =	stileid.u32;
	s7 =	sshll.u32 s6, $0x6;
	[dreg:$0x15] =	wrdreg s28  }
0x18: {  	s6 =	ssub.s32 $0x2, s6;
	[dreg:$0x16] =	wrdreg s29;
	s9 =	simm.s32 $0xAA00  }
0x19: {  	s8 =	sadd.s32 $0x425F00, s12;
	s10 =	simm.s32 $0xB200;
	[dreg:$0x1b] =	wrdreg s30  }
0x1a: {  	s11 =	simm.s32 $0xBA00;
	s14 =	simm.s32 $0xC200;
	[dreg:$0x1c] =	wrdreg s31  }
0x1b: {  	s15 =	simm.s32 $0xDA00;
	s17 =	simm.s32 $0xE200;
	s16 =	simm.s32 $0x8200  }
0x1c: {  	s18 =	simm.s32 $0xF200;
	s20 =	simm.s32 $0x1;
	[dreg:$0x17] =	wrdreg s9  }
0x1d: {  	s21 =	simm.s32 $0x2;
	s22 =	simm.s32 $0x0;
	[dreg:$0x18] =	wrdreg s10  }
0x1e: {  	s19 =	sshll.u32 s3, $0x7;
	s24 =	sshrl.u32 s6, $0x1;
	[dreg:$0x19] =	wrdreg s11  }
0x1f: {  	s9 =	sadd.s32 $0x426000, s12;
	s10 =	sadd.s32 $0x426100, s12;
	[dreg:$0x1a] =	wrdreg s14  }
0x20: {  	s11 =	sadd.s32 $0x426200, s12;
	s14 =	simm.s32 $0x3;
	[dreg:$0x1d] =	wrdreg s15  }
0x21: {  	s15 =	simm.s32 $0x200;
	[dreg:$0x1e] =	wrdreg s17;
	s4 =	sor.u32 s7, s19  }
0x22: {  	v2 =	vlaneseq.u32;
	s17 =	simm.s32 $0xEA00;
	s13 =	ssub.s32 s6, s24;
	s7 =	sadd.s32 s4, s12  }
0x23: {  	vm0 =	vmmov $0xffff;
	v1 =	vshrl.u32 v2, $0x3;
	s6 =	sadd.s32 $0x425D00, s12;
	s19 =	simm.s32 $0xFA00;
	s5 =	sadd.s32 $0x23800, s7  }
0x24: {  	v0 =	vand.u32 $0x7, v2;
	v2 =	vor.u32 $0x8, v2;
	v1 =	vmul.u32 $0x8, v1;
	s13 =	smax.u32 s13, $0x1;
	s7 =	sadd.s32 $0x425E00, s12;
	s12 =	sadd.s32 $0x426300, s12  }
.LBB2_1:
0x25: {  	[tilespmem:s1], [sflag:$0x3] =	stream.linear.gather [hbm4b:s5+s1], $0x200, $0x38;
	[tilespmem:$0x10200] =	vst v63  }
0x26: {  	s24 =	simm.s32 $0x0;
	_ =	swait.ge [sflag:s14], $0x200  }
0x27: {  	s23 =	sand.u32 $0x10, s1;
	s24 =	sand.u32 $0x3FFFFF80, s24;
	[sflag:s14] =	ssyncset.done $0x0  }
0x28: {  	s24 =	sor.u32 s23, s24;
	[sflag:s14] =	ssyncadd.s32 $0xFFFFFE00  }
0x29: {  	v3 =	vld [tilespmem:s24+$0x0];
	_ =	sdelay $0x4  }
0x2a: {  	v4 =	vshll.u32 v3, $0x4  }
0x2b: {  	v3 =	vand.u32 $0x7, v3;
	v4 =	vand.u32 $0xFFFFFF80, v4  }
0x2c: {  	v3 =	vor.u32 v3, v4  }
0x2d: {  	v4 =	vperm.xlane v3, v0;
	_ =	sdelay $0x1  }
0x2e: {  	v4 =	vadd.s32 v1, v4;
	_ =	sdelay $0x4  }
0x2f: {  	[tilespmem:s15], [sflag:$0x1] =	stream.indirect_vreg.gather [hbm4b:s2+s1], $0x80, v4, vm0, $0xb8;
	[tilespmem:$0x10200] =	vst v63  }
0x30: {  	s25 =	rddreg [dreg:$0x4]  }
0x31: {  	[tilespmem:s25], [sflag:$0x1] =	stream.indirect_vreg.gather [hbm4b:s6+s1], $0x80, v4, vm0, $0xb8;
	[tilespmem:$0x10200] =	vst v63  }
0x32: {  	s26 =	rddreg [dreg:$0x5]  }
0x33: {  	[tilespmem:s26], [sflag:$0x1] =	stream.indirect_vreg.gather [hbm4b:s7+s1], $0x80, v4, vm0, $0xb8;
	[tilespmem:$0x10200] =	vst v63  }
0x34: {  	s31 =	rddreg [dreg:$0x6]  }
0x35: {  	[tilespmem:s31], [sflag:$0x1] =	stream.indirect_vreg.gather [hbm4b:s8+s1], $0x80, v4, vm0, $0xb8;
	[tilespmem:$0x10200] =	vst v63  }
0x36: {  	s29 =	rddreg [dreg:$0x7]  }
0x37: {  	[tilespmem:s29], [sflag:$0x1] =	stream.indirect_vreg.gather [hbm4b:s9+s1], $0x80, v4, vm0, $0xb8;
	[tilespmem:$0x10200] =	vst v63  }
0x38: {  	v3 =	vperm.xlane v3, v2;
	s31 =	rddreg [dreg:$0x8]  }
0x39: {  	[tilespmem:s31], [sflag:$0x1] =	stream.indirect_vreg.gather [hbm4b:s10+s1], $0x80, v4, vm0, $0xb8;
	[tilespmem:$0x10200] =	vst v63  }
0x3a: {  	v3 =	vadd.s32 v1, v3;
	s29 =	rddreg [dreg:$0x9]  }
0x3b: {  	[tilespmem:s29], [sflag:$0x1] =	stream.indirect_vreg.gather [hbm4b:s11+s1], $0x80, v4, vm0, $0xb8;
	[tilespmem:$0x10200] =	vst v63  }
0x3c: {  	s31 =	rddreg [dreg:$0xa]  }
0x3d: {  	[tilespmem:s31], [sflag:$0x1] =	stream.indirect_vreg.gather [hbm4b:s12+s1], $0x80, v4, vm0, $0xb8;
	[tilespmem:$0x10200] =	vst v63  }
0x3e: {  	s29 =	rddreg [dreg:$0xb]  }
0x3f: {  	[tilespmem:s29], [sflag:$0x1] =	stream.indirect_vreg.gather [hbm4b:s2+s1], $0x80, v3, vm0, $0xb8;
	[tilespmem:$0x10200] =	vst v63  }
0x40: {  	s31 =	rddreg [dreg:$0xc]  }
0x41: {  	[tilespmem:s31], [sflag:$0x1] =	stream.indirect_vreg.gather [hbm4b:s6+s1], $0x80, v3, vm0, $0xb8;
	[tilespmem:$0x10200] =	vst v63  }
0x42: {  	s29 =	rddreg [dreg:$0xd]  }
0x43: {  	[tilespmem:s29], [sflag:$0x1] =	stream.indirect_vreg.gather [hbm4b:s7+s1], $0x80, v3, vm0, $0xb8;
	[tilespmem:$0x10200] =	vst v63  }
0x44: {  	s31 =	rddreg [dreg:$0xe]  }
0x45: {  	[tilespmem:s31], [sflag:$0x1] =	stream.indirect_vreg.gather [hbm4b:s8+s1], $0x80, v3, vm0, $0xb8;
	[tilespmem:$0x10200] =	vst v63  }
0x46: {  	s29 =	rddreg [dreg:$0xf]  }
0x47: {  	[tilespmem:s29], [sflag:$0x1] =	stream.indirect_vreg.gather [hbm4b:s9+s1], $0x80, v3, vm0, $0xb8;
	[tilespmem:$0x10200] =	vst v63  }
0x48: {  	s31 =	rddreg [dreg:$0x10]  }
0x49: {  	[tilespmem:s31], [sflag:$0x1] =	stream.indirect_vreg.gather [hbm4b:s10+s1], $0x80, v3, vm0, $0xb8;
	[tilespmem:$0x10200] =	vst v63  }
0x4a: {  	s29 =	rddreg [dreg:$0x11]  }
0x4b: {  	[tilespmem:s29], [sflag:$0x1] =	stream.indirect_vreg.gather [hbm4b:s11+s1], $0x80, v3, vm0, $0xb8;
	[tilespmem:$0x10200] =	vst v63  }
0x4c: {  	s31 =	rddreg [dreg:$0x12]  }
0x4d: {  	[tilespmem:s31], [sflag:$0x1] =	stream.indirect_vreg.gather [hbm4b:s12+s1], $0x80, v3, vm0, $0xb8;
	[tilespmem:$0x10200] =	vst v63  }
0x4e: {  	v3 =	vld [tilespmem:s24+$0x100];
	_ =	sdelay $0x4  }
0x4f: {  	v63 =	vshll.u32 v3, $0x4  }
0x50: {  	v3 =	vand.u32 $0x7, v3;
	v4 =	vand.u32 $0xFFFFFF80, v63  }
0x51: {  	v3 =	vor.u32 v3, v4  }
0x52: {  	v4 =	vperm.xlane v3, v0;
	_ =	sdelay $0x1  }
0x53: {  	v4 =	vadd.s32 v1, v4;
	_ =	sdelay $0x4  }
0x54: {  	[tilespmem:s16], [sflag:$0x2] =	stream.indirect_vreg.gather [hbm4b:s2+s1], $0x80, v4, vm0, $0xb8;
	[tilespmem:$0x10200] =	vst v63  }
0x55: {  	s26 =	rddreg [dreg:$0x13]  }
0x56: {  	[tilespmem:s26], [sflag:$0x2] =	stream.indirect_vreg.gather [hbm4b:s6+s1], $0x80, v4, vm0, $0xb8;
	[tilespmem:$0x10200] =	vst v63  }
0x57: {  	s29 =	rddreg [dreg:$0x14]  }
0x58: {  	[tilespmem:s29], [sflag:$0x2] =	stream.indirect_vreg.gather [hbm4b:s7+s1], $0x80, v4, vm0, $0xb8;
	[tilespmem:$0x10200] =	vst v63  }
0x59: {  	s31 =	rddreg [dreg:$0x15]  }
0x5a: {  	[tilespmem:s31], [sflag:$0x2] =	stream.indirect_vreg.gather [hbm4b:s8+s1], $0x80, v4, vm0, $0xb8;
	[tilespmem:$0x10200] =	vst v63  }
0x5b: {  	s26 =	rddreg [dreg:$0x16]  }
0x5c: {  	[tilespmem:s26], [sflag:$0x2] =	stream.indirect_vreg.gather [hbm4b:s9+s1], $0x80, v4, vm0, $0xb8;
	[tilespmem:$0x10200] =	vst v63  }
0x5d: {  	v3 =	vperm.xlane v3, v2;
	s29 =	rddreg [dreg:$0x17]  }
0x5e: {  	[tilespmem:s29], [sflag:$0x2] =	stream.indirect_vreg.gather [hbm4b:s10+s1], $0x80, v4, vm0, $0xb8;
	[tilespmem:$0x10200] =	vst v63  }
0x5f: {  	v3 =	vadd.s32 v1, v3;
	s31 =	rddreg [dreg:$0x18]  }
0x60: {  	[tilespmem:s31], [sflag:$0x2] =	stream.indirect_vreg.gather [hbm4b:s11+s1], $0x80, v4, vm0, $0xb8;
	[tilespmem:$0x10200] =	vst v63  }
0x61: {  	s26 =	rddreg [dreg:$0x19]  }
0x62: {  	[tilespmem:s26], [sflag:$0x2] =	stream.indirect_vreg.gather [hbm4b:s12+s1], $0x80, v4, vm0, $0xb8;
	[tilespmem:$0x10200] =	vst v63  }
0x63: {  	s29 =	rddreg [dreg:$0x1a]  }
0x64: {  	[tilespmem:s29], [sflag:$0x2] =	stream.indirect_vreg.gather [hbm4b:s2+s1], $0x80, v3, vm0, $0xb8;
	[tilespmem:$0x10200] =	vst v63  }
0x65: {  	s31 =	rddreg [dreg:$0x1b]  }
0x66: {  	[tilespmem:s31], [sflag:$0x2] =	stream.indirect_vreg.gather [hbm4b:s6+s1], $0x80, v3, vm0, $0xb8;
	[tilespmem:$0x10200] =	vst v63  }
0x67: {  	s26 =	rddreg [dreg:$0x1c]  }
0x68: {  	[tilespmem:s26], [sflag:$0x2] =	stream.indirect_vreg.gather [hbm4b:s7+s1], $0x80, v3, vm0, $0xb8;
	[tilespmem:$0x10200] =	vst v63  }
0x69: {  	s29 =	rddreg [dreg:$0x1d]  }
0x6a: {  	[tilespmem:s29], [sflag:$0x2] =	stream.indirect_vreg.gather [hbm4b:s8+s1], $0x80, v3, vm0, $0xb8;
	[tilespmem:$0x10200] =	vst v63  }
0x6b: {  	s31 =	rddreg [dreg:$0x1e]  }
0x6c: {  	[tilespmem:s31], [sflag:$0x2] =	stream.indirect_vreg.gather [hbm4b:s9+s1], $0x80, v3, vm0, $0xb8;
	[tilespmem:$0x10200] =	vst v63  }
0x6d: {  	s25 =	simm.s32 $0x0  }
0x6e: {  	[tilespmem:s17], [sflag:$0x2] =	stream.indirect_vreg.gather [hbm4b:s10+s1], $0x80, v3, vm0, $0xb8;
	[tilespmem:$0x10200] =	vst v63  }
0x6f: {  	s24 =	sand.u32 $0xFFFFFFE0, s25  }
0x70: {  	[tilespmem:s18], [sflag:$0x2] =	stream.indirect_vreg.gather [hbm4b:s11+s1], $0x80, v3, vm0, $0xb8;
	[tilespmem:$0x10200] =	vst v63  }
0x71: {  	s24 =	sadd.s32 s4, s24  }
0x72: {  	[tilespmem:s19], [sflag:$0x2] =	stream.indirect_vreg.gather [hbm4b:s12+s1], $0x80, v3, vm0, $0xb8;
	[tilespmem:$0x10200] =	vst v63  }
0x73: {  	s23 =	sor.u32 s23, s24;
	_ =	swait.ge [sflag:s20], $0x8000  }
0x74: {  	s24 =	sshll.u32 s23, $0x8;
	s26 =	rddreg [dreg:$0x2];
	[sflag:s20] =	ssyncset.done $0x0  }
0x75: {  	[sflag:s20] =	ssyncadd.s32 $0xFFFF8000;
	s23 =	sadd.s32 s26, s24  }
0x76: {  	[hbm4b:s23+s1] =	stream.linear.scatter [tilespmem:s15], [sflag:$0x3], $0x8000, $0x38;
	[tilespmem:$0x10200] =	vst v63  }
0x77: {  	_ =	swait.ge [sflag:s14], $0x8000  }
0x78: {  	[sflag:s14] =	ssyncset.done $0x0  }
0x79: {  	[sflag:s14] =	ssyncadd.s32 $0xFFFF8000  }
0x7a: {  	_ =	swait.ge [sflag:s21], $0x8000  }
0x7b: {  	s30 =	simm.s32 $0x2;
	s29 =	rddreg [dreg:$0x3];
	[sflag:s21] =	ssyncset.done $0x0  }
0x7c: {  	s31 =	simm.s32 $0x40;
	[sflag:s21] =	ssyncadd.s32 $0xFFFF8000;
	s24 =	sadd.s32 s29, s24  }
0x7d: {  	[hbm4b:s24+s1] =	stream.linear.scatter [tilespmem:s16], [sflag:$0x3], $0x8000, $0x38;
	[tilespmem:$0x10200] =	vst v63  }
0x7e: {  	s25 =	simm.s32 $0x10;
	s28 =	sand.u32 $0x3FFFFF80, s31;
	_ =	swait.ge [sflag:s14], $0x8000  }
0x7f: {  	s23 =	simm.s32 $0x1;
	s24 =	sand.u32 $0x10, s25;
	[sflag:s14] =	ssyncset.done $0x0  }
.LBB2_2:
0x80: {  	s29 =	sor.u32 s24, s28;
	[sflag:s14] =	ssyncadd.s32 $0xFFFF8000  }
0x81: {  	v3 =	vld [tilespmem:s29+$0x0];
	_ =	sdelay $0x4  }
0x82: {  	v4 =	vshll.u32 v3, $0x4  }
0x83: {  	v3 =	vand.u32 $0x7, v3;
	v4 =	vand.u32 $0xFFFFFF80, v4  }
0x84: {  	v3 =	vor.u32 v3, v4  }
0x85: {  	v4 =	vperm.xlane v3, v0;
	_ =	sdelay $0x1  }
0x86: {  	v4 =	vadd.s32 v1, v4;
	_ =	sdelay $0x3  }
0x87: {  	s28 =	smov.u32 s30  }
0x88: {  	[tilespmem:s15], [sflag:$0x1] =	stream.indirect_vreg.gather [hbm4b:s2+s1], $0x80, v4, vm0, $0xb8;
	[tilespmem:$0x10200] =	vst v63  }
0x89: {  	s26 =	sadd.s32 $0x1, s30;
	p0 =	sne.s32 s30, $0x3;
	s30 =	rddreg [dreg:$0x4]  }
0x8a: {  	[tilespmem:s30], [sflag:$0x1] =	stream.indirect_vreg.gather [hbm4b:s6+s1], $0x80, v4, vm0, $0xb8;
	[tilespmem:$0x10200] =	vst v63  }
0x8b: {  	s31 =	rddreg [dreg:$0x5]  }
0x8c: {  	[tilespmem:s31], [sflag:$0x1] =	stream.indirect_vreg.gather [hbm4b:s7+s1], $0x80, v4, vm0, $0xb8;
	[tilespmem:$0x10200] =	vst v63  }
0x8d: {  	s30 =	rddreg [dreg:$0x6]  }
0x8e: {  	[tilespmem:s30], [sflag:$0x1] =	stream.indirect_vreg.gather [hbm4b:s8+s1], $0x80, v4, vm0, $0xb8;
	[tilespmem:$0x10200] =	vst v63  }
0x8f: {  	s31 =	rddreg [dreg:$0x7]  }
0x90: {  	[tilespmem:s31], [sflag:$0x1] =	stream.indirect_vreg.gather [hbm4b:s9+s1], $0x80, v4, vm0, $0xb8;
	[tilespmem:$0x10200] =	vst v63  }
0x91: {  	v3 =	vperm.xlane v3, v2;
	s30 =	rddreg [dreg:$0x8]  }
0x92: {  	[tilespmem:s30], [sflag:$0x1] =	stream.indirect_vreg.gather [hbm4b:s10+s1], $0x80, v4, vm0, $0xb8;
	[tilespmem:$0x10200] =	vst v63  }
0x93: {  	v3 =	vadd.s32 v1, v3;
	s31 =	rddreg [dreg:$0x9]  }
0x94: {  	[tilespmem:s31], [sflag:$0x1] =	stream.indirect_vreg.gather [hbm4b:s11+s1], $0x80, v4, vm0, $0xb8;
	[tilespmem:$0x10200] =	vst v63  }
0x95: {  	s30 =	rddreg [dreg:$0xa]  }
0x96: {  	[tilespmem:s30], [sflag:$0x1] =	stream.indirect_vreg.gather [hbm4b:s12+s1], $0x80, v4, vm0, $0xb8;
	[tilespmem:$0x10200] =	vst v63  }
0x97: {  	s31 =	rddreg [dreg:$0xb]  }
0x98: {  	[tilespmem:s31], [sflag:$0x1] =	stream.indirect_vreg.gather [hbm4b:s2+s1], $0x80, v3, vm0, $0xb8;
	[tilespmem:$0x10200] =	vst v63  }
0x99: {  	s30 =	rddreg [dreg:$0xc]  }
0x9a: {  	[tilespmem:s30], [sflag:$0x1] =	stream.indirect_vreg.gather [hbm4b:s6+s1], $0x80, v3, vm0, $0xb8;
	[tilespmem:$0x10200] =	vst v63  }
0x9b: {  	s31 =	rddreg [dreg:$0xd]  }
0x9c: {  	[tilespmem:s31], [sflag:$0x1] =	stream.indirect_vreg.gather [hbm4b:s7+s1], $0x80, v3, vm0, $0xb8;
	[tilespmem:$0x10200] =	vst v63  }
0x9d: {  	s30 =	rddreg [dreg:$0xe]  }
0x9e: {  	[tilespmem:s30], [sflag:$0x1] =	stream.indirect_vreg.gather [hbm4b:s8+s1], $0x80, v3, vm0, $0xb8;
	[tilespmem:$0x10200] =	vst v63  }
0x9f: {  	s31 =	rddreg [dreg:$0xf]  }
0xa0: {  	[tilespmem:s31], [sflag:$0x1] =	stream.indirect_vreg.gather [hbm4b:s9+s1], $0x80, v3, vm0, $0xb8;
	[tilespmem:$0x10200] =	vst v63  }
0xa1: {  	s30 =	rddreg [dreg:$0x10]  }
0xa2: {  	[tilespmem:s30], [sflag:$0x1] =	stream.indirect_vreg.gather [hbm4b:s10+s1], $0x80, v3, vm0, $0xb8;
	[tilespmem:$0x10200] =	vst v63  }
0xa3: {  	s31 =	rddreg [dreg:$0x11]  }
0xa4: {  	[tilespmem:s31], [sflag:$0x1] =	stream.indirect_vreg.gather [hbm4b:s11+s1], $0x80, v3, vm0, $0xb8;
	[tilespmem:$0x10200] =	vst v63  }
0xa5: {  	s30 =	rddreg [dreg:$0x12]  }
0xa6: {  	[tilespmem:s30], [sflag:$0x1] =	stream.indirect_vreg.gather [hbm4b:s12+s1], $0x80, v3, vm0, $0xb8;
	[tilespmem:$0x10200] =	vst v63  }
0xa7: {  	v3 =	vld [tilespmem:s29+$0x100];
	_ =	sdelay $0x4  }
0xa8: {  	v63 =	vshll.u32 v3, $0x4  }
0xa9: {  	v3 =	vand.u32 $0x7, v3;
	v4 =	vand.u32 $0xFFFFFF80, v63  }
0xaa: {  	v3 =	vor.u32 v3, v4  }
0xab: {  	v4 =	vperm.xlane v3, v0;
	_ =	sdelay $0x1  }
0xac: {  	v4 =	vadd.s32 v1, v4;
	_ =	sdelay $0x4  }
0xad: {  	[tilespmem:s16], [sflag:$0x2] =	stream.indirect_vreg.gather [hbm4b:s2+s1], $0x80, v4, vm0, $0xb8;
	[tilespmem:$0x10200] =	vst v63  }
0xae: {  	s31 =	rddreg [dreg:$0x13]  }
0xaf: {  	[tilespmem:s31], [sflag:$0x2] =	stream.indirect_vreg.gather [hbm4b:s6+s1], $0x80, v4, vm0, $0xb8;
	[tilespmem:$0x10200] =	vst v63  }
0xb0: {  	s30 =	rddreg [dreg:$0x14]  }
0xb1: {  	[tilespmem:s30], [sflag:$0x2] =	stream.indirect_vreg.gather [hbm4b:s7+s1], $0x80, v4, vm0, $0xb8;
	[tilespmem:$0x10200] =	vst v63  }
0xb2: {  	s31 =	rddreg [dreg:$0x15]  }
0xb3: {  	[tilespmem:s31], [sflag:$0x2] =	stream.indirect_vreg.gather [hbm4b:s8+s1], $0x80, v4, vm0, $0xb8;
	[tilespmem:$0x10200] =	vst v63  }
0xb4: {  	s30 =	rddreg [dreg:$0x16]  }
0xb5: {  	[tilespmem:s30], [sflag:$0x2] =	stream.indirect_vreg.gather [hbm4b:s9+s1], $0x80, v4, vm0, $0xb8;
	[tilespmem:$0x10200] =	vst v63  }
0xb6: {  	v3 =	vperm.xlane v3, v2;
	s31 =	rddreg [dreg:$0x17]  }
0xb7: {  	[tilespmem:s31], [sflag:$0x2] =	stream.indirect_vreg.gather [hbm4b:s10+s1], $0x80, v4, vm0, $0xb8;
	[tilespmem:$0x10200] =	vst v63  }
0xb8: {  	v3 =	vadd.s32 v1, v3;
	s30 =	rddreg [dreg:$0x18]  }
0xb9: {  	[tilespmem:s30], [sflag:$0x2] =	stream.indirect_vreg.gather [hbm4b:s11+s1], $0x80, v4, vm0, $0xb8;
	[tilespmem:$0x10200] =	vst v63  }
0xba: {  	s31 =	rddreg [dreg:$0x19]  }
0xbb: {  	[tilespmem:s31], [sflag:$0x2] =	stream.indirect_vreg.gather [hbm4b:s12+s1], $0x80, v4, vm0, $0xb8;
	[tilespmem:$0x10200] =	vst v63  }
0xbc: {  	s30 =	rddreg [dreg:$0x1a]  }
0xbd: {  	[tilespmem:s30], [sflag:$0x2] =	stream.indirect_vreg.gather [hbm4b:s2+s1], $0x80, v3, vm0, $0xb8;
	[tilespmem:$0x10200] =	vst v63  }
0xbe: {  	s31 =	rddreg [dreg:$0x1b]  }
0xbf: {  	[tilespmem:s31], [sflag:$0x2] =	stream.indirect_vreg.gather [hbm4b:s6+s1], $0x80, v3, vm0, $0xb8;
	[tilespmem:$0x10200] =	vst v63  }
0xc0: {  	s30 =	rddreg [dreg:$0x1c]  }
0xc1: {  	[tilespmem:s30], [sflag:$0x2] =	stream.indirect_vreg.gather [hbm4b:s7+s1], $0x80, v3, vm0, $0xb8;
	[tilespmem:$0x10200] =	vst v63  }
0xc2: {  	s31 =	rddreg [dreg:$0x1d]  }
0xc3: {  	[tilespmem:s31], [sflag:$0x2] =	stream.indirect_vreg.gather [hbm4b:s8+s1], $0x80, v3, vm0, $0xb8;
	[tilespmem:$0x10200] =	vst v63  }
0xc4: {  	s30 =	rddreg [dreg:$0x1e]  }
0xc5: {  	[tilespmem:s30], [sflag:$0x2] =	stream.indirect_vreg.gather [hbm4b:s9+s1], $0x80, v3, vm0, $0xb8;
	[tilespmem:$0x10200] =	vst v63  }
0xc6: {  	s31 =	sshll.u32 s23, $0x4  }
0xc7: {  	[tilespmem:s17], [sflag:$0x2] =	stream.indirect_vreg.gather [hbm4b:s10+s1], $0x80, v3, vm0, $0xb8;
	[tilespmem:$0x10200] =	vst v63  }
0xc8: {  	s23 =	smov.u32 s28;
	s28 =	sand.u32 $0xFFFFFFE0, s31  }
0xc9: {  	[tilespmem:s18], [sflag:$0x2] =	stream.indirect_vreg.gather [hbm4b:s11+s1], $0x80, v3, vm0, $0xb8;
	[tilespmem:$0x10200] =	vst v63  }
0xca: {  	s28 =	sadd.s32 s4, s28  }
0xcb: {  	[tilespmem:s19], [sflag:$0x2] =	stream.indirect_vreg.gather [hbm4b:s12+s1], $0x80, v3, vm0, $0xb8;
	[tilespmem:$0x10200] =	vst v63  }
0xcc: {  	s31 =	sor.u32 s24, s28;
	_ =	swait.ge [sflag:s20], $0x8000  }
0xcd: {  	s24 =	sshll.u32 s31, $0x8;
	s29 =	rddreg [dreg:$0x2];
	[sflag:s20] =	ssyncset.done $0x0  }
0xce: {  	[sflag:s20] =	ssyncadd.s32 $0xFFFF8000;
	s28 =	sadd.s32 s29, s24  }
0xcf: {  	[hbm4b:s28+s1] =	stream.linear.scatter [tilespmem:s15], [sflag:$0x3], $0x8000, $0x38;
	[tilespmem:$0x10200] =	vst v63  }
0xd0: {  	_ =	swait.ge [sflag:s14], $0x8000  }
0xd1: {  	[sflag:s14] =	ssyncset.done $0x0  }
0xd2: {  	[sflag:s14] =	ssyncadd.s32 $0xFFFF8000  }
0xd3: {  	_ =	swait.ge [sflag:s21], $0x8000  }
.Ltmp0:
0xd4: {  	s28 =	rddreg [dreg:$0x3];
	[sflag:s21] =	ssyncset.done $0x0;
	(pc) =	sbr.rel @p0 .LBB2_2-.Ltmp0, $4  }
0xd5: {  	s25 =	sadd.s32 $0x10, s25;
	[sflag:s21] =	ssyncadd.s32 $0xFFFF8000;
	s24 =	sadd.s32 s28, s24  }
0xd6: {  	[hbm4b:s24+s1] =	stream.linear.scatter [tilespmem:s16], [sflag:$0x3], $0x8000, $0x38;
	[tilespmem:$0x10200] =	vst v63  }
0xd7: {  	s30 =	smov.u32 s26;
	s28 =	sshll.u32 s23, $0x6;
	_ =	swait.ge [sflag:s14], $0x8000  }
0xd8: {  	s24 =	sand.u32 $0x10, s25;
	s28 =	sand.u32 $0x3FFFFF80, s28;
	[sflag:s14] =	ssyncset.done $0x0  }
0xd9: {  	s25 =	sor.u32 s24, s28;
	[sflag:s14] =	ssyncadd.s32 $0xFFFF8000  }
0xda: {  	v3 =	vld [tilespmem:s25+$0x0];
	_ =	sdelay $0x4  }
0xdb: {  	v4 =	vshll.u32 v3, $0x4  }
0xdc: {  	v3 =	vand.u32 $0x7, v3;
	v4 =	vand.u32 $0xFFFFFF80, v4  }
0xdd: {  	v3 =	vor.u32 v3, v4  }
0xde: {  	v4 =	vperm.xlane v3, v0;
	_ =	sdelay $0x1  }
0xdf: {  	v4 =	vadd.s32 v1, v4;
	_ =	sdelay $0x4  }
0xe0: {  	[tilespmem:s15], [sflag:$0x1] =	stream.indirect_vreg.gather [hbm4b:s2+s1], $0x80, v4, vm0, $0xb8;
	[tilespmem:$0x10200] =	vst v63  }
0xe1: {  	s26 =	rddreg [dreg:$0x4]  }
0xe2: {  	[tilespmem:s26], [sflag:$0x1] =	stream.indirect_vreg.gather [hbm4b:s6+s1], $0x80, v4, vm0, $0xb8;
	[tilespmem:$0x10200] =	vst v63  }
0xe3: {  	s30 =	rddreg [dreg:$0x5]  }
0xe4: {  	[tilespmem:s30], [sflag:$0x1] =	stream.indirect_vreg.gather [hbm4b:s7+s1], $0x80, v4, vm0, $0xb8;
	[tilespmem:$0x10200] =	vst v63  }
0xe5: {  	s31 =	rddreg [dreg:$0x6]  }
0xe6: {  	[tilespmem:s31], [sflag:$0x1] =	stream.indirect_vreg.gather [hbm4b:s8+s1], $0x80, v4, vm0, $0xb8;
	[tilespmem:$0x10200] =	vst v63  }
0xe7: {  	s29 =	rddreg [dreg:$0x7]  }
0xe8: {  	[tilespmem:s29], [sflag:$0x1] =	stream.indirect_vreg.gather [hbm4b:s9+s1], $0x80, v4, vm0, $0xb8;
	[tilespmem:$0x10200] =	vst v63  }
0xe9: {  	v3 =	vperm.xlane v3, v2;
	s30 =	rddreg [dreg:$0x8]  }
0xea: {  	[tilespmem:s30], [sflag:$0x1] =	stream.indirect_vreg.gather [hbm4b:s10+s1], $0x80, v4, vm0, $0xb8;
	[tilespmem:$0x10200] =	vst v63  }
0xeb: {  	v3 =	vadd.s32 v1, v3;
	s31 =	rddreg [dreg:$0x9]  }
0xec: {  	[tilespmem:s31], [sflag:$0x1] =	stream.indirect_vreg.gather [hbm4b:s11+s1], $0x80, v4, vm0, $0xb8;
	[tilespmem:$0x10200] =	vst v63  }
0xed: {  	s29 =	rddreg [dreg:$0xa]  }
0xee: {  	[tilespmem:s29], [sflag:$0x1] =	stream.indirect_vreg.gather [hbm4b:s12+s1], $0x80, v4, vm0, $0xb8;
	[tilespmem:$0x10200] =	vst v63  }
0xef: {  	s30 =	rddreg [dreg:$0xb]  }
0xf0: {  	[tilespmem:s30], [sflag:$0x1] =	stream.indirect_vreg.gather [hbm4b:s2+s1], $0x80, v3, vm0, $0xb8;
	[tilespmem:$0x10200] =	vst v63  }
0xf1: {  	s31 =	rddreg [dreg:$0xc]  }
0xf2: {  	[tilespmem:s31], [sflag:$0x1] =	stream.indirect_vreg.gather [hbm4b:s6+s1], $0x80, v3, vm0, $0xb8;
	[tilespmem:$0x10200] =	vst v63  }
0xf3: {  	s29 =	rddreg [dreg:$0xd]  }
0xf4: {  	[tilespmem:s29], [sflag:$0x1] =	stream.indirect_vreg.gather [hbm4b:s7+s1], $0x80, v3, vm0, $0xb8;
	[tilespmem:$0x10200] =	vst v63  }
0xf5: {  	s30 =	rddreg [dreg:$0xe]  }
0xf6: {  	[tilespmem:s30], [sflag:$0x1] =	stream.indirect_vreg.gather [hbm4b:s8+s1], $0x80, v3, vm0, $0xb8;
	[tilespmem:$0x10200] =	vst v63  }
0xf7: {  	s31 =	rddreg [dreg:$0xf]  }
0xf8: {  	[tilespmem:s31], [sflag:$0x1] =	stream.indirect_vreg.gather [hbm4b:s9+s1], $0x80, v3, vm0, $0xb8;
	[tilespmem:$0x10200] =	vst v63  }
0xf9: {  	s29 =	rddreg [dreg:$0x10]  }
0xfa: {  	[tilespmem:s29], [sflag:$0x1] =	stream.indirect_vreg.gather [hbm4b:s10+s1], $0x80, v3, vm0, $0xb8;
	[tilespmem:$0x10200] =	vst v63  }
0xfb: {  	s30 =	rddreg [dreg:$0x11]  }
0xfc: {  	[tilespmem:s30], [sflag:$0x1] =	stream.indirect_vreg.gather [hbm4b:s11+s1], $0x80, v3, vm0, $0xb8;
	[tilespmem:$0x10200] =	vst v63  }
0xfd: {  	s31 =	rddreg [dreg:$0x12]  }
0xfe: {  	[tilespmem:s31], [sflag:$0x1] =	stream.indirect_vreg.gather [hbm4b:s12+s1], $0x80, v3, vm0, $0xb8;
	[tilespmem:$0x10200] =	vst v63  }
0xff: {  	v3 =	vld [tilespmem:s25+$0x100];
	_ =	sdelay $0x4  }
0x100: {  	v63 =	vshll.u32 v3, $0x4  }
0x101: {  	v3 =	vand.u32 $0x7, v3;
	v4 =	vand.u32 $0xFFFFFF80, v63  }
0x102: {  	v3 =	vor.u32 v3, v4  }
0x103: {  	v4 =	vperm.xlane v3, v0;
	_ =	sdelay $0x1  }
0x104: {  	v4 =	vadd.s32 v1, v4;
	_ =	sdelay $0x4  }
0x105: {  	[tilespmem:s16], [sflag:$0x2] =	stream.indirect_vreg.gather [hbm4b:s2+s1], $0x80, v4, vm0, $0xb8;
	[tilespmem:$0x10200] =	vst v63  }
0x106: {  	s29 =	rddreg [dreg:$0x13]  }
0x107: {  	[tilespmem:s29], [sflag:$0x2] =	stream.indirect_vreg.gather [hbm4b:s6+s1], $0x80, v4, vm0, $0xb8;
	[tilespmem:$0x10200] =	vst v63  }
0x108: {  	s30 =	rddreg [dreg:$0x14]  }
0x109: {  	[tilespmem:s30], [sflag:$0x2] =	stream.indirect_vreg.gather [hbm4b:s7+s1], $0x80, v4, vm0, $0xb8;
	[tilespmem:$0x10200] =	vst v63  }
0x10a: {  	s31 =	rddreg [dreg:$0x15]  }
0x10b: {  	[tilespmem:s31], [sflag:$0x2] =	stream.indirect_vreg.gather [hbm4b:s8+s1], $0x80, v4, vm0, $0xb8;
	[tilespmem:$0x10200] =	vst v63  }
0x10c: {  	s28 =	rddreg [dreg:$0x16]  }
0x10d: {  	[tilespmem:s28], [sflag:$0x2] =	stream.indirect_vreg.gather [hbm4b:s9+s1], $0x80, v4, vm0, $0xb8;
	[tilespmem:$0x10200] =	vst v63  }
0x10e: {  	v3 =	vperm.xlane v3, v2;
	s29 =	rddreg [dreg:$0x17]  }
0x10f: {  	[tilespmem:s29], [sflag:$0x2] =	stream.indirect_vreg.gather [hbm4b:s10+s1], $0x80, v4, vm0, $0xb8;
	[tilespmem:$0x10200] =	vst v63  }
0x110: {  	v3 =	vadd.s32 v1, v3;
	s30 =	rddreg [dreg:$0x18]  }
0x111: {  	[tilespmem:s30], [sflag:$0x2] =	stream.indirect_vreg.gather [hbm4b:s11+s1], $0x80, v4, vm0, $0xb8;
	[tilespmem:$0x10200] =	vst v63  }
0x112: {  	s31 =	rddreg [dreg:$0x19]  }
0x113: {  	[tilespmem:s31], [sflag:$0x2] =	stream.indirect_vreg.gather [hbm4b:s12+s1], $0x80, v4, vm0, $0xb8;
	[tilespmem:$0x10200] =	vst v63  }
0x114: {  	s28 =	rddreg [dreg:$0x1a]  }
0x115: {  	[tilespmem:s28], [sflag:$0x2] =	stream.indirect_vreg.gather [hbm4b:s2+s1], $0x80, v3, vm0, $0xb8;
	[tilespmem:$0x10200] =	vst v63  }
0x116: {  	s29 =	rddreg [dreg:$0x1b]  }
0x117: {  	[tilespmem:s29], [sflag:$0x2] =	stream.indirect_vreg.gather [hbm4b:s6+s1], $0x80, v3, vm0, $0xb8;
	[tilespmem:$0x10200] =	vst v63  }
0x118: {  	s30 =	rddreg [dreg:$0x1c]  }
0x119: {  	[tilespmem:s30], [sflag:$0x2] =	stream.indirect_vreg.gather [hbm4b:s7+s1], $0x80, v3, vm0, $0xb8;
	[tilespmem:$0x10200] =	vst v63  }
0x11a: {  	s31 =	rddreg [dreg:$0x1d]  }
0x11b: {  	[tilespmem:s31], [sflag:$0x2] =	stream.indirect_vreg.gather [hbm4b:s8+s1], $0x80, v3, vm0, $0xb8;
	[tilespmem:$0x10200] =	vst v63  }
0x11c: {  	s28 =	rddreg [dreg:$0x1e]  }
0x11d: {  	[tilespmem:s28], [sflag:$0x2] =	stream.indirect_vreg.gather [hbm4b:s9+s1], $0x80, v3, vm0, $0xb8;
	[tilespmem:$0x10200] =	vst v63  }
0x11e: {  	s23 =	sshll.u32 s23, $0x4  }
0x11f: {  	[tilespmem:s17], [sflag:$0x2] =	stream.indirect_vreg.gather [hbm4b:s10+s1], $0x80, v3, vm0, $0xb8;
	[tilespmem:$0x10200] =	vst v63  }
0x120: {  	s23 =	sand.u32 $0xFFFFFFE0, s23  }
0x121: {  	[tilespmem:s18], [sflag:$0x2] =	stream.indirect_vreg.gather [hbm4b:s11+s1], $0x80, v3, vm0, $0xb8;
	[tilespmem:$0x10200] =	vst v63  }
0x122: {  	s23 =	sadd.s32 s4, s23  }
0x123: {  	[tilespmem:s19], [sflag:$0x2] =	stream.indirect_vreg.gather [hbm4b:s12+s1], $0x80, v3, vm0, $0xb8;
	[tilespmem:$0x10200] =	vst v63  }
0x124: {  	s23 =	sor.u32 s24, s23;
	_ =	swait.ge [sflag:s20], $0x8000  }
0x125: {  	s23 =	sshll.u32 s23, $0x8;
	s29 =	rddreg [dreg:$0x2];
	[sflag:s20] =	ssyncset.done $0x0  }
0x126: {  	[sflag:s20] =	ssyncadd.s32 $0xFFFF8000;
	s30 =	sadd.s32 s29, s23  }
0x127: {  	[hbm4b:s30+s1] =	stream.linear.scatter [tilespmem:s15], [sflag:$0x3], $0x8000, $0x38;
	[tilespmem:$0x10200] =	vst v63  }
0x128: {  	_ =	swait.ge [sflag:s14], $0x8000  }
0x129: {  	[sflag:s14] =	ssyncset.done $0x0  }
0x12a: {  	[sflag:s14] =	ssyncadd.s32 $0xFFFF8000  }
0x12b: {  	s22 =	sadd.s32 $0x1, s22;
	_ =	swait.ge [sflag:s21], $0x8000  }
0x12c: {  	p0 =	sne.s32 s22, s13;
	s31 =	rddreg [dreg:$0x3];
	[sflag:s21] =	ssyncset.done $0x0  }
.Ltmp1:
0x12d: {  	[sflag:s21] =	ssyncadd.s32 $0xFFFF8000;
	s23 =	sadd.s32 s31, s23;
	(pc) =	sbr.rel @p0 .LBB2_1-.Ltmp1, $4  }
0x12e: {  	[hbm4b:s23+s1] =	stream.linear.scatter [tilespmem:s16], [sflag:$0x3], $0x8000, $0x38;
	[tilespmem:$0x10200] =	vst v63  }
0x12f: {  	_ =	swait.ge [sflag:s14], $0x8000  }
0x130: {  	[sflag:s14] =	ssyncset.done $0x0  }
0x131: {  	[sflag:s14] =	ssyncadd.s32 $0xFFFF8000  }
0x132: {  	_ =	sfence.sel $0x180000  }
0x133: {  	[bflag:$0x0] =	sbarrier.arrive $0xFFFF  }
0x134: {  	p0 =	sne.s32 s3, $0x0;
	_ =	strace $0x90000053  }
0x135: {  	s0 =	sadd.s32 @!p0 $0x100000, s0;
	[bflag:$0x2] =	sbarrier.arrive $0xFFFF  }
0x136: {  	[sflag:s0] =	ssyncadd.tile.s32 @!p0 $0x1;
	_ =	shalt  }
.Lfunc_end2:
_tile_overlayer_lowered:
.L_overlay_start_2:
0x137: {  	(tag) =	ssettag $0x2  }
0x138: {  	s0 =	rddreg [dreg:$0x0];
	s2 =	stileid.u32  }
0x139: {  	s1 =	rddreg [dreg:$0x1];
	p0 =	sne.s32 s2, $0x0  }
0x13a: {  	s3 =	rddreg [dreg:$0x2];
	[bflag:$0x3] =	sbarrier.arrive $0xFFFF;
	s2 =	simm.s32 @!p0 $0x1C03  }
0x13b: {  	[timem:s3], [sflag:s2] =	dma.local @!p0 [hbm:s0], s1  }
0x13c: {  	s0 =	simm.s32 @!p0 $0x3  }
0x13d: {  	_ =	swait.ge @!p0 [sflag:s0], s1  }
0x13e: {  	s1 =	ssub.s32 @!p0 $0x0, s1;
	[sflag:s0] =	ssyncset.done @!p0 $0x0  }
0x13f: {  	[sflag:s0] =	ssyncadd.s32 @!p0 s1  }
0x140: {  	[bflag:$0x3] =	sbarrier.arrive $0xFFFF  }
0x141: {  	_ =	shalt  }

</sc_bundles>
